<compile_context>
chip_gen: v7x
topology: tpu7x:2x2x1
jax: 0.10.2.dev20260603
libtpu: 0.0.44.dev20260713+nightly
codegen_flags: <defaults>
</compile_context>

<pallas_src>
import math

import jax
import jax.numpy as jnp
import numpy as np
from jax import lax
from jax.experimental import pallas as pl
from jax.experimental.pallas import tpu as pltpu
from jax.experimental.pallas import tpu_sc as plsc

N = 10000
E = 320000
EMBED = 128
NHEAD = 8
HDIM = EMBED // NHEAD
DHID = 4 * EMBED

NC = 2
NS = 16
NW = NC * NS
L = 16

CA = 64
NCHUNK_A = E // CA
NJ_A = (NCHUNK_A + NW - 1) // NW
CE = 128
NCHUNK_E = E // CE
NJ_E = (NCHUNK_E + NW - 1) // NW
ROWS_PER_TILE = 624
REM_ROWS = N - NS * ROWS_PER_TILE

_DNUMS = lax.GatherDimensionNumbers(
    offset_dims=(), collapsed_slice_dims=(0,), start_index_map=(0,))


def _shuf(v, idx):
    return lax.gather(v, idx[:, None], dimension_numbers=_DNUMS,
                      slice_sizes=(1,),
                      mode=lax.GatherScatterMode.PROMISE_IN_BOUNDS)


def _erf(z):
    s = jnp.sign(z)
    a = jnp.abs(z)
    t = 1.0 / (1.0 + 0.3275911 * a)
    y = 1.0 - (((((1.061405429 * t - 1.453152027) * t) + 1.421413741) * t
                - 0.284496736) * t + 0.254829592) * t * jnp.exp(-a * a)
    return s * y


def _gelu(x):
    return 0.5 * x * (1.0 + _erf(x * 0.7071067811865476))


def _ln(x, g, b):
    m = jnp.mean(x, axis=-1, keepdims=True)
    v = jnp.mean((x - m) ** 2, axis=-1, keepdims=True)
    return (x - m) / jnp.sqrt(v + 1e-5) * g + b



def _qkv_body(x_ref, wq_ref, bq_ref, wk_ref, bk_ref, wv_ref, bv_ref,
              q_ref, kv_ref):
    x = x_ref[...]
    q_ref[...] = x @ wq_ref[...] + bq_ref[...]
    kv_ref[:, :EMBED] = (x @ wk_ref[...] + bk_ref[...]) * (1.0 / math.sqrt(HDIM))
    kv_ref[:, EMBED:] = x @ wv_ref[...] + bv_ref[...]


def _qkv(feats, Wq, bq, Wk, bk, Wv, bv):
    blk = 2000
    w_spec = pl.BlockSpec((EMBED, EMBED), lambda i: (0, 0))
    b_spec = pl.BlockSpec((1, EMBED), lambda i: (0, 0))
    return pl.pallas_call(
        _qkv_body,
        grid=(N // blk,),
        in_specs=[pl.BlockSpec((blk, EMBED), lambda i: (i, 0)),
                  w_spec, b_spec, w_spec, b_spec, w_spec, b_spec],
        out_specs=[pl.BlockSpec((blk, EMBED), lambda i: (i, 0)),
                   pl.BlockSpec((blk, 2 * EMBED), lambda i: (i, 0))],
        out_shape=[jax.ShapeDtypeStruct((N, EMBED), jnp.float32),
                   jax.ShapeDtypeStruct((N, 2 * EMBED), jnp.float32)],
    )(feats, Wq.T, bq[None], Wk.T, bk[None], Wv.T, bv[None])



def _na_body(ea_ref, we_ref, be_ref, o_ref):
    o_ref[...] = _gelu(ea_ref[...] @ we_ref[...] + be_ref[...])


def _node_attr(edge_attr, We, be):
    blk = 2560
    return pl.pallas_call(
        _na_body,
        grid=(E // blk,),
        in_specs=[pl.BlockSpec((blk, EMBED), lambda i: (i, 0)),
                  pl.BlockSpec((EMBED, EMBED), lambda i: (0, 0)),
                  pl.BlockSpec((1, EMBED), lambda i: (0, 0))],
        out_specs=pl.BlockSpec((blk, EMBED), lambda i: (i, 0)),
        out_shape=jax.ShapeDtypeStruct((E, EMBED), jnp.float32),
    )(edge_attr, We.T, be[None])



ND = 1256


def _attn_sc_body(q_hbm, kv_hbm, r_hbm, c_hbm,
                  outa_hbm, outd_hbm,
                  qbuf, kvbuf, hswide, cidx, cidx2, ridx, cpad,
                  isem, gsem, ssem, acca, accd):
    cid = lax.axis_index("c")
    sid = lax.axis_index("s")
    wid = sid * NC + cid

    zv = jnp.zeros((L,), jnp.float32)

    def zrow(i, _):
        for jj in range(EMBED // L):
            qbuf[i, pl.ds(jj * L, L)] = zv
        return 0
    lax.fori_loop(0, CA, zrow, 0)

    base = sid * ROWS_PER_TILE
    zslices = [(off, CA) for off in range(0, 576, CA)] + [(576, 48)]
    for off, nrow in zslices:
        pltpu.sync_copy(qbuf.at[pl.ds(0, nrow)], acca.at[pl.ds(base + off, nrow)])

    @pl.when(sid == 0)
    def _():
        pltpu.sync_copy(qbuf.at[pl.ds(0, REM_ROWS)],
                        acca.at[pl.ds(NS * ROWS_PER_TILE, REM_ROWS)])

    dbase = sid * 80

    @pl.when(sid < 15)
    def _():
        pltpu.sync_copy(qbuf.at[pl.ds(0, 64)], accd.at[pl.ds(dbase, 64)])
        pltpu.sync_copy(qbuf.at[pl.ds(0, 16)], accd.at[pl.ds(dbase + 64, 16)])

    @pl.when(sid == 15)
    def _():
        pltpu.sync_copy(qbuf.at[pl.ds(0, 56)], accd.at[pl.ds(1200, 56)])
    plsc.subcore_barrier()

    lane = lax.iota(jnp.int32, L)
    masks = [jnp.where(lane == h, 1.0, 0.0).astype(jnp.float32)
             for h in range(NHEAD)]
    perms = [lane ^ sh for sh in (8, 4, 2, 1)]

    def issue_idx(jn):
        sn = lax.rem(jn, 2)
        ebase = (wid + NW * jn) * CA
        pltpu.async_copy(c_hbm.at[pl.ds(ebase, CA)], cidx.at[sn], isem)
        pltpu.async_copy(c_hbm.at[pl.ds(ebase, CA)], cpad.at[sn, pl.ds(0, CA)], isem)
        pltpu.async_copy(r_hbm.at[pl.ds(ebase, CA)], ridx.at[sn], isem)

    issue_idx(0)

    def chunk(j, _):
        sl = lax.rem(j, 2)
        sp = 1 - sl
        valid = (wid + NW * j) < NCHUNK_A
        valid_n = (wid + NW * (j + 1)) < NCHUNK_A

        @pl.when(j >= 1)
        def _():
            pltpu.make_async_copy(qbuf, acca.at[cidx.at[sp]], ssem).wait()
            pltpu.make_async_copy(hswide, accd.at[cidx2.at[sp]], ssem).wait()

        @pl.when(valid_n)
        def _():
            issue_idx(j + 1)

        @pl.when(valid)
        def _():
            pltpu.make_async_copy(c_hbm.at[pl.ds(0, CA)], cidx.at[sl], isem).wait()
            pltpu.make_async_copy(c_hbm.at[pl.ds(0, CA)], cpad.at[sl, pl.ds(0, CA)], isem).wait()
            pltpu.make_async_copy(r_hbm.at[pl.ds(0, CA)], ridx.at[sl], isem).wait()

            for g in range(CA // L):
                cidx2[sl, pl.ds(g * L, L)] = lax.shift_right_logical(
                    cidx[sl, pl.ds(g * L, L)], 3)

            dq = pltpu.async_copy(q_hbm.at[cidx.at[sl]], qbuf, gsem)
            dkv = pltpu.async_copy(kv_hbm.at[ridx.at[sl]], kvbuf, gsem)

            @plsc.parallel_loop(0, CA, unroll=4)
            def _(e):
                for sslot in range(8):
                    hswide[e, pl.ds(sslot * L, L)] = zv

            dq.wait()
            dkv.wait()

            @plsc.parallel_loop(0, CA, unroll=4)
            def _(e):
                hs = jnp.zeros((L,), jnp.float32)
                for h in range(NHEAD):
                    qv = qbuf[e, pl.ds(h * HDIM, L)]
                    kv = kvbuf[e, pl.ds(h * HDIM, L)]
                    t = qv * kv
                    for pp in perms:
                        t = t + _shuf(t, pp)
                    ex = jnp.exp(t)
                    vv = kvbuf[e, pl.ds(EMBED + h * HDIM, L)]
                    qbuf[e, pl.ds(h * HDIM, L)] = ex * vv
                    hs = hs + ex * masks[h]
                cv16 = cpad[sl, pl.ds(e, L)]
                slot = jnp.bitwise_and(cv16[0], 7)
                hswide[e, pl.ds(slot * L, L)] = hs

            pltpu.async_copy(qbuf, acca.at[cidx.at[sl]], ssem, add=True)
            pltpu.async_copy(hswide, accd.at[cidx2.at[sl]], ssem, add=True)
        return 0

    lax.fori_loop(0, NJ_A, chunk, 0)

    lastsl = (NJ_A - 1) % 2

    @pl.when(wid < NCHUNK_A - NW * (NJ_A - 1))
    def _():
        pltpu.make_async_copy(qbuf, acca.at[cidx.at[lastsl]], ssem).wait()
        pltpu.make_async_copy(hswide, accd.at[cidx2.at[lastsl]], ssem).wait()

    plsc.subcore_barrier()
    pltpu.sync_copy(acca.at[pl.ds(base, ROWS_PER_TILE)],
                    outa_hbm.at[cid, pl.ds(base, ROWS_PER_TILE)])

    @pl.when(sid == 0)
    def _():
        tail = NS * ROWS_PER_TILE
        pltpu.sync_copy(acca.at[pl.ds(tail, REM_ROWS)],
                        outa_hbm.at[cid, pl.ds(tail, REM_ROWS)])

    @pl.when(sid < 15)
    def _():
        pltpu.sync_copy(accd.at[pl.ds(dbase, 80)],
                        outd_hbm.at[cid, pl.ds(dbase, 80)])

    @pl.when(sid == 15)
    def _():
        pltpu.sync_copy(accd.at[pl.ds(1200, 56)],
                        outd_hbm.at[cid, pl.ds(1200, 56)])


def _attn_sc(q, kv, r, c):
    mesh = plsc.VectorSubcoreMesh(core_axis_name="c", subcore_axis_name="s")
    return pl.kernel(
        _attn_sc_body,
        out_type=[jax.ShapeDtypeStruct((NC, N, EMBED), jnp.float32),
                  jax.ShapeDtypeStruct((NC, ND, EMBED), jnp.float32)],
        mesh=mesh,
        scratch_types=[
            pltpu.VMEM((CA, EMBED), jnp.float32),
            pltpu.VMEM((CA, 2 * EMBED), jnp.float32),
            pltpu.VMEM((CA, EMBED), jnp.float32),
            pltpu.VMEM((2, CA), jnp.int32),
            pltpu.VMEM((2, CA), jnp.int32),
            pltpu.VMEM((2, CA), jnp.int32),
            pltpu.VMEM((2, CA + L), jnp.int32),
            pltpu.SemaphoreType.DMA,
            pltpu.SemaphoreType.DMA,
            pltpu.SemaphoreType.DMA,
            pltpu.VMEM_SHARED((N, EMBED), jnp.float32),
            pltpu.VMEM_SHARED((ND, EMBED), jnp.float32),
        ],
    )(q, kv, r, c)



def _eagg_sc_body(na_hbm, r_hbm, out_hbm, buf, ridx, isem, ssem, acc):
    cid = lax.axis_index("c")
    sid = lax.axis_index("s")
    wid = sid * NC + cid

    zv = jnp.zeros((L,), jnp.float32)

    def zrow(i, _):
        for jj in range(EMBED // L):
            buf[0, i, pl.ds(jj * L, L)] = zv
        return 0
    lax.fori_loop(0, CE, zrow, 0)

    base = sid * ROWS_PER_TILE
    for off, nrow in ((0, 128), (128, 128), (256, 128), (384, 128), (512, 112)):
        pltpu.sync_copy(buf.at[0, pl.ds(0, nrow)], acc.at[pl.ds(base + off, nrow)])

    @pl.when(sid == 0)
    def _():
        pltpu.sync_copy(buf.at[0, pl.ds(0, REM_ROWS)],
                        acc.at[pl.ds(NS * ROWS_PER_TILE, REM_ROWS)])
    plsc.subcore_barrier()

    def issue_load(jn):
        sn = lax.rem(jn, 2)
        ebase = (wid + NW * jn) * CE
        pltpu.async_copy(r_hbm.at[pl.ds(ebase, CE)], ridx.at[sn], isem)
        pltpu.async_copy(na_hbm.at[pl.ds(ebase, CE)], buf.at[sn], isem)

    issue_load(0)

    def chunk(j, _):
        sl = lax.rem(j, 2)
        sp = 1 - sl
        valid = (wid + NW * j) < NCHUNK_E
        valid_n = (wid + NW * (j + 1)) < NCHUNK_E

        @pl.when(j >= 1)
        def _():
            pltpu.make_async_copy(buf.at[sp], acc.at[ridx.at[sp]], ssem).wait()

        @pl.when(valid_n)
        def _():
            issue_load(j + 1)

        @pl.when(valid)
        def _():
            pltpu.make_async_copy(r_hbm.at[pl.ds(0, CE)], ridx.at[sl], isem).wait()
            pltpu.make_async_copy(na_hbm.at[pl.ds(0, CE)], buf.at[sl], isem).wait()
            pltpu.async_copy(buf.at[sl], acc.at[ridx.at[sl]], ssem, add=True)
        return 0

    lax.fori_loop(0, NJ_E, chunk, 0)

    lastsl = (NJ_E - 1) % 2

    @pl.when(wid < NCHUNK_E - NW * (NJ_E - 1))
    def _():
        pltpu.make_async_copy(buf.at[lastsl], acc.at[ridx.at[lastsl]], ssem).wait()

    plsc.subcore_barrier()
    pltpu.sync_copy(acc.at[pl.ds(base, ROWS_PER_TILE)],
                    out_hbm.at[cid, pl.ds(base, ROWS_PER_TILE)])

    @pl.when(sid == 0)
    def _():
        tail = NS * ROWS_PER_TILE
        pltpu.sync_copy(acc.at[pl.ds(tail, REM_ROWS)],
                        out_hbm.at[cid, pl.ds(tail, REM_ROWS)])


def _eagg_sc(node_attr, r):
    mesh = plsc.VectorSubcoreMesh(core_axis_name="c", subcore_axis_name="s")
    return pl.kernel(
        _eagg_sc_body,
        out_type=jax.ShapeDtypeStruct((NC, N, EMBED), jnp.float32),
        mesh=mesh,
        scratch_types=[
            pltpu.VMEM((2, CE, EMBED), jnp.float32),
            pltpu.VMEM((2, CE), jnp.int32),
            pltpu.SemaphoreType.DMA,
            pltpu.SemaphoreType.DMA,
            pltpu.VMEM_SHARED((N, EMBED), jnp.float32),
        ],
    )(node_attr, r)



def _fin_body(feats_ref, acca_ref, accb_ref, eagg_ref, m8_ref,
              wo_ref, bo_ref, w1_ref, b1_ref, w2_ref, b2_ref,
              g_ref, b_ref, o_ref):
    g = g_ref[...]
    b = b_ref[...]
    num = acca_ref[0] + acca_ref[1]
    den = accb_ref[0] + accb_ref[1]
    rec = 1.0 / (den + 1e-16)
    r128 = jax.lax.dot(rec, m8_ref[...], preferred_element_type=jnp.float32)
    agg = num * r128
    att = agg @ wo_ref[...] + bo_ref[...]
    f_ = _ln(_gelu(feats_ref[...] + att), g, b)
    fa = _ln(_gelu(f_ + eagg_ref[0] + eagg_ref[1]), g, b)
    ffn = _gelu(fa @ w1_ref[...] + b1_ref[...]) @ w2_ref[...] + b2_ref[...]
    o_ref[...] = _ln(_gelu(fa + ffn), g, b)


def _finalize(feats, acca, accb, eagg, Wo, bo, W1, b1, W2, b2, ln_g, ln_b):
    blk = 2000
    m8 = jnp.asarray(np.repeat(np.eye(NHEAD, dtype=np.float32), HDIM, axis=1))
    w_spec = lambda shape: pl.BlockSpec(shape, lambda i: (0,) * len(shape))
    return pl.pallas_call(
        _fin_body,
        grid=(N // blk,),
        in_specs=[
            pl.BlockSpec((blk, EMBED), lambda i: (i, 0)),
            pl.BlockSpec((NC, blk, EMBED), lambda i: (0, i, 0)),
            pl.BlockSpec((NC, blk, NHEAD), lambda i: (0, i, 0)),
            pl.BlockSpec((NC, blk, EMBED), lambda i: (0, i, 0)),
            w_spec((NHEAD, EMBED)),
            w_spec((EMBED, EMBED)), w_spec((1, EMBED)),
            w_spec((EMBED, DHID)), w_spec((1, DHID)),
            w_spec((DHID, EMBED)), w_spec((1, EMBED)),
            w_spec((1, EMBED)), w_spec((1, EMBED)),
        ],
        out_specs=pl.BlockSpec((blk, EMBED), lambda i: (i, 0)),
        out_shape=jax.ShapeDtypeStruct((N, EMBED), jnp.float32),
    )(feats, acca, accb, eagg, m8, Wo.T, bo[None], W1.T, b1[None],
      W2.T, b2[None], ln_g[None], ln_b[None])


def kernel(feats, edge_index, edge_attr, Wq, bq, Wk, bk, Wv, bv, Wo, bo,
           We, be, W1, b1, W2, b2, ln_g, ln_b):
    r = edge_index[:, 0]
    c = edge_index[:, 1]
    q, kv = _qkv(feats, Wq, bq, Wk, bk, Wv, bv)
    acca, outd = _attn_sc(q, kv, r, c)
    den = outd.reshape(NC, ND, 8, 16)[:, :, :, :NHEAD].reshape(NC, ND * 8, NHEAD)[:, :N, :]
    na = _node_attr(edge_attr, We, be)
    eagg = _eagg_sc(na, r)
    out = _finalize(feats, acca, den, eagg, Wo, bo, W1, b1, W2, b2,
                    ln_g, ln_b)
    return (out, edge_index, edge_attr)

# --- scband reference (transcript-rebuilt; emitter-appended) ---
"""Pipeline reference for scband-gatnwtwork-1632087573109 (READ-ONLY COPY).

The authoritative reference and input builder live on the scoring server;
editing this copy changes nothing except your own understanding.
"""

import jax, jax.numpy as jnp
import numpy as np
import math

N = 10000
E = 320000
EMBED = 128
NHEAD = 8
HDIM = EMBED // NHEAD
DHID = 4 * EMBED


def _layernorm(x, g, b):
    m = jnp.mean(x, axis=-1, keepdims=True)
    v = jnp.mean((x - m) ** 2, axis=-1, keepdims=True)
    return (x - m) / jnp.sqrt(v + 1e-5) * g + b


def _norm(x, g, b):
    # Sequential(GELU(), LayerNorm(embed_dim))
    return _layernorm(jax.nn.gelu(x, approximate=False), g, b)


def setup_inputs(seed: int = 0) -> dict:
    key = jax.random.key(seed)
    ks = jax.random.split(key, 24)
    feats = jax.random.normal(ks[0], (N, EMBED), jnp.float32)
    edge_index = jax.random.randint(ks[1], (E, 2), 0, N, dtype=jnp.int32)
    edge_attr = jax.random.normal(ks[2], (E, EMBED), jnp.float32)
    s = 1.0 / math.sqrt(EMBED)
    Wq = jax.random.normal(ks[3], (EMBED, EMBED), jnp.float32) * s
    bq = jnp.zeros((EMBED,), jnp.float32)
    Wk = jax.random.normal(ks[4], (EMBED, EMBED), jnp.float32) * s
    bk = jnp.zeros((EMBED,), jnp.float32)
    Wv = jax.random.normal(ks[5], (EMBED, EMBED), jnp.float32) * s
    bv = jnp.zeros((EMBED,), jnp.float32)
    Wo = jax.random.normal(ks[6], (EMBED, EMBED), jnp.float32) * s
    bo = jnp.zeros((EMBED,), jnp.float32)
    We = jax.random.normal(ks[7], (EMBED, EMBED), jnp.float32) * s
    be = jax.random.normal(ks[8], (EMBED,), jnp.float32) * 0.01
    W1 = jax.random.normal(ks[9], (DHID, EMBED), jnp.float32) * s
    b1 = jax.random.normal(ks[10], (DHID,), jnp.float32) * 0.01
    W2 = jax.random.normal(ks[11], (EMBED, DHID), jnp.float32) * (1.0 / math.sqrt(DHID))
    b2 = jax.random.normal(ks[12], (EMBED,), jnp.float32) * 0.01
    ln_g = jnp.ones((EMBED,), jnp.float32)
    ln_b = jnp.zeros((EMBED,), jnp.float32)
    return {
        'feats': feats, 'edge_index': edge_index, 'edge_attr': edge_attr,
        'Wq': Wq, 'bq': bq, 'Wk': Wk, 'bk': bk, 'Wv': Wv, 'bv': bv,
        'Wo': Wo, 'bo': bo, 'We': We, 'be': be,
        'W1': W1, 'b1': b1, 'W2': W2, 'b2': b2,
        'ln_g': ln_g, 'ln_b': ln_b,
    }


def _forward(feats, edge_attr, Wq, bq, Wk, bk, Wv, bv, Wo, bo, We, be, W1, b1, W2, b2, ln_g, ln_b, edge_index):
    bs = feats.shape[0]
    r = edge_index[:, 0]
    c = edge_index[:, 1]
    q = (feats @ Wq.T + bq).reshape(bs, NHEAD, HDIM).transpose(1, 0, 2)
    k = (feats @ Wk.T + bk).reshape(bs, NHEAD, HDIM).transpose(1, 0, 2)
    v = (feats @ Wv.T + bv).reshape(bs, NHEAD, HDIM).transpose(1, 0, 2)
    # scores[h, e] = <q[h, c[e]], k[h, r[e]]> / sqrt(hdim)
    q_c = jnp.take(q, c, axis=1)  # [H, E, hd]
    k_r = jnp.take(k, r, axis=1)  # [H, E, hd]
    scores = jnp.sum(q_c * k_r, axis=-1) / math.sqrt(HDIM)  # [H, E]
    # segment softmax over destination node c (per head)
    sc = scores.T  # [E, H]
    seg_max = jax.ops.segment_max(sc, c, num_segments=bs)  # [N, H]
    ex = jnp.exp(sc - jnp.take(seg_max, c, axis=0))
    seg_sum = jax.ops.segment_sum(ex, c, num_segments=bs)
    attn = ex / (jnp.take(seg_sum, c, axis=0) + 1e-16)  # [E, H]
    v_r = jnp.take(v, r, axis=1).transpose(1, 0, 2)  # [E, H, hd]
    weighted = attn[:, :, None] * v_r  # [E, H, hd]
    agg = jax.ops.segment_sum(weighted.reshape(E, NHEAD * HDIM), c, num_segments=bs)  # [N, EMBED]
    att_out = agg @ Wo.T + bo
    feats_ = _norm(feats + att_out, ln_g, ln_b)
    node_attr = jax.nn.gelu(edge_attr @ We.T + be, approximate=False)
    edge_agg = jax.ops.segment_sum(node_attr, r, num_segments=bs)
    feats_att = _norm(feats_ + edge_agg, ln_g, ln_b)
    ffn = jax.nn.gelu(feats_att @ W1.T + b1, approximate=False) @ W2.T + b2
    out = _norm(feats_att + ffn, ln_g, ln_b)
    return out


def reference(feats, edge_index, edge_attr, Wq, bq, Wk, bk, Wv, bv, Wo, bo, We, be, W1, b1, W2, b2, ln_g, ln_b):
    out = _forward(feats, edge_attr, Wq, bq, Wk, bk, Wv, bv, Wo, bo, We, be, W1, b1, W2, b2, ln_g, ln_b, edge_index)
    return (out, edge_index, edge_attr)

if __name__ == "__main__":
    import jax
    _d = setup_inputs()
    print(jax.jit(kernel)(*tuple(_d.values())))

</pallas_src>

<mosaic_0001>
#map = affine_map<(d0, d1) -> (0, 0)>
#map1 = affine_map<(d0, d1) -> (0)>
#map2 = affine_map<(d0, d1) -> (0, 0, 0)>
module attributes {stable_mosaic.version = 14 : i64} {
  func.func @_eagg_sc_body(%arg0: i32, %arg1: i32, %arg2: memref<320000x128xf32, #tpu.memory_space<hbm>>, %arg3: memref<320000xi32, #tpu.memory_space<hbm>>, %arg4: memref<2x10000x128xf32, #tpu.memory_space<hbm>>, %arg5: memref<2x128x128xf32, #tpu.memory_space<vmem>>, %arg6: memref<2x128xi32, #tpu.memory_space<vmem>>, %arg7: memref<!tpu.dma_semaphore, #tpu.memory_space<semaphore_mem>>, %arg8: memref<!tpu.dma_semaphore, #tpu.memory_space<semaphore_mem>>, %arg9: memref<10000x128xf32, #tpu.memory_space<vmem_shared>>) attributes {dimension_semantics = [#tpu.dimension_semantics<core_parallel>, #tpu.dimension_semantics<subcore_parallel>], iteration_bounds = array<i64: 2, 16>, scalar_prefetch = 0 : i64, scratch_operands = 5 : i64, tpu.core_type = #tpu.core_type<sc_vector_subcore>, window_params = [{transform_indices = #map}, {transform_indices = #map1}, {transform_indices = #map2}]} {
    %mul3A = arith.constant 2 : i32
    %mul3A_0 = arith.muli %arg1, %mul3A : i32
    %add3A = arith.addi %mul3A_0, %arg0 : i32
    %broadcast_in_dim3A = arith.constant 0.000000e+00 : f32
    %broadcast_in_dim3A_1 = vector.broadcast %broadcast_in_dim3A : f32 to vector<16xf32>
    %scan3A = arith.constant 0 : i32
    %scan3A_2 = arith.constant 0 : i32
    %scan3A_3 = arith.constant 128 : i32
    %scan3A_4 = arith.addi %scan3A_2, %scan3A_3 : i32
    %scan3A_5 = arith.constant 1 : i32
    %scan3A_6 = scf.for %scan3A_68 = %scan3A_2 to %scan3A_4 step %scan3A_5 iter_args(%scan3A_69 = %scan3A) -> (i32)  : i32 {
      %swap3A = arith.constant 0 : i32
      %swap3A_70 = arith.index_cast %swap3A : i32 to index
      %swap3A_71 = arith.index_cast %scan3A_68 : i32 to index
      %swap3A_72 = arith.constant 0 : index
      %swap3A_73 = tpu.vector_load %arg5[%swap3A_70, %swap3A_71, %swap3A_72] {strides = array<i32>} : memref<2x128x128xf32, #tpu.memory_space<vmem>>, vector<1x1x16xf32>,
      %swap3A_74 = vector.shape_cast %swap3A_73 : vector<1x1x16xf32> to vector<16xf32>
      %swap3A_75 = vector.shape_cast %broadcast_in_dim3A_1 : vector<16xf32> to vector<1x1x16xf32>
      tpu.vector_store %arg5[%swap3A_70, %swap3A_71, %swap3A_72], %swap3A_75 {strides = array<i32>} : memref<2x128x128xf32, #tpu.memory_space<vmem>>, vector<1x1x16xf32>,
      %swap3A_76 = arith.constant 0 : i32
      %swap3A_77 = arith.index_cast %swap3A_76 : i32 to index
      %swap3A_78 = arith.index_cast %scan3A_68 : i32 to index
      %swap3A_79 = arith.constant 16 : index
      %swap3A_80 = tpu.vector_load %arg5[%swap3A_77, %swap3A_78, %swap3A_79] {strides = array<i32>} : memref<2x128x128xf32, #tpu.memory_space<vmem>>, vector<1x1x16xf32>,
      %swap3A_81 = vector.shape_cast %swap3A_80 : vector<1x1x16xf32> to vector<16xf32>
      %swap3A_82 = vector.shape_cast %broadcast_in_dim3A_1 : vector<16xf32> to vector<1x1x16xf32>
      tpu.vector_store %arg5[%swap3A_77, %swap3A_78, %swap3A_79], %swap3A_82 {strides = array<i32>} : memref<2x128x128xf32, #tpu.memory_space<vmem>>, vector<1x1x16xf32>,
      %swap3A_83 = arith.constant 0 : i32
      %swap3A_84 = arith.index_cast %swap3A_83 : i32 to index
      %swap3A_85 = arith.index_cast %scan3A_68 : i32 to index
      %swap3A_86 = arith.constant 32 : index
      %swap3A_87 = tpu.vector_load %arg5[%swap3A_84, %swap3A_85, %swap3A_86] {strides = array<i32>} : memref<2x128x128xf32, #tpu.memory_space<vmem>>, vector<1x1x16xf32>,
      %swap3A_88 = vector.shape_cast %swap3A_87 : vector<1x1x16xf32> to vector<16xf32>
      %swap3A_89 = vector.shape_cast %broadcast_in_dim3A_1 : vector<16xf32> to vector<1x1x16xf32>
      tpu.vector_store %arg5[%swap3A_84, %swap3A_85, %swap3A_86], %swap3A_89 {strides = array<i32>} : memref<2x128x128xf32, #tpu.memory_space<vmem>>, vector<1x1x16xf32>,
      %swap3A_90 = arith.constant 0 : i32
      %swap3A_91 = arith.index_cast %swap3A_90 : i32 to index
      %swap3A_92 = arith.index_cast %scan3A_68 : i32 to index
      %swap3A_93 = arith.constant 48 : index
      %swap3A_94 = tpu.vector_load %arg5[%swap3A_91, %swap3A_92, %swap3A_93] {strides = array<i32>} : memref<2x128x128xf32, #tpu.memory_space<vmem>>, vector<1x1x16xf32>,
      %swap3A_95 = vector.shape_cast %swap3A_94 : vector<1x1x16xf32> to vector<16xf32>
      %swap3A_96 = vector.shape_cast %broadcast_in_dim3A_1 : vector<16xf32> to vector<1x1x16xf32>
      tpu.vector_store %arg5[%swap3A_91, %swap3A_92, %swap3A_93], %swap3A_96 {strides = array<i32>} : memref<2x128x128xf32, #tpu.memory_space<vmem>>, vector<1x1x16xf32>,
      %swap3A_97 = arith.constant 0 : i32
      %swap3A_98 = arith.index_cast %swap3A_97 : i32 to index
      %swap3A_99 = arith.index_cast %scan3A_68 : i32 to index
      %swap3A_100 = arith.constant 64 : index
      %swap3A_101 = tpu.vector_load %arg5[%swap3A_98, %swap3A_99, %swap3A_100] {strides = array<i32>} : memref<2x128x128xf32, #tpu.memory_space<vmem>>, vector<1x1x16xf32>,
      %swap3A_102 = vector.shape_cast %swap3A_101 : vector<1x1x16xf32> to vector<16xf32>
      %swap3A_103 = vector.shape_cast %broadcast_in_dim3A_1 : vector<16xf32> to vector<1x1x16xf32>
      tpu.vector_store %arg5[%swap3A_98, %swap3A_99, %swap3A_100], %swap3A_103 {strides = array<i32>} : memref<2x128x128xf32, #tpu.memory_space<vmem>>, vector<1x1x16xf32>,
      %swap3A_104 = arith.constant 0 : i32
      %swap3A_105 = arith.index_cast %swap3A_104 : i32 to index
      %swap3A_106 = arith.index_cast %scan3A_68 : i32 to index
      %swap3A_107 = arith.constant 80 : index
      %swap3A_108 = tpu.vector_load %arg5[%swap3A_105, %swap3A_106, %swap3A_107] {strides = array<i32>} : memref<2x128x128xf32, #tpu.memory_space<vmem>>, vector<1x1x16xf32>,
      %swap3A_109 = vector.shape_cast %swap3A_108 : vector<1x1x16xf32> to vector<16xf32>
      %swap3A_110 = vector.shape_cast %broadcast_in_dim3A_1 : vector<16xf32> to vector<1x1x16xf32>
      tpu.vector_store %arg5[%swap3A_105, %swap3A_106, %swap3A_107], %swap3A_110 {strides = array<i32>} : memref<2x128x128xf32, #tpu.memory_space<vmem>>, vector<1x1x16xf32>,
      %swap3A_111 = arith.constant 0 : i32
      %swap3A_112 = arith.index_cast %swap3A_111 : i32 to index
      %swap3A_113 = arith.index_cast %scan3A_68 : i32 to index
      %swap3A_114 = arith.constant 96 : index
      %swap3A_115 = tpu.vector_load %arg5[%swap3A_112, %swap3A_113, %swap3A_114] {strides = array<i32>} : memref<2x128x128xf32, #tpu.memory_space<vmem>>, vector<1x1x16xf32>,
      %swap3A_116 = vector.shape_cast %swap3A_115 : vector<1x1x16xf32> to vector<16xf32>
      %swap3A_117 = vector.shape_cast %broadcast_in_dim3A_1 : vector<16xf32> to vector<1x1x16xf32>
      tpu.vector_store %arg5[%swap3A_112, %swap3A_113, %swap3A_114], %swap3A_117 {strides = array<i32>} : memref<2x128x128xf32, #tpu.memory_space<vmem>>, vector<1x1x16xf32>,
      %swap3A_118 = arith.constant 0 : i32
      %swap3A_119 = arith.index_cast %swap3A_118 : i32 to index
      %swap3A_120 = arith.index_cast %scan3A_68 : i32 to index
      %swap3A_121 = arith.constant 112 : index
      %swap3A_122 = tpu.vector_load %arg5[%swap3A_119, %swap3A_120, %swap3A_121] {strides = array<i32>} : memref<2x128x128xf32, #tpu.memory_space<vmem>>, vector<1x1x16xf32>,
      %swap3A_123 = vector.shape_cast %swap3A_122 : vector<1x1x16xf32> to vector<16xf32>
      %swap3A_124 = vector.shape_cast %broadcast_in_dim3A_1 : vector<16xf32> to vector<1x1x16xf32>
      tpu.vector_store %arg5[%swap3A_119, %swap3A_120, %swap3A_121], %swap3A_124 {strides = array<i32>} : memref<2x128x128xf32, #tpu.memory_space<vmem>>, vector<1x1x16xf32>,
      %scan3A_125 = arith.constant 0 : i32
      scf.yield %scan3A_125 : i32
    }
    %scan3A_7 = arith.constant 128 : i32
    %mul3A_8 = arith.constant 624 : i32
    %mul3A_9 = arith.muli %arg1, %mul3A_8 : i32
    %add3A_10 = arith.constant 0 : i32
    %add3A_11 = arith.addi %mul3A_9, %add3A_10 : i32
    %run_scoped3A = arith.constant 0 : i32
    "tpu.region"() ({
      %run_scoped3A_68 = tpu.sem_alloc : memref<!tpu.dma_semaphore, #tpu.memory_space<semaphore_mem>>
      %dma_start3A_69 = arith.constant 0 : i32
      %dma_start3A_70 = arith.constant 0 : i32
      %dma_start3A_71 = tpu.memref_slice %arg5[%run_scoped3A, %dma_start3A_69, %dma_start3A_70] : memref<2x128x128xf32, #tpu.memory_space<vmem>> -> memref<1x128x128xf32, #tpu.memory_space<vmem>>
      %dma_start3A_72 = tpu.memref_squeeze %dma_start3A_71 : memref<1x128x128xf32, #tpu.memory_space<vmem>> -> memref<128x128xf32, #tpu.memory_space<vmem>>
      %dma_start3A_73 = arith.constant 0 : i32
      %dma_start3A_74 = tpu.memref_slice %arg9[%add3A_11, %dma_start3A_73] : memref<10000x128xf32, #tpu.memory_space<vmem_shared>> -> memref<128x128xf32, #tpu.memory_space<vmem_shared>>
      %dma_start3A_75 = arith.constant 0 : i32
      %dma_start3A_76 = tpu.memref_slice %arg9[%add3A_11, %dma_start3A_75] : memref<10000x128xf32, #tpu.memory_space<vmem_shared>> -> memref<128x128xf32, #tpu.memory_space<vmem_shared>>
      %dma_start3A_77 = arith.constant 0 : i32
      %dma_start3A_78 = arith.constant 0 : i32
      %dma_start3A_79 = tpu.memref_slice %arg5[%run_scoped3A, %dma_start3A_77, %dma_start3A_78] : memref<2x128x128xf32, #tpu.memory_space<vmem>> -> memref<1x128x128xf32, #tpu.memory_space<vmem>>
      %dma_start3A_80 = tpu.memref_squeeze %dma_start3A_79 : memref<1x128x128xf32, #tpu.memory_space<vmem>> -> memref<128x128xf32, #tpu.memory_space<vmem>>
      tpu.enqueue_dma source(%dma_start3A_80 : memref<128x128xf32, #tpu.memory_space<vmem>>) target(%dma_start3A_76 : memref<128x128xf32, #tpu.memory_space<vmem_shared>>) target_semaphore(%run_scoped3A_68 : memref<!tpu.dma_semaphore, #tpu.memory_space<semaphore_mem>>)
      %dma_wait3A = arith.constant 0 : i32
      %dma_wait3A_81 = arith.constant 0 : i32
      %dma_wait3A_82 = tpu.memref_slice %arg5[%run_scoped3A, %dma_wait3A, %dma_wait3A_81] : memref<2x128x128xf32, #tpu.memory_space<vmem>> -> memref<1x128x128xf32, #tpu.memory_space<vmem>>
      %dma_wait3A_83 = tpu.memref_squeeze %dma_wait3A_82 : memref<1x128x128xf32, #tpu.memory_space<vmem>> -> memref<128x128xf32, #tpu.memory_space<vmem>>
      %dma_wait3A_84 = arith.constant 0 : i32
      %dma_wait3A_85 = tpu.memref_slice %arg9[%add3A_11, %dma_wait3A_84] : memref<10000x128xf32, #tpu.memory_space<vmem_shared>> -> memref<128x128xf32, #tpu.memory_space<vmem_shared>>
      %dma_wait3A_86 = arith.constant 0 : i32
      %dma_wait3A_87 = tpu.memref_slice %arg9[%add3A_11, %dma_wait3A_86] : memref<10000x128xf32, #tpu.memory_space<vmem_shared>> -> memref<128x128xf32, #tpu.memory_space<vmem_shared>>
      %dma_wait3A_88 = arith.constant 0 : i32
      %dma_wait3A_89 = arith.constant 0 : i32
      %dma_wait3A_90 = tpu.memref_slice %arg5[%run_scoped3A, %dma_wait3A_88, %dma_wait3A_89] : memref<2x128x128xf32, #tpu.memory_space<vmem>> -> memref<1x128x128xf32, #tpu.memory_space<vmem>>
      %dma_wait3A_91 = tpu.memref_squeeze %dma_wait3A_90 : memref<1x128x128xf32, #tpu.memory_space<vmem>> -> memref<128x128xf32, #tpu.memory_space<vmem>>
      tpu.wait_dma2 semaphore(%run_scoped3A_68 : memref<!tpu.dma_semaphore, #tpu.memory_space<semaphore_mem>>) src(%dma_wait3A_91 : memref<128x128xf32, #tpu.memory_space<vmem>>) dst(%dma_wait3A_87 : memref<128x128xf32, #tpu.memory_space<vmem_shared>>)
      tpu.yield
    }) : () -> ()
    %add3A_12 = arith.constant 128 : i32
    %add3A_13 = arith.addi %mul3A_9, %add3A_12 : i32
    %run_scoped3A_14 = arith.constant 0 : i32
    "tpu.region"() ({
      %run_scoped3A_68 = tpu.sem_alloc : memref<!tpu.dma_semaphore, #tpu.memory_space<semaphore_mem>>
      %dma_start3A_69 = arith.constant 0 : i32
      %dma_start3A_70 = arith.constant 0 : i32
      %dma_start3A_71 = tpu.memref_slice %arg5[%run_scoped3A_14, %dma_start3A_69, %dma_start3A_70] : memref<2x128x128xf32, #tpu.memory_space<vmem>> -> memref<1x128x128xf32, #tpu.memory_space<vmem>>
      %dma_start3A_72 = tpu.memref_squeeze %dma_start3A_71 : memref<1x128x128xf32, #tpu.memory_space<vmem>> -> memref<128x128xf32, #tpu.memory_space<vmem>>
      %dma_start3A_73 = arith.constant 0 : i32
      %dma_start3A_74 = tpu.memref_slice %arg9[%add3A_13, %dma_start3A_73] : memref<10000x128xf32, #tpu.memory_space<vmem_shared>> -> memref<128x128xf32, #tpu.memory_space<vmem_shared>>
      %dma_start3A_75 = arith.constant 0 : i32
      %dma_start3A_76 = tpu.memref_slice %arg9[%add3A_13, %dma_start3A_75] : memref<10000x128xf32, #tpu.memory_space<vmem_shared>> -> memref<128x128xf32, #tpu.memory_space<vmem_shared>>
      %dma_start3A_77 = arith.constant 0 : i32
      %dma_start3A_78 = arith.constant 0 : i32
      %dma_start3A_79 = tpu.memref_slice %arg5[%run_scoped3A_14, %dma_start3A_77, %dma_start3A_78] : memref<2x128x128xf32, #tpu.memory_space<vmem>> -> memref<1x128x128xf32, #tpu.memory_space<vmem>>
      %dma_start3A_80 = tpu.memref_squeeze %dma_start3A_79 : memref<1x128x128xf32, #tpu.memory_space<vmem>> -> memref<128x128xf32, #tpu.memory_space<vmem>>
      tpu.enqueue_dma source(%dma_start3A_80 : memref<128x128xf32, #tpu.memory_space<vmem>>) target(%dma_start3A_76 : memref<128x128xf32, #tpu.memory_space<vmem_shared>>) target_semaphore(%run_scoped3A_68 : memref<!tpu.dma_semaphore, #tpu.memory_space<semaphore_mem>>)
      %dma_wait3A = arith.constant 0 : i32
      %dma_wait3A_81 = arith.constant 0 : i32
      %dma_wait3A_82 = tpu.memref_slice %arg5[%run_scoped3A_14, %dma_wait3A, %dma_wait3A_81] : memref<2x128x128xf32, #tpu.memory_space<vmem>> -> memref<1x128x128xf32, #tpu.memory_space<vmem>>
      %dma_wait3A_83 = tpu.memref_squeeze %dma_wait3A_82 : memref<1x128x128xf32, #tpu.memory_space<vmem>> -> memref<128x128xf32, #tpu.memory_space<vmem>>
      %dma_wait3A_84 = arith.constant 0 : i32
      %dma_wait3A_85 = tpu.memref_slice %arg9[%add3A_13, %dma_wait3A_84] : memref<10000x128xf32, #tpu.memory_space<vmem_shared>> -> memref<128x128xf32, #tpu.memory_space<vmem_shared>>
      %dma_wait3A_86 = arith.constant 0 : i32
      %dma_wait3A_87 = tpu.memref_slice %arg9[%add3A_13, %dma_wait3A_86] : memref<10000x128xf32, #tpu.memory_space<vmem_shared>> -> memref<128x128xf32, #tpu.memory_space<vmem_shared>>
      %dma_wait3A_88 = arith.constant 0 : i32
      %dma_wait3A_89 = arith.constant 0 : i32
      %dma_wait3A_90 = tpu.memref_slice %arg5[%run_scoped3A_14, %dma_wait3A_88, %dma_wait3A_89] : memref<2x128x128xf32, #tpu.memory_space<vmem>> -> memref<1x128x128xf32, #tpu.memory_space<vmem>>
      %dma_wait3A_91 = tpu.memref_squeeze %dma_wait3A_90 : memref<1x128x128xf32, #tpu.memory_space<vmem>> -> memref<128x128xf32, #tpu.memory_space<vmem>>
      tpu.wait_dma2 semaphore(%run_scoped3A_68 : memref<!tpu.dma_semaphore, #tpu.memory_space<semaphore_mem>>) src(%dma_wait3A_91 : memref<128x128xf32, #tpu.memory_space<vmem>>) dst(%dma_wait3A_87 : memref<128x128xf32, #tpu.memory_space<vmem_shared>>)
      tpu.yield
    }) : () -> ()
    %add3A_15 = arith.constant 256 : i32
    %add3A_16 = arith.addi %mul3A_9, %add3A_15 : i32
    %run_scoped3A_17 = arith.constant 0 : i32
    "tpu.region"() ({
      %run_scoped3A_68 = tpu.sem_alloc : memref<!tpu.dma_semaphore, #tpu.memory_space<semaphore_mem>>
      %dma_start3A_69 = arith.constant 0 : i32
      %dma_start3A_70 = arith.constant 0 : i32
      %dma_start3A_71 = tpu.memref_slice %arg5[%run_scoped3A_17, %dma_start3A_69, %dma_start3A_70] : memref<2x128x128xf32, #tpu.memory_space<vmem>> -> memref<1x128x128xf32, #tpu.memory_space<vmem>>
      %dma_start3A_72 = tpu.memref_squeeze %dma_start3A_71 : memref<1x128x128xf32, #tpu.memory_space<vmem>> -> memref<128x128xf32, #tpu.memory_space<vmem>>
      %dma_start3A_73 = arith.constant 0 : i32
      %dma_start3A_74 = tpu.memref_slice %arg9[%add3A_16, %dma_start3A_73] : memref<10000x128xf32, #tpu.memory_space<vmem_shared>> -> memref<128x128xf32, #tpu.memory_space<vmem_shared>>
      %dma_start3A_75 = arith.constant 0 : i32
      %dma_start3A_76 = tpu.memref_slice %arg9[%add3A_16, %dma_start3A_75] : memref<10000x128xf32, #tpu.memory_space<vmem_shared>> -> memref<128x128xf32, #tpu.memory_space<vmem_shared>>
      %dma_start3A_77 = arith.constant 0 : i32
      %dma_start3A_78 = arith.constant 0 : i32
      %dma_start3A_79 = tpu.memref_slice %arg5[%run_scoped3A_17, %dma_start3A_77, %dma_start3A_78] : memref<2x128x128xf32, #tpu.memory_space<vmem>> -> memref<1x128x128xf32, #tpu.memory_space<vmem>>
      %dma_start3A_80 = tpu.memref_squeeze %dma_start3A_79 : memref<1x128x128xf32, #tpu.memory_space<vmem>> -> memref<128x128xf32, #tpu.memory_space<vmem>>
      tpu.enqueue_dma source(%dma_start3A_80 : memref<128x128xf32, #tpu.memory_space<vmem>>) target(%dma_start3A_76 : memref<128x128xf32, #tpu.memory_space<vmem_shared>>) target_semaphore(%run_scoped3A_68 : memref<!tpu.dma_semaphore, #tpu.memory_space<semaphore_mem>>)
      %dma_wait3A = arith.constant 0 : i32
      %dma_wait3A_81 = arith.constant 0 : i32
      %dma_wait3A_82 = tpu.memref_slice %arg5[%run_scoped3A_17, %dma_wait3A, %dma_wait3A_81] : memref<2x128x128xf32, #tpu.memory_space<vmem>> -> memref<1x128x128xf32, #tpu.memory_space<vmem>>
      %dma_wait3A_83 = tpu.memref_squeeze %dma_wait3A_82 : memref<1x128x128xf32, #tpu.memory_space<vmem>> -> memref<128x128xf32, #tpu.memory_space<vmem>>
      %dma_wait3A_84 = arith.constant 0 : i32
      %dma_wait3A_85 = tpu.memref_slice %arg9[%add3A_16, %dma_wait3A_84] : memref<10000x128xf32, #tpu.memory_space<vmem_shared>> -> memref<128x128xf32, #tpu.memory_space<vmem_shared>>
      %dma_wait3A_86 = arith.constant 0 : i32
      %dma_wait3A_87 = tpu.memref_slice %arg9[%add3A_16, %dma_wait3A_86] : memref<10000x128xf32, #tpu.memory_space<vmem_shared>> -> memref<128x128xf32, #tpu.memory_space<vmem_shared>>
      %dma_wait3A_88 = arith.constant 0 : i32
      %dma_wait3A_89 = arith.constant 0 : i32
      %dma_wait3A_90 = tpu.memref_slice %arg5[%run_scoped3A_17, %dma_wait3A_88, %dma_wait3A_89] : memref<2x128x128xf32, #tpu.memory_space<vmem>> -> memref<1x128x128xf32, #tpu.memory_space<vmem>>
      %dma_wait3A_91 = tpu.memref_squeeze %dma_wait3A_90 : memref<1x128x128xf32, #tpu.memory_space<vmem>> -> memref<128x128xf32, #tpu.memory_space<vmem>>
      tpu.wait_dma2 semaphore(%run_scoped3A_68 : memref<!tpu.dma_semaphore, #tpu.memory_space<semaphore_mem>>) src(%dma_wait3A_91 : memref<128x128xf32, #tpu.memory_space<vmem>>) dst(%dma_wait3A_87 : memref<128x128xf32, #tpu.memory_space<vmem_shared>>)
      tpu.yield
    }) : () -> ()
    %add3A_18 = arith.constant 384 : i32
    %add3A_19 = arith.addi %mul3A_9, %add3A_18 : i32
    %run_scoped3A_20 = arith.constant 0 : i32
    "tpu.region"() ({
      %run_scoped3A_68 = tpu.sem_alloc : memref<!tpu.dma_semaphore, #tpu.memory_space<semaphore_mem>>
      %dma_start3A_69 = arith.constant 0 : i32
      %dma_start3A_70 = arith.constant 0 : i32
      %dma_start3A_71 = tpu.memref_slice %arg5[%run_scoped3A_20, %dma_start3A_69, %dma_start3A_70] : memref<2x128x128xf32, #tpu.memory_space<vmem>> -> memref<1x128x128xf32, #tpu.memory_space<vmem>>
      %dma_start3A_72 = tpu.memref_squeeze %dma_start3A_71 : memref<1x128x128xf32, #tpu.memory_space<vmem>> -> memref<128x128xf32, #tpu.memory_space<vmem>>
      %dma_start3A_73 = arith.constant 0 : i32
      %dma_start3A_74 = tpu.memref_slice %arg9[%add3A_19, %dma_start3A_73] : memref<10000x128xf32, #tpu.memory_space<vmem_shared>> -> memref<128x128xf32, #tpu.memory_space<vmem_shared>>
      %dma_start3A_75 = arith.constant 0 : i32
      %dma_start3A_76 = tpu.memref_slice %arg9[%add3A_19, %dma_start3A_75] : memref<10000x128xf32, #tpu.memory_space<vmem_shared>> -> memref<128x128xf32, #tpu.memory_space<vmem_shared>>
      %dma_start3A_77 = arith.constant 0 : i32
      %dma_start3A_78 = arith.constant 0 : i32
      %dma_start3A_79 = tpu.memref_slice %arg5[%run_scoped3A_20, %dma_start3A_77, %dma_start3A_78] : memref<2x128x128xf32, #tpu.memory_space<vmem>> -> memref<1x128x128xf32, #tpu.memory_space<vmem>>
      %dma_start3A_80 = tpu.memref_squeeze %dma_start3A_79 : memref<1x128x128xf32, #tpu.memory_space<vmem>> -> memref<128x128xf32, #tpu.memory_space<vmem>>
      tpu.enqueue_dma source(%dma_start3A_80 : memref<128x128xf32, #tpu.memory_space<vmem>>) target(%dma_start3A_76 : memref<128x128xf32, #tpu.memory_space<vmem_shared>>) target_semaphore(%run_scoped3A_68 : memref<!tpu.dma_semaphore, #tpu.memory_space<semaphore_mem>>)
      %dma_wait3A = arith.constant 0 : i32
      %dma_wait3A_81 = arith.constant 0 : i32
      %dma_wait3A_82 = tpu.memref_slice %arg5[%run_scoped3A_20, %dma_wait3A, %dma_wait3A_81] : memref<2x128x128xf32, #tpu.memory_space<vmem>> -> memref<1x128x128xf32, #tpu.memory_space<vmem>>
      %dma_wait3A_83 = tpu.memref_squeeze %dma_wait3A_82 : memref<1x128x128xf32, #tpu.memory_space<vmem>> -> memref<128x128xf32, #tpu.memory_space<vmem>>
      %dma_wait3A_84 = arith.constant 0 : i32
      %dma_wait3A_85 = tpu.memref_slice %arg9[%add3A_19, %dma_wait3A_84] : memref<10000x128xf32, #tpu.memory_space<vmem_shared>> -> memref<128x128xf32, #tpu.memory_space<vmem_shared>>
      %dma_wait3A_86 = arith.constant 0 : i32
      %dma_wait3A_87 = tpu.memref_slice %arg9[%add3A_19, %dma_wait3A_86] : memref<10000x128xf32, #tpu.memory_space<vmem_shared>> -> memref<128x128xf32, #tpu.memory_space<vmem_shared>>
      %dma_wait3A_88 = arith.constant 0 : i32
      %dma_wait3A_89 = arith.constant 0 : i32
      %dma_wait3A_90 = tpu.memref_slice %arg5[%run_scoped3A_20, %dma_wait3A_88, %dma_wait3A_89] : memref<2x128x128xf32, #tpu.memory_space<vmem>> -> memref<1x128x128xf32, #tpu.memory_space<vmem>>
      %dma_wait3A_91 = tpu.memref_squeeze %dma_wait3A_90 : memref<1x128x128xf32, #tpu.memory_space<vmem>> -> memref<128x128xf32, #tpu.memory_space<vmem>>
      tpu.wait_dma2 semaphore(%run_scoped3A_68 : memref<!tpu.dma_semaphore, #tpu.memory_space<semaphore_mem>>) src(%dma_wait3A_91 : memref<128x128xf32, #tpu.memory_space<vmem>>) dst(%dma_wait3A_87 : memref<128x128xf32, #tpu.memory_space<vmem_shared>>)
      tpu.yield
    }) : () -> ()
    %add3A_21 = arith.constant 512 : i32
    %add3A_22 = arith.addi %mul3A_9, %add3A_21 : i32
    %run_scoped3A_23 = arith.constant 0 : i32
    "tpu.region"() ({
      %run_scoped3A_68 = tpu.sem_alloc : memref<!tpu.dma_semaphore, #tpu.memory_space<semaphore_mem>>
      %dma_start3A_69 = arith.constant 0 : i32
      %dma_start3A_70 = arith.constant 0 : i32
      %dma_start3A_71 = tpu.memref_slice %arg5[%run_scoped3A_23, %dma_start3A_69, %dma_start3A_70] : memref<2x128x128xf32, #tpu.memory_space<vmem>> -> memref<1x112x128xf32, #tpu.memory_space<vmem>>
      %dma_start3A_72 = tpu.memref_squeeze %dma_start3A_71 : memref<1x112x128xf32, #tpu.memory_space<vmem>> -> memref<112x128xf32, #tpu.memory_space<vmem>>
      %dma_start3A_73 = arith.constant 0 : i32
      %dma_start3A_74 = tpu.memref_slice %arg9[%add3A_22, %dma_start3A_73] : memref<10000x128xf32, #tpu.memory_space<vmem_shared>> -> memref<112x128xf32, #tpu.memory_space<vmem_shared>>
      %dma_start3A_75 = arith.constant 0 : i32
      %dma_start3A_76 = tpu.memref_slice %arg9[%add3A_22, %dma_start3A_75] : memref<10000x128xf32, #tpu.memory_space<vmem_shared>> -> memref<112x128xf32, #tpu.memory_space<vmem_shared>>
      %dma_start3A_77 = arith.constant 0 : i32
      %dma_start3A_78 = arith.constant 0 : i32
      %dma_start3A_79 = tpu.memref_slice %arg5[%run_scoped3A_23, %dma_start3A_77, %dma_start3A_78] : memref<2x128x128xf32, #tpu.memory_space<vmem>> -> memref<1x112x128xf32, #tpu.memory_space<vmem>>
      %dma_start3A_80 = tpu.memref_squeeze %dma_start3A_79 : memref<1x112x128xf32, #tpu.memory_space<vmem>> -> memref<112x128xf32, #tpu.memory_space<vmem>>
      tpu.enqueue_dma source(%dma_start3A_80 : memref<112x128xf32, #tpu.memory_space<vmem>>) target(%dma_start3A_76 : memref<112x128xf32, #tpu.memory_space<vmem_shared>>) target_semaphore(%run_scoped3A_68 : memref<!tpu.dma_semaphore, #tpu.memory_space<semaphore_mem>>)
      %dma_wait3A = arith.constant 0 : i32
      %dma_wait3A_81 = arith.constant 0 : i32
      %dma_wait3A_82 = tpu.memref_slice %arg5[%run_scoped3A_23, %dma_wait3A, %dma_wait3A_81] : memref<2x128x128xf32, #tpu.memory_space<vmem>> -> memref<1x112x128xf32, #tpu.memory_space<vmem>>
      %dma_wait3A_83 = tpu.memref_squeeze %dma_wait3A_82 : memref<1x112x128xf32, #tpu.memory_space<vmem>> -> memref<112x128xf32, #tpu.memory_space<vmem>>
      %dma_wait3A_84 = arith.constant 0 : i32
      %dma_wait3A_85 = tpu.memref_slice %arg9[%add3A_22, %dma_wait3A_84] : memref<10000x128xf32, #tpu.memory_space<vmem_shared>> -> memref<112x128xf32, #tpu.memory_space<vmem_shared>>
      %dma_wait3A_86 = arith.constant 0 : i32
      %dma_wait3A_87 = tpu.memref_slice %arg9[%add3A_22, %dma_wait3A_86] : memref<10000x128xf32, #tpu.memory_space<vmem_shared>> -> memref<112x128xf32, #tpu.memory_space<vmem_shared>>
      %dma_wait3A_88 = arith.constant 0 : i32
      %dma_wait3A_89 = arith.constant 0 : i32
      %dma_wait3A_90 = tpu.memref_slice %arg5[%run_scoped3A_23, %dma_wait3A_88, %dma_wait3A_89] : memref<2x128x128xf32, #tpu.memory_space<vmem>> -> memref<1x112x128xf32, #tpu.memory_space<vmem>>
      %dma_wait3A_91 = tpu.memref_squeeze %dma_wait3A_90 : memref<1x112x128xf32, #tpu.memory_space<vmem>> -> memref<112x128xf32, #tpu.memory_space<vmem>>
      tpu.wait_dma2 semaphore(%run_scoped3A_68 : memref<!tpu.dma_semaphore, #tpu.memory_space<semaphore_mem>>) src(%dma_wait3A_91 : memref<112x128xf32, #tpu.memory_space<vmem>>) dst(%dma_wait3A_87 : memref<112x128xf32, #tpu.memory_space<vmem_shared>>)
      tpu.yield
    }) : () -> ()
    %eq3A = arith.constant 0 : i32
    %eq3A_24 = arith.cmpi eq, %arg1, %eq3A : i32
    %convert_element_type3A = arith.extui %eq3A_24 : i1 to i32
    %cond3A = arith.constant 0 : i32
    %cond3A_25 = arith.cmpi ne, %convert_element_type3A, %cond3A : i32
    scf.if %cond3A_25 {
      %run_scoped3A_68 = arith.constant 0 : i32
      "tpu.region"() ({
        %run_scoped3A_69 = tpu.sem_alloc : memref<!tpu.dma_semaphore, #tpu.memory_space<semaphore_mem>>
        %dma_start3A_70 = arith.constant 0 : i32
        %dma_start3A_71 = arith.constant 0 : i32
        %dma_start3A_72 = tpu.memref_slice %arg5[%run_scoped3A_68, %dma_start3A_70, %dma_start3A_71] : memref<2x128x128xf32, #tpu.memory_space<vmem>> -> memref<1x16x128xf32, #tpu.memory_space<vmem>>
        %dma_start3A_73 = tpu.memref_squeeze %dma_start3A_72 : memref<1x16x128xf32, #tpu.memory_space<vmem>> -> memref<16x128xf32, #tpu.memory_space<vmem>>
        %dma_start3A_74 = arith.constant 9984 : i32
        %dma_start3A_75 = arith.constant 0 : i32
        %dma_start3A_76 = tpu.memref_slice %arg9[%dma_start3A_74, %dma_start3A_75] : memref<10000x128xf32, #tpu.memory_space<vmem_shared>> -> memref<16x128xf32, #tpu.memory_space<vmem_shared>>
        %dma_start3A_77 = arith.constant 9984 : i32
        %dma_start3A_78 = arith.constant 0 : i32
        %dma_start3A_79 = tpu.memref_slice %arg9[%dma_start3A_77, %dma_start3A_78] : memref<10000x128xf32, #tpu.memory_space<vmem_shared>> -> memref<16x128xf32, #tpu.memory_space<vmem_shared>>
        %dma_start3A_80 = arith.constant 0 : i32
        %dma_start3A_81 = arith.constant 0 : i32
        %dma_start3A_82 = tpu.memref_slice %arg5[%run_scoped3A_68, %dma_start3A_80, %dma_start3A_81] : memref<2x128x128xf32, #tpu.memory_space<vmem>> -> memref<1x16x128xf32, #tpu.memory_space<vmem>>
        %dma_start3A_83 = tpu.memref_squeeze %dma_start3A_82 : memref<1x16x128xf32, #tpu.memory_space<vmem>> -> memref<16x128xf32, #tpu.memory_space<vmem>>
        tpu.enqueue_dma source(%dma_start3A_83 : memref<16x128xf32, #tpu.memory_space<vmem>>) target(%dma_start3A_79 : memref<16x128xf32, #tpu.memory_space<vmem_shared>>) target_semaphore(%run_scoped3A_69 : memref<!tpu.dma_semaphore, #tpu.memory_space<semaphore_mem>>)
        %dma_wait3A = arith.constant 0 : i32
        %dma_wait3A_84 = arith.constant 0 : i32
        %dma_wait3A_85 = tpu.memref_slice %arg5[%run_scoped3A_68, %dma_wait3A, %dma_wait3A_84] : memref<2x128x128xf32, #tpu.memory_space<vmem>> -> memref<1x16x128xf32, #tpu.memory_space<vmem>>
        %dma_wait3A_86 = tpu.memref_squeeze %dma_wait3A_85 : memref<1x16x128xf32, #tpu.memory_space<vmem>> -> memref<16x128xf32, #tpu.memory_space<vmem>>
        %dma_wait3A_87 = arith.constant 9984 : i32
        %dma_wait3A_88 = arith.constant 0 : i32
        %dma_wait3A_89 = tpu.memref_slice %arg9[%dma_wait3A_87, %dma_wait3A_88] : memref<10000x128xf32, #tpu.memory_space<vmem_shared>> -> memref<16x128xf32, #tpu.memory_space<vmem_shared>>
        %dma_wait3A_90 = arith.constant 9984 : i32
        %dma_wait3A_91 = arith.constant 0 : i32
        %dma_wait3A_92 = tpu.memref_slice %arg9[%dma_wait3A_90, %dma_wait3A_91] : memref<10000x128xf32, #tpu.memory_space<vmem_shared>> -> memref<16x128xf32, #tpu.memory_space<vmem_shared>>
        %dma_wait3A_93 = arith.constant 0 : i32
        %dma_wait3A_94 = arith.constant 0 : i32
        %dma_wait3A_95 = tpu.memref_slice %arg5[%run_scoped3A_68, %dma_wait3A_93, %dma_wait3A_94] : memref<2x128x128xf32, #tpu.memory_space<vmem>> -> memref<1x16x128xf32, #tpu.memory_space<vmem>>
        %dma_wait3A_96 = tpu.memref_squeeze %dma_wait3A_95 : memref<1x16x128xf32, #tpu.memory_space<vmem>> -> memref<16x128xf32, #tpu.memory_space<vmem>>
        tpu.wait_dma2 semaphore(%run_scoped3A_69 : memref<!tpu.dma_semaphore, #tpu.memory_space<semaphore_mem>>) src(%dma_wait3A_96 : memref<16x128xf32, #tpu.memory_space<vmem>>) dst(%dma_wait3A_92 : memref<16x128xf32, #tpu.memory_space<vmem_shared>>)
        tpu.yield
      }) : () -> ()
    } else {
    }
    %barrier3A = arith.constant 0 : index
    tpu.barrier barrier_id(%barrier3A)
    %rem3A = arith.constant 0 : i32
    %rem3A_26 = arith.constant 2 : i32
    %rem3A_27 = arith.remsi %rem3A, %rem3A_26 : i32
    %add3A_28 = arith.constant 0 : i32
    %add3A_29 = arith.addi %add3A, %add3A_28 : i32
    %mul3A_30 = arith.constant 128 : i32
    %mul3A_31 = arith.muli %add3A_29, %mul3A_30 : i32
    %dma_start3A = arith.constant 0 : i32
    %dma_start3A_32 = tpu.memref_slice %arg6[%rem3A_27, %dma_start3A] : memref<2x128xi32, #tpu.memory_space<vmem>> -> memref<1x128xi32, #tpu.memory_space<vmem>>
    %dma_start3A_33 = tpu.memref_squeeze %dma_start3A_32 : memref<1x128xi32, #tpu.memory_space<vmem>> -> memref<128xi32, #tpu.memory_space<vmem>>
    %dma_start3A_34 = tpu.memref_slice %arg3[%mul3A_31] : memref<320000xi32, #tpu.memory_space<hbm>> -> memref<128xi32, #tpu.memory_space<hbm>>
    %dma_start3A_35 = arith.constant 0 : i32
    %dma_start3A_36 = tpu.memref_slice %arg6[%rem3A_27, %dma_start3A_35] : memref<2x128xi32, #tpu.memory_space<vmem>> -> memref<1x128xi32, #tpu.memory_space<vmem>>
    %dma_start3A_37 = tpu.memref_squeeze %dma_start3A_36 : memref<1x128xi32, #tpu.memory_space<vmem>> -> memref<128xi32, #tpu.memory_space<vmem>>
    %dma_start3A_38 = tpu.memref_slice %arg3[%mul3A_31] : memref<320000xi32, #tpu.memory_space<hbm>> -> memref<128xi32, #tpu.memory_space<hbm>>
    tpu.enqueue_dma source(%dma_start3A_38 : memref<128xi32, #tpu.memory_space<hbm>>) target(%dma_start3A_37 : memref<128xi32, #tpu.memory_space<vmem>>) target_semaphore(%arg7 : memref<!tpu.dma_semaphore, #tpu.memory_space<semaphore_mem>>)
    %dma_start3A_39 = arith.constant 0 : i32
    %dma_start3A_40 = arith.constant 0 : i32
    %dma_start3A_41 = tpu.memref_slice %arg5[%rem3A_27, %dma_start3A_39, %dma_start3A_40] : memref<2x128x128xf32, #tpu.memory_space<vmem>> -> memref<1x128x128xf32, #tpu.memory_space<vmem>>
    %dma_start3A_42 = tpu.memref_squeeze %dma_start3A_41 : memref<1x128x128xf32, #tpu.memory_space<vmem>> -> memref<128x128xf32, #tpu.memory_space<vmem>>
    %dma_start3A_43 = arith.constant 0 : i32
    %dma_start3A_44 = tpu.memref_slice %arg2[%mul3A_31, %dma_start3A_43] : memref<320000x128xf32, #tpu.memory_space<hbm>> -> memref<128x128xf32, #tpu.memory_space<hbm>>
    %dma_start3A_45 = arith.constant 0 : i32
    %dma_start3A_46 = arith.constant 0 : i32
    %dma_start3A_47 = tpu.memref_slice %arg5[%rem3A_27, %dma_start3A_45, %dma_start3A_46] : memref<2x128x128xf32, #tpu.memory_space<vmem>> -> memref<1x128x128xf32, #tpu.memory_space<vmem>>
    %dma_start3A_48 = tpu.memref_squeeze %dma_start3A_47 : memref<1x128x128xf32, #tpu.memory_space<vmem>> -> memref<128x128xf32, #tpu.memory_space<vmem>>
    %dma_start3A_49 = arith.constant 0 : i32
    %dma_start3A_50 = tpu.memref_slice %arg2[%mul3A_31, %dma_start3A_49] : memref<320000x128xf32, #tpu.memory_space<hbm>> -> memref<128x128xf32, #tpu.memory_space<hbm>>
    tpu.enqueue_dma source(%dma_start3A_50 : memref<128x128xf32, #tpu.memory_space<hbm>>) target(%dma_start3A_48 : memref<128x128xf32, #tpu.memory_space<vmem>>) target_semaphore(%arg7 : memref<!tpu.dma_semaphore, #tpu.memory_space<semaphore_mem>>)
    %scan3A_51 = arith.constant 0 : i32
    %scan3A_52 = arith.constant 0 : i32
    %scan3A_53 = arith.constant 79 : i32
    %scan3A_54 = arith.addi %scan3A_52, %scan3A_53 : i32
    %scan3A_55 = arith.constant 1 : i32
    %scan3A_56 = scf.for %scan3A_68 = %scan3A_52 to %scan3A_54 step %scan3A_55 iter_args(%scan3A_69 = %scan3A_51) -> (i32)  : i32 {
      %rem3A_70 = arith.constant 2 : i32
      %rem3A_71 = arith.remsi %scan3A_68, %rem3A_70 : i32
      %sub3A = arith.constant 1 : i32
      %sub3A_72 = arith.subi %sub3A, %rem3A_71 : i32
      %mul3A_73 = arith.constant 32 : i32
      %mul3A_74 = arith.muli %mul3A_73, %scan3A_68 : i32
      %add3A_75 = arith.addi %add3A, %mul3A_74 : i32
      %lt3A_76 = arith.constant 2500 : i32
      %lt3A_77 = arith.cmpi slt, %add3A_75, %lt3A_76 : i32
      %add3A_78 = arith.constant 1 : i32
      %add3A_79 = arith.addi %scan3A_68, %add3A_78 : i32
      %mul3A_80 = arith.constant 32 : i32
      %mul3A_81 = arith.muli %mul3A_80, %add3A_79 : i32
      %add3A_82 = arith.addi %add3A, %mul3A_81 : i32
      %lt3A_83 = arith.constant 2500 : i32
      %lt3A_84 = arith.cmpi slt, %add3A_82, %lt3A_83 : i32
      %ge3A = arith.constant 1 : i32
      %ge3A_85 = arith.cmpi sge, %scan3A_68, %ge3A : i32
      %convert_element_type3A_86 = arith.extui %ge3A_85 : i1 to i32
      %cond3A_87 = arith.constant 0 : i32
      %cond3A_88 = arith.cmpi ne, %convert_element_type3A_86, %cond3A_87 : i32
      scf.if %cond3A_88 {
        %dma_wait3A = arith.constant 0 : i32
        %dma_wait3A_96 = arith.constant 0 : i32
        %dma_wait3A_97 = tpu.memref_slice %arg5[%sub3A_72, %dma_wait3A, %dma_wait3A_96] : memref<2x128x128xf32, #tpu.memory_space<vmem>> -> memref<1x128x128xf32, #tpu.memory_space<vmem>>
        %dma_wait3A_98 = tpu.memref_squeeze %dma_wait3A_97 : memref<1x128x128xf32, #tpu.memory_space<vmem>> -> memref<128x128xf32, #tpu.memory_space<vmem>>
        %dma_wait3A_99 = arith.constant 0 : i32
        %dma_wait3A_100 = tpu.memref_slice %arg6[%sub3A_72, %dma_wait3A_99] : memref<2x128xi32, #tpu.memory_space<vmem>> -> memref<1x128xi32, #tpu.memory_space<vmem>>
        %dma_wait3A_101 = tpu.memref_squeeze %dma_wait3A_100 : memref<1x128xi32, #tpu.memory_space<vmem>> -> memref<128xi32, #tpu.memory_space<vmem>>
        %dma_wait3A_102 = arith.constant 0 : i32
        %dma_wait3A_103 = arith.constant 0 : i32
        %dma_wait3A_104 = tpu.memref_slice %arg9[%dma_wait3A_102, %dma_wait3A_103] : memref<10000x128xf32, #tpu.memory_space<vmem_shared>> -> memref<10000x128xf32, #tpu.memory_space<vmem_shared>>
        tpu.wait_indirect_dma semaphore(%arg8 : memref<!tpu.dma_semaphore, #tpu.memory_space<semaphore_mem>>) src(%dma_wait3A_98 : memref<128x128xf32, #tpu.memory_space<vmem>>) dst(%dma_wait3A_104 : memref<10000x128xf32, #tpu.memory_space<vmem_shared>>)
      } else {
      }
      %convert_element_type3A_89 = arith.extui %lt3A_84 : i1 to i32
      %cond3A_90 = arith.constant 0 : i32
      %cond3A_91 = arith.cmpi ne, %convert_element_type3A_89, %cond3A_90 : i32
      scf.if %cond3A_91 {
        %add3A_96 = arith.constant 1 : i32
        %add3A_97 = arith.addi %scan3A_68, %add3A_96 : i32
        %rem3A_98 = arith.constant 2 : i32
        %rem3A_99 = arith.remsi %add3A_97, %rem3A_98 : i32
        %mul3A_100 = arith.constant 32 : i32
        %mul3A_101 = arith.muli %mul3A_100, %add3A_97 : i32
        %add3A_102 = arith.addi %add3A, %mul3A_101 : i32
        %mul3A_103 = arith.constant 128 : i32
        %mul3A_104 = arith.muli %add3A_102, %mul3A_103 : i32
        %dma_start3A_105 = arith.constant 0 : i32
        %dma_start3A_106 = tpu.memref_slice %arg6[%rem3A_99, %dma_start3A_105] : memref<2x128xi32, #tpu.memory_space<vmem>> -> memref<1x128xi32, #tpu.memory_space<vmem>>
        %dma_start3A_107 = tpu.memref_squeeze %dma_start3A_106 : memref<1x128xi32, #tpu.memory_space<vmem>> -> memref<128xi32, #tpu.memory_space<vmem>>
        %dma_start3A_108 = tpu.memref_slice %arg3[%mul3A_104] : memref<320000xi32, #tpu.memory_space<hbm>> -> memref<128xi32, #tpu.memory_space<hbm>>
        %dma_start3A_109 = arith.constant 0 : i32
        %dma_start3A_110 = tpu.memref_slice %arg6[%rem3A_99, %dma_start3A_109] : memref<2x128xi32, #tpu.memory_space<vmem>> -> memref<1x128xi32, #tpu.memory_space<vmem>>
        %dma_start3A_111 = tpu.memref_squeeze %dma_start3A_110 : memref<1x128xi32, #tpu.memory_space<vmem>> -> memref<128xi32, #tpu.memory_space<vmem>>
        %dma_start3A_112 = tpu.memref_slice %arg3[%mul3A_104] : memref<320000xi32, #tpu.memory_space<hbm>> -> memref<128xi32, #tpu.memory_space<hbm>>
        tpu.enqueue_dma source(%dma_start3A_112 : memref<128xi32, #tpu.memory_space<hbm>>) target(%dma_start3A_111 : memref<128xi32, #tpu.memory_space<vmem>>) target_semaphore(%arg7 : memref<!tpu.dma_semaphore, #tpu.memory_space<semaphore_mem>>)
        %dma_start3A_113 = arith.constant 0 : i32
        %dma_start3A_114 = arith.constant 0 : i32
        %dma_start3A_115 = tpu.memref_slice %arg5[%rem3A_99, %dma_start3A_113, %dma_start3A_114] : memref<2x128x128xf32, #tpu.memory_space<vmem>> -> memref<1x128x128xf32, #tpu.memory_space<vmem>>
        %dma_start3A_116 = tpu.memref_squeeze %dma_start3A_115 : memref<1x128x128xf32, #tpu.memory_space<vmem>> -> memref<128x128xf32, #tpu.memory_space<vmem>>
        %dma_start3A_117 = arith.constant 0 : i32
        %dma_start3A_118 = tpu.memref_slice %arg2[%mul3A_104, %dma_start3A_117] : memref<320000x128xf32, #tpu.memory_space<hbm>> -> memref<128x128xf32, #tpu.memory_space<hbm>>
        %dma_start3A_119 = arith.constant 0 : i32
        %dma_start3A_120 = arith.constant 0 : i32
        %dma_start3A_121 = tpu.memref_slice %arg5[%rem3A_99, %dma_start3A_119, %dma_start3A_120] : memref<2x128x128xf32, #tpu.memory_space<vmem>> -> memref<1x128x128xf32, #tpu.memory_space<vmem>>
        %dma_start3A_122 = tpu.memref_squeeze %dma_start3A_121 : memref<1x128x128xf32, #tpu.memory_space<vmem>> -> memref<128x128xf32, #tpu.memory_space<vmem>>
        %dma_start3A_123 = arith.constant 0 : i32
        %dma_start3A_124 = tpu.memref_slice %arg2[%mul3A_104, %dma_start3A_123] : memref<320000x128xf32, #tpu.memory_space<hbm>> -> memref<128x128xf32, #tpu.memory_space<hbm>>
        tpu.enqueue_dma source(%dma_start3A_124 : memref<128x128xf32, #tpu.memory_space<hbm>>) target(%dma_start3A_122 : memref<128x128xf32, #tpu.memory_space<vmem>>) target_semaphore(%arg7 : memref<!tpu.dma_semaphore, #tpu.memory_space<semaphore_mem>>)
      } else {
      }
      %convert_element_type3A_92 = arith.extui %lt3A_77 : i1 to i32
      %cond3A_93 = arith.constant 0 : i32
      %cond3A_94 = arith.cmpi ne, %convert_element_type3A_92, %cond3A_93 : i32
      scf.if %cond3A_94 {
        %dma_wait3A = arith.constant 0 : i32
        %dma_wait3A_96 = tpu.memref_slice %arg6[%rem3A_71, %dma_wait3A] : memref<2x128xi32, #tpu.memory_space<vmem>> -> memref<1x128xi32, #tpu.memory_space<vmem>>
        %dma_wait3A_97 = tpu.memref_squeeze %dma_wait3A_96 : memref<1x128xi32, #tpu.memory_space<vmem>> -> memref<128xi32, #tpu.memory_space<vmem>>
        %dma_wait3A_98 = arith.constant 0 : i32
        %dma_wait3A_99 = tpu.memref_slice %arg3[%dma_wait3A_98] : memref<320000xi32, #tpu.memory_space<hbm>> -> memref<128xi32, #tpu.memory_space<hbm>>
        %dma_wait3A_100 = arith.constant 0 : i32
        %dma_wait3A_101 = tpu.memref_slice %arg6[%rem3A_71, %dma_wait3A_100] : memref<2x128xi32, #tpu.memory_space<vmem>> -> memref<1x128xi32, #tpu.memory_space<vmem>>
        %dma_wait3A_102 = tpu.memref_squeeze %dma_wait3A_101 : memref<1x128xi32, #tpu.memory_space<vmem>> -> memref<128xi32, #tpu.memory_space<vmem>>
        %dma_wait3A_103 = arith.constant 0 : i32
        %dma_wait3A_104 = tpu.memref_slice %arg3[%dma_wait3A_103] : memref<320000xi32, #tpu.memory_space<hbm>> -> memref<128xi32, #tpu.memory_space<hbm>>
        tpu.wait_dma2 semaphore(%arg7 : memref<!tpu.dma_semaphore, #tpu.memory_space<semaphore_mem>>) src(%dma_wait3A_104 : memref<128xi32, #tpu.memory_space<hbm>>) dst(%dma_wait3A_102 : memref<128xi32, #tpu.memory_space<vmem>>)
        %dma_wait3A_105 = arith.constant 0 : i32
        %dma_wait3A_106 = arith.constant 0 : i32
        %dma_wait3A_107 = tpu.memref_slice %arg5[%rem3A_71, %dma_wait3A_105, %dma_wait3A_106] : memref<2x128x128xf32, #tpu.memory_space<vmem>> -> memref<1x128x128xf32, #tpu.memory_space<vmem>>
        %dma_wait3A_108 = tpu.memref_squeeze %dma_wait3A_107 : memref<1x128x128xf32, #tpu.memory_space<vmem>> -> memref<128x128xf32, #tpu.memory_space<vmem>>
        %dma_wait3A_109 = arith.constant 0 : i32
        %dma_wait3A_110 = arith.constant 0 : i32
        %dma_wait3A_111 = tpu.memref_slice %arg2[%dma_wait3A_109, %dma_wait3A_110] : memref<320000x128xf32, #tpu.memory_space<hbm>> -> memref<128x128xf32, #tpu.memory_space<hbm>>
        %dma_wait3A_112 = arith.constant 0 : i32
        %dma_wait3A_113 = arith.constant 0 : i32
        %dma_wait3A_114 = tpu.memref_slice %arg5[%rem3A_71, %dma_wait3A_112, %dma_wait3A_113] : memref<2x128x128xf32, #tpu.memory_space<vmem>> -> memref<1x128x128xf32, #tpu.memory_space<vmem>>
        %dma_wait3A_115 = tpu.memref_squeeze %dma_wait3A_114 : memref<1x128x128xf32, #tpu.memory_space<vmem>> -> memref<128x128xf32, #tpu.memory_space<vmem>>
        %dma_wait3A_116 = arith.constant 0 : i32
        %dma_wait3A_117 = arith.constant 0 : i32
        %dma_wait3A_118 = tpu.memref_slice %arg2[%dma_wait3A_116, %dma_wait3A_117] : memref<320000x128xf32, #tpu.memory_space<hbm>> -> memref<128x128xf32, #tpu.memory_space<hbm>>
        tpu.wait_dma2 semaphore(%arg7 : memref<!tpu.dma_semaphore, #tpu.memory_space<semaphore_mem>>) src(%dma_wait3A_118 : memref<128x128xf32, #tpu.memory_space<hbm>>) dst(%dma_wait3A_115 : memref<128x128xf32, #tpu.memory_space<vmem>>)
        %dma_start3A_119 = arith.constant 0 : i32
        %dma_start3A_120 = arith.constant 0 : i32
        %dma_start3A_121 = tpu.memref_slice %arg5[%rem3A_71, %dma_start3A_119, %dma_start3A_120] : memref<2x128x128xf32, #tpu.memory_space<vmem>> -> memref<1x128x128xf32, #tpu.memory_space<vmem>>
        %dma_start3A_122 = tpu.memref_squeeze %dma_start3A_121 : memref<1x128x128xf32, #tpu.memory_space<vmem>> -> memref<128x128xf32, #tpu.memory_space<vmem>>
        %dma_start3A_123 = arith.constant 0 : i32
        %dma_start3A_124 = tpu.memref_slice %arg6[%rem3A_71, %dma_start3A_123] : memref<2x128xi32, #tpu.memory_space<vmem>> -> memref<1x128xi32, #tpu.memory_space<vmem>>
        %dma_start3A_125 = tpu.memref_squeeze %dma_start3A_124 : memref<1x128xi32, #tpu.memory_space<vmem>> -> memref<128xi32, #tpu.memory_space<vmem>>
        %dma_start3A_126 = arith.constant 0 : i32
        %dma_start3A_127 = arith.constant 0 : i32
        %dma_start3A_128 = tpu.memref_slice %arg9[%dma_start3A_126, %dma_start3A_127] : memref<10000x128xf32, #tpu.memory_space<vmem_shared>> -> memref<10000x128xf32, #tpu.memory_space<vmem_shared>>
        tpu.enqueue_indirect_dma source(%dma_start3A_122 : memref<128x128xf32, #tpu.memory_space<vmem>>) target(%dma_start3A_128 : memref<10000x128xf32, #tpu.memory_space<vmem_shared>>) offsets(%dma_start3A_125 : memref<128xi32, #tpu.memory_space<vmem>>) semaphore(%arg8 : memref<!tpu.dma_semaphore, #tpu.memory_space<semaphore_mem>>) {add = true}
      } else {
      }
      %scan3A_95 = arith.constant 0 : i32
      scf.yield %scan3A_95 : i32
    }
    %scan3A_57 = arith.constant 79 : i32
    %lt3A = arith.constant 4 : i32
    %lt3A_58 = arith.cmpi slt, %add3A, %lt3A : i32
    %convert_element_type3A_59 = arith.extui %lt3A_58 : i1 to i32
    %cond3A_60 = arith.constant 0 : i32
    %cond3A_61 = arith.cmpi ne, %convert_element_type3A_59, %cond3A_60 : i32
    scf.if %cond3A_61 {
      %dma_wait3A = arith.constant 0 : i32
      %dma_wait3A_68 = arith.constant 0 : i32
      %dma_wait3A_69 = arith.constant 0 : i32
      %dma_wait3A_70 = arith.constant 0 : i32
      %dma_wait3A_71 = tpu.memref_slice %arg5[%dma_wait3A, %dma_wait3A_69, %dma_wait3A_70] : memref<2x128x128xf32, #tpu.memory_space<vmem>> -> memref<1x128x128xf32, #tpu.memory_space<vmem>>
      %dma_wait3A_72 = tpu.memref_squeeze %dma_wait3A_71 : memref<1x128x128xf32, #tpu.memory_space<vmem>> -> memref<128x128xf32, #tpu.memory_space<vmem>>
      %dma_wait3A_73 = arith.constant 0 : i32
      %dma_wait3A_74 = tpu.memref_slice %arg6[%dma_wait3A_68, %dma_wait3A_73] : memref<2x128xi32, #tpu.memory_space<vmem>> -> memref<1x128xi32, #tpu.memory_space<vmem>>
      %dma_wait3A_75 = tpu.memref_squeeze %dma_wait3A_74 : memref<1x128xi32, #tpu.memory_space<vmem>> -> memref<128xi32, #tpu.memory_space<vmem>>
      %dma_wait3A_76 = arith.constant 0 : i32
      %dma_wait3A_77 = arith.constant 0 : i32
      %dma_wait3A_78 = tpu.memref_slice %arg9[%dma_wait3A_76, %dma_wait3A_77] : memref<10000x128xf32, #tpu.memory_space<vmem_shared>> -> memref<10000x128xf32, #tpu.memory_space<vmem_shared>>
      tpu.wait_indirect_dma semaphore(%arg8 : memref<!tpu.dma_semaphore, #tpu.memory_space<semaphore_mem>>) src(%dma_wait3A_72 : memref<128x128xf32, #tpu.memory_space<vmem>>) dst(%dma_wait3A_78 : memref<10000x128xf32, #tpu.memory_space<vmem_shared>>)
    } else {
    }
    %barrier3A_62 = arith.constant 0 : index
    tpu.barrier barrier_id(%barrier3A_62)
    "tpu.region"() ({
      %run_scoped3A_68 = tpu.sem_alloc : memref<!tpu.dma_semaphore, #tpu.memory_space<semaphore_mem>>
      %dma_start3A_69 = arith.constant 0 : i32
      %dma_start3A_70 = tpu.memref_slice %arg4[%arg0, %mul3A_9, %dma_start3A_69] : memref<2x10000x128xf32, #tpu.memory_space<hbm>> -> memref<1x624x128xf32, #tpu.memory_space<hbm>>
      %dma_start3A_71 = tpu.memref_squeeze %dma_start3A_70 : memref<1x624x128xf32, #tpu.memory_space<hbm>> -> memref<624x128xf32, #tpu.memory_space<hbm>>
      %dma_start3A_72 = arith.constant 0 : i32
      %dma_start3A_73 = tpu.memref_slice %arg9[%mul3A_9, %dma_start3A_72] : memref<10000x128xf32, #tpu.memory_space<vmem_shared>> -> memref<624x128xf32, #tpu.memory_space<vmem_shared>>
      tpu.enqueue_dma source(%dma_start3A_73 : memref<624x128xf32, #tpu.memory_space<vmem_shared>>) target(%dma_start3A_71 : memref<624x128xf32, #tpu.memory_space<hbm>>) target_semaphore(%run_scoped3A_68 : memref<!tpu.dma_semaphore, #tpu.memory_space<semaphore_mem>>)
      %dma_wait3A = arith.constant 0 : i32
      %dma_wait3A_74 = tpu.memref_slice %arg4[%arg0, %mul3A_9, %dma_wait3A] : memref<2x10000x128xf32, #tpu.memory_space<hbm>> -> memref<1x624x128xf32, #tpu.memory_space<hbm>>
      %dma_wait3A_75 = tpu.memref_squeeze %dma_wait3A_74 : memref<1x624x128xf32, #tpu.memory_space<hbm>> -> memref<624x128xf32, #tpu.memory_space<hbm>>
      %dma_wait3A_76 = arith.constant 0 : i32
      %dma_wait3A_77 = tpu.memref_slice %arg9[%mul3A_9, %dma_wait3A_76] : memref<10000x128xf32, #tpu.memory_space<vmem_shared>> -> memref<624x128xf32, #tpu.memory_space<vmem_shared>>
      tpu.wait_dma2 semaphore(%run_scoped3A_68 : memref<!tpu.dma_semaphore, #tpu.memory_space<semaphore_mem>>) src(%dma_wait3A_77 : memref<624x128xf32, #tpu.memory_space<vmem_shared>>) dst(%dma_wait3A_75 : memref<624x128xf32, #tpu.memory_space<hbm>>)
      tpu.yield
    }) : () -> ()
    %eq3A_63 = arith.constant 0 : i32
    %eq3A_64 = arith.cmpi eq, %arg1, %eq3A_63 : i32
    %convert_element_type3A_65 = arith.extui %eq3A_64 : i1 to i32
    %cond3A_66 = arith.constant 0 : i32
    %cond3A_67 = arith.cmpi ne, %convert_element_type3A_65, %cond3A_66 : i32
    scf.if %cond3A_67 {
      "tpu.region"() ({
        %run_scoped3A_68 = tpu.sem_alloc : memref<!tpu.dma_semaphore, #tpu.memory_space<semaphore_mem>>
        %dma_start3A_69 = arith.constant 9984 : i32
        %dma_start3A_70 = arith.constant 0 : i32
        %dma_start3A_71 = tpu.memref_slice %arg4[%arg0, %dma_start3A_69, %dma_start3A_70] : memref<2x10000x128xf32, #tpu.memory_space<hbm>> -> memref<1x16x128xf32, #tpu.memory_space<hbm>>
        %dma_start3A_72 = tpu.memref_squeeze %dma_start3A_71 : memref<1x16x128xf32, #tpu.memory_space<hbm>> -> memref<16x128xf32, #tpu.memory_space<hbm>>
        %dma_start3A_73 = arith.constant 9984 : i32
        %dma_start3A_74 = arith.constant 0 : i32
        %dma_start3A_75 = tpu.memref_slice %arg9[%dma_start3A_73, %dma_start3A_74] : memref<10000x128xf32, #tpu.memory_space<vmem_shared>> -> memref<16x128xf32, #tpu.memory_space<vmem_shared>>
        tpu.enqueue_dma source(%dma_start3A_75 : memref<16x128xf32, #tpu.memory_space<vmem_shared>>) target(%dma_start3A_72 : memref<16x128xf32, #tpu.memory_space<hbm>>) target_semaphore(%run_scoped3A_68 : memref<!tpu.dma_semaphore, #tpu.memory_space<semaphore_mem>>)
        %dma_wait3A = arith.constant 9984 : i32
        %dma_wait3A_76 = arith.constant 0 : i32
        %dma_wait3A_77 = tpu.memref_slice %arg4[%arg0, %dma_wait3A, %dma_wait3A_76] : memref<2x10000x128xf32, #tpu.memory_space<hbm>> -> memref<1x16x128xf32, #tpu.memory_space<hbm>>
        %dma_wait3A_78 = tpu.memref_squeeze %dma_wait3A_77 : memref<1x16x128xf32, #tpu.memory_space<hbm>> -> memref<16x128xf32, #tpu.memory_space<hbm>>
        %dma_wait3A_79 = arith.constant 9984 : i32
        %dma_wait3A_80 = arith.constant 0 : i32
        %dma_wait3A_81 = tpu.memref_slice %arg9[%dma_wait3A_79, %dma_wait3A_80] : memref<10000x128xf32, #tpu.memory_space<vmem_shared>> -> memref<16x128xf32, #tpu.memory_space<vmem_shared>>
        tpu.wait_dma2 semaphore(%run_scoped3A_68 : memref<!tpu.dma_semaphore, #tpu.memory_space<semaphore_mem>>) src(%dma_wait3A_81 : memref<16x128xf32, #tpu.memory_space<vmem_shared>>) dst(%dma_wait3A_78 : memref<16x128xf32, #tpu.memory_space<hbm>>)
        tpu.yield
      }) : () -> ()
    } else {
    }
    return
  }
}

#map = affine_map<(d0, d1) -> (0, 0)>
#map1 = affine_map<(d0, d1) -> (0)>
#map2 = affine_map<(d0, d1) -> (0, 0, 0)>
module attributes {stable_mosaic.version = 14 : i64} {
  func.func @_attn_sc_body(%arg0: i32, %arg1: i32, %arg2: memref<10000x128xf32, #tpu.memory_space<hbm>>, %arg3: memref<10000x256xf32, #tpu.memory_space<hbm>>, %arg4: memref<320000xi32, #tpu.memory_space<hbm>>, %arg5: memref<320000xi32, #tpu.memory_space<hbm>>, %arg6: memref<2x10000x128xf32, #tpu.memory_space<hbm>>, %arg7: memref<2x1256x128xf32, #tpu.memory_space<hbm>>, %arg8: memref<64x128xf32, #tpu.memory_space<vmem>>, %arg9: memref<64x256xf32, #tpu.memory_space<vmem>>, %arg10: memref<64x128xf32, #tpu.memory_space<vmem>>, %arg11: memref<2x64xi32, #tpu.memory_space<vmem>>, %arg12: memref<2x64xi32, #tpu.memory_space<vmem>>, %arg13: memref<2x64xi32, #tpu.memory_space<vmem>>, %arg14: memref<2x80xi32, #tpu.memory_space<vmem>>, %arg15: memref<!tpu.dma_semaphore, #tpu.memory_space<semaphore_mem>>, %arg16: memref<!tpu.dma_semaphore, #tpu.memory_space<semaphore_mem>>, %arg17: memref<!tpu.dma_semaphore, #tpu.memory_space<semaphore_mem>>, %arg18: memref<10000x128xf32, #tpu.memory_space<vmem_shared>>, %arg19: memref<1256x128xf32, #tpu.memory_space<vmem_shared>>) attributes {dimension_semantics = [#tpu.dimension_semantics<core_parallel>, #tpu.dimension_semantics<subcore_parallel>], iteration_bounds = array<i64: 2, 16>, scalar_prefetch = 0 : i64, scratch_operands = 12 : i64, tpu.core_type = #tpu.core_type<sc_vector_subcore>, window_params = [{transform_indices = #map}, {transform_indices = #map}, {transform_indices = #map1}, {transform_indices = #map1}, {transform_indices = #map2}, {transform_indices = #map2}]} {
    %mul3A = arith.constant 2 : i32
    %mul3A_0 = arith.muli %arg1, %mul3A : i32
    %add3A = arith.addi %mul3A_0, %arg0 : i32
    %broadcast_in_dim3A = arith.constant 0.000000e+00 : f32
    %broadcast_in_dim3A_1 = vector.broadcast %broadcast_in_dim3A : f32 to vector<16xf32>
    %scan3A = arith.constant 0 : i32
    %scan3A_2 = arith.constant 0 : i32
    %scan3A_3 = arith.constant 64 : i32
    %scan3A_4 = arith.addi %scan3A_2, %scan3A_3 : i32
    %scan3A_5 = arith.constant 1 : i32
    %scan3A_6 = scf.for %scan3A_173 = %scan3A_2 to %scan3A_4 step %scan3A_5 iter_args(%scan3A_174 = %scan3A) -> (i32)  : i32 {
      %swap3A = arith.index_cast %scan3A_173 : i32 to index
      %swap3A_175 = arith.constant 0 : index
      %swap3A_176 = tpu.vector_load %arg8[%swap3A, %swap3A_175] {strides = array<i32>} : memref<64x128xf32, #tpu.memory_space<vmem>>, vector<1x16xf32>,
      %swap3A_177 = vector.shape_cast %swap3A_176 : vector<1x16xf32> to vector<16xf32>
      %swap3A_178 = vector.shape_cast %broadcast_in_dim3A_1 : vector<16xf32> to vector<1x16xf32>
      tpu.vector_store %arg8[%swap3A, %swap3A_175], %swap3A_178 {strides = array<i32>} : memref<64x128xf32, #tpu.memory_space<vmem>>, vector<1x16xf32>,
      %swap3A_179 = arith.index_cast %scan3A_173 : i32 to index
      %swap3A_180 = arith.constant 16 : index
      %swap3A_181 = tpu.vector_load %arg8[%swap3A_179, %swap3A_180] {strides = array<i32>} : memref<64x128xf32, #tpu.memory_space<vmem>>, vector<1x16xf32>,
      %swap3A_182 = vector.shape_cast %swap3A_181 : vector<1x16xf32> to vector<16xf32>
      %swap3A_183 = vector.shape_cast %broadcast_in_dim3A_1 : vector<16xf32> to vector<1x16xf32>
      tpu.vector_store %arg8[%swap3A_179, %swap3A_180], %swap3A_183 {strides = array<i32>} : memref<64x128xf32, #tpu.memory_space<vmem>>, vector<1x16xf32>,
      %swap3A_184 = arith.index_cast %scan3A_173 : i32 to index
      %swap3A_185 = arith.constant 32 : index
      %swap3A_186 = tpu.vector_load %arg8[%swap3A_184, %swap3A_185] {strides = array<i32>} : memref<64x128xf32, #tpu.memory_space<vmem>>, vector<1x16xf32>,
      %swap3A_187 = vector.shape_cast %swap3A_186 : vector<1x16xf32> to vector<16xf32>
      %swap3A_188 = vector.shape_cast %broadcast_in_dim3A_1 : vector<16xf32> to vector<1x16xf32>
      tpu.vector_store %arg8[%swap3A_184, %swap3A_185], %swap3A_188 {strides = array<i32>} : memref<64x128xf32, #tpu.memory_space<vmem>>, vector<1x16xf32>,
      %swap3A_189 = arith.index_cast %scan3A_173 : i32 to index
      %swap3A_190 = arith.constant 48 : index
      %swap3A_191 = tpu.vector_load %arg8[%swap3A_189, %swap3A_190] {strides = array<i32>} : memref<64x128xf32, #tpu.memory_space<vmem>>, vector<1x16xf32>,
      %swap3A_192 = vector.shape_cast %swap3A_191 : vector<1x16xf32> to vector<16xf32>
      %swap3A_193 = vector.shape_cast %broadcast_in_dim3A_1 : vector<16xf32> to vector<1x16xf32>
      tpu.vector_store %arg8[%swap3A_189, %swap3A_190], %swap3A_193 {strides = array<i32>} : memref<64x128xf32, #tpu.memory_space<vmem>>, vector<1x16xf32>,
      %swap3A_194 = arith.index_cast %scan3A_173 : i32 to index
      %swap3A_195 = arith.constant 64 : index
      %swap3A_196 = tpu.vector_load %arg8[%swap3A_194, %swap3A_195] {strides = array<i32>} : memref<64x128xf32, #tpu.memory_space<vmem>>, vector<1x16xf32>,
      %swap3A_197 = vector.shape_cast %swap3A_196 : vector<1x16xf32> to vector<16xf32>
      %swap3A_198 = vector.shape_cast %broadcast_in_dim3A_1 : vector<16xf32> to vector<1x16xf32>
      tpu.vector_store %arg8[%swap3A_194, %swap3A_195], %swap3A_198 {strides = array<i32>} : memref<64x128xf32, #tpu.memory_space<vmem>>, vector<1x16xf32>,
      %swap3A_199 = arith.index_cast %scan3A_173 : i32 to index
      %swap3A_200 = arith.constant 80 : index
      %swap3A_201 = tpu.vector_load %arg8[%swap3A_199, %swap3A_200] {strides = array<i32>} : memref<64x128xf32, #tpu.memory_space<vmem>>, vector<1x16xf32>,
      %swap3A_202 = vector.shape_cast %swap3A_201 : vector<1x16xf32> to vector<16xf32>
      %swap3A_203 = vector.shape_cast %broadcast_in_dim3A_1 : vector<16xf32> to vector<1x16xf32>
      tpu.vector_store %arg8[%swap3A_199, %swap3A_200], %swap3A_203 {strides = array<i32>} : memref<64x128xf32, #tpu.memory_space<vmem>>, vector<1x16xf32>,
      %swap3A_204 = arith.index_cast %scan3A_173 : i32 to index
      %swap3A_205 = arith.constant 96 : index
      %swap3A_206 = tpu.vector_load %arg8[%swap3A_204, %swap3A_205] {strides = array<i32>} : memref<64x128xf32, #tpu.memory_space<vmem>>, vector<1x16xf32>,
      %swap3A_207 = vector.shape_cast %swap3A_206 : vector<1x16xf32> to vector<16xf32>
      %swap3A_208 = vector.shape_cast %broadcast_in_dim3A_1 : vector<16xf32> to vector<1x16xf32>
      tpu.vector_store %arg8[%swap3A_204, %swap3A_205], %swap3A_208 {strides = array<i32>} : memref<64x128xf32, #tpu.memory_space<vmem>>, vector<1x16xf32>,
      %swap3A_209 = arith.index_cast %scan3A_173 : i32 to index
      %swap3A_210 = arith.constant 112 : index
      %swap3A_211 = tpu.vector_load %arg8[%swap3A_209, %swap3A_210] {strides = array<i32>} : memref<64x128xf32, #tpu.memory_space<vmem>>, vector<1x16xf32>,
      %swap3A_212 = vector.shape_cast %swap3A_211 : vector<1x16xf32> to vector<16xf32>
      %swap3A_213 = vector.shape_cast %broadcast_in_dim3A_1 : vector<16xf32> to vector<1x16xf32>
      tpu.vector_store %arg8[%swap3A_209, %swap3A_210], %swap3A_213 {strides = array<i32>} : memref<64x128xf32, #tpu.memory_space<vmem>>, vector<1x16xf32>,
      %scan3A_214 = arith.constant 0 : i32
      scf.yield %scan3A_214 : i32
    }
    %scan3A_7 = arith.constant 64 : i32
    %mul3A_8 = arith.constant 624 : i32
    %mul3A_9 = arith.muli %arg1, %mul3A_8 : i32
    %add3A_10 = arith.constant 0 : i32
    %add3A_11 = arith.addi %mul3A_9, %add3A_10 : i32
    "tpu.region"() ({
      %run_scoped3A = tpu.sem_alloc : memref<!tpu.dma_semaphore, #tpu.memory_space<semaphore_mem>>
      %dma_start3A_173 = arith.constant 0 : i32
      %dma_start3A_174 = arith.constant 0 : i32
      %dma_start3A_175 = tpu.memref_slice %arg8[%dma_start3A_173, %dma_start3A_174] : memref<64x128xf32, #tpu.memory_space<vmem>> -> memref<64x128xf32, #tpu.memory_space<vmem>>
      %dma_start3A_176 = arith.constant 0 : i32
      %dma_start3A_177 = tpu.memref_slice %arg18[%add3A_11, %dma_start3A_176] : memref<10000x128xf32, #tpu.memory_space<vmem_shared>> -> memref<64x128xf32, #tpu.memory_space<vmem_shared>>
      %dma_start3A_178 = arith.constant 0 : i32
      %dma_start3A_179 = tpu.memref_slice %arg18[%add3A_11, %dma_start3A_178] : memref<10000x128xf32, #tpu.memory_space<vmem_shared>> -> memref<64x128xf32, #tpu.memory_space<vmem_shared>>
      %dma_start3A_180 = arith.constant 0 : i32
      %dma_start3A_181 = arith.constant 0 : i32
      %dma_start3A_182 = tpu.memref_slice %arg8[%dma_start3A_180, %dma_start3A_181] : memref<64x128xf32, #tpu.memory_space<vmem>> -> memref<64x128xf32, #tpu.memory_space<vmem>>
      tpu.enqueue_dma source(%dma_start3A_182 : memref<64x128xf32, #tpu.memory_space<vmem>>) target(%dma_start3A_179 : memref<64x128xf32, #tpu.memory_space<vmem_shared>>) target_semaphore(%run_scoped3A : memref<!tpu.dma_semaphore, #tpu.memory_space<semaphore_mem>>)
      %dma_wait3A = arith.constant 0 : i32
      %dma_wait3A_183 = arith.constant 0 : i32
      %dma_wait3A_184 = tpu.memref_slice %arg8[%dma_wait3A, %dma_wait3A_183] : memref<64x128xf32, #tpu.memory_space<vmem>> -> memref<64x128xf32, #tpu.memory_space<vmem>>
      %dma_wait3A_185 = arith.constant 0 : i32
      %dma_wait3A_186 = tpu.memref_slice %arg18[%add3A_11, %dma_wait3A_185] : memref<10000x128xf32, #tpu.memory_space<vmem_shared>> -> memref<64x128xf32, #tpu.memory_space<vmem_shared>>
      %dma_wait3A_187 = arith.constant 0 : i32
      %dma_wait3A_188 = tpu.memref_slice %arg18[%add3A_11, %dma_wait3A_187] : memref<10000x128xf32, #tpu.memory_space<vmem_shared>> -> memref<64x128xf32, #tpu.memory_space<vmem_shared>>
      %dma_wait3A_189 = arith.constant 0 : i32
      %dma_wait3A_190 = arith.constant 0 : i32
      %dma_wait3A_191 = tpu.memref_slice %arg8[%dma_wait3A_189, %dma_wait3A_190] : memref<64x128xf32, #tpu.memory_space<vmem>> -> memref<64x128xf32, #tpu.memory_space<vmem>>
      tpu.wait_dma2 semaphore(%run_scoped3A : memref<!tpu.dma_semaphore, #tpu.memory_space<semaphore_mem>>) src(%dma_wait3A_191 : memref<64x128xf32, #tpu.memory_space<vmem>>) dst(%dma_wait3A_188 : memref<64x128xf32, #tpu.memory_space<vmem_shared>>)
      tpu.yield
    }) : () -> ()
    %add3A_12 = arith.constant 64 : i32
    %add3A_13 = arith.addi %mul3A_9, %add3A_12 : i32
    "tpu.region"() ({
      %run_scoped3A = tpu.sem_alloc : memref<!tpu.dma_semaphore, #tpu.memory_space<semaphore_mem>>
      %dma_start3A_173 = arith.constant 0 : i32
      %dma_start3A_174 = arith.constant 0 : i32
      %dma_start3A_175 = tpu.memref_slice %arg8[%dma_start3A_173, %dma_start3A_174] : memref<64x128xf32, #tpu.memory_space<vmem>> -> memref<64x128xf32, #tpu.memory_space<vmem>>
      %dma_start3A_176 = arith.constant 0 : i32
      %dma_start3A_177 = tpu.memref_slice %arg18[%add3A_13, %dma_start3A_176] : memref<10000x128xf32, #tpu.memory_space<vmem_shared>> -> memref<64x128xf32, #tpu.memory_space<vmem_shared>>
      %dma_start3A_178 = arith.constant 0 : i32
      %dma_start3A_179 = tpu.memref_slice %arg18[%add3A_13, %dma_start3A_178] : memref<10000x128xf32, #tpu.memory_space<vmem_shared>> -> memref<64x128xf32, #tpu.memory_space<vmem_shared>>
      %dma_start3A_180 = arith.constant 0 : i32
      %dma_start3A_181 = arith.constant 0 : i32
      %dma_start3A_182 = tpu.memref_slice %arg8[%dma_start3A_180, %dma_start3A_181] : memref<64x128xf32, #tpu.memory_space<vmem>> -> memref<64x128xf32, #tpu.memory_space<vmem>>
      tpu.enqueue_dma source(%dma_start3A_182 : memref<64x128xf32, #tpu.memory_space<vmem>>) target(%dma_start3A_179 : memref<64x128xf32, #tpu.memory_space<vmem_shared>>) target_semaphore(%run_scoped3A : memref<!tpu.dma_semaphore, #tpu.memory_space<semaphore_mem>>)
      %dma_wait3A = arith.constant 0 : i32
      %dma_wait3A_183 = arith.constant 0 : i32
      %dma_wait3A_184 = tpu.memref_slice %arg8[%dma_wait3A, %dma_wait3A_183] : memref<64x128xf32, #tpu.memory_space<vmem>> -> memref<64x128xf32, #tpu.memory_space<vmem>>
      %dma_wait3A_185 = arith.constant 0 : i32
      %dma_wait3A_186 = tpu.memref_slice %arg18[%add3A_13, %dma_wait3A_185] : memref<10000x128xf32, #tpu.memory_space<vmem_shared>> -> memref<64x128xf32, #tpu.memory_space<vmem_shared>>
      %dma_wait3A_187 = arith.constant 0 : i32
      %dma_wait3A_188 = tpu.memref_slice %arg18[%add3A_13, %dma_wait3A_187] : memref<10000x128xf32, #tpu.memory_space<vmem_shared>> -> memref<64x128xf32, #tpu.memory_space<vmem_shared>>
      %dma_wait3A_189 = arith.constant 0 : i32
      %dma_wait3A_190 = arith.constant 0 : i32
      %dma_wait3A_191 = tpu.memref_slice %arg8[%dma_wait3A_189, %dma_wait3A_190] : memref<64x128xf32, #tpu.memory_space<vmem>> -> memref<64x128xf32, #tpu.memory_space<vmem>>
      tpu.wait_dma2 semaphore(%run_scoped3A : memref<!tpu.dma_semaphore, #tpu.memory_space<semaphore_mem>>) src(%dma_wait3A_191 : memref<64x128xf32, #tpu.memory_space<vmem>>) dst(%dma_wait3A_188 : memref<64x128xf32, #tpu.memory_space<vmem_shared>>)
      tpu.yield
    }) : () -> ()
    %add3A_14 = arith.constant 128 : i32
    %add3A_15 = arith.addi %mul3A_9, %add3A_14 : i32
    "tpu.region"() ({
      %run_scoped3A = tpu.sem_alloc : memref<!tpu.dma_semaphore, #tpu.memory_space<semaphore_mem>>
      %dma_start3A_173 = arith.constant 0 : i32
      %dma_start3A_174 = arith.constant 0 : i32
      %dma_start3A_175 = tpu.memref_slice %arg8[%dma_start3A_173, %dma_start3A_174] : memref<64x128xf32, #tpu.memory_space<vmem>> -> memref<64x128xf32, #tpu.memory_space<vmem>>
      %dma_start3A_176 = arith.constant 0 : i32
      %dma_start3A_177 = tpu.memref_slice %arg18[%add3A_15, %dma_start3A_176] : memref<10000x128xf32, #tpu.memory_space<vmem_shared>> -> memref<64x128xf32, #tpu.memory_space<vmem_shared>>
      %dma_start3A_178 = arith.constant 0 : i32
      %dma_start3A_179 = tpu.memref_slice %arg18[%add3A_15, %dma_start3A_178] : memref<10000x128xf32, #tpu.memory_space<vmem_shared>> -> memref<64x128xf32, #tpu.memory_space<vmem_shared>>
      %dma_start3A_180 = arith.constant 0 : i32
      %dma_start3A_181 = arith.constant 0 : i32
      %dma_start3A_182 = tpu.memref_slice %arg8[%dma_start3A_180, %dma_start3A_181] : memref<64x128xf32, #tpu.memory_space<vmem>> -> memref<64x128xf32, #tpu.memory_space<vmem>>
      tpu.enqueue_dma source(%dma_start3A_182 : memref<64x128xf32, #tpu.memory_space<vmem>>) target(%dma_start3A_179 : memref<64x128xf32, #tpu.memory_space<vmem_shared>>) target_semaphore(%run_scoped3A : memref<!tpu.dma_semaphore, #tpu.memory_space<semaphore_mem>>)
      %dma_wait3A = arith.constant 0 : i32
      %dma_wait3A_183 = arith.constant 0 : i32
      %dma_wait3A_184 = tpu.memref_slice %arg8[%dma_wait3A, %dma_wait3A_183] : memref<64x128xf32, #tpu.memory_space<vmem>> -> memref<64x128xf32, #tpu.memory_space<vmem>>
      %dma_wait3A_185 = arith.constant 0 : i32
      %dma_wait3A_186 = tpu.memref_slice %arg18[%add3A_15, %dma_wait3A_185] : memref<10000x128xf32, #tpu.memory_space<vmem_shared>> -> memref<64x128xf32, #tpu.memory_space<vmem_shared>>
      %dma_wait3A_187 = arith.constant 0 : i32
      %dma_wait3A_188 = tpu.memref_slice %arg18[%add3A_15, %dma_wait3A_187] : memref<10000x128xf32, #tpu.memory_space<vmem_shared>> -> memref<64x128xf32, #tpu.memory_space<vmem_shared>>
      %dma_wait3A_189 = arith.constant 0 : i32
      %dma_wait3A_190 = arith.constant 0 : i32
      %dma_wait3A_191 = tpu.memref_slice %arg8[%dma_wait3A_189, %dma_wait3A_190] : memref<64x128xf32, #tpu.memory_space<vmem>> -> memref<64x128xf32, #tpu.memory_space<vmem>>
      tpu.wait_dma2 semaphore(%run_scoped3A : memref<!tpu.dma_semaphore, #tpu.memory_space<semaphore_mem>>) src(%dma_wait3A_191 : memref<64x128xf32, #tpu.memory_space<vmem>>) dst(%dma_wait3A_188 : memref<64x128xf32, #tpu.memory_space<vmem_shared>>)
      tpu.yield
    }) : () -> ()
    %add3A_16 = arith.constant 192 : i32
    %add3A_17 = arith.addi %mul3A_9, %add3A_16 : i32
    "tpu.region"() ({
      %run_scoped3A = tpu.sem_alloc : memref<!tpu.dma_semaphore, #tpu.memory_space<semaphore_mem>>
      %dma_start3A_173 = arith.constant 0 : i32
      %dma_start3A_174 = arith.constant 0 : i32
      %dma_start3A_175 = tpu.memref_slice %arg8[%dma_start3A_173, %dma_start3A_174] : memref<64x128xf32, #tpu.memory_space<vmem>> -> memref<64x128xf32, #tpu.memory_space<vmem>>
      %dma_start3A_176 = arith.constant 0 : i32
      %dma_start3A_177 = tpu.memref_slice %arg18[%add3A_17, %dma_start3A_176] : memref<10000x128xf32, #tpu.memory_space<vmem_shared>> -> memref<64x128xf32, #tpu.memory_space<vmem_shared>>
      %dma_start3A_178 = arith.constant 0 : i32
      %dma_start3A_179 = tpu.memref_slice %arg18[%add3A_17, %dma_start3A_178] : memref<10000x128xf32, #tpu.memory_space<vmem_shared>> -> memref<64x128xf32, #tpu.memory_space<vmem_shared>>
      %dma_start3A_180 = arith.constant 0 : i32
      %dma_start3A_181 = arith.constant 0 : i32
      %dma_start3A_182 = tpu.memref_slice %arg8[%dma_start3A_180, %dma_start3A_181] : memref<64x128xf32, #tpu.memory_space<vmem>> -> memref<64x128xf32, #tpu.memory_space<vmem>>
      tpu.enqueue_dma source(%dma_start3A_182 : memref<64x128xf32, #tpu.memory_space<vmem>>) target(%dma_start3A_179 : memref<64x128xf32, #tpu.memory_space<vmem_shared>>) target_semaphore(%run_scoped3A : memref<!tpu.dma_semaphore, #tpu.memory_space<semaphore_mem>>)
      %dma_wait3A = arith.constant 0 : i32
      %dma_wait3A_183 = arith.constant 0 : i32
      %dma_wait3A_184 = tpu.memref_slice %arg8[%dma_wait3A, %dma_wait3A_183] : memref<64x128xf32, #tpu.memory_space<vmem>> -> memref<64x128xf32, #tpu.memory_space<vmem>>
      %dma_wait3A_185 = arith.constant 0 : i32
      %dma_wait3A_186 = tpu.memref_slice %arg18[%add3A_17, %dma_wait3A_185] : memref<10000x128xf32, #tpu.memory_space<vmem_shared>> -> memref<64x128xf32, #tpu.memory_space<vmem_shared>>
      %dma_wait3A_187 = arith.constant 0 : i32
      %dma_wait3A_188 = tpu.memref_slice %arg18[%add3A_17, %dma_wait3A_187] : memref<10000x128xf32, #tpu.memory_space<vmem_shared>> -> memref<64x128xf32, #tpu.memory_space<vmem_shared>>
      %dma_wait3A_189 = arith.constant 0 : i32
      %dma_wait3A_190 = arith.constant 0 : i32
      %dma_wait3A_191 = tpu.memref_slice %arg8[%dma_wait3A_189, %dma_wait3A_190] : memref<64x128xf32, #tpu.memory_space<vmem>> -> memref<64x128xf32, #tpu.memory_space<vmem>>
      tpu.wait_dma2 semaphore(%run_scoped3A : memref<!tpu.dma_semaphore, #tpu.memory_space<semaphore_mem>>) src(%dma_wait3A_191 : memref<64x128xf32, #tpu.memory_space<vmem>>) dst(%dma_wait3A_188 : memref<64x128xf32, #tpu.memory_space<vmem_shared>>)
      tpu.yield
    }) : () -> ()
    %add3A_18 = arith.constant 256 : i32
    %add3A_19 = arith.addi %mul3A_9, %add3A_18 : i32
    "tpu.region"() ({
      %run_scoped3A = tpu.sem_alloc : memref<!tpu.dma_semaphore, #tpu.memory_space<semaphore_mem>>
      %dma_start3A_173 = arith.constant 0 : i32
      %dma_start3A_174 = arith.constant 0 : i32
      %dma_start3A_175 = tpu.memref_slice %arg8[%dma_start3A_173, %dma_start3A_174] : memref<64x128xf32, #tpu.memory_space<vmem>> -> memref<64x128xf32, #tpu.memory_space<vmem>>
      %dma_start3A_176 = arith.constant 0 : i32
      %dma_start3A_177 = tpu.memref_slice %arg18[%add3A_19, %dma_start3A_176] : memref<10000x128xf32, #tpu.memory_space<vmem_shared>> -> memref<64x128xf32, #tpu.memory_space<vmem_shared>>
      %dma_start3A_178 = arith.constant 0 : i32
      %dma_start3A_179 = tpu.memref_slice %arg18[%add3A_19, %dma_start3A_178] : memref<10000x128xf32, #tpu.memory_space<vmem_shared>> -> memref<64x128xf32, #tpu.memory_space<vmem_shared>>
      %dma_start3A_180 = arith.constant 0 : i32
      %dma_start3A_181 = arith.constant 0 : i32
      %dma_start3A_182 = tpu.memref_slice %arg8[%dma_start3A_180, %dma_start3A_181] : memref<64x128xf32, #tpu.memory_space<vmem>> -> memref<64x128xf32, #tpu.memory_space<vmem>>
      tpu.enqueue_dma source(%dma_start3A_182 : memref<64x128xf32, #tpu.memory_space<vmem>>) target(%dma_start3A_179 : memref<64x128xf32, #tpu.memory_space<vmem_shared>>) target_semaphore(%run_scoped3A : memref<!tpu.dma_semaphore, #tpu.memory_space<semaphore_mem>>)
      %dma_wait3A = arith.constant 0 : i32
      %dma_wait3A_183 = arith.constant 0 : i32
      %dma_wait3A_184 = tpu.memref_slice %arg8[%dma_wait3A, %dma_wait3A_183] : memref<64x128xf32, #tpu.memory_space<vmem>> -> memref<64x128xf32, #tpu.memory_space<vmem>>
      %dma_wait3A_185 = arith.constant 0 : i32
      %dma_wait3A_186 = tpu.memref_slice %arg18[%add3A_19, %dma_wait3A_185] : memref<10000x128xf32, #tpu.memory_space<vmem_shared>> -> memref<64x128xf32, #tpu.memory_space<vmem_shared>>
      %dma_wait3A_187 = arith.constant 0 : i32
      %dma_wait3A_188 = tpu.memref_slice %arg18[%add3A_19, %dma_wait3A_187] : memref<10000x128xf32, #tpu.memory_space<vmem_shared>> -> memref<64x128xf32, #tpu.memory_space<vmem_shared>>
      %dma_wait3A_189 = arith.constant 0 : i32
      %dma_wait3A_190 = arith.constant 0 : i32
      %dma_wait3A_191 = tpu.memref_slice %arg8[%dma_wait3A_189, %dma_wait3A_190] : memref<64x128xf32, #tpu.memory_space<vmem>> -> memref<64x128xf32, #tpu.memory_space<vmem>>
      tpu.wait_dma2 semaphore(%run_scoped3A : memref<!tpu.dma_semaphore, #tpu.memory_space<semaphore_mem>>) src(%dma_wait3A_191 : memref<64x128xf32, #tpu.memory_space<vmem>>) dst(%dma_wait3A_188 : memref<64x128xf32, #tpu.memory_space<vmem_shared>>)
      tpu.yield
    }) : () -> ()
    %add3A_20 = arith.constant 320 : i32
    %add3A_21 = arith.addi %mul3A_9, %add3A_20 : i32
    "tpu.region"() ({
      %run_scoped3A = tpu.sem_alloc : memref<!tpu.dma_semaphore, #tpu.memory_space<semaphore_mem>>
      %dma_start3A_173 = arith.constant 0 : i32
      %dma_start3A_174 = arith.constant 0 : i32
      %dma_start3A_175 = tpu.memref_slice %arg8[%dma_start3A_173, %dma_start3A_174] : memref<64x128xf32, #tpu.memory_space<vmem>> -> memref<64x128xf32, #tpu.memory_space<vmem>>
      %dma_start3A_176 = arith.constant 0 : i32
      %dma_start3A_177 = tpu.memref_slice %arg18[%add3A_21, %dma_start3A_176] : memref<10000x128xf32, #tpu.memory_space<vmem_shared>> -> memref<64x128xf32, #tpu.memory_space<vmem_shared>>
      %dma_start3A_178 = arith.constant 0 : i32
      %dma_start3A_179 = tpu.memref_slice %arg18[%add3A_21, %dma_start3A_178] : memref<10000x128xf32, #tpu.memory_space<vmem_shared>> -> memref<64x128xf32, #tpu.memory_space<vmem_shared>>
      %dma_start3A_180 = arith.constant 0 : i32
      %dma_start3A_181 = arith.constant 0 : i32
      %dma_start3A_182 = tpu.memref_slice %arg8[%dma_start3A_180, %dma_start3A_181] : memref<64x128xf32, #tpu.memory_space<vmem>> -> memref<64x128xf32, #tpu.memory_space<vmem>>
      tpu.enqueue_dma source(%dma_start3A_182 : memref<64x128xf32, #tpu.memory_space<vmem>>) target(%dma_start3A_179 : memref<64x128xf32, #tpu.memory_space<vmem_shared>>) target_semaphore(%run_scoped3A : memref<!tpu.dma_semaphore, #tpu.memory_space<semaphore_mem>>)
      %dma_wait3A = arith.constant 0 : i32
      %dma_wait3A_183 = arith.constant 0 : i32
      %dma_wait3A_184 = tpu.memref_slice %arg8[%dma_wait3A, %dma_wait3A_183] : memref<64x128xf32, #tpu.memory_space<vmem>> -> memref<64x128xf32, #tpu.memory_space<vmem>>
      %dma_wait3A_185 = arith.constant 0 : i32
      %dma_wait3A_186 = tpu.memref_slice %arg18[%add3A_21, %dma_wait3A_185] : memref<10000x128xf32, #tpu.memory_space<vmem_shared>> -> memref<64x128xf32, #tpu.memory_space<vmem_shared>>
      %dma_wait3A_187 = arith.constant 0 : i32
      %dma_wait3A_188 = tpu.memref_slice %arg18[%add3A_21, %dma_wait3A_187] : memref<10000x128xf32, #tpu.memory_space<vmem_shared>> -> memref<64x128xf32, #tpu.memory_space<vmem_shared>>
      %dma_wait3A_189 = arith.constant 0 : i32
      %dma_wait3A_190 = arith.constant 0 : i32
      %dma_wait3A_191 = tpu.memref_slice %arg8[%dma_wait3A_189, %dma_wait3A_190] : memref<64x128xf32, #tpu.memory_space<vmem>> -> memref<64x128xf32, #tpu.memory_space<vmem>>
      tpu.wait_dma2 semaphore(%run_scoped3A : memref<!tpu.dma_semaphore, #tpu.memory_space<semaphore_mem>>) src(%dma_wait3A_191 : memref<64x128xf32, #tpu.memory_space<vmem>>) dst(%dma_wait3A_188 : memref<64x128xf32, #tpu.memory_space<vmem_shared>>)
      tpu.yield
    }) : () -> ()
    %add3A_22 = arith.constant 384 : i32
    %add3A_23 = arith.addi %mul3A_9, %add3A_22 : i32
    "tpu.region"() ({
      %run_scoped3A = tpu.sem_alloc : memref<!tpu.dma_semaphore, #tpu.memory_space<semaphore_mem>>
      %dma_start3A_173 = arith.constant 0 : i32
      %dma_start3A_174 = arith.constant 0 : i32
      %dma_start3A_175 = tpu.memref_slice %arg8[%dma_start3A_173, %dma_start3A_174] : memref<64x128xf32, #tpu.memory_space<vmem>> -> memref<64x128xf32, #tpu.memory_space<vmem>>
      %dma_start3A_176 = arith.constant 0 : i32
      %dma_start3A_177 = tpu.memref_slice %arg18[%add3A_23, %dma_start3A_176] : memref<10000x128xf32, #tpu.memory_space<vmem_shared>> -> memref<64x128xf32, #tpu.memory_space<vmem_shared>>
      %dma_start3A_178 = arith.constant 0 : i32
      %dma_start3A_179 = tpu.memref_slice %arg18[%add3A_23, %dma_start3A_178] : memref<10000x128xf32, #tpu.memory_space<vmem_shared>> -> memref<64x128xf32, #tpu.memory_space<vmem_shared>>
      %dma_start3A_180 = arith.constant 0 : i32
      %dma_start3A_181 = arith.constant 0 : i32
      %dma_start3A_182 = tpu.memref_slice %arg8[%dma_start3A_180, %dma_start3A_181] : memref<64x128xf32, #tpu.memory_space<vmem>> -> memref<64x128xf32, #tpu.memory_space<vmem>>
      tpu.enqueue_dma source(%dma_start3A_182 : memref<64x128xf32, #tpu.memory_space<vmem>>) target(%dma_start3A_179 : memref<64x128xf32, #tpu.memory_space<vmem_shared>>) target_semaphore(%run_scoped3A : memref<!tpu.dma_semaphore, #tpu.memory_space<semaphore_mem>>)
      %dma_wait3A = arith.constant 0 : i32
      %dma_wait3A_183 = arith.constant 0 : i32
      %dma_wait3A_184 = tpu.memref_slice %arg8[%dma_wait3A, %dma_wait3A_183] : memref<64x128xf32, #tpu.memory_space<vmem>> -> memref<64x128xf32, #tpu.memory_space<vmem>>
      %dma_wait3A_185 = arith.constant 0 : i32
      %dma_wait3A_186 = tpu.memref_slice %arg18[%add3A_23, %dma_wait3A_185] : memref<10000x128xf32, #tpu.memory_space<vmem_shared>> -> memref<64x128xf32, #tpu.memory_space<vmem_shared>>
      %dma_wait3A_187 = arith.constant 0 : i32
      %dma_wait3A_188 = tpu.memref_slice %arg18[%add3A_23, %dma_wait3A_187] : memref<10000x128xf32, #tpu.memory_space<vmem_shared>> -> memref<64x128xf32, #tpu.memory_space<vmem_shared>>
      %dma_wait3A_189 = arith.constant 0 : i32
      %dma_wait3A_190 = arith.constant 0 : i32
      %dma_wait3A_191 = tpu.memref_slice %arg8[%dma_wait3A_189, %dma_wait3A_190] : memref<64x128xf32, #tpu.memory_space<vmem>> -> memref<64x128xf32, #tpu.memory_space<vmem>>
      tpu.wait_dma2 semaphore(%run_scoped3A : memref<!tpu.dma_semaphore, #tpu.memory_space<semaphore_mem>>) src(%dma_wait3A_191 : memref<64x128xf32, #tpu.memory_space<vmem>>) dst(%dma_wait3A_188 : memref<64x128xf32, #tpu.memory_space<vmem_shared>>)
      tpu.yield
    }) : () -> ()
    %add3A_24 = arith.constant 448 : i32
    %add3A_25 = arith.addi %mul3A_9, %add3A_24 : i32
    "tpu.region"() ({
      %run_scoped3A = tpu.sem_alloc : memref<!tpu.dma_semaphore, #tpu.memory_space<semaphore_mem>>
      %dma_start3A_173 = arith.constant 0 : i32
      %dma_start3A_174 = arith.constant 0 : i32
      %dma_start3A_175 = tpu.memref_slice %arg8[%dma_start3A_173, %dma_start3A_174] : memref<64x128xf32, #tpu.memory_space<vmem>> -> memref<64x128xf32, #tpu.memory_space<vmem>>
      %dma_start3A_176 = arith.constant 0 : i32
      %dma_start3A_177 = tpu.memref_slice %arg18[%add3A_25, %dma_start3A_176] : memref<10000x128xf32, #tpu.memory_space<vmem_shared>> -> memref<64x128xf32, #tpu.memory_space<vmem_shared>>
      %dma_start3A_178 = arith.constant 0 : i32
      %dma_start3A_179 = tpu.memref_slice %arg18[%add3A_25, %dma_start3A_178] : memref<10000x128xf32, #tpu.memory_space<vmem_shared>> -> memref<64x128xf32, #tpu.memory_space<vmem_shared>>
      %dma_start3A_180 = arith.constant 0 : i32
      %dma_start3A_181 = arith.constant 0 : i32
      %dma_start3A_182 = tpu.memref_slice %arg8[%dma_start3A_180, %dma_start3A_181] : memref<64x128xf32, #tpu.memory_space<vmem>> -> memref<64x128xf32, #tpu.memory_space<vmem>>
      tpu.enqueue_dma source(%dma_start3A_182 : memref<64x128xf32, #tpu.memory_space<vmem>>) target(%dma_start3A_179 : memref<64x128xf32, #tpu.memory_space<vmem_shared>>) target_semaphore(%run_scoped3A : memref<!tpu.dma_semaphore, #tpu.memory_space<semaphore_mem>>)
      %dma_wait3A = arith.constant 0 : i32
      %dma_wait3A_183 = arith.constant 0 : i32
      %dma_wait3A_184 = tpu.memref_slice %arg8[%dma_wait3A, %dma_wait3A_183] : memref<64x128xf32, #tpu.memory_space<vmem>> -> memref<64x128xf32, #tpu.memory_space<vmem>>
      %dma_wait3A_185 = arith.constant 0 : i32
      %dma_wait3A_186 = tpu.memref_slice %arg18[%add3A_25, %dma_wait3A_185] : memref<10000x128xf32, #tpu.memory_space<vmem_shared>> -> memref<64x128xf32, #tpu.memory_space<vmem_shared>>
      %dma_wait3A_187 = arith.constant 0 : i32
      %dma_wait3A_188 = tpu.memref_slice %arg18[%add3A_25, %dma_wait3A_187] : memref<10000x128xf32, #tpu.memory_space<vmem_shared>> -> memref<64x128xf32, #tpu.memory_space<vmem_shared>>
      %dma_wait3A_189 = arith.constant 0 : i32
      %dma_wait3A_190 = arith.constant 0 : i32
      %dma_wait3A_191 = tpu.memref_slice %arg8[%dma_wait3A_189, %dma_wait3A_190] : memref<64x128xf32, #tpu.memory_space<vmem>> -> memref<64x128xf32, #tpu.memory_space<vmem>>
      tpu.wait_dma2 semaphore(%run_scoped3A : memref<!tpu.dma_semaphore, #tpu.memory_space<semaphore_mem>>) src(%dma_wait3A_191 : memref<64x128xf32, #tpu.memory_space<vmem>>) dst(%dma_wait3A_188 : memref<64x128xf32, #tpu.memory_space<vmem_shared>>)
      tpu.yield
    }) : () -> ()
    %add3A_26 = arith.constant 512 : i32
    %add3A_27 = arith.addi %mul3A_9, %add3A_26 : i32
    "tpu.region"() ({
      %run_scoped3A = tpu.sem_alloc : memref<!tpu.dma_semaphore, #tpu.memory_space<semaphore_mem>>
      %dma_start3A_173 = arith.constant 0 : i32
      %dma_start3A_174 = arith.constant 0 : i32
      %dma_start3A_175 = tpu.memref_slice %arg8[%dma_start3A_173, %dma_start3A_174] : memref<64x128xf32, #tpu.memory_space<vmem>> -> memref<64x128xf32, #tpu.memory_space<vmem>>
      %dma_start3A_176 = arith.constant 0 : i32
      %dma_start3A_177 = tpu.memref_slice %arg18[%add3A_27, %dma_start3A_176] : memref<10000x128xf32, #tpu.memory_space<vmem_shared>> -> memref<64x128xf32, #tpu.memory_space<vmem_shared>>
      %dma_start3A_178 = arith.constant 0 : i32
      %dma_start3A_179 = tpu.memref_slice %arg18[%add3A_27, %dma_start3A_178] : memref<10000x128xf32, #tpu.memory_space<vmem_shared>> -> memref<64x128xf32, #tpu.memory_space<vmem_shared>>
      %dma_start3A_180 = arith.constant 0 : i32
      %dma_start3A_181 = arith.constant 0 : i32
      %dma_start3A_182 = tpu.memref_slice %arg8[%dma_start3A_180, %dma_start3A_181] : memref<64x128xf32, #tpu.memory_space<vmem>> -> memref<64x128xf32, #tpu.memory_space<vmem>>
      tpu.enqueue_dma source(%dma_start3A_182 : memref<64x128xf32, #tpu.memory_space<vmem>>) target(%dma_start3A_179 : memref<64x128xf32, #tpu.memory_space<vmem_shared>>) target_semaphore(%run_scoped3A : memref<!tpu.dma_semaphore, #tpu.memory_space<semaphore_mem>>)
      %dma_wait3A = arith.constant 0 : i32
      %dma_wait3A_183 = arith.constant 0 : i32
      %dma_wait3A_184 = tpu.memref_slice %arg8[%dma_wait3A, %dma_wait3A_183] : memref<64x128xf32, #tpu.memory_space<vmem>> -> memref<64x128xf32, #tpu.memory_space<vmem>>
      %dma_wait3A_185 = arith.constant 0 : i32
      %dma_wait3A_186 = tpu.memref_slice %arg18[%add3A_27, %dma_wait3A_185] : memref<10000x128xf32, #tpu.memory_space<vmem_shared>> -> memref<64x128xf32, #tpu.memory_space<vmem_shared>>
      %dma_wait3A_187 = arith.constant 0 : i32
      %dma_wait3A_188 = tpu.memref_slice %arg18[%add3A_27, %dma_wait3A_187] : memref<10000x128xf32, #tpu.memory_space<vmem_shared>> -> memref<64x128xf32, #tpu.memory_space<vmem_shared>>
      %dma_wait3A_189 = arith.constant 0 : i32
      %dma_wait3A_190 = arith.constant 0 : i32
      %dma_wait3A_191 = tpu.memref_slice %arg8[%dma_wait3A_189, %dma_wait3A_190] : memref<64x128xf32, #tpu.memory_space<vmem>> -> memref<64x128xf32, #tpu.memory_space<vmem>>
      tpu.wait_dma2 semaphore(%run_scoped3A : memref<!tpu.dma_semaphore, #tpu.memory_space<semaphore_mem>>) src(%dma_wait3A_191 : memref<64x128xf32, #tpu.memory_space<vmem>>) dst(%dma_wait3A_188 : memref<64x128xf32, #tpu.memory_space<vmem_shared>>)
      tpu.yield
    }) : () -> ()
    %add3A_28 = arith.constant 576 : i32
    %add3A_29 = arith.addi %mul3A_9, %add3A_28 : i32
    "tpu.region"() ({
      %run_scoped3A = tpu.sem_alloc : memref<!tpu.dma_semaphore, #tpu.memory_space<semaphore_mem>>
      %dma_start3A_173 = arith.constant 0 : i32
      %dma_start3A_174 = arith.constant 0 : i32
      %dma_start3A_175 = tpu.memref_slice %arg8[%dma_start3A_173, %dma_start3A_174] : memref<64x128xf32, #tpu.memory_space<vmem>> -> memref<48x128xf32, #tpu.memory_space<vmem>>
      %dma_start3A_176 = arith.constant 0 : i32
      %dma_start3A_177 = tpu.memref_slice %arg18[%add3A_29, %dma_start3A_176] : memref<10000x128xf32, #tpu.memory_space<vmem_shared>> -> memref<48x128xf32, #tpu.memory_space<vmem_shared>>
      %dma_start3A_178 = arith.constant 0 : i32
      %dma_start3A_179 = tpu.memref_slice %arg18[%add3A_29, %dma_start3A_178] : memref<10000x128xf32, #tpu.memory_space<vmem_shared>> -> memref<48x128xf32, #tpu.memory_space<vmem_shared>>
      %dma_start3A_180 = arith.constant 0 : i32
      %dma_start3A_181 = arith.constant 0 : i32
      %dma_start3A_182 = tpu.memref_slice %arg8[%dma_start3A_180, %dma_start3A_181] : memref<64x128xf32, #tpu.memory_space<vmem>> -> memref<48x128xf32, #tpu.memory_space<vmem>>
      tpu.enqueue_dma source(%dma_start3A_182 : memref<48x128xf32, #tpu.memory_space<vmem>>) target(%dma_start3A_179 : memref<48x128xf32, #tpu.memory_space<vmem_shared>>) target_semaphore(%run_scoped3A : memref<!tpu.dma_semaphore, #tpu.memory_space<semaphore_mem>>)
      %dma_wait3A = arith.constant 0 : i32
      %dma_wait3A_183 = arith.constant 0 : i32
      %dma_wait3A_184 = tpu.memref_slice %arg8[%dma_wait3A, %dma_wait3A_183] : memref<64x128xf32, #tpu.memory_space<vmem>> -> memref<48x128xf32, #tpu.memory_space<vmem>>
      %dma_wait3A_185 = arith.constant 0 : i32
      %dma_wait3A_186 = tpu.memref_slice %arg18[%add3A_29, %dma_wait3A_185] : memref<10000x128xf32, #tpu.memory_space<vmem_shared>> -> memref<48x128xf32, #tpu.memory_space<vmem_shared>>
      %dma_wait3A_187 = arith.constant 0 : i32
      %dma_wait3A_188 = tpu.memref_slice %arg18[%add3A_29, %dma_wait3A_187] : memref<10000x128xf32, #tpu.memory_space<vmem_shared>> -> memref<48x128xf32, #tpu.memory_space<vmem_shared>>
      %dma_wait3A_189 = arith.constant 0 : i32
      %dma_wait3A_190 = arith.constant 0 : i32
      %dma_wait3A_191 = tpu.memref_slice %arg8[%dma_wait3A_189, %dma_wait3A_190] : memref<64x128xf32, #tpu.memory_space<vmem>> -> memref<48x128xf32, #tpu.memory_space<vmem>>
      tpu.wait_dma2 semaphore(%run_scoped3A : memref<!tpu.dma_semaphore, #tpu.memory_space<semaphore_mem>>) src(%dma_wait3A_191 : memref<48x128xf32, #tpu.memory_space<vmem>>) dst(%dma_wait3A_188 : memref<48x128xf32, #tpu.memory_space<vmem_shared>>)
      tpu.yield
    }) : () -> ()
    %eq3A = arith.constant 0 : i32
    %eq3A_30 = arith.cmpi eq, %arg1, %eq3A : i32
    %convert_element_type3A = arith.extui %eq3A_30 : i1 to i32
    %cond3A = arith.constant 0 : i32
    %cond3A_31 = arith.cmpi ne, %convert_element_type3A, %cond3A : i32
    scf.if %cond3A_31 {
      "tpu.region"() ({
        %run_scoped3A = tpu.sem_alloc : memref<!tpu.dma_semaphore, #tpu.memory_space<semaphore_mem>>
        %dma_start3A_173 = arith.constant 0 : i32
        %dma_start3A_174 = arith.constant 0 : i32
        %dma_start3A_175 = tpu.memref_slice %arg8[%dma_start3A_173, %dma_start3A_174] : memref<64x128xf32, #tpu.memory_space<vmem>> -> memref<16x128xf32, #tpu.memory_space<vmem>>
        %dma_start3A_176 = arith.constant 9984 : i32
        %dma_start3A_177 = arith.constant 0 : i32
        %dma_start3A_178 = tpu.memref_slice %arg18[%dma_start3A_176, %dma_start3A_177] : memref<10000x128xf32, #tpu.memory_space<vmem_shared>> -> memref<16x128xf32, #tpu.memory_space<vmem_shared>>
        %dma_start3A_179 = arith.constant 9984 : i32
        %dma_start3A_180 = arith.constant 0 : i32
        %dma_start3A_181 = tpu.memref_slice %arg18[%dma_start3A_179, %dma_start3A_180] : memref<10000x128xf32, #tpu.memory_space<vmem_shared>> -> memref<16x128xf32, #tpu.memory_space<vmem_shared>>
        %dma_start3A_182 = arith.constant 0 : i32
        %dma_start3A_183 = arith.constant 0 : i32
        %dma_start3A_184 = tpu.memref_slice %arg8[%dma_start3A_182, %dma_start3A_183] : memref<64x128xf32, #tpu.memory_space<vmem>> -> memref<16x128xf32, #tpu.memory_space<vmem>>
        tpu.enqueue_dma source(%dma_start3A_184 : memref<16x128xf32, #tpu.memory_space<vmem>>) target(%dma_start3A_181 : memref<16x128xf32, #tpu.memory_space<vmem_shared>>) target_semaphore(%run_scoped3A : memref<!tpu.dma_semaphore, #tpu.memory_space<semaphore_mem>>)
        %dma_wait3A = arith.constant 0 : i32
        %dma_wait3A_185 = arith.constant 0 : i32
        %dma_wait3A_186 = tpu.memref_slice %arg8[%dma_wait3A, %dma_wait3A_185] : memref<64x128xf32, #tpu.memory_space<vmem>> -> memref<16x128xf32, #tpu.memory_space<vmem>>
        %dma_wait3A_187 = arith.constant 9984 : i32
        %dma_wait3A_188 = arith.constant 0 : i32
        %dma_wait3A_189 = tpu.memref_slice %arg18[%dma_wait3A_187, %dma_wait3A_188] : memref<10000x128xf32, #tpu.memory_space<vmem_shared>> -> memref<16x128xf32, #tpu.memory_space<vmem_shared>>
        %dma_wait3A_190 = arith.constant 9984 : i32
        %dma_wait3A_191 = arith.constant 0 : i32
        %dma_wait3A_192 = tpu.memref_slice %arg18[%dma_wait3A_190, %dma_wait3A_191] : memref<10000x128xf32, #tpu.memory_space<vmem_shared>> -> memref<16x128xf32, #tpu.memory_space<vmem_shared>>
        %dma_wait3A_193 = arith.constant 0 : i32
        %dma_wait3A_194 = arith.constant 0 : i32
        %dma_wait3A_195 = tpu.memref_slice %arg8[%dma_wait3A_193, %dma_wait3A_194] : memref<64x128xf32, #tpu.memory_space<vmem>> -> memref<16x128xf32, #tpu.memory_space<vmem>>
        tpu.wait_dma2 semaphore(%run_scoped3A : memref<!tpu.dma_semaphore, #tpu.memory_space<semaphore_mem>>) src(%dma_wait3A_195 : memref<16x128xf32, #tpu.memory_space<vmem>>) dst(%dma_wait3A_192 : memref<16x128xf32, #tpu.memory_space<vmem_shared>>)
        tpu.yield
      }) : () -> ()
    } else {
    }
    %mul3A_32 = arith.constant 80 : i32
    %mul3A_33 = arith.muli %arg1, %mul3A_32 : i32
    %lt3A = arith.constant 15 : i32
    %lt3A_34 = arith.cmpi slt, %arg1, %lt3A : i32
    %convert_element_type3A_35 = arith.extui %lt3A_34 : i1 to i32
    %cond3A_36 = arith.constant 0 : i32
    %cond3A_37 = arith.cmpi ne, %convert_element_type3A_35, %cond3A_36 : i32
    scf.if %cond3A_37 {
      "tpu.region"() ({
        %run_scoped3A = tpu.sem_alloc : memref<!tpu.dma_semaphore, #tpu.memory_space<semaphore_mem>>
        %dma_start3A_175 = arith.constant 0 : i32
        %dma_start3A_176 = arith.constant 0 : i32
        %dma_start3A_177 = tpu.memref_slice %arg8[%dma_start3A_175, %dma_start3A_176] : memref<64x128xf32, #tpu.memory_space<vmem>> -> memref<64x128xf32, #tpu.memory_space<vmem>>
        %dma_start3A_178 = arith.constant 0 : i32
        %dma_start3A_179 = tpu.memref_slice %arg19[%mul3A_33, %dma_start3A_178] : memref<1256x128xf32, #tpu.memory_space<vmem_shared>> -> memref<64x128xf32, #tpu.memory_space<vmem_shared>>
        %dma_start3A_180 = arith.constant 0 : i32
        %dma_start3A_181 = tpu.memref_slice %arg19[%mul3A_33, %dma_start3A_180] : memref<1256x128xf32, #tpu.memory_space<vmem_shared>> -> memref<64x128xf32, #tpu.memory_space<vmem_shared>>
        %dma_start3A_182 = arith.constant 0 : i32
        %dma_start3A_183 = arith.constant 0 : i32
        %dma_start3A_184 = tpu.memref_slice %arg8[%dma_start3A_182, %dma_start3A_183] : memref<64x128xf32, #tpu.memory_space<vmem>> -> memref<64x128xf32, #tpu.memory_space<vmem>>
        tpu.enqueue_dma source(%dma_start3A_184 : memref<64x128xf32, #tpu.memory_space<vmem>>) target(%dma_start3A_181 : memref<64x128xf32, #tpu.memory_space<vmem_shared>>) target_semaphore(%run_scoped3A : memref<!tpu.dma_semaphore, #tpu.memory_space<semaphore_mem>>)
        %dma_wait3A = arith.constant 0 : i32
        %dma_wait3A_185 = arith.constant 0 : i32
        %dma_wait3A_186 = tpu.memref_slice %arg8[%dma_wait3A, %dma_wait3A_185] : memref<64x128xf32, #tpu.memory_space<vmem>> -> memref<64x128xf32, #tpu.memory_space<vmem>>
        %dma_wait3A_187 = arith.constant 0 : i32
        %dma_wait3A_188 = tpu.memref_slice %arg19[%mul3A_33, %dma_wait3A_187] : memref<1256x128xf32, #tpu.memory_space<vmem_shared>> -> memref<64x128xf32, #tpu.memory_space<vmem_shared>>
        %dma_wait3A_189 = arith.constant 0 : i32
        %dma_wait3A_190 = tpu.memref_slice %arg19[%mul3A_33, %dma_wait3A_189] : memref<1256x128xf32, #tpu.memory_space<vmem_shared>> -> memref<64x128xf32, #tpu.memory_space<vmem_shared>>
        %dma_wait3A_191 = arith.constant 0 : i32
        %dma_wait3A_192 = arith.constant 0 : i32
        %dma_wait3A_193 = tpu.memref_slice %arg8[%dma_wait3A_191, %dma_wait3A_192] : memref<64x128xf32, #tpu.memory_space<vmem>> -> memref<64x128xf32, #tpu.memory_space<vmem>>
        tpu.wait_dma2 semaphore(%run_scoped3A : memref<!tpu.dma_semaphore, #tpu.memory_space<semaphore_mem>>) src(%dma_wait3A_193 : memref<64x128xf32, #tpu.memory_space<vmem>>) dst(%dma_wait3A_190 : memref<64x128xf32, #tpu.memory_space<vmem_shared>>)
        tpu.yield
      }) : () -> ()
      %add3A_173 = arith.constant 64 : i32
      %add3A_174 = arith.addi %mul3A_33, %add3A_173 : i32
      "tpu.region"() ({
        %run_scoped3A = tpu.sem_alloc : memref<!tpu.dma_semaphore, #tpu.memory_space<semaphore_mem>>
        %dma_start3A_175 = arith.constant 0 : i32
        %dma_start3A_176 = arith.constant 0 : i32
        %dma_start3A_177 = tpu.memref_slice %arg8[%dma_start3A_175, %dma_start3A_176] : memref<64x128xf32, #tpu.memory_space<vmem>> -> memref<16x128xf32, #tpu.memory_space<vmem>>
        %dma_start3A_178 = arith.constant 0 : i32
        %dma_start3A_179 = tpu.memref_slice %arg19[%add3A_174, %dma_start3A_178] : memref<1256x128xf32, #tpu.memory_space<vmem_shared>> -> memref<16x128xf32, #tpu.memory_space<vmem_shared>>
        %dma_start3A_180 = arith.constant 0 : i32
        %dma_start3A_181 = tpu.memref_slice %arg19[%add3A_174, %dma_start3A_180] : memref<1256x128xf32, #tpu.memory_space<vmem_shared>> -> memref<16x128xf32, #tpu.memory_space<vmem_shared>>
        %dma_start3A_182 = arith.constant 0 : i32
        %dma_start3A_183 = arith.constant 0 : i32
        %dma_start3A_184 = tpu.memref_slice %arg8[%dma_start3A_182, %dma_start3A_183] : memref<64x128xf32, #tpu.memory_space<vmem>> -> memref<16x128xf32, #tpu.memory_space<vmem>>
        tpu.enqueue_dma source(%dma_start3A_184 : memref<16x128xf32, #tpu.memory_space<vmem>>) target(%dma_start3A_181 : memref<16x128xf32, #tpu.memory_space<vmem_shared>>) target_semaphore(%run_scoped3A : memref<!tpu.dma_semaphore, #tpu.memory_space<semaphore_mem>>)
        %dma_wait3A = arith.constant 0 : i32
        %dma_wait3A_185 = arith.constant 0 : i32
        %dma_wait3A_186 = tpu.memref_slice %arg8[%dma_wait3A, %dma_wait3A_185] : memref<64x128xf32, #tpu.memory_space<vmem>> -> memref<16x128xf32, #tpu.memory_space<vmem>>
        %dma_wait3A_187 = arith.constant 0 : i32
        %dma_wait3A_188 = tpu.memref_slice %arg19[%add3A_174, %dma_wait3A_187] : memref<1256x128xf32, #tpu.memory_space<vmem_shared>> -> memref<16x128xf32, #tpu.memory_space<vmem_shared>>
        %dma_wait3A_189 = arith.constant 0 : i32
        %dma_wait3A_190 = tpu.memref_slice %arg19[%add3A_174, %dma_wait3A_189] : memref<1256x128xf32, #tpu.memory_space<vmem_shared>> -> memref<16x128xf32, #tpu.memory_space<vmem_shared>>
        %dma_wait3A_191 = arith.constant 0 : i32
        %dma_wait3A_192 = arith.constant 0 : i32
        %dma_wait3A_193 = tpu.memref_slice %arg8[%dma_wait3A_191, %dma_wait3A_192] : memref<64x128xf32, #tpu.memory_space<vmem>> -> memref<16x128xf32, #tpu.memory_space<vmem>>
        tpu.wait_dma2 semaphore(%run_scoped3A : memref<!tpu.dma_semaphore, #tpu.memory_space<semaphore_mem>>) src(%dma_wait3A_193 : memref<16x128xf32, #tpu.memory_space<vmem>>) dst(%dma_wait3A_190 : memref<16x128xf32, #tpu.memory_space<vmem_shared>>)
        tpu.yield
      }) : () -> ()
    } else {
    }
    %eq3A_38 = arith.constant 15 : i32
    %eq3A_39 = arith.cmpi eq, %arg1, %eq3A_38 : i32
    %convert_element_type3A_40 = arith.extui %eq3A_39 : i1 to i32
    %cond3A_41 = arith.constant 0 : i32
    %cond3A_42 = arith.cmpi ne, %convert_element_type3A_40, %cond3A_41 : i32
    scf.if %cond3A_42 {
      "tpu.region"() ({
        %run_scoped3A = tpu.sem_alloc : memref<!tpu.dma_semaphore, #tpu.memory_space<semaphore_mem>>
        %dma_start3A_173 = arith.constant 0 : i32
        %dma_start3A_174 = arith.constant 0 : i32
        %dma_start3A_175 = tpu.memref_slice %arg8[%dma_start3A_173, %dma_start3A_174] : memref<64x128xf32, #tpu.memory_space<vmem>> -> memref<56x128xf32, #tpu.memory_space<vmem>>
        %dma_start3A_176 = arith.constant 1200 : i32
        %dma_start3A_177 = arith.constant 0 : i32
        %dma_start3A_178 = tpu.memref_slice %arg19[%dma_start3A_176, %dma_start3A_177] : memref<1256x128xf32, #tpu.memory_space<vmem_shared>> -> memref<56x128xf32, #tpu.memory_space<vmem_shared>>
        %dma_start3A_179 = arith.constant 1200 : i32
        %dma_start3A_180 = arith.constant 0 : i32
        %dma_start3A_181 = tpu.memref_slice %arg19[%dma_start3A_179, %dma_start3A_180] : memref<1256x128xf32, #tpu.memory_space<vmem_shared>> -> memref<56x128xf32, #tpu.memory_space<vmem_shared>>
        %dma_start3A_182 = arith.constant 0 : i32
        %dma_start3A_183 = arith.constant 0 : i32
        %dma_start3A_184 = tpu.memref_slice %arg8[%dma_start3A_182, %dma_start3A_183] : memref<64x128xf32, #tpu.memory_space<vmem>> -> memref<56x128xf32, #tpu.memory_space<vmem>>
        tpu.enqueue_dma source(%dma_start3A_184 : memref<56x128xf32, #tpu.memory_space<vmem>>) target(%dma_start3A_181 : memref<56x128xf32, #tpu.memory_space<vmem_shared>>) target_semaphore(%run_scoped3A : memref<!tpu.dma_semaphore, #tpu.memory_space<semaphore_mem>>)
        %dma_wait3A = arith.constant 0 : i32
        %dma_wait3A_185 = arith.constant 0 : i32
        %dma_wait3A_186 = tpu.memref_slice %arg8[%dma_wait3A, %dma_wait3A_185] : memref<64x128xf32, #tpu.memory_space<vmem>> -> memref<56x128xf32, #tpu.memory_space<vmem>>
        %dma_wait3A_187 = arith.constant 1200 : i32
        %dma_wait3A_188 = arith.constant 0 : i32
        %dma_wait3A_189 = tpu.memref_slice %arg19[%dma_wait3A_187, %dma_wait3A_188] : memref<1256x128xf32, #tpu.memory_space<vmem_shared>> -> memref<56x128xf32, #tpu.memory_space<vmem_shared>>
        %dma_wait3A_190 = arith.constant 1200 : i32
        %dma_wait3A_191 = arith.constant 0 : i32
        %dma_wait3A_192 = tpu.memref_slice %arg19[%dma_wait3A_190, %dma_wait3A_191] : memref<1256x128xf32, #tpu.memory_space<vmem_shared>> -> memref<56x128xf32, #tpu.memory_space<vmem_shared>>
        %dma_wait3A_193 = arith.constant 0 : i32
        %dma_wait3A_194 = arith.constant 0 : i32
        %dma_wait3A_195 = tpu.memref_slice %arg8[%dma_wait3A_193, %dma_wait3A_194] : memref<64x128xf32, #tpu.memory_space<vmem>> -> memref<56x128xf32, #tpu.memory_space<vmem>>
        tpu.wait_dma2 semaphore(%run_scoped3A : memref<!tpu.dma_semaphore, #tpu.memory_space<semaphore_mem>>) src(%dma_wait3A_195 : memref<56x128xf32, #tpu.memory_space<vmem>>) dst(%dma_wait3A_192 : memref<56x128xf32, #tpu.memory_space<vmem_shared>>)
        tpu.yield
      }) : () -> ()
    } else {
    }
    %barrier3A = arith.constant 0 : index
    tpu.barrier barrier_id(%barrier3A)
    %iota3A = tpu.iota {dimensions = array<i32: 0>} : vector<16xi32>
    %eq3A_43 = arith.constant 0 : i32
    %eq3A_44 = vector.broadcast %eq3A_43 : i32 to vector<16xi32>
    %eq3A_45 = arith.cmpi eq, %iota3A, %eq3A_44 : vector<16xi32>
    %jit3A = arith.constant 1.000000e+00 : f32
    %jit3A_46 = arith.constant 0.000000e+00 : f32
    %broadcast_in_dim3A_47 = vector.broadcast %jit3A : f32 to vector<16xf32>
    %broadcast_in_dim3A_48 = vector.broadcast %jit3A_46 : f32 to vector<16xf32>
    %select_n3A = arith.select %eq3A_45, %broadcast_in_dim3A_47, %broadcast_in_dim3A_48 : vector<16xi1>, vector<16xf32>
    %eq3A_49 = arith.constant 1 : i32
    %eq3A_50 = vector.broadcast %eq3A_49 : i32 to vector<16xi32>
    %eq3A_51 = arith.cmpi eq, %iota3A, %eq3A_50 : vector<16xi32>
    %jit3A_52 = arith.constant 1.000000e+00 : f32
    %jit3A_53 = arith.constant 0.000000e+00 : f32
    %broadcast_in_dim3A_54 = vector.broadcast %jit3A_52 : f32 to vector<16xf32>
    %broadcast_in_dim3A_55 = vector.broadcast %jit3A_53 : f32 to vector<16xf32>
    %select_n3A_56 = arith.select %eq3A_51, %broadcast_in_dim3A_54, %broadcast_in_dim3A_55 : vector<16xi1>, vector<16xf32>
    %eq3A_57 = arith.constant 2 : i32
    %eq3A_58 = vector.broadcast %eq3A_57 : i32 to vector<16xi32>
    %eq3A_59 = arith.cmpi eq, %iota3A, %eq3A_58 : vector<16xi32>
    %jit3A_60 = arith.constant 1.000000e+00 : f32
    %jit3A_61 = arith.constant 0.000000e+00 : f32
    %broadcast_in_dim3A_62 = vector.broadcast %jit3A_60 : f32 to vector<16xf32>
    %broadcast_in_dim3A_63 = vector.broadcast %jit3A_61 : f32 to vector<16xf32>
    %select_n3A_64 = arith.select %eq3A_59, %broadcast_in_dim3A_62, %broadcast_in_dim3A_63 : vector<16xi1>, vector<16xf32>
    %eq3A_65 = arith.constant 3 : i32
    %eq3A_66 = vector.broadcast %eq3A_65 : i32 to vector<16xi32>
    %eq3A_67 = arith.cmpi eq, %iota3A, %eq3A_66 : vector<16xi32>
    %jit3A_68 = arith.constant 1.000000e+00 : f32
    %jit3A_69 = arith.constant 0.000000e+00 : f32
    %broadcast_in_dim3A_70 = vector.broadcast %jit3A_68 : f32 to vector<16xf32>
    %broadcast_in_dim3A_71 = vector.broadcast %jit3A_69 : f32 to vector<16xf32>
    %select_n3A_72 = arith.select %eq3A_67, %broadcast_in_dim3A_70, %broadcast_in_dim3A_71 : vector<16xi1>, vector<16xf32>
    %eq3A_73 = arith.constant 4 : i32
    %eq3A_74 = vector.broadcast %eq3A_73 : i32 to vector<16xi32>
    %eq3A_75 = arith.cmpi eq, %iota3A, %eq3A_74 : vector<16xi32>
    %jit3A_76 = arith.constant 1.000000e+00 : f32
    %jit3A_77 = arith.constant 0.000000e+00 : f32
    %broadcast_in_dim3A_78 = vector.broadcast %jit3A_76 : f32 to vector<16xf32>
    %broadcast_in_dim3A_79 = vector.broadcast %jit3A_77 : f32 to vector<16xf32>
    %select_n3A_80 = arith.select %eq3A_75, %broadcast_in_dim3A_78, %broadcast_in_dim3A_79 : vector<16xi1>, vector<16xf32>
    %eq3A_81 = arith.constant 5 : i32
    %eq3A_82 = vector.broadcast %eq3A_81 : i32 to vector<16xi32>
    %eq3A_83 = arith.cmpi eq, %iota3A, %eq3A_82 : vector<16xi32>
    %jit3A_84 = arith.constant 1.000000e+00 : f32
    %jit3A_85 = arith.constant 0.000000e+00 : f32
    %broadcast_in_dim3A_86 = vector.broadcast %jit3A_84 : f32 to vector<16xf32>
    %broadcast_in_dim3A_87 = vector.broadcast %jit3A_85 : f32 to vector<16xf32>
    %select_n3A_88 = arith.select %eq3A_83, %broadcast_in_dim3A_86, %broadcast_in_dim3A_87 : vector<16xi1>, vector<16xf32>
    %eq3A_89 = arith.constant 6 : i32
    %eq3A_90 = vector.broadcast %eq3A_89 : i32 to vector<16xi32>
    %eq3A_91 = arith.cmpi eq, %iota3A, %eq3A_90 : vector<16xi32>
    %jit3A_92 = arith.constant 1.000000e+00 : f32
    %jit3A_93 = arith.constant 0.000000e+00 : f32
    %broadcast_in_dim3A_94 = vector.broadcast %jit3A_92 : f32 to vector<16xf32>
    %broadcast_in_dim3A_95 = vector.broadcast %jit3A_93 : f32 to vector<16xf32>
    %select_n3A_96 = arith.select %eq3A_91, %broadcast_in_dim3A_94, %broadcast_in_dim3A_95 : vector<16xi1>, vector<16xf32>
    %eq3A_97 = arith.constant 7 : i32
    %eq3A_98 = vector.broadcast %eq3A_97 : i32 to vector<16xi32>
    %eq3A_99 = arith.cmpi eq, %iota3A, %eq3A_98 : vector<16xi32>
    %jit3A_100 = arith.constant 1.000000e+00 : f32
    %jit3A_101 = arith.constant 0.000000e+00 : f32
    %broadcast_in_dim3A_102 = vector.broadcast %jit3A_100 : f32 to vector<16xf32>
    %broadcast_in_dim3A_103 = vector.broadcast %jit3A_101 : f32 to vector<16xf32>
    %select_n3A_104 = arith.select %eq3A_99, %broadcast_in_dim3A_102, %broadcast_in_dim3A_103 : vector<16xi1>, vector<16xf32>
    %xor3A = arith.constant 8 : i32
    %xor3A_105 = vector.broadcast %xor3A : i32 to vector<16xi32>
    %xor3A_106 = arith.xori %iota3A, %xor3A_105 : vector<16xi32>
    %xor3A_107 = arith.constant 4 : i32
    %xor3A_108 = vector.broadcast %xor3A_107 : i32 to vector<16xi32>
    %xor3A_109 = arith.xori %iota3A, %xor3A_108 : vector<16xi32>
    %xor3A_110 = arith.constant 2 : i32
    %xor3A_111 = vector.broadcast %xor3A_110 : i32 to vector<16xi32>
    %xor3A_112 = arith.xori %iota3A, %xor3A_111 : vector<16xi32>
    %xor3A_113 = arith.constant 1 : i32
    %xor3A_114 = vector.broadcast %xor3A_113 : i32 to vector<16xi32>
    %xor3A_115 = arith.xori %iota3A, %xor3A_114 : vector<16xi32>
    %rem3A = arith.constant 0 : i32
    %rem3A_116 = arith.constant 2 : i32
    %rem3A_117 = arith.remsi %rem3A, %rem3A_116 : i32
    %add3A_118 = arith.constant 0 : i32
    %add3A_119 = arith.addi %add3A, %add3A_118 : i32
    %mul3A_120 = arith.constant 64 : i32
    %mul3A_121 = arith.muli %add3A_119, %mul3A_120 : i32
    %dma_start3A = arith.constant 0 : i32
    %dma_start3A_122 = tpu.memref_slice %arg11[%rem3A_117, %dma_start3A] : memref<2x64xi32, #tpu.memory_space<vmem>> -> memref<1x64xi32, #tpu.memory_space<vmem>>
    %dma_start3A_123 = tpu.memref_squeeze %dma_start3A_122 : memref<1x64xi32, #tpu.memory_space<vmem>> -> memref<64xi32, #tpu.memory_space<vmem>>
    %dma_start3A_124 = tpu.memref_slice %arg5[%mul3A_121] : memref<320000xi32, #tpu.memory_space<hbm>> -> memref<64xi32, #tpu.memory_space<hbm>>
    %dma_start3A_125 = arith.constant 0 : i32
    %dma_start3A_126 = tpu.memref_slice %arg11[%rem3A_117, %dma_start3A_125] : memref<2x64xi32, #tpu.memory_space<vmem>> -> memref<1x64xi32, #tpu.memory_space<vmem>>
    %dma_start3A_127 = tpu.memref_squeeze %dma_start3A_126 : memref<1x64xi32, #tpu.memory_space<vmem>> -> memref<64xi32, #tpu.memory_space<vmem>>
    %dma_start3A_128 = tpu.memref_slice %arg5[%mul3A_121] : memref<320000xi32, #tpu.memory_space<hbm>> -> memref<64xi32, #tpu.memory_space<hbm>>
    tpu.enqueue_dma source(%dma_start3A_128 : memref<64xi32, #tpu.memory_space<hbm>>) target(%dma_start3A_127 : memref<64xi32, #tpu.memory_space<vmem>>) target_semaphore(%arg15 : memref<!tpu.dma_semaphore, #tpu.memory_space<semaphore_mem>>)
    %dma_start3A_129 = arith.constant 0 : i32
    %dma_start3A_130 = tpu.memref_slice %arg14[%rem3A_117, %dma_start3A_129] : memref<2x80xi32, #tpu.memory_space<vmem>> -> memref<1x64xi32, #tpu.memory_space<vmem>>
    %dma_start3A_131 = tpu.memref_squeeze %dma_start3A_130 : memref<1x64xi32, #tpu.memory_space<vmem>> -> memref<64xi32, #tpu.memory_space<vmem>>
    %dma_start3A_132 = tpu.memref_slice %arg5[%mul3A_121] : memref<320000xi32, #tpu.memory_space<hbm>> -> memref<64xi32, #tpu.memory_space<hbm>>
    %dma_start3A_133 = arith.constant 0 : i32
    %dma_start3A_134 = tpu.memref_slice %arg14[%rem3A_117, %dma_start3A_133] : memref<2x80xi32, #tpu.memory_space<vmem>> -> memref<1x64xi32, #tpu.memory_space<vmem>>
    %dma_start3A_135 = tpu.memref_squeeze %dma_start3A_134 : memref<1x64xi32, #tpu.memory_space<vmem>> -> memref<64xi32, #tpu.memory_space<vmem>>
    %dma_start3A_136 = tpu.memref_slice %arg5[%mul3A_121] : memref<320000xi32, #tpu.memory_space<hbm>> -> memref<64xi32, #tpu.memory_space<hbm>>
    tpu.enqueue_dma source(%dma_start3A_136 : memref<64xi32, #tpu.memory_space<hbm>>) target(%dma_start3A_135 : memref<64xi32, #tpu.memory_space<vmem>>) target_semaphore(%arg15 : memref<!tpu.dma_semaphore, #tpu.memory_space<semaphore_mem>>)
    %dma_start3A_137 = arith.constant 0 : i32
    %dma_start3A_138 = tpu.memref_slice %arg13[%rem3A_117, %dma_start3A_137] : memref<2x64xi32, #tpu.memory_space<vmem>> -> memref<1x64xi32, #tpu.memory_space<vmem>>
    %dma_start3A_139 = tpu.memref_squeeze %dma_start3A_138 : memref<1x64xi32, #tpu.memory_space<vmem>> -> memref<64xi32, #tpu.memory_space<vmem>>
    %dma_start3A_140 = tpu.memref_slice %arg4[%mul3A_121] : memref<320000xi32, #tpu.memory_space<hbm>> -> memref<64xi32, #tpu.memory_space<hbm>>
    %dma_start3A_141 = arith.constant 0 : i32
    %dma_start3A_142 = tpu.memref_slice %arg13[%rem3A_117, %dma_start3A_141] : memref<2x64xi32, #tpu.memory_space<vmem>> -> memref<1x64xi32, #tpu.memory_space<vmem>>
    %dma_start3A_143 = tpu.memref_squeeze %dma_start3A_142 : memref<1x64xi32, #tpu.memory_space<vmem>> -> memref<64xi32, #tpu.memory_space<vmem>>
    %dma_start3A_144 = tpu.memref_slice %arg4[%mul3A_121] : memref<320000xi32, #tpu.memory_space<hbm>> -> memref<64xi32, #tpu.memory_space<hbm>>
    tpu.enqueue_dma source(%dma_start3A_144 : memref<64xi32, #tpu.memory_space<hbm>>) target(%dma_start3A_143 : memref<64xi32, #tpu.memory_space<vmem>>) target_semaphore(%arg15 : memref<!tpu.dma_semaphore, #tpu.memory_space<semaphore_mem>>)
    %scan3A_145 = arith.constant 0 : i32
    %scan3A_146 = arith.constant 0 : i32
    %scan3A_147 = arith.constant 157 : i32
    %scan3A_148 = arith.addi %scan3A_146, %scan3A_147 : i32
    %scan3A_149 = arith.constant 1 : i32
    %scan3A_150 = scf.for %scan3A_173 = %scan3A_146 to %scan3A_148 step %scan3A_149 iter_args(%scan3A_174 = %scan3A_145) -> (i32)  : i32 {
      %rem3A_175 = arith.constant 2 : i32
      %rem3A_176 = arith.remsi %scan3A_173, %rem3A_175 : i32
      %sub3A = arith.constant 1 : i32
      %sub3A_177 = arith.subi %sub3A, %rem3A_176 : i32
      %mul3A_178 = arith.constant 32 : i32
      %mul3A_179 = arith.muli %mul3A_178, %scan3A_173 : i32
      %add3A_180 = arith.addi %add3A, %mul3A_179 : i32
      %lt3A_181 = arith.constant 5000 : i32
      %lt3A_182 = arith.cmpi slt, %add3A_180, %lt3A_181 : i32
      %add3A_183 = arith.constant 1 : i32
      %add3A_184 = arith.addi %scan3A_173, %add3A_183 : i32
      %mul3A_185 = arith.constant 32 : i32
      %mul3A_186 = arith.muli %mul3A_185, %add3A_184 : i32
      %add3A_187 = arith.addi %add3A, %mul3A_186 : i32
      %lt3A_188 = arith.constant 5000 : i32
      %lt3A_189 = arith.cmpi slt, %add3A_187, %lt3A_188 : i32
      %ge3A = arith.constant 1 : i32
      %ge3A_190 = arith.cmpi sge, %scan3A_173, %ge3A : i32
      %convert_element_type3A_191 = arith.extui %ge3A_190 : i1 to i32
      %cond3A_192 = arith.constant 0 : i32
      %cond3A_193 = arith.cmpi ne, %convert_element_type3A_191, %cond3A_192 : i32
      scf.if %cond3A_193 {
        %dma_wait3A = arith.constant 0 : i32
        %dma_wait3A_201 = tpu.memref_slice %arg11[%sub3A_177, %dma_wait3A] : memref<2x64xi32, #tpu.memory_space<vmem>> -> memref<1x64xi32, #tpu.memory_space<vmem>>
        %dma_wait3A_202 = tpu.memref_squeeze %dma_wait3A_201 : memref<1x64xi32, #tpu.memory_space<vmem>> -> memref<64xi32, #tpu.memory_space<vmem>>
        %dma_wait3A_203 = arith.constant 0 : i32
        %dma_wait3A_204 = arith.constant 0 : i32
        %dma_wait3A_205 = tpu.memref_slice %arg18[%dma_wait3A_203, %dma_wait3A_204] : memref<10000x128xf32, #tpu.memory_space<vmem_shared>> -> memref<10000x128xf32, #tpu.memory_space<vmem_shared>>
        tpu.wait_indirect_dma semaphore(%arg17 : memref<!tpu.dma_semaphore, #tpu.memory_space<semaphore_mem>>) src(%arg8 : memref<64x128xf32, #tpu.memory_space<vmem>>) dst(%dma_wait3A_205 : memref<10000x128xf32, #tpu.memory_space<vmem_shared>>)
        %dma_wait3A_206 = arith.constant 0 : i32
        %dma_wait3A_207 = tpu.memref_slice %arg12[%sub3A_177, %dma_wait3A_206] : memref<2x64xi32, #tpu.memory_space<vmem>> -> memref<1x64xi32, #tpu.memory_space<vmem>>
        %dma_wait3A_208 = tpu.memref_squeeze %dma_wait3A_207 : memref<1x64xi32, #tpu.memory_space<vmem>> -> memref<64xi32, #tpu.memory_space<vmem>>
        %dma_wait3A_209 = arith.constant 0 : i32
        %dma_wait3A_210 = arith.constant 0 : i32
        %dma_wait3A_211 = tpu.memref_slice %arg19[%dma_wait3A_209, %dma_wait3A_210] : memref<1256x128xf32, #tpu.memory_space<vmem_shared>> -> memref<1256x128xf32, #tpu.memory_space<vmem_shared>>
        tpu.wait_indirect_dma semaphore(%arg17 : memref<!tpu.dma_semaphore, #tpu.memory_space<semaphore_mem>>) src(%arg10 : memref<64x128xf32, #tpu.memory_space<vmem>>) dst(%dma_wait3A_211 : memref<1256x128xf32, #tpu.memory_space<vmem_shared>>)
      } else {
      }
      %convert_element_type3A_194 = arith.extui %lt3A_189 : i1 to i32
      %cond3A_195 = arith.constant 0 : i32
      %cond3A_196 = arith.cmpi ne, %convert_element_type3A_194, %cond3A_195 : i32
      scf.if %cond3A_196 {
        %add3A_201 = arith.constant 1 : i32
        %add3A_202 = arith.addi %scan3A_173, %add3A_201 : i32
        %rem3A_203 = arith.constant 2 : i32
        %rem3A_204 = arith.remsi %add3A_202, %rem3A_203 : i32
        %mul3A_205 = arith.constant 32 : i32
        %mul3A_206 = arith.muli %mul3A_205, %add3A_202 : i32
        %add3A_207 = arith.addi %add3A, %mul3A_206 : i32
        %mul3A_208 = arith.constant 64 : i32
        %mul3A_209 = arith.muli %add3A_207, %mul3A_208 : i32
        %dma_start3A_210 = arith.constant 0 : i32
        %dma_start3A_211 = tpu.memref_slice %arg11[%rem3A_204, %dma_start3A_210] : memref<2x64xi32, #tpu.memory_space<vmem>> -> memref<1x64xi32, #tpu.memory_space<vmem>>
        %dma_start3A_212 = tpu.memref_squeeze %dma_start3A_211 : memref<1x64xi32, #tpu.memory_space<vmem>> -> memref<64xi32, #tpu.memory_space<vmem>>
        %dma_start3A_213 = tpu.memref_slice %arg5[%mul3A_209] : memref<320000xi32, #tpu.memory_space<hbm>> -> memref<64xi32, #tpu.memory_space<hbm>>
        %dma_start3A_214 = arith.constant 0 : i32
        %dma_start3A_215 = tpu.memref_slice %arg11[%rem3A_204, %dma_start3A_214] : memref<2x64xi32, #tpu.memory_space<vmem>> -> memref<1x64xi32, #tpu.memory_space<vmem>>
        %dma_start3A_216 = tpu.memref_squeeze %dma_start3A_215 : memref<1x64xi32, #tpu.memory_space<vmem>> -> memref<64xi32, #tpu.memory_space<vmem>>
        %dma_start3A_217 = tpu.memref_slice %arg5[%mul3A_209] : memref<320000xi32, #tpu.memory_space<hbm>> -> memref<64xi32, #tpu.memory_space<hbm>>
        tpu.enqueue_dma source(%dma_start3A_217 : memref<64xi32, #tpu.memory_space<hbm>>) target(%dma_start3A_216 : memref<64xi32, #tpu.memory_space<vmem>>) target_semaphore(%arg15 : memref<!tpu.dma_semaphore, #tpu.memory_space<semaphore_mem>>)
        %dma_start3A_218 = arith.constant 0 : i32
        %dma_start3A_219 = tpu.memref_slice %arg14[%rem3A_204, %dma_start3A_218] : memref<2x80xi32, #tpu.memory_space<vmem>> -> memref<1x64xi32, #tpu.memory_space<vmem>>
        %dma_start3A_220 = tpu.memref_squeeze %dma_start3A_219 : memref<1x64xi32, #tpu.memory_space<vmem>> -> memref<64xi32, #tpu.memory_space<vmem>>
        %dma_start3A_221 = tpu.memref_slice %arg5[%mul3A_209] : memref<320000xi32, #tpu.memory_space<hbm>> -> memref<64xi32, #tpu.memory_space<hbm>>
        %dma_start3A_222 = arith.constant 0 : i32
        %dma_start3A_223 = tpu.memref_slice %arg14[%rem3A_204, %dma_start3A_222] : memref<2x80xi32, #tpu.memory_space<vmem>> -> memref<1x64xi32, #tpu.memory_space<vmem>>
        %dma_start3A_224 = tpu.memref_squeeze %dma_start3A_223 : memref<1x64xi32, #tpu.memory_space<vmem>> -> memref<64xi32, #tpu.memory_space<vmem>>
        %dma_start3A_225 = tpu.memref_slice %arg5[%mul3A_209] : memref<320000xi32, #tpu.memory_space<hbm>> -> memref<64xi32, #tpu.memory_space<hbm>>
        tpu.enqueue_dma source(%dma_start3A_225 : memref<64xi32, #tpu.memory_space<hbm>>) target(%dma_start3A_224 : memref<64xi32, #tpu.memory_space<vmem>>) target_semaphore(%arg15 : memref<!tpu.dma_semaphore, #tpu.memory_space<semaphore_mem>>)
        %dma_start3A_226 = arith.constant 0 : i32
        %dma_start3A_227 = tpu.memref_slice %arg13[%rem3A_204, %dma_start3A_226] : memref<2x64xi32, #tpu.memory_space<vmem>> -> memref<1x64xi32, #tpu.memory_space<vmem>>
        %dma_start3A_228 = tpu.memref_squeeze %dma_start3A_227 : memref<1x64xi32, #tpu.memory_space<vmem>> -> memref<64xi32, #tpu.memory_space<vmem>>
        %dma_start3A_229 = tpu.memref_slice %arg4[%mul3A_209] : memref<320000xi32, #tpu.memory_space<hbm>> -> memref<64xi32, #tpu.memory_space<hbm>>
        %dma_start3A_230 = arith.constant 0 : i32
        %dma_start3A_231 = tpu.memref_slice %arg13[%rem3A_204, %dma_start3A_230] : memref<2x64xi32, #tpu.memory_space<vmem>> -> memref<1x64xi32, #tpu.memory_space<vmem>>
        %dma_start3A_232 = tpu.memref_squeeze %dma_start3A_231 : memref<1x64xi32, #tpu.memory_space<vmem>> -> memref<64xi32, #tpu.memory_space<vmem>>
        %dma_start3A_233 = tpu.memref_slice %arg4[%mul3A_209] : memref<320000xi32, #tpu.memory_space<hbm>> -> memref<64xi32, #tpu.memory_space<hbm>>
        tpu.enqueue_dma source(%dma_start3A_233 : memref<64xi32, #tpu.memory_space<hbm>>) target(%dma_start3A_232 : memref<64xi32, #tpu.memory_space<vmem>>) target_semaphore(%arg15 : memref<!tpu.dma_semaphore, #tpu.memory_space<semaphore_mem>>)
      } else {
      }
      %convert_element_type3A_197 = arith.extui %lt3A_182 : i1 to i32
      %cond3A_198 = arith.constant 0 : i32
      %cond3A_199 = arith.cmpi ne, %convert_element_type3A_197, %cond3A_198 : i32
      scf.if %cond3A_199 {
        %dma_wait3A = arith.constant 0 : i32
        %dma_wait3A_201 = tpu.memref_slice %arg11[%rem3A_176, %dma_wait3A] : memref<2x64xi32, #tpu.memory_space<vmem>> -> memref<1x64xi32, #tpu.memory_space<vmem>>
        %dma_wait3A_202 = tpu.memref_squeeze %dma_wait3A_201 : memref<1x64xi32, #tpu.memory_space<vmem>> -> memref<64xi32, #tpu.memory_space<vmem>>
        %dma_wait3A_203 = arith.constant 0 : i32
        %dma_wait3A_204 = tpu.memref_slice %arg5[%dma_wait3A_203] : memref<320000xi32, #tpu.memory_space<hbm>> -> memref<64xi32, #tpu.memory_space<hbm>>
        %dma_wait3A_205 = arith.constant 0 : i32
        %dma_wait3A_206 = tpu.memref_slice %arg11[%rem3A_176, %dma_wait3A_205] : memref<2x64xi32, #tpu.memory_space<vmem>> -> memref<1x64xi32, #tpu.memory_space<vmem>>
        %dma_wait3A_207 = tpu.memref_squeeze %dma_wait3A_206 : memref<1x64xi32, #tpu.memory_space<vmem>> -> memref<64xi32, #tpu.memory_space<vmem>>
        %dma_wait3A_208 = arith.constant 0 : i32
        %dma_wait3A_209 = tpu.memref_slice %arg5[%dma_wait3A_208] : memref<320000xi32, #tpu.memory_space<hbm>> -> memref<64xi32, #tpu.memory_space<hbm>>
        tpu.wait_dma2 semaphore(%arg15 : memref<!tpu.dma_semaphore, #tpu.memory_space<semaphore_mem>>) src(%dma_wait3A_209 : memref<64xi32, #tpu.memory_space<hbm>>) dst(%dma_wait3A_207 : memref<64xi32, #tpu.memory_space<vmem>>)
        %dma_wait3A_210 = arith.constant 0 : i32
        %dma_wait3A_211 = tpu.memref_slice %arg14[%rem3A_176, %dma_wait3A_210] : memref<2x80xi32, #tpu.memory_space<vmem>> -> memref<1x64xi32, #tpu.memory_space<vmem>>
        %dma_wait3A_212 = tpu.memref_squeeze %dma_wait3A_211 : memref<1x64xi32, #tpu.memory_space<vmem>> -> memref<64xi32, #tpu.memory_space<vmem>>
        %dma_wait3A_213 = arith.constant 0 : i32
        %dma_wait3A_214 = tpu.memref_slice %arg5[%dma_wait3A_213] : memref<320000xi32, #tpu.memory_space<hbm>> -> memref<64xi32, #tpu.memory_space<hbm>>
        %dma_wait3A_215 = arith.constant 0 : i32
        %dma_wait3A_216 = tpu.memref_slice %arg14[%rem3A_176, %dma_wait3A_215] : memref<2x80xi32, #tpu.memory_space<vmem>> -> memref<1x64xi32, #tpu.memory_space<vmem>>
        %dma_wait3A_217 = tpu.memref_squeeze %dma_wait3A_216 : memref<1x64xi32, #tpu.memory_space<vmem>> -> memref<64xi32, #tpu.memory_space<vmem>>
        %dma_wait3A_218 = arith.constant 0 : i32
        %dma_wait3A_219 = tpu.memref_slice %arg5[%dma_wait3A_218] : memref<320000xi32, #tpu.memory_space<hbm>> -> memref<64xi32, #tpu.memory_space<hbm>>
        tpu.wait_dma2 semaphore(%arg15 : memref<!tpu.dma_semaphore, #tpu.memory_space<semaphore_mem>>) src(%dma_wait3A_219 : memref<64xi32, #tpu.memory_space<hbm>>) dst(%dma_wait3A_217 : memref<64xi32, #tpu.memory_space<vmem>>)
        %dma_wait3A_220 = arith.constant 0 : i32
        %dma_wait3A_221 = tpu.memref_slice %arg13[%rem3A_176, %dma_wait3A_220] : memref<2x64xi32, #tpu.memory_space<vmem>> -> memref<1x64xi32, #tpu.memory_space<vmem>>
        %dma_wait3A_222 = tpu.memref_squeeze %dma_wait3A_221 : memref<1x64xi32, #tpu.memory_space<vmem>> -> memref<64xi32, #tpu.memory_space<vmem>>
        %dma_wait3A_223 = arith.constant 0 : i32
        %dma_wait3A_224 = tpu.memref_slice %arg4[%dma_wait3A_223] : memref<320000xi32, #tpu.memory_space<hbm>> -> memref<64xi32, #tpu.memory_space<hbm>>
        %dma_wait3A_225 = arith.constant 0 : i32
        %dma_wait3A_226 = tpu.memref_slice %arg13[%rem3A_176, %dma_wait3A_225] : memref<2x64xi32, #tpu.memory_space<vmem>> -> memref<1x64xi32, #tpu.memory_space<vmem>>
        %dma_wait3A_227 = tpu.memref_squeeze %dma_wait3A_226 : memref<1x64xi32, #tpu.memory_space<vmem>> -> memref<64xi32, #tpu.memory_space<vmem>>
        %dma_wait3A_228 = arith.constant 0 : i32
        %dma_wait3A_229 = tpu.memref_slice %arg4[%dma_wait3A_228] : memref<320000xi32, #tpu.memory_space<hbm>> -> memref<64xi32, #tpu.memory_space<hbm>>
        tpu.wait_dma2 semaphore(%arg15 : memref<!tpu.dma_semaphore, #tpu.memory_space<semaphore_mem>>) src(%dma_wait3A_229 : memref<64xi32, #tpu.memory_space<hbm>>) dst(%dma_wait3A_227 : memref<64xi32, #tpu.memory_space<vmem>>)
        %get3A = arith.index_cast %rem3A_176 : i32 to index
        %get3A_230 = arith.constant 0 : index
        %get3A_231 = tpu.vector_load %arg11[%get3A, %get3A_230] {strides = array<i32>} : memref<2x64xi32, #tpu.memory_space<vmem>>, vector<1x16xi32>,
        %get3A_232 = vector.shape_cast %get3A_231 : vector<1x16xi32> to vector<16xi32>
        %shift_right_logical3A = arith.constant 3 : i32
        %shift_right_logical3A_233 = vector.broadcast %shift_right_logical3A : i32 to vector<16xi32>
        %shift_right_logical3A_234 = arith.shrui %get3A_232, %shift_right_logical3A_233 : vector<16xi32>
        %swap3A = arith.index_cast %rem3A_176 : i32 to index
        %swap3A_235 = arith.constant 0 : index
        %swap3A_236 = tpu.vector_load %arg12[%swap3A, %swap3A_235] {strides = array<i32>} : memref<2x64xi32, #tpu.memory_space<vmem>>, vector<1x16xi32>,
        %swap3A_237 = vector.shape_cast %swap3A_236 : vector<1x16xi32> to vector<16xi32>
        %swap3A_238 = vector.shape_cast %shift_right_logical3A_234 : vector<16xi32> to vector<1x16xi32>
        tpu.vector_store %arg12[%swap3A, %swap3A_235], %swap3A_238 {strides = array<i32>} : memref<2x64xi32, #tpu.memory_space<vmem>>, vector<1x16xi32>,
        %get3A_239 = arith.index_cast %rem3A_176 : i32 to index
        %get3A_240 = arith.constant 16 : index
        %get3A_241 = tpu.vector_load %arg11[%get3A_239, %get3A_240] {strides = array<i32>} : memref<2x64xi32, #tpu.memory_space<vmem>>, vector<1x16xi32>,
        %get3A_242 = vector.shape_cast %get3A_241 : vector<1x16xi32> to vector<16xi32>
        %shift_right_logical3A_243 = arith.constant 3 : i32
        %shift_right_logical3A_244 = vector.broadcast %shift_right_logical3A_243 : i32 to vector<16xi32>
        %shift_right_logical3A_245 = arith.shrui %get3A_242, %shift_right_logical3A_244 : vector<16xi32>
        %swap3A_246 = arith.index_cast %rem3A_176 : i32 to index
        %swap3A_247 = arith.constant 16 : index
        %swap3A_248 = tpu.vector_load %arg12[%swap3A_246, %swap3A_247] {strides = array<i32>} : memref<2x64xi32, #tpu.memory_space<vmem>>, vector<1x16xi32>,
        %swap3A_249 = vector.shape_cast %swap3A_248 : vector<1x16xi32> to vector<16xi32>
        %swap3A_250 = vector.shape_cast %shift_right_logical3A_245 : vector<16xi32> to vector<1x16xi32>
        tpu.vector_store %arg12[%swap3A_246, %swap3A_247], %swap3A_250 {strides = array<i32>} : memref<2x64xi32, #tpu.memory_space<vmem>>, vector<1x16xi32>,
        %get3A_251 = arith.index_cast %rem3A_176 : i32 to index
        %get3A_252 = arith.constant 32 : index
        %get3A_253 = tpu.vector_load %arg11[%get3A_251, %get3A_252] {strides = array<i32>} : memref<2x64xi32, #tpu.memory_space<vmem>>, vector<1x16xi32>,
        %get3A_254 = vector.shape_cast %get3A_253 : vector<1x16xi32> to vector<16xi32>
        %shift_right_logical3A_255 = arith.constant 3 : i32
        %shift_right_logical3A_256 = vector.broadcast %shift_right_logical3A_255 : i32 to vector<16xi32>
        %shift_right_logical3A_257 = arith.shrui %get3A_254, %shift_right_logical3A_256 : vector<16xi32>
        %swap3A_258 = arith.index_cast %rem3A_176 : i32 to index
        %swap3A_259 = arith.constant 32 : index
        %swap3A_260 = tpu.vector_load %arg12[%swap3A_258, %swap3A_259] {strides = array<i32>} : memref<2x64xi32, #tpu.memory_space<vmem>>, vector<1x16xi32>,
        %swap3A_261 = vector.shape_cast %swap3A_260 : vector<1x16xi32> to vector<16xi32>
        %swap3A_262 = vector.shape_cast %shift_right_logical3A_257 : vector<16xi32> to vector<1x16xi32>
        tpu.vector_store %arg12[%swap3A_258, %swap3A_259], %swap3A_262 {strides = array<i32>} : memref<2x64xi32, #tpu.memory_space<vmem>>, vector<1x16xi32>,
        %get3A_263 = arith.index_cast %rem3A_176 : i32 to index
        %get3A_264 = arith.constant 48 : index
        %get3A_265 = tpu.vector_load %arg11[%get3A_263, %get3A_264] {strides = array<i32>} : memref<2x64xi32, #tpu.memory_space<vmem>>, vector<1x16xi32>,
        %get3A_266 = vector.shape_cast %get3A_265 : vector<1x16xi32> to vector<16xi32>
        %shift_right_logical3A_267 = arith.constant 3 : i32
        %shift_right_logical3A_268 = vector.broadcast %shift_right_logical3A_267 : i32 to vector<16xi32>
        %shift_right_logical3A_269 = arith.shrui %get3A_266, %shift_right_logical3A_268 : vector<16xi32>
        %swap3A_270 = arith.index_cast %rem3A_176 : i32 to index
        %swap3A_271 = arith.constant 48 : index
        %swap3A_272 = tpu.vector_load %arg12[%swap3A_270, %swap3A_271] {strides = array<i32>} : memref<2x64xi32, #tpu.memory_space<vmem>>, vector<1x16xi32>,
        %swap3A_273 = vector.shape_cast %swap3A_272 : vector<1x16xi32> to vector<16xi32>
        %swap3A_274 = vector.shape_cast %shift_right_logical3A_269 : vector<16xi32> to vector<1x16xi32>
        tpu.vector_store %arg12[%swap3A_270, %swap3A_271], %swap3A_274 {strides = array<i32>} : memref<2x64xi32, #tpu.memory_space<vmem>>, vector<1x16xi32>,
        %dma_start3A_275 = arith.constant 0 : i32
        %dma_start3A_276 = tpu.memref_slice %arg11[%rem3A_176, %dma_start3A_275] : memref<2x64xi32, #tpu.memory_space<vmem>> -> memref<1x64xi32, #tpu.memory_space<vmem>>
        %dma_start3A_277 = tpu.memref_squeeze %dma_start3A_276 : memref<1x64xi32, #tpu.memory_space<vmem>> -> memref<64xi32, #tpu.memory_space<vmem>>
        %dma_start3A_278 = arith.constant 0 : i32
        %dma_start3A_279 = arith.constant 0 : i32
        %dma_start3A_280 = tpu.memref_slice %arg2[%dma_start3A_278, %dma_start3A_279] : memref<10000x128xf32, #tpu.memory_space<hbm>> -> memref<10000x128xf32, #tpu.memory_space<hbm>>
        tpu.enqueue_indirect_dma source(%dma_start3A_280 : memref<10000x128xf32, #tpu.memory_space<hbm>>) target(%arg8 : memref<64x128xf32, #tpu.memory_space<vmem>>) offsets(%dma_start3A_277 : memref<64xi32, #tpu.memory_space<vmem>>) semaphore(%arg16 : memref<!tpu.dma_semaphore, #tpu.memory_space<semaphore_mem>>)
        %dma_start3A_281 = arith.constant 0 : i32
        %dma_start3A_282 = tpu.memref_slice %arg13[%rem3A_176, %dma_start3A_281] : memref<2x64xi32, #tpu.memory_space<vmem>> -> memref<1x64xi32, #tpu.memory_space<vmem>>
        %dma_start3A_283 = tpu.memref_squeeze %dma_start3A_282 : memref<1x64xi32, #tpu.memory_space<vmem>> -> memref<64xi32, #tpu.memory_space<vmem>>
        %dma_start3A_284 = arith.constant 0 : i32
        %dma_start3A_285 = arith.constant 0 : i32
        %dma_start3A_286 = tpu.memref_slice %arg3[%dma_start3A_284, %dma_start3A_285] : memref<10000x256xf32, #tpu.memory_space<hbm>> -> memref<10000x256xf32, #tpu.memory_space<hbm>>
        tpu.enqueue_indirect_dma source(%dma_start3A_286 : memref<10000x256xf32, #tpu.memory_space<hbm>>) target(%arg9 : memref<64x256xf32, #tpu.memory_space<vmem>>) offsets(%dma_start3A_283 : memref<64xi32, #tpu.memory_space<vmem>>) semaphore(%arg16 : memref<!tpu.dma_semaphore, #tpu.memory_space<semaphore_mem>>)
        %parallel_loop3A = arith.constant 0 : i32
        %parallel_loop3A_287 = arith.constant 64 : i32
        %parallel_loop3A_288 = arith.constant 1 : i32
        scf.for %parallel_loop3A_316 = %parallel_loop3A to %parallel_loop3A_287 step %parallel_loop3A_288  : i32 {
          %parallel_loop3A_317 = arith.index_cast %parallel_loop3A_316 : i32 to index
          %parallel_loop3A_318 = arith.constant 0 : index
          %parallel_loop3A_319 = tpu.vector_load %arg10[%parallel_loop3A_317, %parallel_loop3A_318] {strides = array<i32>} : memref<64x128xf32, #tpu.memory_space<vmem>>, vector<1x16xf32>,
          %parallel_loop3A_320 = vector.shape_cast %parallel_loop3A_319 : vector<1x16xf32> to vector<16xf32>
          %parallel_loop3A_321 = vector.shape_cast %broadcast_in_dim3A_1 : vector<16xf32> to vector<1x16xf32>
          tpu.vector_store %arg10[%parallel_loop3A_317, %parallel_loop3A_318], %parallel_loop3A_321 {strides = array<i32>} : memref<64x128xf32, #tpu.memory_space<vmem>>, vector<1x16xf32>,
          %parallel_loop3A_322 = arith.index_cast %parallel_loop3A_316 : i32 to index
          %parallel_loop3A_323 = arith.constant 16 : index
          %parallel_loop3A_324 = tpu.vector_load %arg10[%parallel_loop3A_322, %parallel_loop3A_323] {strides = array<i32>} : memref<64x128xf32, #tpu.memory_space<vmem>>, vector<1x16xf32>,
          %parallel_loop3A_325 = vector.shape_cast %parallel_loop3A_324 : vector<1x16xf32> to vector<16xf32>
          %parallel_loop3A_326 = vector.shape_cast %broadcast_in_dim3A_1 : vector<16xf32> to vector<1x16xf32>
          tpu.vector_store %arg10[%parallel_loop3A_322, %parallel_loop3A_323], %parallel_loop3A_326 {strides = array<i32>} : memref<64x128xf32, #tpu.memory_space<vmem>>, vector<1x16xf32>,
          %parallel_loop3A_327 = arith.index_cast %parallel_loop3A_316 : i32 to index
          %parallel_loop3A_328 = arith.constant 32 : index
          %parallel_loop3A_329 = tpu.vector_load %arg10[%parallel_loop3A_327, %parallel_loop3A_328] {strides = array<i32>} : memref<64x128xf32, #tpu.memory_space<vmem>>, vector<1x16xf32>,
          %parallel_loop3A_330 = vector.shape_cast %parallel_loop3A_329 : vector<1x16xf32> to vector<16xf32>
          %parallel_loop3A_331 = vector.shape_cast %broadcast_in_dim3A_1 : vector<16xf32> to vector<1x16xf32>
          tpu.vector_store %arg10[%parallel_loop3A_327, %parallel_loop3A_328], %parallel_loop3A_331 {strides = array<i32>} : memref<64x128xf32, #tpu.memory_space<vmem>>, vector<1x16xf32>,
          %parallel_loop3A_332 = arith.index_cast %parallel_loop3A_316 : i32 to index
          %parallel_loop3A_333 = arith.constant 48 : index
          %parallel_loop3A_334 = tpu.vector_load %arg10[%parallel_loop3A_332, %parallel_loop3A_333] {strides = array<i32>} : memref<64x128xf32, #tpu.memory_space<vmem>>, vector<1x16xf32>,
          %parallel_loop3A_335 = vector.shape_cast %parallel_loop3A_334 : vector<1x16xf32> to vector<16xf32>
          %parallel_loop3A_336 = vector.shape_cast %broadcast_in_dim3A_1 : vector<16xf32> to vector<1x16xf32>
          tpu.vector_store %arg10[%parallel_loop3A_332, %parallel_loop3A_333], %parallel_loop3A_336 {strides = array<i32>} : memref<64x128xf32, #tpu.memory_space<vmem>>, vector<1x16xf32>,
          %parallel_loop3A_337 = arith.index_cast %parallel_loop3A_316 : i32 to index
          %parallel_loop3A_338 = arith.constant 64 : index
          %parallel_loop3A_339 = tpu.vector_load %arg10[%parallel_loop3A_337, %parallel_loop3A_338] {strides = array<i32>} : memref<64x128xf32, #tpu.memory_space<vmem>>, vector<1x16xf32>,
          %parallel_loop3A_340 = vector.shape_cast %parallel_loop3A_339 : vector<1x16xf32> to vector<16xf32>
          %parallel_loop3A_341 = vector.shape_cast %broadcast_in_dim3A_1 : vector<16xf32> to vector<1x16xf32>
          tpu.vector_store %arg10[%parallel_loop3A_337, %parallel_loop3A_338], %parallel_loop3A_341 {strides = array<i32>} : memref<64x128xf32, #tpu.memory_space<vmem>>, vector<1x16xf32>,
          %parallel_loop3A_342 = arith.index_cast %parallel_loop3A_316 : i32 to index
          %parallel_loop3A_343 = arith.constant 80 : index
          %parallel_loop3A_344 = tpu.vector_load %arg10[%parallel_loop3A_342, %parallel_loop3A_343] {strides = array<i32>} : memref<64x128xf32, #tpu.memory_space<vmem>>, vector<1x16xf32>,
          %parallel_loop3A_345 = vector.shape_cast %parallel_loop3A_344 : vector<1x16xf32> to vector<16xf32>
          %parallel_loop3A_346 = vector.shape_cast %broadcast_in_dim3A_1 : vector<16xf32> to vector<1x16xf32>
          tpu.vector_store %arg10[%parallel_loop3A_342, %parallel_loop3A_343], %parallel_loop3A_346 {strides = array<i32>} : memref<64x128xf32, #tpu.memory_space<vmem>>, vector<1x16xf32>,
          %parallel_loop3A_347 = arith.index_cast %parallel_loop3A_316 : i32 to index
          %parallel_loop3A_348 = arith.constant 96 : index
          %parallel_loop3A_349 = tpu.vector_load %arg10[%parallel_loop3A_347, %parallel_loop3A_348] {strides = array<i32>} : memref<64x128xf32, #tpu.memory_space<vmem>>, vector<1x16xf32>,
          %parallel_loop3A_350 = vector.shape_cast %parallel_loop3A_349 : vector<1x16xf32> to vector<16xf32>
          %parallel_loop3A_351 = vector.shape_cast %broadcast_in_dim3A_1 : vector<16xf32> to vector<1x16xf32>
          tpu.vector_store %arg10[%parallel_loop3A_347, %parallel_loop3A_348], %parallel_loop3A_351 {strides = array<i32>} : memref<64x128xf32, #tpu.memory_space<vmem>>, vector<1x16xf32>,
          %parallel_loop3A_352 = arith.index_cast %parallel_loop3A_316 : i32 to index
          %parallel_loop3A_353 = arith.constant 112 : index
          %parallel_loop3A_354 = tpu.vector_load %arg10[%parallel_loop3A_352, %parallel_loop3A_353] {strides = array<i32>} : memref<64x128xf32, #tpu.memory_space<vmem>>, vector<1x16xf32>,
          %parallel_loop3A_355 = vector.shape_cast %parallel_loop3A_354 : vector<1x16xf32> to vector<16xf32>
          %parallel_loop3A_356 = vector.shape_cast %broadcast_in_dim3A_1 : vector<16xf32> to vector<1x16xf32>
          tpu.vector_store %arg10[%parallel_loop3A_352, %parallel_loop3A_353], %parallel_loop3A_356 {strides = array<i32>} : memref<64x128xf32, #tpu.memory_space<vmem>>, vector<1x16xf32>,
        } {sc.loop_unroll_factor = 4 : i64, sc.parallel_access}
        %dma_wait3A_289 = arith.constant 0 : i32
        %dma_wait3A_290 = tpu.memref_slice %arg11[%rem3A_176, %dma_wait3A_289] : memref<2x64xi32, #tpu.memory_space<vmem>> -> memref<1x64xi32, #tpu.memory_space<vmem>>
        %dma_wait3A_291 = tpu.memref_squeeze %dma_wait3A_290 : memref<1x64xi32, #tpu.memory_space<vmem>> -> memref<64xi32, #tpu.memory_space<vmem>>
        %dma_wait3A_292 = arith.constant 0 : i32
        %dma_wait3A_293 = arith.constant 0 : i32
        %dma_wait3A_294 = tpu.memref_slice %arg2[%dma_wait3A_292, %dma_wait3A_293] : memref<10000x128xf32, #tpu.memory_space<hbm>> -> memref<10000x128xf32, #tpu.memory_space<hbm>>
        tpu.wait_indirect_dma semaphore(%arg16 : memref<!tpu.dma_semaphore, #tpu.memory_space<semaphore_mem>>) src(%dma_wait3A_294 : memref<10000x128xf32, #tpu.memory_space<hbm>>) dst(%arg8 : memref<64x128xf32, #tpu.memory_space<vmem>>)
        %dma_wait3A_295 = arith.constant 0 : i32
        %dma_wait3A_296 = tpu.memref_slice %arg13[%rem3A_176, %dma_wait3A_295] : memref<2x64xi32, #tpu.memory_space<vmem>> -> memref<1x64xi32, #tpu.memory_space<vmem>>
        %dma_wait3A_297 = tpu.memref_squeeze %dma_wait3A_296 : memref<1x64xi32, #tpu.memory_space<vmem>> -> memref<64xi32, #tpu.memory_space<vmem>>
        %dma_wait3A_298 = arith.constant 0 : i32
        %dma_wait3A_299 = arith.constant 0 : i32
        %dma_wait3A_300 = tpu.memref_slice %arg3[%dma_wait3A_298, %dma_wait3A_299] : memref<10000x256xf32, #tpu.memory_space<hbm>> -> memref<10000x256xf32, #tpu.memory_space<hbm>>
        tpu.wait_indirect_dma semaphore(%arg16 : memref<!tpu.dma_semaphore, #tpu.memory_space<semaphore_mem>>) src(%dma_wait3A_300 : memref<10000x256xf32, #tpu.memory_space<hbm>>) dst(%arg9 : memref<64x256xf32, #tpu.memory_space<vmem>>)
        %parallel_loop3A_301 = arith.constant 0 : i32
        %parallel_loop3A_302 = arith.constant 64 : i32
        %parallel_loop3A_303 = arith.constant 1 : i32
        scf.for %parallel_loop3A_316 = %parallel_loop3A_301 to %parallel_loop3A_302 step %parallel_loop3A_303  : i32 {
          %parallel_loop3A_317 = arith.constant 0.000000e+00 : f32
          %parallel_loop3A_318 = vector.broadcast %parallel_loop3A_317 : f32 to vector<16xf32>
          %parallel_loop3A_319 = arith.index_cast %parallel_loop3A_316 : i32 to index
          %parallel_loop3A_320 = arith.constant 0 : index
          %parallel_loop3A_321 = tpu.vector_load %arg8[%parallel_loop3A_319, %parallel_loop3A_320] {strides = array<i32>} : memref<64x128xf32, #tpu.memory_space<vmem>>, vector<1x16xf32>,
          %parallel_loop3A_322 = vector.shape_cast %parallel_loop3A_321 : vector<1x16xf32> to vector<16xf32>
          %parallel_loop3A_323 = arith.index_cast %parallel_loop3A_316 : i32 to index
          %parallel_loop3A_324 = arith.constant 0 : index
          %parallel_loop3A_325 = tpu.vector_load %arg9[%parallel_loop3A_323, %parallel_loop3A_324] {strides = array<i32>} : memref<64x256xf32, #tpu.memory_space<vmem>>, vector<1x16xf32>,
          %parallel_loop3A_326 = vector.shape_cast %parallel_loop3A_325 : vector<1x16xf32> to vector<16xf32>
          %parallel_loop3A_327 = arith.mulf %parallel_loop3A_322, %parallel_loop3A_326 : vector<16xf32>
          %parallel_loop3A_328 = vector.shape_cast %xor3A_106 : vector<16xi32> to vector<16x1xi32>
          %parallel_loop3A_329 = vector.shape_cast %parallel_loop3A_328 : vector<16x1xi32> to vector<16xi32>
          %parallel_loop3A_330 = tpu.dynamic_gather %parallel_loop3A_327[%parallel_loop3A_329] in [0] : vector<16xf32>, vector<16xi32> -> vector<16xf32>
          %parallel_loop3A_331 = arith.addf %parallel_loop3A_327, %parallel_loop3A_330 : vector<16xf32>
          %parallel_loop3A_332 = vector.shape_cast %xor3A_109 : vector<16xi32> to vector<16x1xi32>
          %parallel_loop3A_333 = vector.shape_cast %parallel_loop3A_332 : vector<16x1xi32> to vector<16xi32>
          %parallel_loop3A_334 = tpu.dynamic_gather %parallel_loop3A_331[%parallel_loop3A_333] in [0] : vector<16xf32>, vector<16xi32> -> vector<16xf32>
          %parallel_loop3A_335 = arith.addf %parallel_loop3A_331, %parallel_loop3A_334 : vector<16xf32>
          %parallel_loop3A_336 = vector.shape_cast %xor3A_112 : vector<16xi32> to vector<16x1xi32>
          %parallel_loop3A_337 = vector.shape_cast %parallel_loop3A_336 : vector<16x1xi32> to vector<16xi32>
          %parallel_loop3A_338 = tpu.dynamic_gather %parallel_loop3A_335[%parallel_loop3A_337] in [0] : vector<16xf32>, vector<16xi32> -> vector<16xf32>
          %parallel_loop3A_339 = arith.addf %parallel_loop3A_335, %parallel_loop3A_338 : vector<16xf32>
          %parallel_loop3A_340 = vector.shape_cast %xor3A_115 : vector<16xi32> to vector<16x1xi32>
          %parallel_loop3A_341 = vector.shape_cast %parallel_loop3A_340 : vector<16x1xi32> to vector<16xi32>
          %parallel_loop3A_342 = tpu.dynamic_gather %parallel_loop3A_339[%parallel_loop3A_341] in [0] : vector<16xf32>, vector<16xi32> -> vector<16xf32>
          %parallel_loop3A_343 = arith.addf %parallel_loop3A_339, %parallel_loop3A_342 : vector<16xf32>
          %parallel_loop3A_344 = math.exp %parallel_loop3A_343 : vector<16xf32>
          %parallel_loop3A_345 = arith.index_cast %parallel_loop3A_316 : i32 to index
          %parallel_loop3A_346 = arith.constant 128 : index
          %parallel_loop3A_347 = tpu.vector_load %arg9[%parallel_loop3A_345, %parallel_loop3A_346] {strides = array<i32>} : memref<64x256xf32, #tpu.memory_space<vmem>>, vector<1x16xf32>,
          %parallel_loop3A_348 = vector.shape_cast %parallel_loop3A_347 : vector<1x16xf32> to vector<16xf32>
          %parallel_loop3A_349 = arith.mulf %parallel_loop3A_344, %parallel_loop3A_348 : vector<16xf32>
          %parallel_loop3A_350 = arith.index_cast %parallel_loop3A_316 : i32 to index
          %parallel_loop3A_351 = arith.constant 0 : index
          %parallel_loop3A_352 = tpu.vector_load %arg8[%parallel_loop3A_350, %parallel_loop3A_351] {strides = array<i32>} : memref<64x128xf32, #tpu.memory_space<vmem>>, vector<1x16xf32>,
          %parallel_loop3A_353 = vector.shape_cast %parallel_loop3A_352 : vector<1x16xf32> to vector<16xf32>
          %parallel_loop3A_354 = vector.shape_cast %parallel_loop3A_349 : vector<16xf32> to vector<1x16xf32>
          tpu.vector_store %arg8[%parallel_loop3A_350, %parallel_loop3A_351], %parallel_loop3A_354 {strides = array<i32>} : memref<64x128xf32, #tpu.memory_space<vmem>>, vector<1x16xf32>,
          %parallel_loop3A_355 = arith.mulf %parallel_loop3A_344, %select_n3A : vector<16xf32>
          %parallel_loop3A_356 = arith.addf %parallel_loop3A_318, %parallel_loop3A_355 : vector<16xf32>
          %parallel_loop3A_357 = arith.index_cast %parallel_loop3A_316 : i32 to index
          %parallel_loop3A_358 = arith.constant 16 : index
          %parallel_loop3A_359 = tpu.vector_load %arg8[%parallel_loop3A_357, %parallel_loop3A_358] {strides = array<i32>} : memref<64x128xf32, #tpu.memory_space<vmem>>, vector<1x16xf32>,
          %parallel_loop3A_360 = vector.shape_cast %parallel_loop3A_359 : vector<1x16xf32> to vector<16xf32>
          %parallel_loop3A_361 = arith.index_cast %parallel_loop3A_316 : i32 to index
          %parallel_loop3A_362 = arith.constant 16 : index
          %parallel_loop3A_363 = tpu.vector_load %arg9[%parallel_loop3A_361, %parallel_loop3A_362] {strides = array<i32>} : memref<64x256xf32, #tpu.memory_space<vmem>>, vector<1x16xf32>,
          %parallel_loop3A_364 = vector.shape_cast %parallel_loop3A_363 : vector<1x16xf32> to vector<16xf32>
          %parallel_loop3A_365 = arith.mulf %parallel_loop3A_360, %parallel_loop3A_364 : vector<16xf32>
          %parallel_loop3A_366 = vector.shape_cast %xor3A_106 : vector<16xi32> to vector<16x1xi32>
          %parallel_loop3A_367 = vector.shape_cast %parallel_loop3A_366 : vector<16x1xi32> to vector<16xi32>
          %parallel_loop3A_368 = tpu.dynamic_gather %parallel_loop3A_365[%parallel_loop3A_367] in [0] : vector<16xf32>, vector<16xi32> -> vector<16xf32>
          %parallel_loop3A_369 = arith.addf %parallel_loop3A_365, %parallel_loop3A_368 : vector<16xf32>
          %parallel_loop3A_370 = vector.shape_cast %xor3A_109 : vector<16xi32> to vector<16x1xi32>
          %parallel_loop3A_371 = vector.shape_cast %parallel_loop3A_370 : vector<16x1xi32> to vector<16xi32>
          %parallel_loop3A_372 = tpu.dynamic_gather %parallel_loop3A_369[%parallel_loop3A_371] in [0] : vector<16xf32>, vector<16xi32> -> vector<16xf32>
          %parallel_loop3A_373 = arith.addf %parallel_loop3A_369, %parallel_loop3A_372 : vector<16xf32>
          %parallel_loop3A_374 = vector.shape_cast %xor3A_112 : vector<16xi32> to vector<16x1xi32>
          %parallel_loop3A_375 = vector.shape_cast %parallel_loop3A_374 : vector<16x1xi32> to vector<16xi32>
          %parallel_loop3A_376 = tpu.dynamic_gather %parallel_loop3A_373[%parallel_loop3A_375] in [0] : vector<16xf32>, vector<16xi32> -> vector<16xf32>
          %parallel_loop3A_377 = arith.addf %parallel_loop3A_373, %parallel_loop3A_376 : vector<16xf32>
          %parallel_loop3A_378 = vector.shape_cast %xor3A_115 : vector<16xi32> to vector<16x1xi32>
          %parallel_loop3A_379 = vector.shape_cast %parallel_loop3A_378 : vector<16x1xi32> to vector<16xi32>
          %parallel_loop3A_380 = tpu.dynamic_gather %parallel_loop3A_377[%parallel_loop3A_379] in [0] : vector<16xf32>, vector<16xi32> -> vector<16xf32>
          %parallel_loop3A_381 = arith.addf %parallel_loop3A_377, %parallel_loop3A_380 : vector<16xf32>
          %parallel_loop3A_382 = math.exp %parallel_loop3A_381 : vector<16xf32>
          %parallel_loop3A_383 = arith.index_cast %parallel_loop3A_316 : i32 to index
          %parallel_loop3A_384 = arith.constant 144 : index
          %parallel_loop3A_385 = tpu.vector_load %arg9[%parallel_loop3A_383, %parallel_loop3A_384] {strides = array<i32>} : memref<64x256xf32, #tpu.memory_space<vmem>>, vector<1x16xf32>,
          %parallel_loop3A_386 = vector.shape_cast %parallel_loop3A_385 : vector<1x16xf32> to vector<16xf32>
          %parallel_loop3A_387 = arith.mulf %parallel_loop3A_382, %parallel_loop3A_386 : vector<16xf32>
          %parallel_loop3A_388 = arith.index_cast %parallel_loop3A_316 : i32 to index
          %parallel_loop3A_389 = arith.constant 16 : index
          %parallel_loop3A_390 = tpu.vector_load %arg8[%parallel_loop3A_388, %parallel_loop3A_389] {strides = array<i32>} : memref<64x128xf32, #tpu.memory_space<vmem>>, vector<1x16xf32>,
          %parallel_loop3A_391 = vector.shape_cast %parallel_loop3A_390 : vector<1x16xf32> to vector<16xf32>
          %parallel_loop3A_392 = vector.shape_cast %parallel_loop3A_387 : vector<16xf32> to vector<1x16xf32>
          tpu.vector_store %arg8[%parallel_loop3A_388, %parallel_loop3A_389], %parallel_loop3A_392 {strides = array<i32>} : memref<64x128xf32, #tpu.memory_space<vmem>>, vector<1x16xf32>,
          %parallel_loop3A_393 = arith.mulf %parallel_loop3A_382, %select_n3A_56 : vector<16xf32>
          %parallel_loop3A_394 = arith.addf %parallel_loop3A_356, %parallel_loop3A_393 : vector<16xf32>
          %parallel_loop3A_395 = arith.index_cast %parallel_loop3A_316 : i32 to index
          %parallel_loop3A_396 = arith.constant 32 : index
          %parallel_loop3A_397 = tpu.vector_load %arg8[%parallel_loop3A_395, %parallel_loop3A_396] {strides = array<i32>} : memref<64x128xf32, #tpu.memory_space<vmem>>, vector<1x16xf32>,
          %parallel_loop3A_398 = vector.shape_cast %parallel_loop3A_397 : vector<1x16xf32> to vector<16xf32>
          %parallel_loop3A_399 = arith.index_cast %parallel_loop3A_316 : i32 to index
          %parallel_loop3A_400 = arith.constant 32 : index
          %parallel_loop3A_401 = tpu.vector_load %arg9[%parallel_loop3A_399, %parallel_loop3A_400] {strides = array<i32>} : memref<64x256xf32, #tpu.memory_space<vmem>>, vector<1x16xf32>,
          %parallel_loop3A_402 = vector.shape_cast %parallel_loop3A_401 : vector<1x16xf32> to vector<16xf32>
          %parallel_loop3A_403 = arith.mulf %parallel_loop3A_398, %parallel_loop3A_402 : vector<16xf32>
          %parallel_loop3A_404 = vector.shape_cast %xor3A_106 : vector<16xi32> to vector<16x1xi32>
          %parallel_loop3A_405 = vector.shape_cast %parallel_loop3A_404 : vector<16x1xi32> to vector<16xi32>
          %parallel_loop3A_406 = tpu.dynamic_gather %parallel_loop3A_403[%parallel_loop3A_405] in [0] : vector<16xf32>, vector<16xi32> -> vector<16xf32>
          %parallel_loop3A_407 = arith.addf %parallel_loop3A_403, %parallel_loop3A_406 : vector<16xf32>
          %parallel_loop3A_408 = vector.shape_cast %xor3A_109 : vector<16xi32> to vector<16x1xi32>
          %parallel_loop3A_409 = vector.shape_cast %parallel_loop3A_408 : vector<16x1xi32> to vector<16xi32>
          %parallel_loop3A_410 = tpu.dynamic_gather %parallel_loop3A_407[%parallel_loop3A_409] in [0] : vector<16xf32>, vector<16xi32> -> vector<16xf32>
          %parallel_loop3A_411 = arith.addf %parallel_loop3A_407, %parallel_loop3A_410 : vector<16xf32>
          %parallel_loop3A_412 = vector.shape_cast %xor3A_112 : vector<16xi32> to vector<16x1xi32>
          %parallel_loop3A_413 = vector.shape_cast %parallel_loop3A_412 : vector<16x1xi32> to vector<16xi32>
          %parallel_loop3A_414 = tpu.dynamic_gather %parallel_loop3A_411[%parallel_loop3A_413] in [0] : vector<16xf32>, vector<16xi32> -> vector<16xf32>
          %parallel_loop3A_415 = arith.addf %parallel_loop3A_411, %parallel_loop3A_414 : vector<16xf32>
          %parallel_loop3A_416 = vector.shape_cast %xor3A_115 : vector<16xi32> to vector<16x1xi32>
          %parallel_loop3A_417 = vector.shape_cast %parallel_loop3A_416 : vector<16x1xi32> to vector<16xi32>
          %parallel_loop3A_418 = tpu.dynamic_gather %parallel_loop3A_415[%parallel_loop3A_417] in [0] : vector<16xf32>, vector<16xi32> -> vector<16xf32>
          %parallel_loop3A_419 = arith.addf %parallel_loop3A_415, %parallel_loop3A_418 : vector<16xf32>
          %parallel_loop3A_420 = math.exp %parallel_loop3A_419 : vector<16xf32>
          %parallel_loop3A_421 = arith.index_cast %parallel_loop3A_316 : i32 to index
          %parallel_loop3A_422 = arith.constant 160 : index
          %parallel_loop3A_423 = tpu.vector_load %arg9[%parallel_loop3A_421, %parallel_loop3A_422] {strides = array<i32>} : memref<64x256xf32, #tpu.memory_space<vmem>>, vector<1x16xf32>,
          %parallel_loop3A_424 = vector.shape_cast %parallel_loop3A_423 : vector<1x16xf32> to vector<16xf32>
          %parallel_loop3A_425 = arith.mulf %parallel_loop3A_420, %parallel_loop3A_424 : vector<16xf32>
          %parallel_loop3A_426 = arith.index_cast %parallel_loop3A_316 : i32 to index
          %parallel_loop3A_427 = arith.constant 32 : index
          %parallel_loop3A_428 = tpu.vector_load %arg8[%parallel_loop3A_426, %parallel_loop3A_427] {strides = array<i32>} : memref<64x128xf32, #tpu.memory_space<vmem>>, vector<1x16xf32>,
          %parallel_loop3A_429 = vector.shape_cast %parallel_loop3A_428 : vector<1x16xf32> to vector<16xf32>
          %parallel_loop3A_430 = vector.shape_cast %parallel_loop3A_425 : vector<16xf32> to vector<1x16xf32>
          tpu.vector_store %arg8[%parallel_loop3A_426, %parallel_loop3A_427], %parallel_loop3A_430 {strides = array<i32>} : memref<64x128xf32, #tpu.memory_space<vmem>>, vector<1x16xf32>,
          %parallel_loop3A_431 = arith.mulf %parallel_loop3A_420, %select_n3A_64 : vector<16xf32>
          %parallel_loop3A_432 = arith.addf %parallel_loop3A_394, %parallel_loop3A_431 : vector<16xf32>
          %parallel_loop3A_433 = arith.index_cast %parallel_loop3A_316 : i32 to index
          %parallel_loop3A_434 = arith.constant 48 : index
          %parallel_loop3A_435 = tpu.vector_load %arg8[%parallel_loop3A_433, %parallel_loop3A_434] {strides = array<i32>} : memref<64x128xf32, #tpu.memory_space<vmem>>, vector<1x16xf32>,
          %parallel_loop3A_436 = vector.shape_cast %parallel_loop3A_435 : vector<1x16xf32> to vector<16xf32>
          %parallel_loop3A_437 = arith.index_cast %parallel_loop3A_316 : i32 to index
          %parallel_loop3A_438 = arith.constant 48 : index
          %parallel_loop3A_439 = tpu.vector_load %arg9[%parallel_loop3A_437, %parallel_loop3A_438] {strides = array<i32>} : memref<64x256xf32, #tpu.memory_space<vmem>>, vector<1x16xf32>,
          %parallel_loop3A_440 = vector.shape_cast %parallel_loop3A_439 : vector<1x16xf32> to vector<16xf32>
          %parallel_loop3A_441 = arith.mulf %parallel_loop3A_436, %parallel_loop3A_440 : vector<16xf32>
          %parallel_loop3A_442 = vector.shape_cast %xor3A_106 : vector<16xi32> to vector<16x1xi32>
          %parallel_loop3A_443 = vector.shape_cast %parallel_loop3A_442 : vector<16x1xi32> to vector<16xi32>
          %parallel_loop3A_444 = tpu.dynamic_gather %parallel_loop3A_441[%parallel_loop3A_443] in [0] : vector<16xf32>, vector<16xi32> -> vector<16xf32>
          %parallel_loop3A_445 = arith.addf %parallel_loop3A_441, %parallel_loop3A_444 : vector<16xf32>
          %parallel_loop3A_446 = vector.shape_cast %xor3A_109 : vector<16xi32> to vector<16x1xi32>
          %parallel_loop3A_447 = vector.shape_cast %parallel_loop3A_446 : vector<16x1xi32> to vector<16xi32>
          %parallel_loop3A_448 = tpu.dynamic_gather %parallel_loop3A_445[%parallel_loop3A_447] in [0] : vector<16xf32>, vector<16xi32> -> vector<16xf32>
          %parallel_loop3A_449 = arith.addf %parallel_loop3A_445, %parallel_loop3A_448 : vector<16xf32>
          %parallel_loop3A_450 = vector.shape_cast %xor3A_112 : vector<16xi32> to vector<16x1xi32>
          %parallel_loop3A_451 = vector.shape_cast %parallel_loop3A_450 : vector<16x1xi32> to vector<16xi32>
          %parallel_loop3A_452 = tpu.dynamic_gather %parallel_loop3A_449[%parallel_loop3A_451] in [0] : vector<16xf32>, vector<16xi32> -> vector<16xf32>
          %parallel_loop3A_453 = arith.addf %parallel_loop3A_449, %parallel_loop3A_452 : vector<16xf32>
          %parallel_loop3A_454 = vector.shape_cast %xor3A_115 : vector<16xi32> to vector<16x1xi32>
          %parallel_loop3A_455 = vector.shape_cast %parallel_loop3A_454 : vector<16x1xi32> to vector<16xi32>
          %parallel_loop3A_456 = tpu.dynamic_gather %parallel_loop3A_453[%parallel_loop3A_455] in [0] : vector<16xf32>, vector<16xi32> -> vector<16xf32>
          %parallel_loop3A_457 = arith.addf %parallel_loop3A_453, %parallel_loop3A_456 : vector<16xf32>
          %parallel_loop3A_458 = math.exp %parallel_loop3A_457 : vector<16xf32>
          %parallel_loop3A_459 = arith.index_cast %parallel_loop3A_316 : i32 to index
          %parallel_loop3A_460 = arith.constant 176 : index
          %parallel_loop3A_461 = tpu.vector_load %arg9[%parallel_loop3A_459, %parallel_loop3A_460] {strides = array<i32>} : memref<64x256xf32, #tpu.memory_space<vmem>>, vector<1x16xf32>,
          %parallel_loop3A_462 = vector.shape_cast %parallel_loop3A_461 : vector<1x16xf32> to vector<16xf32>
          %parallel_loop3A_463 = arith.mulf %parallel_loop3A_458, %parallel_loop3A_462 : vector<16xf32>
          %parallel_loop3A_464 = arith.index_cast %parallel_loop3A_316 : i32 to index
          %parallel_loop3A_465 = arith.constant 48 : index
          %parallel_loop3A_466 = tpu.vector_load %arg8[%parallel_loop3A_464, %parallel_loop3A_465] {strides = array<i32>} : memref<64x128xf32, #tpu.memory_space<vmem>>, vector<1x16xf32>,
          %parallel_loop3A_467 = vector.shape_cast %parallel_loop3A_466 : vector<1x16xf32> to vector<16xf32>
          %parallel_loop3A_468 = vector.shape_cast %parallel_loop3A_463 : vector<16xf32> to vector<1x16xf32>
          tpu.vector_store %arg8[%parallel_loop3A_464, %parallel_loop3A_465], %parallel_loop3A_468 {strides = array<i32>} : memref<64x128xf32, #tpu.memory_space<vmem>>, vector<1x16xf32>,
          %parallel_loop3A_469 = arith.mulf %parallel_loop3A_458, %select_n3A_72 : vector<16xf32>
          %parallel_loop3A_470 = arith.addf %parallel_loop3A_432, %parallel_loop3A_469 : vector<16xf32>
          %parallel_loop3A_471 = arith.index_cast %parallel_loop3A_316 : i32 to index
          %parallel_loop3A_472 = arith.constant 64 : index
          %parallel_loop3A_473 = tpu.vector_load %arg8[%parallel_loop3A_471, %parallel_loop3A_472] {strides = array<i32>} : memref<64x128xf32, #tpu.memory_space<vmem>>, vector<1x16xf32>,
          %parallel_loop3A_474 = vector.shape_cast %parallel_loop3A_473 : vector<1x16xf32> to vector<16xf32>
          %parallel_loop3A_475 = arith.index_cast %parallel_loop3A_316 : i32 to index
          %parallel_loop3A_476 = arith.constant 64 : index
          %parallel_loop3A_477 = tpu.vector_load %arg9[%parallel_loop3A_475, %parallel_loop3A_476] {strides = array<i32>} : memref<64x256xf32, #tpu.memory_space<vmem>>, vector<1x16xf32>,
          %parallel_loop3A_478 = vector.shape_cast %parallel_loop3A_477 : vector<1x16xf32> to vector<16xf32>
          %parallel_loop3A_479 = arith.mulf %parallel_loop3A_474, %parallel_loop3A_478 : vector<16xf32>
          %parallel_loop3A_480 = vector.shape_cast %xor3A_106 : vector<16xi32> to vector<16x1xi32>
          %parallel_loop3A_481 = vector.shape_cast %parallel_loop3A_480 : vector<16x1xi32> to vector<16xi32>
          %parallel_loop3A_482 = tpu.dynamic_gather %parallel_loop3A_479[%parallel_loop3A_481] in [0] : vector<16xf32>, vector<16xi32> -> vector<16xf32>
          %parallel_loop3A_483 = arith.addf %parallel_loop3A_479, %parallel_loop3A_482 : vector<16xf32>
          %parallel_loop3A_484 = vector.shape_cast %xor3A_109 : vector<16xi32> to vector<16x1xi32>
          %parallel_loop3A_485 = vector.shape_cast %parallel_loop3A_484 : vector<16x1xi32> to vector<16xi32>
          %parallel_loop3A_486 = tpu.dynamic_gather %parallel_loop3A_483[%parallel_loop3A_485] in [0] : vector<16xf32>, vector<16xi32> -> vector<16xf32>
          %parallel_loop3A_487 = arith.addf %parallel_loop3A_483, %parallel_loop3A_486 : vector<16xf32>
          %parallel_loop3A_488 = vector.shape_cast %xor3A_112 : vector<16xi32> to vector<16x1xi32>
          %parallel_loop3A_489 = vector.shape_cast %parallel_loop3A_488 : vector<16x1xi32> to vector<16xi32>
          %parallel_loop3A_490 = tpu.dynamic_gather %parallel_loop3A_487[%parallel_loop3A_489] in [0] : vector<16xf32>, vector<16xi32> -> vector<16xf32>
          %parallel_loop3A_491 = arith.addf %parallel_loop3A_487, %parallel_loop3A_490 : vector<16xf32>
          %parallel_loop3A_492 = vector.shape_cast %xor3A_115 : vector<16xi32> to vector<16x1xi32>
          %parallel_loop3A_493 = vector.shape_cast %parallel_loop3A_492 : vector<16x1xi32> to vector<16xi32>
          %parallel_loop3A_494 = tpu.dynamic_gather %parallel_loop3A_491[%parallel_loop3A_493] in [0] : vector<16xf32>, vector<16xi32> -> vector<16xf32>
          %parallel_loop3A_495 = arith.addf %parallel_loop3A_491, %parallel_loop3A_494 : vector<16xf32>
          %parallel_loop3A_496 = math.exp %parallel_loop3A_495 : vector<16xf32>
          %parallel_loop3A_497 = arith.index_cast %parallel_loop3A_316 : i32 to index
          %parallel_loop3A_498 = arith.constant 192 : index
          %parallel_loop3A_499 = tpu.vector_load %arg9[%parallel_loop3A_497, %parallel_loop3A_498] {strides = array<i32>} : memref<64x256xf32, #tpu.memory_space<vmem>>, vector<1x16xf32>,
          %parallel_loop3A_500 = vector.shape_cast %parallel_loop3A_499 : vector<1x16xf32> to vector<16xf32>
          %parallel_loop3A_501 = arith.mulf %parallel_loop3A_496, %parallel_loop3A_500 : vector<16xf32>
          %parallel_loop3A_502 = arith.index_cast %parallel_loop3A_316 : i32 to index
          %parallel_loop3A_503 = arith.constant 64 : index
          %parallel_loop3A_504 = tpu.vector_load %arg8[%parallel_loop3A_502, %parallel_loop3A_503] {strides = array<i32>} : memref<64x128xf32, #tpu.memory_space<vmem>>, vector<1x16xf32>,
          %parallel_loop3A_505 = vector.shape_cast %parallel_loop3A_504 : vector<1x16xf32> to vector<16xf32>
          %parallel_loop3A_506 = vector.shape_cast %parallel_loop3A_501 : vector<16xf32> to vector<1x16xf32>
          tpu.vector_store %arg8[%parallel_loop3A_502, %parallel_loop3A_503], %parallel_loop3A_506 {strides = array<i32>} : memref<64x128xf32, #tpu.memory_space<vmem>>, vector<1x16xf32>,
          %parallel_loop3A_507 = arith.mulf %parallel_loop3A_496, %select_n3A_80 : vector<16xf32>
          %parallel_loop3A_508 = arith.addf %parallel_loop3A_470, %parallel_loop3A_507 : vector<16xf32>
          %parallel_loop3A_509 = arith.index_cast %parallel_loop3A_316 : i32 to index
          %parallel_loop3A_510 = arith.constant 80 : index
          %parallel_loop3A_511 = tpu.vector_load %arg8[%parallel_loop3A_509, %parallel_loop3A_510] {strides = array<i32>} : memref<64x128xf32, #tpu.memory_space<vmem>>, vector<1x16xf32>,
          %parallel_loop3A_512 = vector.shape_cast %parallel_loop3A_511 : vector<1x16xf32> to vector<16xf32>
          %parallel_loop3A_513 = arith.index_cast %parallel_loop3A_316 : i32 to index
          %parallel_loop3A_514 = arith.constant 80 : index
          %parallel_loop3A_515 = tpu.vector_load %arg9[%parallel_loop3A_513, %parallel_loop3A_514] {strides = array<i32>} : memref<64x256xf32, #tpu.memory_space<vmem>>, vector<1x16xf32>,
          %parallel_loop3A_516 = vector.shape_cast %parallel_loop3A_515 : vector<1x16xf32> to vector<16xf32>
          %parallel_loop3A_517 = arith.mulf %parallel_loop3A_512, %parallel_loop3A_516 : vector<16xf32>
          %parallel_loop3A_518 = vector.shape_cast %xor3A_106 : vector<16xi32> to vector<16x1xi32>
          %parallel_loop3A_519 = vector.shape_cast %parallel_loop3A_518 : vector<16x1xi32> to vector<16xi32>
          %parallel_loop3A_520 = tpu.dynamic_gather %parallel_loop3A_517[%parallel_loop3A_519] in [0] : vector<16xf32>, vector<16xi32> -> vector<16xf32>
          %parallel_loop3A_521 = arith.addf %parallel_loop3A_517, %parallel_loop3A_520 : vector<16xf32>
          %parallel_loop3A_522 = vector.shape_cast %xor3A_109 : vector<16xi32> to vector<16x1xi32>
          %parallel_loop3A_523 = vector.shape_cast %parallel_loop3A_522 : vector<16x1xi32> to vector<16xi32>
          %parallel_loop3A_524 = tpu.dynamic_gather %parallel_loop3A_521[%parallel_loop3A_523] in [0] : vector<16xf32>, vector<16xi32> -> vector<16xf32>
          %parallel_loop3A_525 = arith.addf %parallel_loop3A_521, %parallel_loop3A_524 : vector<16xf32>
          %parallel_loop3A_526 = vector.shape_cast %xor3A_112 : vector<16xi32> to vector<16x1xi32>
          %parallel_loop3A_527 = vector.shape_cast %parallel_loop3A_526 : vector<16x1xi32> to vector<16xi32>
          %parallel_loop3A_528 = tpu.dynamic_gather %parallel_loop3A_525[%parallel_loop3A_527] in [0] : vector<16xf32>, vector<16xi32> -> vector<16xf32>
          %parallel_loop3A_529 = arith.addf %parallel_loop3A_525, %parallel_loop3A_528 : vector<16xf32>
          %parallel_loop3A_530 = vector.shape_cast %xor3A_115 : vector<16xi32> to vector<16x1xi32>
          %parallel_loop3A_531 = vector.shape_cast %parallel_loop3A_530 : vector<16x1xi32> to vector<16xi32>
          %parallel_loop3A_532 = tpu.dynamic_gather %parallel_loop3A_529[%parallel_loop3A_531] in [0] : vector<16xf32>, vector<16xi32> -> vector<16xf32>
          %parallel_loop3A_533 = arith.addf %parallel_loop3A_529, %parallel_loop3A_532 : vector<16xf32>
          %parallel_loop3A_534 = math.exp %parallel_loop3A_533 : vector<16xf32>
          %parallel_loop3A_535 = arith.index_cast %parallel_loop3A_316 : i32 to index
          %parallel_loop3A_536 = arith.constant 208 : index
          %parallel_loop3A_537 = tpu.vector_load %arg9[%parallel_loop3A_535, %parallel_loop3A_536] {strides = array<i32>} : memref<64x256xf32, #tpu.memory_space<vmem>>, vector<1x16xf32>,
          %parallel_loop3A_538 = vector.shape_cast %parallel_loop3A_537 : vector<1x16xf32> to vector<16xf32>
          %parallel_loop3A_539 = arith.mulf %parallel_loop3A_534, %parallel_loop3A_538 : vector<16xf32>
          %parallel_loop3A_540 = arith.index_cast %parallel_loop3A_316 : i32 to index
          %parallel_loop3A_541 = arith.constant 80 : index
          %parallel_loop3A_542 = tpu.vector_load %arg8[%parallel_loop3A_540, %parallel_loop3A_541] {strides = array<i32>} : memref<64x128xf32, #tpu.memory_space<vmem>>, vector<1x16xf32>,
          %parallel_loop3A_543 = vector.shape_cast %parallel_loop3A_542 : vector<1x16xf32> to vector<16xf32>
          %parallel_loop3A_544 = vector.shape_cast %parallel_loop3A_539 : vector<16xf32> to vector<1x16xf32>
          tpu.vector_store %arg8[%parallel_loop3A_540, %parallel_loop3A_541], %parallel_loop3A_544 {strides = array<i32>} : memref<64x128xf32, #tpu.memory_space<vmem>>, vector<1x16xf32>,
          %parallel_loop3A_545 = arith.mulf %parallel_loop3A_534, %select_n3A_88 : vector<16xf32>
          %parallel_loop3A_546 = arith.addf %parallel_loop3A_508, %parallel_loop3A_545 : vector<16xf32>
          %parallel_loop3A_547 = arith.index_cast %parallel_loop3A_316 : i32 to index
          %parallel_loop3A_548 = arith.constant 96 : index
          %parallel_loop3A_549 = tpu.vector_load %arg8[%parallel_loop3A_547, %parallel_loop3A_548] {strides = array<i32>} : memref<64x128xf32, #tpu.memory_space<vmem>>, vector<1x16xf32>,
          %parallel_loop3A_550 = vector.shape_cast %parallel_loop3A_549 : vector<1x16xf32> to vector<16xf32>
          %parallel_loop3A_551 = arith.index_cast %parallel_loop3A_316 : i32 to index
          %parallel_loop3A_552 = arith.constant 96 : index
          %parallel_loop3A_553 = tpu.vector_load %arg9[%parallel_loop3A_551, %parallel_loop3A_552] {strides = array<i32>} : memref<64x256xf32, #tpu.memory_space<vmem>>, vector<1x16xf32>,
          %parallel_loop3A_554 = vector.shape_cast %parallel_loop3A_553 : vector<1x16xf32> to vector<16xf32>
          %parallel_loop3A_555 = arith.mulf %parallel_loop3A_550, %parallel_loop3A_554 : vector<16xf32>
          %parallel_loop3A_556 = vector.shape_cast %xor3A_106 : vector<16xi32> to vector<16x1xi32>
          %parallel_loop3A_557 = vector.shape_cast %parallel_loop3A_556 : vector<16x1xi32> to vector<16xi32>
          %parallel_loop3A_558 = tpu.dynamic_gather %parallel_loop3A_555[%parallel_loop3A_557] in [0] : vector<16xf32>, vector<16xi32> -> vector<16xf32>
          %parallel_loop3A_559 = arith.addf %parallel_loop3A_555, %parallel_loop3A_558 : vector<16xf32>
          %parallel_loop3A_560 = vector.shape_cast %xor3A_109 : vector<16xi32> to vector<16x1xi32>
          %parallel_loop3A_561 = vector.shape_cast %parallel_loop3A_560 : vector<16x1xi32> to vector<16xi32>
          %parallel_loop3A_562 = tpu.dynamic_gather %parallel_loop3A_559[%parallel_loop3A_561] in [0] : vector<16xf32>, vector<16xi32> -> vector<16xf32>
          %parallel_loop3A_563 = arith.addf %parallel_loop3A_559, %parallel_loop3A_562 : vector<16xf32>
          %parallel_loop3A_564 = vector.shape_cast %xor3A_112 : vector<16xi32> to vector<16x1xi32>
          %parallel_loop3A_565 = vector.shape_cast %parallel_loop3A_564 : vector<16x1xi32> to vector<16xi32>
          %parallel_loop3A_566 = tpu.dynamic_gather %parallel_loop3A_563[%parallel_loop3A_565] in [0] : vector<16xf32>, vector<16xi32> -> vector<16xf32>
          %parallel_loop3A_567 = arith.addf %parallel_loop3A_563, %parallel_loop3A_566 : vector<16xf32>
          %parallel_loop3A_568 = vector.shape_cast %xor3A_115 : vector<16xi32> to vector<16x1xi32>
          %parallel_loop3A_569 = vector.shape_cast %parallel_loop3A_568 : vector<16x1xi32> to vector<16xi32>
          %parallel_loop3A_570 = tpu.dynamic_gather %parallel_loop3A_567[%parallel_loop3A_569] in [0] : vector<16xf32>, vector<16xi32> -> vector<16xf32>
          %parallel_loop3A_571 = arith.addf %parallel_loop3A_567, %parallel_loop3A_570 : vector<16xf32>
          %parallel_loop3A_572 = math.exp %parallel_loop3A_571 : vector<16xf32>
          %parallel_loop3A_573 = arith.index_cast %parallel_loop3A_316 : i32 to index
          %parallel_loop3A_574 = arith.constant 224 : index
          %parallel_loop3A_575 = tpu.vector_load %arg9[%parallel_loop3A_573, %parallel_loop3A_574] {strides = array<i32>} : memref<64x256xf32, #tpu.memory_space<vmem>>, vector<1x16xf32>,
          %parallel_loop3A_576 = vector.shape_cast %parallel_loop3A_575 : vector<1x16xf32> to vector<16xf32>
          %parallel_loop3A_577 = arith.mulf %parallel_loop3A_572, %parallel_loop3A_576 : vector<16xf32>
          %parallel_loop3A_578 = arith.index_cast %parallel_loop3A_316 : i32 to index
          %parallel_loop3A_579 = arith.constant 96 : index
          %parallel_loop3A_580 = tpu.vector_load %arg8[%parallel_loop3A_578, %parallel_loop3A_579] {strides = array<i32>} : memref<64x128xf32, #tpu.memory_space<vmem>>, vector<1x16xf32>,
          %parallel_loop3A_581 = vector.shape_cast %parallel_loop3A_580 : vector<1x16xf32> to vector<16xf32>
          %parallel_loop3A_582 = vector.shape_cast %parallel_loop3A_577 : vector<16xf32> to vector<1x16xf32>
          tpu.vector_store %arg8[%parallel_loop3A_578, %parallel_loop3A_579], %parallel_loop3A_582 {strides = array<i32>} : memref<64x128xf32, #tpu.memory_space<vmem>>, vector<1x16xf32>,
          %parallel_loop3A_583 = arith.mulf %parallel_loop3A_572, %select_n3A_96 : vector<16xf32>
          %parallel_loop3A_584 = arith.addf %parallel_loop3A_546, %parallel_loop3A_583 : vector<16xf32>
          %parallel_loop3A_585 = arith.index_cast %parallel_loop3A_316 : i32 to index
          %parallel_loop3A_586 = arith.constant 112 : index
          %parallel_loop3A_587 = tpu.vector_load %arg8[%parallel_loop3A_585, %parallel_loop3A_586] {strides = array<i32>} : memref<64x128xf32, #tpu.memory_space<vmem>>, vector<1x16xf32>,
          %parallel_loop3A_588 = vector.shape_cast %parallel_loop3A_587 : vector<1x16xf32> to vector<16xf32>
          %parallel_loop3A_589 = arith.index_cast %parallel_loop3A_316 : i32 to index
          %parallel_loop3A_590 = arith.constant 112 : index
          %parallel_loop3A_591 = tpu.vector_load %arg9[%parallel_loop3A_589, %parallel_loop3A_590] {strides = array<i32>} : memref<64x256xf32, #tpu.memory_space<vmem>>, vector<1x16xf32>,
          %parallel_loop3A_592 = vector.shape_cast %parallel_loop3A_591 : vector<1x16xf32> to vector<16xf32>
          %parallel_loop3A_593 = arith.mulf %parallel_loop3A_588, %parallel_loop3A_592 : vector<16xf32>
          %parallel_loop3A_594 = vector.shape_cast %xor3A_106 : vector<16xi32> to vector<16x1xi32>
          %parallel_loop3A_595 = vector.shape_cast %parallel_loop3A_594 : vector<16x1xi32> to vector<16xi32>
          %parallel_loop3A_596 = tpu.dynamic_gather %parallel_loop3A_593[%parallel_loop3A_595] in [0] : vector<16xf32>, vector<16xi32> -> vector<16xf32>
          %parallel_loop3A_597 = arith.addf %parallel_loop3A_593, %parallel_loop3A_596 : vector<16xf32>
          %parallel_loop3A_598 = vector.shape_cast %xor3A_109 : vector<16xi32> to vector<16x1xi32>
          %parallel_loop3A_599 = vector.shape_cast %parallel_loop3A_598 : vector<16x1xi32> to vector<16xi32>
          %parallel_loop3A_600 = tpu.dynamic_gather %parallel_loop3A_597[%parallel_loop3A_599] in [0] : vector<16xf32>, vector<16xi32> -> vector<16xf32>
          %parallel_loop3A_601 = arith.addf %parallel_loop3A_597, %parallel_loop3A_600 : vector<16xf32>
          %parallel_loop3A_602 = vector.shape_cast %xor3A_112 : vector<16xi32> to vector<16x1xi32>
          %parallel_loop3A_603 = vector.shape_cast %parallel_loop3A_602 : vector<16x1xi32> to vector<16xi32>
          %parallel_loop3A_604 = tpu.dynamic_gather %parallel_loop3A_601[%parallel_loop3A_603] in [0] : vector<16xf32>, vector<16xi32> -> vector<16xf32>
          %parallel_loop3A_605 = arith.addf %parallel_loop3A_601, %parallel_loop3A_604 : vector<16xf32>
          %parallel_loop3A_606 = vector.shape_cast %xor3A_115 : vector<16xi32> to vector<16x1xi32>
          %parallel_loop3A_607 = vector.shape_cast %parallel_loop3A_606 : vector<16x1xi32> to vector<16xi32>
          %parallel_loop3A_608 = tpu.dynamic_gather %parallel_loop3A_605[%parallel_loop3A_607] in [0] : vector<16xf32>, vector<16xi32> -> vector<16xf32>
          %parallel_loop3A_609 = arith.addf %parallel_loop3A_605, %parallel_loop3A_608 : vector<16xf32>
          %parallel_loop3A_610 = math.exp %parallel_loop3A_609 : vector<16xf32>
          %parallel_loop3A_611 = arith.index_cast %parallel_loop3A_316 : i32 to index
          %parallel_loop3A_612 = arith.constant 240 : index
          %parallel_loop3A_613 = tpu.vector_load %arg9[%parallel_loop3A_611, %parallel_loop3A_612] {strides = array<i32>} : memref<64x256xf32, #tpu.memory_space<vmem>>, vector<1x16xf32>,
          %parallel_loop3A_614 = vector.shape_cast %parallel_loop3A_613 : vector<1x16xf32> to vector<16xf32>
          %parallel_loop3A_615 = arith.mulf %parallel_loop3A_610, %parallel_loop3A_614 : vector<16xf32>
          %parallel_loop3A_616 = arith.index_cast %parallel_loop3A_316 : i32 to index
          %parallel_loop3A_617 = arith.constant 112 : index
          %parallel_loop3A_618 = tpu.vector_load %arg8[%parallel_loop3A_616, %parallel_loop3A_617] {strides = array<i32>} : memref<64x128xf32, #tpu.memory_space<vmem>>, vector<1x16xf32>,
          %parallel_loop3A_619 = vector.shape_cast %parallel_loop3A_618 : vector<1x16xf32> to vector<16xf32>
          %parallel_loop3A_620 = vector.shape_cast %parallel_loop3A_615 : vector<16xf32> to vector<1x16xf32>
          tpu.vector_store %arg8[%parallel_loop3A_616, %parallel_loop3A_617], %parallel_loop3A_620 {strides = array<i32>} : memref<64x128xf32, #tpu.memory_space<vmem>>, vector<1x16xf32>,
          %parallel_loop3A_621 = arith.mulf %parallel_loop3A_610, %select_n3A_104 : vector<16xf32>
          %parallel_loop3A_622 = arith.addf %parallel_loop3A_584, %parallel_loop3A_621 : vector<16xf32>
          %parallel_loop3A_623 = arith.index_cast %rem3A_176 : i32 to index
          %parallel_loop3A_624 = arith.index_cast %parallel_loop3A_316 : i32 to index
          %parallel_loop3A_625 = tpu.vector_load %arg14[%parallel_loop3A_623, %parallel_loop3A_624] {strides = array<i32>} : memref<2x80xi32, #tpu.memory_space<vmem>>, vector<1x16xi32>,
          %parallel_loop3A_626 = vector.shape_cast %parallel_loop3A_625 : vector<1x16xi32> to vector<16xi32>
          %parallel_loop3A_627 = vector.extract_strided_slice %parallel_loop3A_626 {offsets = [0], sizes = [1], strides = [1]} : vector<16xi32> to vector<1xi32>
          %parallel_loop3A_628 = vector.extract %parallel_loop3A_627[0] : i32 from vector<1xi32>
          %parallel_loop3A_629 = arith.constant 7 : i32
          %parallel_loop3A_630 = arith.andi %parallel_loop3A_628, %parallel_loop3A_629 : i32
          %parallel_loop3A_631 = arith.constant 16 : i32
          %parallel_loop3A_632 = arith.muli %parallel_loop3A_630, %parallel_loop3A_631 : i32
          %parallel_loop3A_633 = arith.index_cast %parallel_loop3A_316 : i32 to index
          %parallel_loop3A_634 = arith.index_cast %parallel_loop3A_632 : i32 to index
          %parallel_loop3A_635 = tpu.vector_load %arg10[%parallel_loop3A_633, %parallel_loop3A_634] {strides = array<i32>} : memref<64x128xf32, #tpu.memory_space<vmem>>, vector<1x16xf32>,
          %parallel_loop3A_636 = vector.shape_cast %parallel_loop3A_635 : vector<1x16xf32> to vector<16xf32>
          %parallel_loop3A_637 = vector.shape_cast %parallel_loop3A_622 : vector<16xf32> to vector<1x16xf32>
          tpu.vector_store %arg10[%parallel_loop3A_633, %parallel_loop3A_634], %parallel_loop3A_637 {strides = array<i32>} : memref<64x128xf32, #tpu.memory_space<vmem>>, vector<1x16xf32>,
        } {sc.loop_unroll_factor = 4 : i64, sc.parallel_access}
        %dma_start3A_304 = arith.constant 0 : i32
        %dma_start3A_305 = tpu.memref_slice %arg11[%rem3A_176, %dma_start3A_304] : memref<2x64xi32, #tpu.memory_space<vmem>> -> memref<1x64xi32, #tpu.memory_space<vmem>>
        %dma_start3A_306 = tpu.memref_squeeze %dma_start3A_305 : memref<1x64xi32, #tpu.memory_space<vmem>> -> memref<64xi32, #tpu.memory_space<vmem>>
        %dma_start3A_307 = arith.constant 0 : i32
        %dma_start3A_308 = arith.constant 0 : i32
        %dma_start3A_309 = tpu.memref_slice %arg18[%dma_start3A_307, %dma_start3A_308] : memref<10000x128xf32, #tpu.memory_space<vmem_shared>> -> memref<10000x128xf32, #tpu.memory_space<vmem_shared>>
        tpu.enqueue_indirect_dma source(%arg8 : memref<64x128xf32, #tpu.memory_space<vmem>>) target(%dma_start3A_309 : memref<10000x128xf32, #tpu.memory_space<vmem_shared>>) offsets(%dma_start3A_306 : memref<64xi32, #tpu.memory_space<vmem>>) semaphore(%arg17 : memref<!tpu.dma_semaphore, #tpu.memory_space<semaphore_mem>>) {add = true}
        %dma_start3A_310 = arith.constant 0 : i32
        %dma_start3A_311 = tpu.memref_slice %arg12[%rem3A_176, %dma_start3A_310] : memref<2x64xi32, #tpu.memory_space<vmem>> -> memref<1x64xi32, #tpu.memory_space<vmem>>
        %dma_start3A_312 = tpu.memref_squeeze %dma_start3A_311 : memref<1x64xi32, #tpu.memory_space<vmem>> -> memref<64xi32, #tpu.memory_space<vmem>>
        %dma_start3A_313 = arith.constant 0 : i32
        %dma_start3A_314 = arith.constant 0 : i32
        %dma_start3A_315 = tpu.memref_slice %arg19[%dma_start3A_313, %dma_start3A_314] : memref<1256x128xf32, #tpu.memory_space<vmem_shared>> -> memref<1256x128xf32, #tpu.memory_space<vmem_shared>>
        tpu.enqueue_indirect_dma source(%arg10 : memref<64x128xf32, #tpu.memory_space<vmem>>) target(%dma_start3A_315 : memref<1256x128xf32, #tpu.memory_space<vmem_shared>>) offsets(%dma_start3A_312 : memref<64xi32, #tpu.memory_space<vmem>>) semaphore(%arg17 : memref<!tpu.dma_semaphore, #tpu.memory_space<semaphore_mem>>) {add = true}
      } else {
      }
      %scan3A_200 = arith.constant 0 : i32
      scf.yield %scan3A_200 : i32
    }
    %scan3A_151 = arith.constant 157 : i32
    %lt3A_152 = arith.constant 8 : i32
    %lt3A_153 = arith.cmpi slt, %add3A, %lt3A_152 : i32
    %convert_element_type3A_154 = arith.extui %lt3A_153 : i1 to i32
    %cond3A_155 = arith.constant 0 : i32
    %cond3A_156 = arith.cmpi ne, %convert_element_type3A_154, %cond3A_155 : i32
    scf.if %cond3A_156 {
      %dma_wait3A = arith.constant 0 : i32
      %dma_wait3A_173 = arith.constant 0 : i32
      %dma_wait3A_174 = tpu.memref_slice %arg11[%dma_wait3A, %dma_wait3A_173] : memref<2x64xi32, #tpu.memory_space<vmem>> -> memref<1x64xi32, #tpu.memory_space<vmem>>
      %dma_wait3A_175 = tpu.memref_squeeze %dma_wait3A_174 : memref<1x64xi32, #tpu.memory_space<vmem>> -> memref<64xi32, #tpu.memory_space<vmem>>
      %dma_wait3A_176 = arith.constant 0 : i32
      %dma_wait3A_177 = arith.constant 0 : i32
      %dma_wait3A_178 = tpu.memref_slice %arg18[%dma_wait3A_176, %dma_wait3A_177] : memref<10000x128xf32, #tpu.memory_space<vmem_shared>> -> memref<10000x128xf32, #tpu.memory_space<vmem_shared>>
      tpu.wait_indirect_dma semaphore(%arg17 : memref<!tpu.dma_semaphore, #tpu.memory_space<semaphore_mem>>) src(%arg8 : memref<64x128xf32, #tpu.memory_space<vmem>>) dst(%dma_wait3A_178 : memref<10000x128xf32, #tpu.memory_space<vmem_shared>>)
      %dma_wait3A_179 = arith.constant 0 : i32
      %dma_wait3A_180 = arith.constant 0 : i32
      %dma_wait3A_181 = tpu.memref_slice %arg12[%dma_wait3A_179, %dma_wait3A_180] : memref<2x64xi32, #tpu.memory_space<vmem>> -> memref<1x64xi32, #tpu.memory_space<vmem>>
      %dma_wait3A_182 = tpu.memref_squeeze %dma_wait3A_181 : memref<1x64xi32, #tpu.memory_space<vmem>> -> memref<64xi32, #tpu.memory_space<vmem>>
      %dma_wait3A_183 = arith.constant 0 : i32
      %dma_wait3A_184 = arith.constant 0 : i32
      %dma_wait3A_185 = tpu.memref_slice %arg19[%dma_wait3A_183, %dma_wait3A_184] : memref<1256x128xf32, #tpu.memory_space<vmem_shared>> -> memref<1256x128xf32, #tpu.memory_space<vmem_shared>>
      tpu.wait_indirect_dma semaphore(%arg17 : memref<!tpu.dma_semaphore, #tpu.memory_space<semaphore_mem>>) src(%arg10 : memref<64x128xf32, #tpu.memory_space<vmem>>) dst(%dma_wait3A_185 : memref<1256x128xf32, #tpu.memory_space<vmem_shared>>)
    } else {
    }
    %barrier3A_157 = arith.constant 0 : index
    tpu.barrier barrier_id(%barrier3A_157)
    "tpu.region"() ({
      %run_scoped3A = tpu.sem_alloc : memref<!tpu.dma_semaphore, #tpu.memory_space<semaphore_mem>>
      %dma_start3A_173 = arith.constant 0 : i32
      %dma_start3A_174 = tpu.memref_slice %arg6[%arg0, %mul3A_9, %dma_start3A_173] : memref<2x10000x128xf32, #tpu.memory_space<hbm>> -> memref<1x624x128xf32, #tpu.memory_space<hbm>>
      %dma_start3A_175 = tpu.memref_squeeze %dma_start3A_174 : memref<1x624x128xf32, #tpu.memory_space<hbm>> -> memref<624x128xf32, #tpu.memory_space<hbm>>
      %dma_start3A_176 = arith.constant 0 : i32
      %dma_start3A_177 = tpu.memref_slice %arg18[%mul3A_9, %dma_start3A_176] : memref<10000x128xf32, #tpu.memory_space<vmem_shared>> -> memref<624x128xf32, #tpu.memory_space<vmem_shared>>
      tpu.enqueue_dma source(%dma_start3A_177 : memref<624x128xf32, #tpu.memory_space<vmem_shared>>) target(%dma_start3A_175 : memref<624x128xf32, #tpu.memory_space<hbm>>) target_semaphore(%run_scoped3A : memref<!tpu.dma_semaphore, #tpu.memory_space<semaphore_mem>>)
      %dma_wait3A = arith.constant 0 : i32
      %dma_wait3A_178 = tpu.memref_slice %arg6[%arg0, %mul3A_9, %dma_wait3A] : memref<2x10000x128xf32, #tpu.memory_space<hbm>> -> memref<1x624x128xf32, #tpu.memory_space<hbm>>
      %dma_wait3A_179 = tpu.memref_squeeze %dma_wait3A_178 : memref<1x624x128xf32, #tpu.memory_space<hbm>> -> memref<624x128xf32, #tpu.memory_space<hbm>>
      %dma_wait3A_180 = arith.constant 0 : i32
      %dma_wait3A_181 = tpu.memref_slice %arg18[%mul3A_9, %dma_wait3A_180] : memref<10000x128xf32, #tpu.memory_space<vmem_shared>> -> memref<624x128xf32, #tpu.memory_space<vmem_shared>>
      tpu.wait_dma2 semaphore(%run_scoped3A : memref<!tpu.dma_semaphore, #tpu.memory_space<semaphore_mem>>) src(%dma_wait3A_181 : memref<624x128xf32, #tpu.memory_space<vmem_shared>>) dst(%dma_wait3A_179 : memref<624x128xf32, #tpu.memory_space<hbm>>)
      tpu.yield
    }) : () -> ()
    %eq3A_158 = arith.constant 0 : i32
    %eq3A_159 = arith.cmpi eq, %arg1, %eq3A_158 : i32
    %convert_element_type3A_160 = arith.extui %eq3A_159 : i1 to i32
    %cond3A_161 = arith.constant 0 : i32
    %cond3A_162 = arith.cmpi ne, %convert_element_type3A_160, %cond3A_161 : i32
    scf.if %cond3A_162 {
      "tpu.region"() ({
        %run_scoped3A = tpu.sem_alloc : memref<!tpu.dma_semaphore, #tpu.memory_space<semaphore_mem>>
        %dma_start3A_173 = arith.constant 9984 : i32
        %dma_start3A_174 = arith.constant 0 : i32
        %dma_start3A_175 = tpu.memref_slice %arg6[%arg0, %dma_start3A_173, %dma_start3A_174] : memref<2x10000x128xf32, #tpu.memory_space<hbm>> -> memref<1x16x128xf32, #tpu.memory_space<hbm>>
        %dma_start3A_176 = tpu.memref_squeeze %dma_start3A_175 : memref<1x16x128xf32, #tpu.memory_space<hbm>> -> memref<16x128xf32, #tpu.memory_space<hbm>>
        %dma_start3A_177 = arith.constant 9984 : i32
        %dma_start3A_178 = arith.constant 0 : i32
        %dma_start3A_179 = tpu.memref_slice %arg18[%dma_start3A_177, %dma_start3A_178] : memref<10000x128xf32, #tpu.memory_space<vmem_shared>> -> memref<16x128xf32, #tpu.memory_space<vmem_shared>>
        tpu.enqueue_dma source(%dma_start3A_179 : memref<16x128xf32, #tpu.memory_space<vmem_shared>>) target(%dma_start3A_176 : memref<16x128xf32, #tpu.memory_space<hbm>>) target_semaphore(%run_scoped3A : memref<!tpu.dma_semaphore, #tpu.memory_space<semaphore_mem>>)
        %dma_wait3A = arith.constant 9984 : i32
        %dma_wait3A_180 = arith.constant 0 : i32
        %dma_wait3A_181 = tpu.memref_slice %arg6[%arg0, %dma_wait3A, %dma_wait3A_180] : memref<2x10000x128xf32, #tpu.memory_space<hbm>> -> memref<1x16x128xf32, #tpu.memory_space<hbm>>
        %dma_wait3A_182 = tpu.memref_squeeze %dma_wait3A_181 : memref<1x16x128xf32, #tpu.memory_space<hbm>> -> memref<16x128xf32, #tpu.memory_space<hbm>>
        %dma_wait3A_183 = arith.constant 9984 : i32
        %dma_wait3A_184 = arith.constant 0 : i32
        %dma_wait3A_185 = tpu.memref_slice %arg18[%dma_wait3A_183, %dma_wait3A_184] : memref<10000x128xf32, #tpu.memory_space<vmem_shared>> -> memref<16x128xf32, #tpu.memory_space<vmem_shared>>
        tpu.wait_dma2 semaphore(%run_scoped3A : memref<!tpu.dma_semaphore, #tpu.memory_space<semaphore_mem>>) src(%dma_wait3A_185 : memref<16x128xf32, #tpu.memory_space<vmem_shared>>) dst(%dma_wait3A_182 : memref<16x128xf32, #tpu.memory_space<hbm>>)
        tpu.yield
      }) : () -> ()
    } else {
    }
    %lt3A_163 = arith.constant 15 : i32
    %lt3A_164 = arith.cmpi slt, %arg1, %lt3A_163 : i32
    %convert_element_type3A_165 = arith.extui %lt3A_164 : i1 to i32
    %cond3A_166 = arith.constant 0 : i32
    %cond3A_167 = arith.cmpi ne, %convert_element_type3A_165, %cond3A_166 : i32
    scf.if %cond3A_167 {
      "tpu.region"() ({
        %run_scoped3A = tpu.sem_alloc : memref<!tpu.dma_semaphore, #tpu.memory_space<semaphore_mem>>
        %dma_start3A_173 = arith.constant 0 : i32
        %dma_start3A_174 = tpu.memref_slice %arg7[%arg0, %mul3A_33, %dma_start3A_173] : memref<2x1256x128xf32, #tpu.memory_space<hbm>> -> memref<1x80x128xf32, #tpu.memory_space<hbm>>
        %dma_start3A_175 = tpu.memref_squeeze %dma_start3A_174 : memref<1x80x128xf32, #tpu.memory_space<hbm>> -> memref<80x128xf32, #tpu.memory_space<hbm>>
        %dma_start3A_176 = arith.constant 0 : i32
        %dma_start3A_177 = tpu.memref_slice %arg19[%mul3A_33, %dma_start3A_176] : memref<1256x128xf32, #tpu.memory_space<vmem_shared>> -> memref<80x128xf32, #tpu.memory_space<vmem_shared>>
        tpu.enqueue_dma source(%dma_start3A_177 : memref<80x128xf32, #tpu.memory_space<vmem_shared>>) target(%dma_start3A_175 : memref<80x128xf32, #tpu.memory_space<hbm>>) target_semaphore(%run_scoped3A : memref<!tpu.dma_semaphore, #tpu.memory_space<semaphore_mem>>)
        %dma_wait3A = arith.constant 0 : i32
        %dma_wait3A_178 = tpu.memref_slice %arg7[%arg0, %mul3A_33, %dma_wait3A] : memref<2x1256x128xf32, #tpu.memory_space<hbm>> -> memref<1x80x128xf32, #tpu.memory_space<hbm>>
        %dma_wait3A_179 = tpu.memref_squeeze %dma_wait3A_178 : memref<1x80x128xf32, #tpu.memory_space<hbm>> -> memref<80x128xf32, #tpu.memory_space<hbm>>
        %dma_wait3A_180 = arith.constant 0 : i32
        %dma_wait3A_181 = tpu.memref_slice %arg19[%mul3A_33, %dma_wait3A_180] : memref<1256x128xf32, #tpu.memory_space<vmem_shared>> -> memref<80x128xf32, #tpu.memory_space<vmem_shared>>
        tpu.wait_dma2 semaphore(%run_scoped3A : memref<!tpu.dma_semaphore, #tpu.memory_space<semaphore_mem>>) src(%dma_wait3A_181 : memref<80x128xf32, #tpu.memory_space<vmem_shared>>) dst(%dma_wait3A_179 : memref<80x128xf32, #tpu.memory_space<hbm>>)
        tpu.yield
      }) : () -> ()
    } else {
    }
    %eq3A_168 = arith.constant 15 : i32
    %eq3A_169 = arith.cmpi eq, %arg1, %eq3A_168 : i32
    %convert_element_type3A_170 = arith.extui %eq3A_169 : i1 to i32
    %cond3A_171 = arith.constant 0 : i32
    %cond3A_172 = arith.cmpi ne, %convert_element_type3A_170, %cond3A_171 : i32
    scf.if %cond3A_172 {
      "tpu.region"() ({
        %run_scoped3A = tpu.sem_alloc : memref<!tpu.dma_semaphore, #tpu.memory_space<semaphore_mem>>
        %dma_start3A_173 = arith.constant 1200 : i32
        %dma_start3A_174 = arith.constant 0 : i32
        %dma_start3A_175 = tpu.memref_slice %arg7[%arg0, %dma_start3A_173, %dma_start3A_174] : memref<2x1256x128xf32, #tpu.memory_space<hbm>> -> memref<1x56x128xf32, #tpu.memory_space<hbm>>
        %dma_start3A_176 = tpu.memref_squeeze %dma_start3A_175 : memref<1x56x128xf32, #tpu.memory_space<hbm>> -> memref<56x128xf32, #tpu.memory_space<hbm>>
        %dma_start3A_177 = arith.constant 1200 : i32
        %dma_start3A_178 = arith.constant 0 : i32
        %dma_start3A_179 = tpu.memref_slice %arg19[%dma_start3A_177, %dma_start3A_178] : memref<1256x128xf32, #tpu.memory_space<vmem_shared>> -> memref<56x128xf32, #tpu.memory_space<vmem_shared>>
        tpu.enqueue_dma source(%dma_start3A_179 : memref<56x128xf32, #tpu.memory_space<vmem_shared>>) target(%dma_start3A_176 : memref<56x128xf32, #tpu.memory_space<hbm>>) target_semaphore(%run_scoped3A : memref<!tpu.dma_semaphore, #tpu.memory_space<semaphore_mem>>)
        %dma_wait3A = arith.constant 1200 : i32
        %dma_wait3A_180 = arith.constant 0 : i32
        %dma_wait3A_181 = tpu.memref_slice %arg7[%arg0, %dma_wait3A, %dma_wait3A_180] : memref<2x1256x128xf32, #tpu.memory_space<hbm>> -> memref<1x56x128xf32, #tpu.memory_space<hbm>>
        %dma_wait3A_182 = tpu.memref_squeeze %dma_wait3A_181 : memref<1x56x128xf32, #tpu.memory_space<hbm>> -> memref<56x128xf32, #tpu.memory_space<hbm>>
        %dma_wait3A_183 = arith.constant 1200 : i32
        %dma_wait3A_184 = arith.constant 0 : i32
        %dma_wait3A_185 = tpu.memref_slice %arg19[%dma_wait3A_183, %dma_wait3A_184] : memref<1256x128xf32, #tpu.memory_space<vmem_shared>> -> memref<56x128xf32, #tpu.memory_space<vmem_shared>>
        tpu.wait_dma2 semaphore(%run_scoped3A : memref<!tpu.dma_semaphore, #tpu.memory_space<semaphore_mem>>) src(%dma_wait3A_185 : memref<56x128xf32, #tpu.memory_space<vmem_shared>>) dst(%dma_wait3A_182 : memref<56x128xf32, #tpu.memory_space<hbm>>)
        tpu.yield
      }) : () -> ()
    } else {
    }
    return
  }
}

module attributes {stable_mosaic.version = 14 : i64} {
  func.func @_na_body(%arg0: i32, %arg1: memref<2560x128xf32, #tpu.memory_space<vmem>>, %arg2: memref<128x128xf32, #tpu.memory_space<vmem>>, %arg3: memref<1x128xf32, #tpu.memory_space<vmem>>, %arg4: memref<2560x128xf32, #tpu.memory_space<vmem>>) attributes {dimension_semantics = [#tpu.dimension_semantics<arbitrary>], iteration_bounds = array<i64: 125>, scalar_prefetch = 0 : i64, scratch_operands = 0 : i64, tpu.core_type = #tpu.core_type<tc>, window_params = [{transform_indices = @transform_0, window_bounds = array<i64: 2560, 128>}, {pipeline_mode = #tpu.pipeline_mode<synchronous>, transform_indices = @transform_1, window_bounds = array<i64: 128, 128>}, {pipeline_mode = #tpu.pipeline_mode<synchronous>, transform_indices = @transform_2, window_bounds = array<i64: 1, 128>}, {transform_indices = @transform_3, window_bounds = array<i64: 2560, 128>}]} {
    %get3A = arith.constant 0 : index
    %get3A_0 = arith.constant 0 : index
    %get3A_1 = vector.load %arg1[%get3A, %get3A_0] : memref<2560x128xf32, #tpu.memory_space<vmem>>, vector<2560x128xf32>
    %get3A_2 = arith.constant 0 : index
    %get3A_3 = arith.constant 0 : index
    %get3A_4 = vector.load %arg2[%get3A_2, %get3A_3] : memref<128x128xf32, #tpu.memory_space<vmem>>, vector<128x128xf32>
    %dot_general3A = arith.constant dense<0.000000e+00> : vector<2560x128xf32>
    %dot_general3A_5 = tpu.matmul %get3A_1, %get3A_4, %dot_general3A {dimension_numbers = #tpu.dot_dimension_numbers<[1], [0], [0], [1], [0, 0, 1, 1], [], []>, transpose_lhs_hint = false} : vector<2560x128xf32>, vector<128x128xf32>, vector<2560x128xf32> -> vector<2560x128xf32>
    %get3A_6 = arith.constant 0 : index
    %get3A_7 = arith.constant 0 : index
    %get3A_8 = vector.load %arg3[%get3A_6, %get3A_7] : memref<1x128xf32, #tpu.memory_space<vmem>>, vector<1x128xf32>
    %add3A = vector.broadcast %get3A_8 : vector<1x128xf32> to vector<2560x128xf32>
    %add3A_9 = arith.addf %dot_general3A_5, %add3A : vector<2560x128xf32>
    %mul3A = arith.constant 5.000000e-01 : f32
    %mul3A_10 = vector.broadcast %mul3A : f32 to vector<2560x128xf32>
    %mul3A_11 = arith.mulf %mul3A_10, %add3A_9 : vector<2560x128xf32>
    %mul3A_12 = arith.constant 0.707106769 : f32
    %mul3A_13 = vector.broadcast %mul3A_12 : f32 to vector<2560x128xf32>
    %mul3A_14 = arith.mulf %add3A_9, %mul3A_13 : vector<2560x128xf32>
    %sign3A = tpu.bitcast %mul3A_14 : vector<2560x128xf32> -> vector<2560x128xi32>
    %sign3A_15 = arith.constant -2147483648 : i32
    %sign3A_16 = vector.broadcast %sign3A_15 : i32 to vector<2560x128xi32>
    %sign3A_17 = arith.andi %sign3A, %sign3A_16 : vector<2560x128xi32>
    %sign3A_18 = arith.constant 1065353216 : i32
    %sign3A_19 = vector.broadcast %sign3A_18 : i32 to vector<2560x128xi32>
    %sign3A_20 = arith.ori %sign3A_19, %sign3A_17 : vector<2560x128xi32>
    %sign3A_21 = tpu.bitcast %sign3A_20 : vector<2560x128xi32> -> vector<2560x128xf32>
    %sign3A_22 = math.absf %mul3A_14 : vector<2560x128xf32>
    %sign3A_23 = arith.constant 0.000000e+00 : f32
    %sign3A_24 = vector.broadcast %sign3A_23 : f32 to vector<2560x128xf32>
    %sign3A_25 = arith.cmpf ogt, %sign3A_22, %sign3A_24 : vector<2560x128xf32>
    %sign3A_26 = arith.select %sign3A_25, %sign3A_21, %mul3A_14 : vector<2560x128xi1>, vector<2560x128xf32>
    %abs3A = math.absf %mul3A_14 : vector<2560x128xf32>
    %mul3A_27 = arith.constant 0.327591091 : f32
    %mul3A_28 = vector.broadcast %mul3A_27 : f32 to vector<2560x128xf32>
    %mul3A_29 = arith.mulf %mul3A_28, %abs3A : vector<2560x128xf32>
    %add3A_30 = arith.constant 1.000000e+00 : f32
    %add3A_31 = vector.broadcast %add3A_30 : f32 to vector<2560x128xf32>
    %add3A_32 = arith.addf %add3A_31, %mul3A_29 : vector<2560x128xf32>
    %div3A = arith.constant 1.000000e+00 : f32
    %div3A_33 = vector.broadcast %div3A : f32 to vector<2560x128xf32>
    %div3A_34 = arith.divf %div3A_33, %add3A_32 : vector<2560x128xf32>
    %mul3A_35 = arith.constant 1.06140542 : f32
    %mul3A_36 = vector.broadcast %mul3A_35 : f32 to vector<2560x128xf32>
    %mul3A_37 = arith.mulf %mul3A_36, %div3A_34 : vector<2560x128xf32>
    %sub3A = arith.constant 1.45315206 : f32
    %sub3A_38 = vector.broadcast %sub3A : f32 to vector<2560x128xf32>
    %sub3A_39 = arith.subf %mul3A_37, %sub3A_38 : vector<2560x128xf32>
    %mul3A_40 = arith.mulf %sub3A_39, %div3A_34 : vector<2560x128xf32>
    %add3A_41 = arith.constant 1.42141378 : f32
    %add3A_42 = vector.broadcast %add3A_41 : f32 to vector<2560x128xf32>
    %add3A_43 = arith.addf %mul3A_40, %add3A_42 : vector<2560x128xf32>
    %mul3A_44 = arith.mulf %add3A_43, %div3A_34 : vector<2560x128xf32>
    %sub3A_45 = arith.constant 0.284496725 : f32
    %sub3A_46 = vector.broadcast %sub3A_45 : f32 to vector<2560x128xf32>
    %sub3A_47 = arith.subf %mul3A_44, %sub3A_46 : vector<2560x128xf32>
    %mul3A_48 = arith.mulf %sub3A_47, %div3A_34 : vector<2560x128xf32>
    %add3A_49 = arith.constant 0.254829586 : f32
    %add3A_50 = vector.broadcast %add3A_49 : f32 to vector<2560x128xf32>
    %add3A_51 = arith.addf %mul3A_48, %add3A_50 : vector<2560x128xf32>
    %mul3A_52 = arith.mulf %add3A_51, %div3A_34 : vector<2560x128xf32>
    %neg3A = arith.constant 0.000000e+00 : f32
    %neg3A_53 = vector.broadcast %neg3A : f32 to vector<2560x128xf32>
    %neg3A_54 = arith.subf %neg3A_53, %abs3A : vector<2560x128xf32>
    %mul3A_55 = arith.mulf %neg3A_54, %abs3A : vector<2560x128xf32>
    %exp3A = math.exp %mul3A_55 : vector<2560x128xf32>
    %mul3A_56 = arith.mulf %mul3A_52, %exp3A : vector<2560x128xf32>
    %sub3A_57 = arith.constant 1.000000e+00 : f32
    %sub3A_58 = vector.broadcast %sub3A_57 : f32 to vector<2560x128xf32>
    %sub3A_59 = arith.subf %sub3A_58, %mul3A_56 : vector<2560x128xf32>
    %mul3A_60 = arith.mulf %sign3A_26, %sub3A_59 : vector<2560x128xf32>
    %add3A_61 = arith.constant 1.000000e+00 : f32
    %add3A_62 = vector.broadcast %add3A_61 : f32 to vector<2560x128xf32>
    %add3A_63 = arith.addf %add3A_62, %mul3A_60 : vector<2560x128xf32>
    %mul3A_64 = arith.mulf %mul3A_11, %add3A_63 : vector<2560x128xf32>
    %swap3A = arith.constant 0 : index
    %swap3A_65 = arith.constant 0 : index
    %swap3A_66 = vector.load %arg4[%swap3A, %swap3A_65] : memref<2560x128xf32, #tpu.memory_space<vmem>>, vector<2560x128xf32>
    tpu.vector_store %arg4[%swap3A, %swap3A_65], %mul3A_64 {strides = array<i32>} : memref<2560x128xf32, #tpu.memory_space<vmem>>, vector<2560x128xf32>,
    return
  }
  func.func @transform_0(%arg0: i32) -> (i32, i32) {
    %c0_i32 = arith.constant 0 : i32
    %c0_i32_0 = arith.constant 0 : i32
    return %arg0, %c0_i32 : i32, i32
  }
  func.func @transform_1(%arg0: i32) -> (i32, i32) {
    %c0_i32 = arith.constant 0 : i32
    %c0_i32_0 = arith.constant 0 : i32
    %c0_i32_1 = arith.constant 0 : i32
    return %c0_i32, %c0_i32_0 : i32, i32
  }
  func.func @transform_2(%arg0: i32) -> (i32, i32) {
    %c0_i32 = arith.constant 0 : i32
    %c0_i32_0 = arith.constant 0 : i32
    %c0_i32_1 = arith.constant 0 : i32
    return %c0_i32, %c0_i32_0 : i32, i32
  }
  func.func @transform_3(%arg0: i32) -> (i32, i32) {
    %c0_i32 = arith.constant 0 : i32
    %c0_i32_0 = arith.constant 0 : i32
    return %arg0, %c0_i32 : i32, i32
  }
}

module attributes {stable_mosaic.version = 14 : i64} {
  func.func @_qkv_body(%arg0: i32, %arg1: memref<2000x128xf32, #tpu.memory_space<vmem>>, %arg2: memref<128x128xf32, #tpu.memory_space<vmem>>, %arg3: memref<1x128xf32, #tpu.memory_space<vmem>>, %arg4: memref<128x128xf32, #tpu.memory_space<vmem>>, %arg5: memref<1x128xf32, #tpu.memory_space<vmem>>, %arg6: memref<128x128xf32, #tpu.memory_space<vmem>>, %arg7: memref<1x128xf32, #tpu.memory_space<vmem>>, %arg8: memref<2000x128xf32, #tpu.memory_space<vmem>>, %arg9: memref<2000x256xf32, #tpu.memory_space<vmem>>) attributes {dimension_semantics = [#tpu.dimension_semantics<arbitrary>], iteration_bounds = array<i64: 5>, scalar_prefetch = 0 : i64, scratch_operands = 0 : i64, tpu.core_type = #tpu.core_type<tc>, window_params = [{transform_indices = @transform_0, window_bounds = array<i64: 2000, 128>}, {pipeline_mode = #tpu.pipeline_mode<synchronous>, transform_indices = @transform_1, window_bounds = array<i64: 128, 128>}, {pipeline_mode = #tpu.pipeline_mode<synchronous>, transform_indices = @transform_2, window_bounds = array<i64: 1, 128>}, {pipeline_mode = #tpu.pipeline_mode<synchronous>, transform_indices = @transform_3, window_bounds = array<i64: 128, 128>}, {pipeline_mode = #tpu.pipeline_mode<synchronous>, transform_indices = @transform_4, window_bounds = array<i64: 1, 128>}, {pipeline_mode = #tpu.pipeline_mode<synchronous>, transform_indices = @transform_5, window_bounds = array<i64: 128, 128>}, {pipeline_mode = #tpu.pipeline_mode<synchronous>, transform_indices = @transform_6, window_bounds = array<i64: 1, 128>}, {transform_indices = @transform_7, window_bounds = array<i64: 2000, 128>}, {transform_indices = @transform_8, window_bounds = array<i64: 2000, 256>}]} {
    %get3A = arith.constant 0 : index
    %get3A_0 = arith.constant 0 : index
    %get3A_1 = vector.load %arg1[%get3A, %get3A_0] : memref<2000x128xf32, #tpu.memory_space<vmem>>, vector<2000x128xf32>
    %get3A_2 = arith.constant 0 : index
    %get3A_3 = arith.constant 0 : index
    %get3A_4 = vector.load %arg2[%get3A_2, %get3A_3] : memref<128x128xf32, #tpu.memory_space<vmem>>, vector<128x128xf32>
    %dot_general3A = arith.constant dense<0.000000e+00> : vector<2000x128xf32>
    %dot_general3A_5 = tpu.matmul %get3A_1, %get3A_4, %dot_general3A {dimension_numbers = #tpu.dot_dimension_numbers<[1], [0], [0], [1], [0, 0, 1, 1], [], []>, transpose_lhs_hint = false} : vector<2000x128xf32>, vector<128x128xf32>, vector<2000x128xf32> -> vector<2000x128xf32>
    %get3A_6 = arith.constant 0 : index
    %get3A_7 = arith.constant 0 : index
    %get3A_8 = vector.load %arg3[%get3A_6, %get3A_7] : memref<1x128xf32, #tpu.memory_space<vmem>>, vector<1x128xf32>
    %add3A = vector.broadcast %get3A_8 : vector<1x128xf32> to vector<2000x128xf32>
    %add3A_9 = arith.addf %dot_general3A_5, %add3A : vector<2000x128xf32>
    %swap3A = arith.constant 0 : index
    %swap3A_10 = arith.constant 0 : index
    %swap3A_11 = vector.load %arg8[%swap3A, %swap3A_10] : memref<2000x128xf32, #tpu.memory_space<vmem>>, vector<2000x128xf32>
    tpu.vector_store %arg8[%swap3A, %swap3A_10], %add3A_9 {strides = array<i32>} : memref<2000x128xf32, #tpu.memory_space<vmem>>, vector<2000x128xf32>,
    %get3A_12 = arith.constant 0 : index
    %get3A_13 = arith.constant 0 : index
    %get3A_14 = vector.load %arg4[%get3A_12, %get3A_13] : memref<128x128xf32, #tpu.memory_space<vmem>>, vector<128x128xf32>
    %dot_general3A_15 = arith.constant dense<0.000000e+00> : vector<2000x128xf32>
    %dot_general3A_16 = tpu.matmul %get3A_1, %get3A_14, %dot_general3A_15 {dimension_numbers = #tpu.dot_dimension_numbers<[1], [0], [0], [1], [0, 0, 1, 1], [], []>, transpose_lhs_hint = false} : vector<2000x128xf32>, vector<128x128xf32>, vector<2000x128xf32> -> vector<2000x128xf32>
    %get3A_17 = arith.constant 0 : index
    %get3A_18 = arith.constant 0 : index
    %get3A_19 = vector.load %arg5[%get3A_17, %get3A_18] : memref<1x128xf32, #tpu.memory_space<vmem>>, vector<1x128xf32>
    %add3A_20 = vector.broadcast %get3A_19 : vector<1x128xf32> to vector<2000x128xf32>
    %add3A_21 = arith.addf %dot_general3A_16, %add3A_20 : vector<2000x128xf32>
    %mul3A = arith.constant 2.500000e-01 : f32
    %mul3A_22 = vector.broadcast %mul3A : f32 to vector<2000x128xf32>
    %mul3A_23 = arith.mulf %add3A_21, %mul3A_22 : vector<2000x128xf32>
    %swap3A_24 = arith.constant 0 : index
    %swap3A_25 = arith.constant 0 : index
    %swap3A_26 = vector.load %arg9[%swap3A_24, %swap3A_25] : memref<2000x256xf32, #tpu.memory_space<vmem>>, vector<2000x128xf32>
    tpu.vector_store %arg9[%swap3A_24, %swap3A_25], %mul3A_23 {strides = array<i32>} : memref<2000x256xf32, #tpu.memory_space<vmem>>, vector<2000x128xf32>,
    %get3A_27 = arith.constant 0 : index
    %get3A_28 = arith.constant 0 : index
    %get3A_29 = vector.load %arg6[%get3A_27, %get3A_28] : memref<128x128xf32, #tpu.memory_space<vmem>>, vector<128x128xf32>
    %dot_general3A_30 = arith.constant dense<0.000000e+00> : vector<2000x128xf32>
    %dot_general3A_31 = tpu.matmul %get3A_1, %get3A_29, %dot_general3A_30 {dimension_numbers = #tpu.dot_dimension_numbers<[1], [0], [0], [1], [0, 0, 1, 1], [], []>, transpose_lhs_hint = false} : vector<2000x128xf32>, vector<128x128xf32>, vector<2000x128xf32> -> vector<2000x128xf32>
    %get3A_32 = arith.constant 0 : index
    %get3A_33 = arith.constant 0 : index
    %get3A_34 = vector.load %arg7[%get3A_32, %get3A_33] : memref<1x128xf32, #tpu.memory_space<vmem>>, vector<1x128xf32>
    %add3A_35 = vector.broadcast %get3A_34 : vector<1x128xf32> to vector<2000x128xf32>
    %add3A_36 = arith.addf %dot_general3A_31, %add3A_35 : vector<2000x128xf32>
    %swap3A_37 = arith.constant 0 : index
    %swap3A_38 = arith.constant 128 : index
    %swap3A_39 = vector.load %arg9[%swap3A_37, %swap3A_38] : memref<2000x256xf32, #tpu.memory_space<vmem>>, vector<2000x128xf32>
    tpu.vector_store %arg9[%swap3A_37, %swap3A_38], %add3A_36 {strides = array<i32>} : memref<2000x256xf32, #tpu.memory_space<vmem>>, vector<2000x128xf32>,
    return
  }
  func.func @transform_0(%arg0: i32) -> (i32, i32) {
    %c0_i32 = arith.constant 0 : i32
    %c0_i32_0 = arith.constant 0 : i32
    return %arg0, %c0_i32 : i32, i32
  }
  func.func @transform_1(%arg0: i32) -> (i32, i32) {
    %c0_i32 = arith.constant 0 : i32
    %c0_i32_0 = arith.constant 0 : i32
    %c0_i32_1 = arith.constant 0 : i32
    return %c0_i32, %c0_i32_0 : i32, i32
  }
  func.func @transform_2(%arg0: i32) -> (i32, i32) {
    %c0_i32 = arith.constant 0 : i32
    %c0_i32_0 = arith.constant 0 : i32
    %c0_i32_1 = arith.constant 0 : i32
    return %c0_i32, %c0_i32_0 : i32, i32
  }
  func.func @transform_3(%arg0: i32) -> (i32, i32) {
    %c0_i32 = arith.constant 0 : i32
    %c0_i32_0 = arith.constant 0 : i32
    %c0_i32_1 = arith.constant 0 : i32
    return %c0_i32, %c0_i32_0 : i32, i32
  }
  func.func @transform_4(%arg0: i32) -> (i32, i32) {
    %c0_i32 = arith.constant 0 : i32
    %c0_i32_0 = arith.constant 0 : i32
    %c0_i32_1 = arith.constant 0 : i32
    return %c0_i32, %c0_i32_0 : i32, i32
  }
  func.func @transform_5(%arg0: i32) -> (i32, i32) {
    %c0_i32 = arith.constant 0 : i32
    %c0_i32_0 = arith.constant 0 : i32
    %c0_i32_1 = arith.constant 0 : i32
    return %c0_i32, %c0_i32_0 : i32, i32
  }
  func.func @transform_6(%arg0: i32) -> (i32, i32) {
    %c0_i32 = arith.constant 0 : i32
    %c0_i32_0 = arith.constant 0 : i32
    %c0_i32_1 = arith.constant 0 : i32
    return %c0_i32, %c0_i32_0 : i32, i32
  }
  func.func @transform_7(%arg0: i32) -> (i32, i32) {
    %c0_i32 = arith.constant 0 : i32
    %c0_i32_0 = arith.constant 0 : i32
    return %arg0, %c0_i32 : i32, i32
  }
  func.func @transform_8(%arg0: i32) -> (i32, i32) {
    %c0_i32 = arith.constant 0 : i32
    %c0_i32_0 = arith.constant 0 : i32
    return %arg0, %c0_i32 : i32, i32
  }
}

module attributes {stable_mosaic.version = 14 : i64} {
  func.func @_fin_body(%arg0: i32, %arg1: memref<2000x128xf32, #tpu.memory_space<vmem>>, %arg2: memref<2x2000x128xf32, #tpu.memory_space<vmem>>, %arg3: memref<2x2000x8xf32, #tpu.memory_space<vmem>>, %arg4: memref<2x2000x128xf32, #tpu.memory_space<vmem>>, %arg5: memref<8x128xf32, #tpu.memory_space<vmem>>, %arg6: memref<128x128xf32, #tpu.memory_space<vmem>>, %arg7: memref<1x128xf32, #tpu.memory_space<vmem>>, %arg8: memref<128x512xf32, #tpu.memory_space<vmem>>, %arg9: memref<1x512xf32, #tpu.memory_space<vmem>>, %arg10: memref<512x128xf32, #tpu.memory_space<vmem>>, %arg11: memref<1x128xf32, #tpu.memory_space<vmem>>, %arg12: memref<1x128xf32, #tpu.memory_space<vmem>>, %arg13: memref<1x128xf32, #tpu.memory_space<vmem>>, %arg14: memref<2000x128xf32, #tpu.memory_space<vmem>>) attributes {dimension_semantics = [#tpu.dimension_semantics<arbitrary>], iteration_bounds = array<i64: 5>, scalar_prefetch = 0 : i64, scratch_operands = 0 : i64, tpu.core_type = #tpu.core_type<tc>, window_params = [{transform_indices = @transform_0, window_bounds = array<i64: 2000, 128>}, {transform_indices = @transform_1, window_bounds = array<i64: 2, 2000, 128>}, {transform_indices = @transform_2, window_bounds = array<i64: 2, 2000, 8>}, {transform_indices = @transform_3, window_bounds = array<i64: 2, 2000, 128>}, {pipeline_mode = #tpu.pipeline_mode<synchronous>, transform_indices = @transform_4, window_bounds = array<i64: 8, 128>}, {pipeline_mode = #tpu.pipeline_mode<synchronous>, transform_indices = @transform_5, window_bounds = array<i64: 128, 128>}, {pipeline_mode = #tpu.pipeline_mode<synchronous>, transform_indices = @transform_6, window_bounds = array<i64: 1, 128>}, {pipeline_mode = #tpu.pipeline_mode<synchronous>, transform_indices = @transform_7, window_bounds = array<i64: 128, 512>}, {pipeline_mode = #tpu.pipeline_mode<synchronous>, transform_indices = @transform_8, window_bounds = array<i64: 1, 512>}, {pipeline_mode = #tpu.pipeline_mode<synchronous>, transform_indices = @transform_9, window_bounds = array<i64: 512, 128>}, {pipeline_mode = #tpu.pipeline_mode<synchronous>, transform_indices = @transform_10, window_bounds = array<i64: 1, 128>}, {pipeline_mode = #tpu.pipeline_mode<synchronous>, transform_indices = @transform_11, window_bounds = array<i64: 1, 128>}, {pipeline_mode = #tpu.pipeline_mode<synchronous>, transform_indices = @transform_12, window_bounds = array<i64: 1, 128>}, {transform_indices = @transform_13, window_bounds = array<i64: 2000, 128>}]} {
    %get3A = arith.constant 0 : index
    %get3A_0 = arith.constant 0 : index
    %get3A_1 = vector.load %arg12[%get3A, %get3A_0] : memref<1x128xf32, #tpu.memory_space<vmem>>, vector<1x128xf32>
    %get3A_2 = arith.constant 0 : index
    %get3A_3 = arith.constant 0 : index
    %get3A_4 = vector.load %arg13[%get3A_2, %get3A_3] : memref<1x128xf32, #tpu.memory_space<vmem>>, vector<1x128xf32>
    %get3A_5 = arith.constant 0 : index
    %get3A_6 = arith.constant 0 : index
    %get3A_7 = arith.constant 0 : index
    %get3A_8 = vector.load %arg2[%get3A_5, %get3A_6, %get3A_7] : memref<2x2000x128xf32, #tpu.memory_space<vmem>>, vector<1x2000x128xf32>
    %get3A_9 = vector.shape_cast %get3A_8 : vector<1x2000x128xf32> to vector<2000x128xf32>
    %get3A_10 = arith.constant 1 : index
    %get3A_11 = arith.constant 0 : index
    %get3A_12 = arith.constant 0 : index
    %get3A_13 = vector.load %arg2[%get3A_10, %get3A_11, %get3A_12] : memref<2x2000x128xf32, #tpu.memory_space<vmem>>, vector<1x2000x128xf32>
    %get3A_14 = vector.shape_cast %get3A_13 : vector<1x2000x128xf32> to vector<2000x128xf32>
    %add3A = arith.addf %get3A_9, %get3A_14 : vector<2000x128xf32>
    %get3A_15 = arith.constant 0 : index
    %get3A_16 = arith.constant 0 : index
    %get3A_17 = arith.constant 0 : index
    %get3A_18 = vector.load %arg3[%get3A_15, %get3A_16, %get3A_17] : memref<2x2000x8xf32, #tpu.memory_space<vmem>>, vector<1x2000x8xf32>
    %get3A_19 = vector.shape_cast %get3A_18 : vector<1x2000x8xf32> to vector<2000x8xf32>
    %get3A_20 = arith.constant 1 : index
    %get3A_21 = arith.constant 0 : index
    %get3A_22 = arith.constant 0 : index
    %get3A_23 = vector.load %arg3[%get3A_20, %get3A_21, %get3A_22] : memref<2x2000x8xf32, #tpu.memory_space<vmem>>, vector<1x2000x8xf32>
    %get3A_24 = vector.shape_cast %get3A_23 : vector<1x2000x8xf32> to vector<2000x8xf32>
    %add3A_25 = arith.addf %get3A_19, %get3A_24 : vector<2000x8xf32>
    %add3A_26 = arith.constant 1.000000e-16 : f32
    %add3A_27 = vector.broadcast %add3A_26 : f32 to vector<2000x8xf32>
    %add3A_28 = arith.addf %add3A_25, %add3A_27 : vector<2000x8xf32>
    %div3A = arith.constant 1.000000e+00 : f32
    %div3A_29 = vector.broadcast %div3A : f32 to vector<2000x8xf32>
    %div3A_30 = arith.divf %div3A_29, %add3A_28 : vector<2000x8xf32>
    %get3A_31 = arith.constant 0 : index
    %get3A_32 = arith.constant 0 : index
    %get3A_33 = vector.load %arg5[%get3A_31, %get3A_32] : memref<8x128xf32, #tpu.memory_space<vmem>>, vector<8x128xf32>
    %dot_general3A = arith.constant dense<0.000000e+00> : vector<2000x128xf32>
    %dot_general3A_34 = tpu.matmul %div3A_30, %get3A_33, %dot_general3A {dimension_numbers = #tpu.dot_dimension_numbers<[1], [0], [0], [1], [0, 0, 1, 1], [], []>, transpose_lhs_hint = false} : vector<2000x8xf32>, vector<8x128xf32>, vector<2000x128xf32> -> vector<2000x128xf32>
    %mul3A = arith.mulf %add3A, %dot_general3A_34 : vector<2000x128xf32>
    %get3A_35 = arith.constant 0 : index
    %get3A_36 = arith.constant 0 : index
    %get3A_37 = vector.load %arg6[%get3A_35, %get3A_36] : memref<128x128xf32, #tpu.memory_space<vmem>>, vector<128x128xf32>
    %dot_general3A_38 = arith.constant dense<0.000000e+00> : vector<2000x128xf32>
    %dot_general3A_39 = tpu.matmul %mul3A, %get3A_37, %dot_general3A_38 {dimension_numbers = #tpu.dot_dimension_numbers<[1], [0], [0], [1], [0, 0, 1, 1], [], []>, transpose_lhs_hint = false} : vector<2000x128xf32>, vector<128x128xf32>, vector<2000x128xf32> -> vector<2000x128xf32>
    %get3A_40 = arith.constant 0 : index
    %get3A_41 = arith.constant 0 : index
    %get3A_42 = vector.load %arg7[%get3A_40, %get3A_41] : memref<1x128xf32, #tpu.memory_space<vmem>>, vector<1x128xf32>
    %add3A_43 = vector.broadcast %get3A_42 : vector<1x128xf32> to vector<2000x128xf32>
    %add3A_44 = arith.addf %dot_general3A_39, %add3A_43 : vector<2000x128xf32>
    %get3A_45 = arith.constant 0 : index
    %get3A_46 = arith.constant 0 : index
    %get3A_47 = vector.load %arg1[%get3A_45, %get3A_46] : memref<2000x128xf32, #tpu.memory_space<vmem>>, vector<2000x128xf32>
    %add3A_48 = arith.addf %get3A_47, %add3A_44 : vector<2000x128xf32>
    %mul3A_49 = arith.constant 5.000000e-01 : f32
    %mul3A_50 = vector.broadcast %mul3A_49 : f32 to vector<2000x128xf32>
    %mul3A_51 = arith.mulf %mul3A_50, %add3A_48 : vector<2000x128xf32>
    %mul3A_52 = arith.constant 0.707106769 : f32
    %mul3A_53 = vector.broadcast %mul3A_52 : f32 to vector<2000x128xf32>
    %mul3A_54 = arith.mulf %add3A_48, %mul3A_53 : vector<2000x128xf32>
    %sign3A = tpu.bitcast %mul3A_54 : vector<2000x128xf32> -> vector<2000x128xi32>
    %sign3A_55 = arith.constant -2147483648 : i32
    %sign3A_56 = vector.broadcast %sign3A_55 : i32 to vector<2000x128xi32>
    %sign3A_57 = arith.andi %sign3A, %sign3A_56 : vector<2000x128xi32>
    %sign3A_58 = arith.constant 1065353216 : i32
    %sign3A_59 = vector.broadcast %sign3A_58 : i32 to vector<2000x128xi32>
    %sign3A_60 = arith.ori %sign3A_59, %sign3A_57 : vector<2000x128xi32>
    %sign3A_61 = tpu.bitcast %sign3A_60 : vector<2000x128xi32> -> vector<2000x128xf32>
    %sign3A_62 = math.absf %mul3A_54 : vector<2000x128xf32>
    %sign3A_63 = arith.constant 0.000000e+00 : f32
    %sign3A_64 = vector.broadcast %sign3A_63 : f32 to vector<2000x128xf32>
    %sign3A_65 = arith.cmpf ogt, %sign3A_62, %sign3A_64 : vector<2000x128xf32>
    %sign3A_66 = arith.select %sign3A_65, %sign3A_61, %mul3A_54 : vector<2000x128xi1>, vector<2000x128xf32>
    %abs3A = math.absf %mul3A_54 : vector<2000x128xf32>
    %mul3A_67 = arith.constant 0.327591091 : f32
    %mul3A_68 = vector.broadcast %mul3A_67 : f32 to vector<2000x128xf32>
    %mul3A_69 = arith.mulf %mul3A_68, %abs3A : vector<2000x128xf32>
    %add3A_70 = arith.constant 1.000000e+00 : f32
    %add3A_71 = vector.broadcast %add3A_70 : f32 to vector<2000x128xf32>
    %add3A_72 = arith.addf %add3A_71, %mul3A_69 : vector<2000x128xf32>
    %div3A_73 = arith.constant 1.000000e+00 : f32
    %div3A_74 = vector.broadcast %div3A_73 : f32 to vector<2000x128xf32>
    %div3A_75 = arith.divf %div3A_74, %add3A_72 : vector<2000x128xf32>
    %mul3A_76 = arith.constant 1.06140542 : f32
    %mul3A_77 = vector.broadcast %mul3A_76 : f32 to vector<2000x128xf32>
    %mul3A_78 = arith.mulf %mul3A_77, %div3A_75 : vector<2000x128xf32>
    %sub3A = arith.constant 1.45315206 : f32
    %sub3A_79 = vector.broadcast %sub3A : f32 to vector<2000x128xf32>
    %sub3A_80 = arith.subf %mul3A_78, %sub3A_79 : vector<2000x128xf32>
    %mul3A_81 = arith.mulf %sub3A_80, %div3A_75 : vector<2000x128xf32>
    %add3A_82 = arith.constant 1.42141378 : f32
    %add3A_83 = vector.broadcast %add3A_82 : f32 to vector<2000x128xf32>
    %add3A_84 = arith.addf %mul3A_81, %add3A_83 : vector<2000x128xf32>
    %mul3A_85 = arith.mulf %add3A_84, %div3A_75 : vector<2000x128xf32>
    %sub3A_86 = arith.constant 0.284496725 : f32
    %sub3A_87 = vector.broadcast %sub3A_86 : f32 to vector<2000x128xf32>
    %sub3A_88 = arith.subf %mul3A_85, %sub3A_87 : vector<2000x128xf32>
    %mul3A_89 = arith.mulf %sub3A_88, %div3A_75 : vector<2000x128xf32>
    %add3A_90 = arith.constant 0.254829586 : f32
    %add3A_91 = vector.broadcast %add3A_90 : f32 to vector<2000x128xf32>
    %add3A_92 = arith.addf %mul3A_89, %add3A_91 : vector<2000x128xf32>
    %mul3A_93 = arith.mulf %add3A_92, %div3A_75 : vector<2000x128xf32>
    %neg3A = arith.constant 0.000000e+00 : f32
    %neg3A_94 = vector.broadcast %neg3A : f32 to vector<2000x128xf32>
    %neg3A_95 = arith.subf %neg3A_94, %abs3A : vector<2000x128xf32>
    %mul3A_96 = arith.mulf %neg3A_95, %abs3A : vector<2000x128xf32>
    %exp3A = math.exp %mul3A_96 : vector<2000x128xf32>
    %mul3A_97 = arith.mulf %mul3A_93, %exp3A : vector<2000x128xf32>
    %sub3A_98 = arith.constant 1.000000e+00 : f32
    %sub3A_99 = vector.broadcast %sub3A_98 : f32 to vector<2000x128xf32>
    %sub3A_100 = arith.subf %sub3A_99, %mul3A_97 : vector<2000x128xf32>
    %mul3A_101 = arith.mulf %sign3A_66, %sub3A_100 : vector<2000x128xf32>
    %add3A_102 = arith.constant 1.000000e+00 : f32
    %add3A_103 = vector.broadcast %add3A_102 : f32 to vector<2000x128xf32>
    %add3A_104 = arith.addf %add3A_103, %mul3A_101 : vector<2000x128xf32>
    %mul3A_105 = arith.mulf %mul3A_51, %add3A_104 : vector<2000x128xf32>
    %reduce_sum3A = arith.constant dense<0.000000e+00> : vector<2000xf32>
    %reduce_sum3A_106 = vector.multi_reduction <add>, %mul3A_105, %reduce_sum3A [1] : vector<2000x128xf32> to vector<2000xf32>
    %broadcast_in_dim3A = vector.shape_cast %reduce_sum3A_106 : vector<2000xf32> to vector<2000x1xf32>
    %div3A_107 = arith.constant 1.280000e+02 : f32
    %div3A_108 = vector.broadcast %div3A_107 : f32 to vector<2000x1xf32>
    %div3A_109 = arith.divf %broadcast_in_dim3A, %div3A_108 : vector<2000x1xf32>
    %sub3A_110 = vector.broadcast %div3A_109 : vector<2000x1xf32> to vector<2000x128xf32>
    %sub3A_111 = arith.subf %mul3A_105, %sub3A_110 : vector<2000x128xf32>
    %integer_pow3A = arith.mulf %sub3A_111, %sub3A_111 : vector<2000x128xf32>
    %reduce_sum3A_112 = arith.constant dense<0.000000e+00> : vector<2000xf32>
    %reduce_sum3A_113 = vector.multi_reduction <add>, %integer_pow3A, %reduce_sum3A_112 [1] : vector<2000x128xf32> to vector<2000xf32>
    %broadcast_in_dim3A_114 = vector.shape_cast %reduce_sum3A_113 : vector<2000xf32> to vector<2000x1xf32>
    %div3A_115 = arith.constant 1.280000e+02 : f32
    %div3A_116 = vector.broadcast %div3A_115 : f32 to vector<2000x1xf32>
    %div3A_117 = arith.divf %broadcast_in_dim3A_114, %div3A_116 : vector<2000x1xf32>
    %sub3A_118 = vector.broadcast %div3A_109 : vector<2000x1xf32> to vector<2000x128xf32>
    %sub3A_119 = arith.subf %mul3A_105, %sub3A_118 : vector<2000x128xf32>
    %add3A_120 = arith.constant 9.99999974E-6 : f32
    %add3A_121 = vector.broadcast %add3A_120 : f32 to vector<2000x1xf32>
    %add3A_122 = arith.addf %div3A_117, %add3A_121 : vector<2000x1xf32>
    %sqrt3A = math.sqrt %add3A_122 : vector<2000x1xf32>
    %div3A_123 = vector.broadcast %sqrt3A : vector<2000x1xf32> to vector<2000x128xf32>
    %div3A_124 = arith.divf %sub3A_119, %div3A_123 : vector<2000x128xf32>
    %mul3A_125 = vector.broadcast %get3A_1 : vector<1x128xf32> to vector<2000x128xf32>
    %mul3A_126 = arith.mulf %div3A_124, %mul3A_125 : vector<2000x128xf32>
    %add3A_127 = vector.broadcast %get3A_4 : vector<1x128xf32> to vector<2000x128xf32>
    %add3A_128 = arith.addf %mul3A_126, %add3A_127 : vector<2000x128xf32>
    %get3A_129 = arith.constant 0 : index
    %get3A_130 = arith.constant 0 : index
    %get3A_131 = arith.constant 0 : index
    %get3A_132 = vector.load %arg4[%get3A_129, %get3A_130, %get3A_131] : memref<2x2000x128xf32, #tpu.memory_space<vmem>>, vector<1x2000x128xf32>
    %get3A_133 = vector.shape_cast %get3A_132 : vector<1x2000x128xf32> to vector<2000x128xf32>
    %add3A_134 = arith.addf %add3A_128, %get3A_133 : vector<2000x128xf32>
    %get3A_135 = arith.constant 1 : index
    %get3A_136 = arith.constant 0 : index
    %get3A_137 = arith.constant 0 : index
    %get3A_138 = vector.load %arg4[%get3A_135, %get3A_136, %get3A_137] : memref<2x2000x128xf32, #tpu.memory_space<vmem>>, vector<1x2000x128xf32>
    %get3A_139 = vector.shape_cast %get3A_138 : vector<1x2000x128xf32> to vector<2000x128xf32>
    %add3A_140 = arith.addf %add3A_134, %get3A_139 : vector<2000x128xf32>
    %mul3A_141 = arith.constant 5.000000e-01 : f32
    %mul3A_142 = vector.broadcast %mul3A_141 : f32 to vector<2000x128xf32>
    %mul3A_143 = arith.mulf %mul3A_142, %add3A_140 : vector<2000x128xf32>
    %mul3A_144 = arith.constant 0.707106769 : f32
    %mul3A_145 = vector.broadcast %mul3A_144 : f32 to vector<2000x128xf32>
    %mul3A_146 = arith.mulf %add3A_140, %mul3A_145 : vector<2000x128xf32>
    %sign3A_147 = tpu.bitcast %mul3A_146 : vector<2000x128xf32> -> vector<2000x128xi32>
    %sign3A_148 = arith.constant -2147483648 : i32
    %sign3A_149 = vector.broadcast %sign3A_148 : i32 to vector<2000x128xi32>
    %sign3A_150 = arith.andi %sign3A_147, %sign3A_149 : vector<2000x128xi32>
    %sign3A_151 = arith.constant 1065353216 : i32
    %sign3A_152 = vector.broadcast %sign3A_151 : i32 to vector<2000x128xi32>
    %sign3A_153 = arith.ori %sign3A_152, %sign3A_150 : vector<2000x128xi32>
    %sign3A_154 = tpu.bitcast %sign3A_153 : vector<2000x128xi32> -> vector<2000x128xf32>
    %sign3A_155 = math.absf %mul3A_146 : vector<2000x128xf32>
    %sign3A_156 = arith.constant 0.000000e+00 : f32
    %sign3A_157 = vector.broadcast %sign3A_156 : f32 to vector<2000x128xf32>
    %sign3A_158 = arith.cmpf ogt, %sign3A_155, %sign3A_157 : vector<2000x128xf32>
    %sign3A_159 = arith.select %sign3A_158, %sign3A_154, %mul3A_146 : vector<2000x128xi1>, vector<2000x128xf32>
    %abs3A_160 = math.absf %mul3A_146 : vector<2000x128xf32>
    %mul3A_161 = arith.constant 0.327591091 : f32
    %mul3A_162 = vector.broadcast %mul3A_161 : f32 to vector<2000x128xf32>
    %mul3A_163 = arith.mulf %mul3A_162, %abs3A_160 : vector<2000x128xf32>
    %add3A_164 = arith.constant 1.000000e+00 : f32
    %add3A_165 = vector.broadcast %add3A_164 : f32 to vector<2000x128xf32>
    %add3A_166 = arith.addf %add3A_165, %mul3A_163 : vector<2000x128xf32>
    %div3A_167 = arith.constant 1.000000e+00 : f32
    %div3A_168 = vector.broadcast %div3A_167 : f32 to vector<2000x128xf32>
    %div3A_169 = arith.divf %div3A_168, %add3A_166 : vector<2000x128xf32>
    %mul3A_170 = arith.constant 1.06140542 : f32
    %mul3A_171 = vector.broadcast %mul3A_170 : f32 to vector<2000x128xf32>
    %mul3A_172 = arith.mulf %mul3A_171, %div3A_169 : vector<2000x128xf32>
    %sub3A_173 = arith.constant 1.45315206 : f32
    %sub3A_174 = vector.broadcast %sub3A_173 : f32 to vector<2000x128xf32>
    %sub3A_175 = arith.subf %mul3A_172, %sub3A_174 : vector<2000x128xf32>
    %mul3A_176 = arith.mulf %sub3A_175, %div3A_169 : vector<2000x128xf32>
    %add3A_177 = arith.constant 1.42141378 : f32
    %add3A_178 = vector.broadcast %add3A_177 : f32 to vector<2000x128xf32>
    %add3A_179 = arith.addf %mul3A_176, %add3A_178 : vector<2000x128xf32>
    %mul3A_180 = arith.mulf %add3A_179, %div3A_169 : vector<2000x128xf32>
    %sub3A_181 = arith.constant 0.284496725 : f32
    %sub3A_182 = vector.broadcast %sub3A_181 : f32 to vector<2000x128xf32>
    %sub3A_183 = arith.subf %mul3A_180, %sub3A_182 : vector<2000x128xf32>
    %mul3A_184 = arith.mulf %sub3A_183, %div3A_169 : vector<2000x128xf32>
    %add3A_185 = arith.constant 0.254829586 : f32
    %add3A_186 = vector.broadcast %add3A_185 : f32 to vector<2000x128xf32>
    %add3A_187 = arith.addf %mul3A_184, %add3A_186 : vector<2000x128xf32>
    %mul3A_188 = arith.mulf %add3A_187, %div3A_169 : vector<2000x128xf32>
    %neg3A_189 = arith.constant 0.000000e+00 : f32
    %neg3A_190 = vector.broadcast %neg3A_189 : f32 to vector<2000x128xf32>
    %neg3A_191 = arith.subf %neg3A_190, %abs3A_160 : vector<2000x128xf32>
    %mul3A_192 = arith.mulf %neg3A_191, %abs3A_160 : vector<2000x128xf32>
    %exp3A_193 = math.exp %mul3A_192 : vector<2000x128xf32>
    %mul3A_194 = arith.mulf %mul3A_188, %exp3A_193 : vector<2000x128xf32>
    %sub3A_195 = arith.constant 1.000000e+00 : f32
    %sub3A_196 = vector.broadcast %sub3A_195 : f32 to vector<2000x128xf32>
    %sub3A_197 = arith.subf %sub3A_196, %mul3A_194 : vector<2000x128xf32>
    %mul3A_198 = arith.mulf %sign3A_159, %sub3A_197 : vector<2000x128xf32>
    %add3A_199 = arith.constant 1.000000e+00 : f32
    %add3A_200 = vector.broadcast %add3A_199 : f32 to vector<2000x128xf32>
    %add3A_201 = arith.addf %add3A_200, %mul3A_198 : vector<2000x128xf32>
    %mul3A_202 = arith.mulf %mul3A_143, %add3A_201 : vector<2000x128xf32>
    %reduce_sum3A_203 = arith.constant dense<0.000000e+00> : vector<2000xf32>
    %reduce_sum3A_204 = vector.multi_reduction <add>, %mul3A_202, %reduce_sum3A_203 [1] : vector<2000x128xf32> to vector<2000xf32>
    %broadcast_in_dim3A_205 = vector.shape_cast %reduce_sum3A_204 : vector<2000xf32> to vector<2000x1xf32>
    %div3A_206 = arith.constant 1.280000e+02 : f32
    %div3A_207 = vector.broadcast %div3A_206 : f32 to vector<2000x1xf32>
    %div3A_208 = arith.divf %broadcast_in_dim3A_205, %div3A_207 : vector<2000x1xf32>
    %sub3A_209 = vector.broadcast %div3A_208 : vector<2000x1xf32> to vector<2000x128xf32>
    %sub3A_210 = arith.subf %mul3A_202, %sub3A_209 : vector<2000x128xf32>
    %integer_pow3A_211 = arith.mulf %sub3A_210, %sub3A_210 : vector<2000x128xf32>
    %reduce_sum3A_212 = arith.constant dense<0.000000e+00> : vector<2000xf32>
    %reduce_sum3A_213 = vector.multi_reduction <add>, %integer_pow3A_211, %reduce_sum3A_212 [1] : vector<2000x128xf32> to vector<2000xf32>
    %broadcast_in_dim3A_214 = vector.shape_cast %reduce_sum3A_213 : vector<2000xf32> to vector<2000x1xf32>
    %div3A_215 = arith.constant 1.280000e+02 : f32
    %div3A_216 = vector.broadcast %div3A_215 : f32 to vector<2000x1xf32>
    %div3A_217 = arith.divf %broadcast_in_dim3A_214, %div3A_216 : vector<2000x1xf32>
    %sub3A_218 = vector.broadcast %div3A_208 : vector<2000x1xf32> to vector<2000x128xf32>
    %sub3A_219 = arith.subf %mul3A_202, %sub3A_218 : vector<2000x128xf32>
    %add3A_220 = arith.constant 9.99999974E-6 : f32
    %add3A_221 = vector.broadcast %add3A_220 : f32 to vector<2000x1xf32>
    %add3A_222 = arith.addf %div3A_217, %add3A_221 : vector<2000x1xf32>
    %sqrt3A_223 = math.sqrt %add3A_222 : vector<2000x1xf32>
    %div3A_224 = vector.broadcast %sqrt3A_223 : vector<2000x1xf32> to vector<2000x128xf32>
    %div3A_225 = arith.divf %sub3A_219, %div3A_224 : vector<2000x128xf32>
    %mul3A_226 = vector.broadcast %get3A_1 : vector<1x128xf32> to vector<2000x128xf32>
    %mul3A_227 = arith.mulf %div3A_225, %mul3A_226 : vector<2000x128xf32>
    %add3A_228 = vector.broadcast %get3A_4 : vector<1x128xf32> to vector<2000x128xf32>
    %add3A_229 = arith.addf %mul3A_227, %add3A_228 : vector<2000x128xf32>
    %get3A_230 = arith.constant 0 : index
    %get3A_231 = arith.constant 0 : index
    %get3A_232 = vector.load %arg8[%get3A_230, %get3A_231] : memref<128x512xf32, #tpu.memory_space<vmem>>, vector<128x512xf32>
    %dot_general3A_233 = arith.constant dense<0.000000e+00> : vector<2000x512xf32>
    %dot_general3A_234 = tpu.matmul %add3A_229, %get3A_232, %dot_general3A_233 {dimension_numbers = #tpu.dot_dimension_numbers<[1], [0], [0], [1], [0, 0, 1, 1], [], []>, transpose_lhs_hint = false} : vector<2000x128xf32>, vector<128x512xf32>, vector<2000x512xf32> -> vector<2000x512xf32>
    %get3A_235 = arith.constant 0 : index
    %get3A_236 = arith.constant 0 : index
    %get3A_237 = vector.load %arg9[%get3A_235, %get3A_236] : memref<1x512xf32, #tpu.memory_space<vmem>>, vector<1x512xf32>
    %add3A_238 = vector.broadcast %get3A_237 : vector<1x512xf32> to vector<2000x512xf32>
    %add3A_239 = arith.addf %dot_general3A_234, %add3A_238 : vector<2000x512xf32>
    %mul3A_240 = arith.constant 5.000000e-01 : f32
    %mul3A_241 = vector.broadcast %mul3A_240 : f32 to vector<2000x512xf32>
    %mul3A_242 = arith.mulf %mul3A_241, %add3A_239 : vector<2000x512xf32>
    %mul3A_243 = arith.constant 0.707106769 : f32
    %mul3A_244 = vector.broadcast %mul3A_243 : f32 to vector<2000x512xf32>
    %mul3A_245 = arith.mulf %add3A_239, %mul3A_244 : vector<2000x512xf32>
    %sign3A_246 = tpu.bitcast %mul3A_245 : vector<2000x512xf32> -> vector<2000x512xi32>
    %sign3A_247 = arith.constant -2147483648 : i32
    %sign3A_248 = vector.broadcast %sign3A_247 : i32 to vector<2000x512xi32>
    %sign3A_249 = arith.andi %sign3A_246, %sign3A_248 : vector<2000x512xi32>
    %sign3A_250 = arith.constant 1065353216 : i32
    %sign3A_251 = vector.broadcast %sign3A_250 : i32 to vector<2000x512xi32>
    %sign3A_252 = arith.ori %sign3A_251, %sign3A_249 : vector<2000x512xi32>
    %sign3A_253 = tpu.bitcast %sign3A_252 : vector<2000x512xi32> -> vector<2000x512xf32>
    %sign3A_254 = math.absf %mul3A_245 : vector<2000x512xf32>
    %sign3A_255 = arith.constant 0.000000e+00 : f32
    %sign3A_256 = vector.broadcast %sign3A_255 : f32 to vector<2000x512xf32>
    %sign3A_257 = arith.cmpf ogt, %sign3A_254, %sign3A_256 : vector<2000x512xf32>
    %sign3A_258 = arith.select %sign3A_257, %sign3A_253, %mul3A_245 : vector<2000x512xi1>, vector<2000x512xf32>
    %abs3A_259 = math.absf %mul3A_245 : vector<2000x512xf32>
    %mul3A_260 = arith.constant 0.327591091 : f32
    %mul3A_261 = vector.broadcast %mul3A_260 : f32 to vector<2000x512xf32>
    %mul3A_262 = arith.mulf %mul3A_261, %abs3A_259 : vector<2000x512xf32>
    %add3A_263 = arith.constant 1.000000e+00 : f32
    %add3A_264 = vector.broadcast %add3A_263 : f32 to vector<2000x512xf32>
    %add3A_265 = arith.addf %add3A_264, %mul3A_262 : vector<2000x512xf32>
    %div3A_266 = arith.constant 1.000000e+00 : f32
    %div3A_267 = vector.broadcast %div3A_266 : f32 to vector<2000x512xf32>
    %div3A_268 = arith.divf %div3A_267, %add3A_265 : vector<2000x512xf32>
    %mul3A_269 = arith.constant 1.06140542 : f32
    %mul3A_270 = vector.broadcast %mul3A_269 : f32 to vector<2000x512xf32>
    %mul3A_271 = arith.mulf %mul3A_270, %div3A_268 : vector<2000x512xf32>
    %sub3A_272 = arith.constant 1.45315206 : f32
    %sub3A_273 = vector.broadcast %sub3A_272 : f32 to vector<2000x512xf32>
    %sub3A_274 = arith.subf %mul3A_271, %sub3A_273 : vector<2000x512xf32>
    %mul3A_275 = arith.mulf %sub3A_274, %div3A_268 : vector<2000x512xf32>
    %add3A_276 = arith.constant 1.42141378 : f32
    %add3A_277 = vector.broadcast %add3A_276 : f32 to vector<2000x512xf32>
    %add3A_278 = arith.addf %mul3A_275, %add3A_277 : vector<2000x512xf32>
    %mul3A_279 = arith.mulf %add3A_278, %div3A_268 : vector<2000x512xf32>
    %sub3A_280 = arith.constant 0.284496725 : f32
    %sub3A_281 = vector.broadcast %sub3A_280 : f32 to vector<2000x512xf32>
    %sub3A_282 = arith.subf %mul3A_279, %sub3A_281 : vector<2000x512xf32>
    %mul3A_283 = arith.mulf %sub3A_282, %div3A_268 : vector<2000x512xf32>
    %add3A_284 = arith.constant 0.254829586 : f32
    %add3A_285 = vector.broadcast %add3A_284 : f32 to vector<2000x512xf32>
    %add3A_286 = arith.addf %mul3A_283, %add3A_285 : vector<2000x512xf32>
    %mul3A_287 = arith.mulf %add3A_286, %div3A_268 : vector<2000x512xf32>
    %neg3A_288 = arith.constant 0.000000e+00 : f32
    %neg3A_289 = vector.broadcast %neg3A_288 : f32 to vector<2000x512xf32>
    %neg3A_290 = arith.subf %neg3A_289, %abs3A_259 : vector<2000x512xf32>
    %mul3A_291 = arith.mulf %neg3A_290, %abs3A_259 : vector<2000x512xf32>
    %exp3A_292 = math.exp %mul3A_291 : vector<2000x512xf32>
    %mul3A_293 = arith.mulf %mul3A_287, %exp3A_292 : vector<2000x512xf32>
    %sub3A_294 = arith.constant 1.000000e+00 : f32
    %sub3A_295 = vector.broadcast %sub3A_294 : f32 to vector<2000x512xf32>
    %sub3A_296 = arith.subf %sub3A_295, %mul3A_293 : vector<2000x512xf32>
    %mul3A_297 = arith.mulf %sign3A_258, %sub3A_296 : vector<2000x512xf32>
    %add3A_298 = arith.constant 1.000000e+00 : f32
    %add3A_299 = vector.broadcast %add3A_298 : f32 to vector<2000x512xf32>
    %add3A_300 = arith.addf %add3A_299, %mul3A_297 : vector<2000x512xf32>
    %mul3A_301 = arith.mulf %mul3A_242, %add3A_300 : vector<2000x512xf32>
    %get3A_302 = arith.constant 0 : index
    %get3A_303 = arith.constant 0 : index
    %get3A_304 = vector.load %arg10[%get3A_302, %get3A_303] : memref<512x128xf32, #tpu.memory_space<vmem>>, vector<512x128xf32>
    %dot_general3A_305 = arith.constant dense<0.000000e+00> : vector<2000x128xf32>
    %dot_general3A_306 = tpu.matmul %mul3A_301, %get3A_304, %dot_general3A_305 {dimension_numbers = #tpu.dot_dimension_numbers<[1], [0], [0], [1], [0, 0, 1, 1], [], []>, transpose_lhs_hint = false} : vector<2000x512xf32>, vector<512x128xf32>, vector<2000x128xf32> -> vector<2000x128xf32>
    %get3A_307 = arith.constant 0 : index
    %get3A_308 = arith.constant 0 : index
    %get3A_309 = vector.load %arg11[%get3A_307, %get3A_308] : memref<1x128xf32, #tpu.memory_space<vmem>>, vector<1x128xf32>
    %add3A_310 = vector.broadcast %get3A_309 : vector<1x128xf32> to vector<2000x128xf32>
    %add3A_311 = arith.addf %dot_general3A_306, %add3A_310 : vector<2000x128xf32>
    %add3A_312 = arith.addf %add3A_229, %add3A_311 : vector<2000x128xf32>
    %mul3A_313 = arith.constant 5.000000e-01 : f32
    %mul3A_314 = vector.broadcast %mul3A_313 : f32 to vector<2000x128xf32>
    %mul3A_315 = arith.mulf %mul3A_314, %add3A_312 : vector<2000x128xf32>
    %mul3A_316 = arith.constant 0.707106769 : f32
    %mul3A_317 = vector.broadcast %mul3A_316 : f32 to vector<2000x128xf32>
    %mul3A_318 = arith.mulf %add3A_312, %mul3A_317 : vector<2000x128xf32>
    %sign3A_319 = tpu.bitcast %mul3A_318 : vector<2000x128xf32> -> vector<2000x128xi32>
    %sign3A_320 = arith.constant -2147483648 : i32
    %sign3A_321 = vector.broadcast %sign3A_320 : i32 to vector<2000x128xi32>
    %sign3A_322 = arith.andi %sign3A_319, %sign3A_321 : vector<2000x128xi32>
    %sign3A_323 = arith.constant 1065353216 : i32
    %sign3A_324 = vector.broadcast %sign3A_323 : i32 to vector<2000x128xi32>
    %sign3A_325 = arith.ori %sign3A_324, %sign3A_322 : vector<2000x128xi32>
    %sign3A_326 = tpu.bitcast %sign3A_325 : vector<2000x128xi32> -> vector<2000x128xf32>
    %sign3A_327 = math.absf %mul3A_318 : vector<2000x128xf32>
    %sign3A_328 = arith.constant 0.000000e+00 : f32
    %sign3A_329 = vector.broadcast %sign3A_328 : f32 to vector<2000x128xf32>
    %sign3A_330 = arith.cmpf ogt, %sign3A_327, %sign3A_329 : vector<2000x128xf32>
    %sign3A_331 = arith.select %sign3A_330, %sign3A_326, %mul3A_318 : vector<2000x128xi1>, vector<2000x128xf32>
    %abs3A_332 = math.absf %mul3A_318 : vector<2000x128xf32>
    %mul3A_333 = arith.constant 0.327591091 : f32
    %mul3A_334 = vector.broadcast %mul3A_333 : f32 to vector<2000x128xf32>
    %mul3A_335 = arith.mulf %mul3A_334, %abs3A_332 : vector<2000x128xf32>
    %add3A_336 = arith.constant 1.000000e+00 : f32
    %add3A_337 = vector.broadcast %add3A_336 : f32 to vector<2000x128xf32>
    %add3A_338 = arith.addf %add3A_337, %mul3A_335 : vector<2000x128xf32>
    %div3A_339 = arith.constant 1.000000e+00 : f32
    %div3A_340 = vector.broadcast %div3A_339 : f32 to vector<2000x128xf32>
    %div3A_341 = arith.divf %div3A_340, %add3A_338 : vector<2000x128xf32>
    %mul3A_342 = arith.constant 1.06140542 : f32
    %mul3A_343 = vector.broadcast %mul3A_342 : f32 to vector<2000x128xf32>
    %mul3A_344 = arith.mulf %mul3A_343, %div3A_341 : vector<2000x128xf32>
    %sub3A_345 = arith.constant 1.45315206 : f32
    %sub3A_346 = vector.broadcast %sub3A_345 : f32 to vector<2000x128xf32>
    %sub3A_347 = arith.subf %mul3A_344, %sub3A_346 : vector<2000x128xf32>
    %mul3A_348 = arith.mulf %sub3A_347, %div3A_341 : vector<2000x128xf32>
    %add3A_349 = arith.constant 1.42141378 : f32
    %add3A_350 = vector.broadcast %add3A_349 : f32 to vector<2000x128xf32>
    %add3A_351 = arith.addf %mul3A_348, %add3A_350 : vector<2000x128xf32>
    %mul3A_352 = arith.mulf %add3A_351, %div3A_341 : vector<2000x128xf32>
    %sub3A_353 = arith.constant 0.284496725 : f32
    %sub3A_354 = vector.broadcast %sub3A_353 : f32 to vector<2000x128xf32>
    %sub3A_355 = arith.subf %mul3A_352, %sub3A_354 : vector<2000x128xf32>
    %mul3A_356 = arith.mulf %sub3A_355, %div3A_341 : vector<2000x128xf32>
    %add3A_357 = arith.constant 0.254829586 : f32
    %add3A_358 = vector.broadcast %add3A_357 : f32 to vector<2000x128xf32>
    %add3A_359 = arith.addf %mul3A_356, %add3A_358 : vector<2000x128xf32>
    %mul3A_360 = arith.mulf %add3A_359, %div3A_341 : vector<2000x128xf32>
    %neg3A_361 = arith.constant 0.000000e+00 : f32
    %neg3A_362 = vector.broadcast %neg3A_361 : f32 to vector<2000x128xf32>
    %neg3A_363 = arith.subf %neg3A_362, %abs3A_332 : vector<2000x128xf32>
    %mul3A_364 = arith.mulf %neg3A_363, %abs3A_332 : vector<2000x128xf32>
    %exp3A_365 = math.exp %mul3A_364 : vector<2000x128xf32>
    %mul3A_366 = arith.mulf %mul3A_360, %exp3A_365 : vector<2000x128xf32>
    %sub3A_367 = arith.constant 1.000000e+00 : f32
    %sub3A_368 = vector.broadcast %sub3A_367 : f32 to vector<2000x128xf32>
    %sub3A_369 = arith.subf %sub3A_368, %mul3A_366 : vector<2000x128xf32>
    %mul3A_370 = arith.mulf %sign3A_331, %sub3A_369 : vector<2000x128xf32>
    %add3A_371 = arith.constant 1.000000e+00 : f32
    %add3A_372 = vector.broadcast %add3A_371 : f32 to vector<2000x128xf32>
    %add3A_373 = arith.addf %add3A_372, %mul3A_370 : vector<2000x128xf32>
    %mul3A_374 = arith.mulf %mul3A_315, %add3A_373 : vector<2000x128xf32>
    %reduce_sum3A_375 = arith.constant dense<0.000000e+00> : vector<2000xf32>
    %reduce_sum3A_376 = vector.multi_reduction <add>, %mul3A_374, %reduce_sum3A_375 [1] : vector<2000x128xf32> to vector<2000xf32>
    %broadcast_in_dim3A_377 = vector.shape_cast %reduce_sum3A_376 : vector<2000xf32> to vector<2000x1xf32>
    %div3A_378 = arith.constant 1.280000e+02 : f32
    %div3A_379 = vector.broadcast %div3A_378 : f32 to vector<2000x1xf32>
    %div3A_380 = arith.divf %broadcast_in_dim3A_377, %div3A_379 : vector<2000x1xf32>
    %sub3A_381 = vector.broadcast %div3A_380 : vector<2000x1xf32> to vector<2000x128xf32>
    %sub3A_382 = arith.subf %mul3A_374, %sub3A_381 : vector<2000x128xf32>
    %integer_pow3A_383 = arith.mulf %sub3A_382, %sub3A_382 : vector<2000x128xf32>
    %reduce_sum3A_384 = arith.constant dense<0.000000e+00> : vector<2000xf32>
    %reduce_sum3A_385 = vector.multi_reduction <add>, %integer_pow3A_383, %reduce_sum3A_384 [1] : vector<2000x128xf32> to vector<2000xf32>
    %broadcast_in_dim3A_386 = vector.shape_cast %reduce_sum3A_385 : vector<2000xf32> to vector<2000x1xf32>
    %div3A_387 = arith.constant 1.280000e+02 : f32
    %div3A_388 = vector.broadcast %div3A_387 : f32 to vector<2000x1xf32>
    %div3A_389 = arith.divf %broadcast_in_dim3A_386, %div3A_388 : vector<2000x1xf32>
    %sub3A_390 = vector.broadcast %div3A_380 : vector<2000x1xf32> to vector<2000x128xf32>
    %sub3A_391 = arith.subf %mul3A_374, %sub3A_390 : vector<2000x128xf32>
    %add3A_392 = arith.constant 9.99999974E-6 : f32
    %add3A_393 = vector.broadcast %add3A_392 : f32 to vector<2000x1xf32>
    %add3A_394 = arith.addf %div3A_389, %add3A_393 : vector<2000x1xf32>
    %sqrt3A_395 = math.sqrt %add3A_394 : vector<2000x1xf32>
    %div3A_396 = vector.broadcast %sqrt3A_395 : vector<2000x1xf32> to vector<2000x128xf32>
    %div3A_397 = arith.divf %sub3A_391, %div3A_396 : vector<2000x128xf32>
    %mul3A_398 = vector.broadcast %get3A_1 : vector<1x128xf32> to vector<2000x128xf32>
    %mul3A_399 = arith.mulf %div3A_397, %mul3A_398 : vector<2000x128xf32>
    %add3A_400 = vector.broadcast %get3A_4 : vector<1x128xf32> to vector<2000x128xf32>
    %add3A_401 = arith.addf %mul3A_399, %add3A_400 : vector<2000x128xf32>
    %swap3A = arith.constant 0 : index
    %swap3A_402 = arith.constant 0 : index
    %swap3A_403 = vector.load %arg14[%swap3A, %swap3A_402] : memref<2000x128xf32, #tpu.memory_space<vmem>>, vector<2000x128xf32>
    tpu.vector_store %arg14[%swap3A, %swap3A_402], %add3A_401 {strides = array<i32>} : memref<2000x128xf32, #tpu.memory_space<vmem>>, vector<2000x128xf32>,
    return
  }
  func.func @transform_0(%arg0: i32) -> (i32, i32) {
    %c0_i32 = arith.constant 0 : i32
    %c0_i32_0 = arith.constant 0 : i32
    return %arg0, %c0_i32 : i32, i32
  }
  func.func @transform_1(%arg0: i32) -> (i32, i32, i32) {
    %c0_i32 = arith.constant 0 : i32
    %c0_i32_0 = arith.constant 0 : i32
    %c0_i32_1 = arith.constant 0 : i32
    return %c0_i32, %arg0, %c0_i32_0 : i32, i32, i32
  }
  func.func @transform_2(%arg0: i32) -> (i32, i32, i32) {
    %c0_i32 = arith.constant 0 : i32
    %c0_i32_0 = arith.constant 0 : i32
    %c0_i32_1 = arith.constant 0 : i32
    return %c0_i32, %arg0, %c0_i32_0 : i32, i32, i32
  }
  func.func @transform_3(%arg0: i32) -> (i32, i32, i32) {
    %c0_i32 = arith.constant 0 : i32
    %c0_i32_0 = arith.constant 0 : i32
    %c0_i32_1 = arith.constant 0 : i32
    return %c0_i32, %arg0, %c0_i32_0 : i32, i32, i32
  }
  func.func @transform_4(%arg0: i32) -> (i32, i32) {
    %c0_i32 = arith.constant 0 : i32
    %c0_i32_0 = arith.constant 0 : i32
    %c0_i32_1 = arith.constant 0 : i32
    return %c0_i32, %c0_i32_0 : i32, i32
  }
  func.func @transform_5(%arg0: i32) -> (i32, i32) {
    %c0_i32 = arith.constant 0 : i32
    %c0_i32_0 = arith.constant 0 : i32
    %c0_i32_1 = arith.constant 0 : i32
    return %c0_i32, %c0_i32_0 : i32, i32
  }
  func.func @transform_6(%arg0: i32) -> (i32, i32) {
    %c0_i32 = arith.constant 0 : i32
    %c0_i32_0 = arith.constant 0 : i32
    %c0_i32_1 = arith.constant 0 : i32
    return %c0_i32, %c0_i32_0 : i32, i32
  }
  func.func @transform_7(%arg0: i32) -> (i32, i32) {
    %c0_i32 = arith.constant 0 : i32
    %c0_i32_0 = arith.constant 0 : i32
    %c0_i32_1 = arith.constant 0 : i32
    return %c0_i32, %c0_i32_0 : i32, i32
  }
  func.func @transform_8(%arg0: i32) -> (i32, i32) {
    %c0_i32 = arith.constant 0 : i32
    %c0_i32_0 = arith.constant 0 : i32
    %c0_i32_1 = arith.constant 0 : i32
    return %c0_i32, %c0_i32_0 : i32, i32
  }
  func.func @transform_9(%arg0: i32) -> (i32, i32) {
    %c0_i32 = arith.constant 0 : i32
    %c0_i32_0 = arith.constant 0 : i32
    %c0_i32_1 = arith.constant 0 : i32
    return %c0_i32, %c0_i32_0 : i32, i32
  }
  func.func @transform_10(%arg0: i32) -> (i32, i32) {
    %c0_i32 = arith.constant 0 : i32
    %c0_i32_0 = arith.constant 0 : i32
    %c0_i32_1 = arith.constant 0 : i32
    return %c0_i32, %c0_i32_0 : i32, i32
  }
  func.func @transform_11(%arg0: i32) -> (i32, i32) {
    %c0_i32 = arith.constant 0 : i32
    %c0_i32_0 = arith.constant 0 : i32
    %c0_i32_1 = arith.constant 0 : i32
    return %c0_i32, %c0_i32_0 : i32, i32
  }
  func.func @transform_12(%arg0: i32) -> (i32, i32) {
    %c0_i32 = arith.constant 0 : i32
    %c0_i32_0 = arith.constant 0 : i32
    %c0_i32_1 = arith.constant 0 : i32
    return %c0_i32, %c0_i32_0 : i32, i32
  }
  func.func @transform_13(%arg0: i32) -> (i32, i32) {
    %c0_i32 = arith.constant 0 : i32
    %c0_i32_0 = arith.constant 0 : i32
    return %arg0, %c0_i32 : i32, i32
  }
}

</mosaic_0001>

<sc_bundles>
// kernel: kernel.10.cloned.1.call-start
scs
__scs_entry_jumppad:
0x0: {  	(pc) =	sbr.rel $0x88, $3  }
0x1: {  	(tag) =	ssettag $0x0;
	lr =	simm.s32 $0x1  }
0x2: {  	[smem:$0x3F8E] =	sst lr;
	_ =	strace $0xD0000000  }
0x3: {  	_ = 	snop  }
0x4: {  	_ = 	snop  }
0x5: {  	_ = 	snop  }
0x6: {  	_ = 	snop  }
0x7: {  	_ = 	snop  }
__scs_overlays_trampoline_lowered:
0x8: {  	[smem:$0x3F9D] =	sst s0  }
0x9: {  	[smem:$0x3F9E] =	sst s1  }
0xa: {  	[smem:$0x3F9F] =	sst s2  }
0xb: {  	[smem:$0x3FA0] =	sst s3  }
0xc: {  	[smem:$0x3FA1] =	sst s4  }
0xd: {  	[smem:$0x3FA2] =	sst s5  }
0xe: {  	[smem:$0x3FA3] =	sst s6  }
0xf: {  	[smem:$0x3FA4] =	sst s7  }
0x10: {  	[smem:$0x3FA5] =	sst s8  }
0x11: {  	[smem:$0x3FA6] =	sst s9;
	s0 =	simm.s32 @!p0 $0x0  }
0x12: {  	s1 =	sld [smem:$0x3F8C];
	s0 =	simm.s32 @p0 $0x1  }
0x13: {  	[smem:$0x3FA7] =	sst s0;
	s0 =	simm.s32 @!p1 $0x0  }
0x14: {  	s2 =	sld [smem:$0x3F8B];
	s0 =	simm.s32 @p1 $0x1  }
0x15: {  	[smem:$0x3FA8] =	sst s0;
	s0 =	simm.s32 @!p2 $0x0  }
0x16: {  	s3 =	sld [smem:$0x3FDB];
	s0 =	simm.s32 @p2 $0x1  }
0x17: {  	s4 =	simm.s32 $0x1BF5;
	[smem:$0x3FAA] =	sst s0  }
0x18: {  	s0 =	sld [smem:$0x3F8D];
	_ =	swait.ge [sflag:s4], $0x0  }
0x19: {  	s7 =	sld [smem:$0x3F8E]  }
0x1a: {  	s8 =	sadd.s32 $0xFFFFE003, lr  }
0x1b: {  	s9 =	sadd.s32 $0xFFFFFEF7, lr;
	s5 =	simm.s32 $0xFFFFFFFF;
	p2 =	slt.u32 s8, $0xFFFFF086  }
0x1c: {  	p1 =	slt.u32 s9, $0xF7A;
	s5 =	simm.s32 @!p2 $0x0  }
0x1d: {  	s5 =	simm.s32 @p1 $0x1;
	p0 =	seq.s32 s7, s2  }
0x1e: {  	s7 =	smul.u32 @!p0 $0xF7A, s2;
	p2 =	seq.s32 @!p0 s5, $0x0  }
0x1f: {  	s9 =	smul.u32 $0xF7A, s1;
	s8 =	simm.s32 @!p0 $0x1BF5;
	p2 =	por !p2, p0  }
0x20: {  	[sflag:s8] =	ssyncset.s32 @!p0 $0xFFFFF086;
	s6 =	sadd.s32 @!p0 s3, s7;
	s7 =	simm.s32 @!p0 $0x108  }
0x21: {  	s3 =	sadd.s32 s3, s9;
	s6 =	sadd.s32 @!p0 $0x88, s6;
	s7 =	simm.s32 @p2 $0x1082  }
0x22: {  	[simem:s7], [sflag:s8] =	dma.local @!p0 [hbm:s6], $0xF7A  }
0x23: {  	s9 =	sor.u32 $0xD0000000, s2;
	s6 =	simm.s32 $0x108;
	_ =	swait.ge @!p0 [sflag:s8], $0x0  }
0x24: {  	s3 =	sadd.s32 $0x88, s3;
	s6 =	simm.s32 @!p1 $0x1082;
	[sflag:s4] =	ssyncset.s32 $0xFFFFF086  }
0x25: {  	[simem:s6], [sflag:s4] =	dma.local [hbm:s3], $0xF7A  }
0x26: {  	[smem:$0x3F8E] =	sst s1;
	(tag) =	ssettag s2;
	_ =	strace s9  }
0x27: {  	s1 =	sld [smem:$0x3F9E]  }
0x28: {  	s2 =	sld [smem:$0x3F9F]  }
0x29: {  	s4 =	sld [smem:$0x3FA1]  }
0x2a: {  	p0 =	seq.s32 s5, $0x0;
	s5 =	sld [smem:$0x3FA2]  }
0x2b: {  	s6 =	sld [smem:$0x3FA3]  }
0x2c: {  	s7 =	sld [smem:$0x3FA4]  }
0x2d: {  	s3 =	simm.s32 $0x108;
	s8 =	sld [smem:$0x3FA5]  }
0x2e: {  	s3 =	simm.s32 @!p0 $0x1082;
	s9 =	sld [smem:$0x3FA6]  }
0x2f: {  	lr =	sadd.s32 s0, s3;
	s0 =	sld [smem:$0x3F9D]  }
0x30: {  	s3 =	sld [smem:$0x3FA0]  }
0x31: {  	[smem:$0x3FA9] =	sst s10  }
0x32: {  	s10 =	sld [smem:$0x3FA7];
	_ =	sdelay $0x3  }
0x33: {  	p0 =	seq.s32 s10, $0x1;
	s10 =	sld [smem:$0x3FA9];
	_ =	sdelay $0x3  }
0x34: {  	[smem:$0x3FA9] =	sst s10  }
0x35: {  	s10 =	sld [smem:$0x3FA8];
	_ =	sdelay $0x3  }
0x36: {  	p1 =	seq.s32 s10, $0x1;
	s10 =	sld [smem:$0x3FA9];
	_ =	sdelay $0x3  }
0x37: {  	[smem:$0x3FA9] =	sst s10  }
0x38: {  	s10 =	sld [smem:$0x3FAA]  }
0x39: {  	_ = 	snop;
	(pc) =	sbr.ind lr, $3  }
0x3a: {  	_ = 	snop  }
0x3b: {  	_ = 	snop  }
0x3c: {  	p2 =	seq.s32 s10, $0x1;
	s10 =	sld [smem:$0x3FA9]  }
0x3d: {  	_ =	shalt  }
0x3e: {  	_ =	shalt  }
0x3f: {  	_ =	shalt  }
0x40: {  	_ =	shalt  }
0x41: {  	_ =	shalt  }
0x42: {  	_ =	shalt  }
0x43: {  	_ =	shalt  }
0x44: {  	_ =	shalt  }
0x45: {  	_ =	shalt  }
0x46: {  	_ =	shalt  }
0x47: {  	_ =	shalt  }
0x48: {  	_ =	shalt  }
0x49: {  	_ =	shalt  }
0x4a: {  	_ =	shalt  }
0x4b: {  	_ =	shalt  }
0x4c: {  	_ =	shalt  }
0x4d: {  	_ =	shalt  }
0x4e: {  	_ =	shalt  }
0x4f: {  	_ =	shalt  }
0x50: {  	_ =	shalt  }
0x51: {  	_ =	shalt  }
0x52: {  	_ =	shalt  }
0x53: {  	_ =	shalt  }
0x54: {  	_ =	shalt  }
0x55: {  	_ =	shalt  }
0x56: {  	_ =	shalt  }
0x57: {  	_ =	shalt  }
0x58: {  	_ =	shalt  }
0x59: {  	_ =	shalt  }
0x5a: {  	_ =	shalt  }
0x5b: {  	_ =	shalt  }
0x5c: {  	_ =	shalt  }
0x5d: {  	_ =	shalt  }
0x5e: {  	_ =	shalt  }
0x5f: {  	_ =	shalt  }
0x60: {  	_ =	shalt  }
0x61: {  	_ =	shalt  }
0x62: {  	_ =	shalt  }
0x63: {  	_ =	shalt  }
0x64: {  	_ =	shalt  }
0x65: {  	_ =	shalt  }
0x66: {  	_ =	shalt  }
0x67: {  	_ =	shalt  }
0x68: {  	_ =	shalt  }
0x69: {  	_ =	shalt  }
0x6a: {  	_ =	shalt  }
0x6b: {  	_ =	shalt  }
0x6c: {  	_ =	shalt  }
0x6d: {  	_ =	shalt  }
0x6e: {  	_ =	shalt  }
0x6f: {  	_ =	shalt  }
0x70: {  	_ =	shalt  }
0x71: {  	_ =	shalt  }
0x72: {  	_ =	shalt  }
0x73: {  	_ =	shalt  }
0x74: {  	_ =	shalt  }
0x75: {  	_ =	shalt  }
0x76: {  	_ =	shalt  }
0x77: {  	_ =	shalt  }
0x78: {  	_ =	shalt  }
0x79: {  	_ =	shalt  }
0x7a: {  	_ =	shalt  }
0x7b: {  	_ =	shalt  }
0x7c: {  	_ =	shalt  }
0x7d: {  	_ =	shalt  }
0x7e: {  	_ =	shalt  }
0x7f: {  	_ =	shalt  }
0x80: {  	_ =	shalt  }
0x81: {  	_ =	shalt  }
0x82: {  	_ =	shalt  }
0x83: {  	_ =	shalt  }
0x84: {  	_ =	shalt  }
0x85: {  	_ =	shalt  }
0x86: {  	_ =	shalt  }
0x87: {  	_ =	shalt  }
.Lfunc_end0:
.L_simem_size_0:
called_computation.1_lowered:
.L_overlay_start_0:
0x88: {  	s2 =	sld [smem:$0x3FD9]  }
0x89: {  	s3 =	sld [smem:$0x3FFE];
	_ =	sdelay $0x1  }
0x8a: {  	s1 =	srdreg.scid  }
0x8b: {  	s0 =	sand.u32 $0x1, s1  }
0x8c: {  	s15 =	sshll.u32 s0, $0xA;
	s2 =	sadd.s32 s3, s2  }
0x8d: {  	s2 =	sadd.s32 s2, s15  }
0x8e: {  	[smem:$0x3FB5] =	sst s2  }
0x8f: {  	_ = 	snop  }
0x90: {  	s2 =	sld [smem:$0x3FD0];
	_ =	sdelay $0x2  }
0x91: {  	s16 =	simm.s32 $0xB;
	s4 =	simm.s32 $0x10  }
0x92: {  	[smem:s4], [sflag:s16] =	dma.local [hbm:s2], $0x1  }
0x93: {  	_ =	swait.eq [sflag:s16], $0x1  }
0x94: {  	[sflag:s16] =	ssyncset.done $0x0  }
0x95: {  	[sflag:s16] =	ssyncadd.s32 $0xFFFFFFFF  }
0x96: {  	s17 =	sld [smem:$0x12];
	(tm) =	ssettm $0x1  }
0x97: {  	s18 =	sld [smem:$0x3FFB];
	_ =	sdelay $0x3  }
0x98: {  	_ =	strace s18  }
0x99: {  	s2 =	sld [smem:$0x3FFC];
	_ =	sdelay $0x3  }
0x9a: {  	_ =	strace s2  }
0x9b: {  	s2 =	sld [smem:$0x3FFD];
	_ =	sdelay $0x3  }
0x9c: {  	_ =	strace s2  }
0x9d: {  	_ =	strace $0x8FFFFFFF  }
0x9e: {  	s19 =	sld [smem:$0x3FDB];
	_ =	sdelay $0x1  }
0x9f: {  	s20 =	simm.s32 $_scs_section_size  }
0xa0: {  	s5 =	simm.s32 $_size__tile_overlayer_lowered;
	s6 =	simm.s32 $_tile_overlayer_lowered  }
0xa1: {  	s7 =	simm.s32 $0x1BFF;
	s21 =	sshll.u32 s6, $0x1;
	s4 =	sadd.s32 s20, s19  }
0xa2: {  	s22 =	simm.s32 $0x0;
	s5 =	sshll.u32 s5, $0x1;
	s6 =	sadd.s32 s21, s4  }
0xa3: {  	[timem:s22], [sflag:s7] =	dma.local [hbm:s6], s5  }
0xa4: {  	_ =	swait.ge [sflag:s7], s5  }
0xa5: {  	s5 =	ssub.s32 $0x0, s5;
	[sflag:s7] =	ssyncset.done $0x0  }
0xa6: {  	[sflag:s7] =	ssyncadd.s32 s5;
	_ =	sdelay $0x1  }
0xa7: {  	s23 =	simm.s32 $0x1B8B  }
0xa8: {  	_ =	swait.ge [sflag:s23], $0x1  }
0xa9: {  	[sflag:s23] =	ssyncset.done $0x0  }
0xaa: {  	[sflag:s23] =	ssyncadd.s32 $0xFFFFFFFF  }
0xab: {  	s5 =	sld [smem:$0x0]  }
0xac: {  	s6 =	sand.u32 $0xFFFFFFFE, s1  }
0xad: {  	p0 =	sne.s32 s1, s6  }
0xae: {  	s6 =	sshll.u32 @p0 s6, $0xE  }
0xaf: {  	s6 =	sadd.s32 @p0 $0x11B8D, s6;
	s7 =	sshll.u32 @p0 s5, $0x11  }
0xb0: {  	s6 =	sor.u32 @p0 s7, s6  }
0xb1: {  	[sflag:s6] =	ssyncadd.remote.s32 @p0 $0x1;
	_ =	sdelay $0x1  }
0xb2: {  	s6 =	simm.s32 @p0 $0x1B8D  }
0xb3: {  	_ =	swait.eq @p0 [sflag:s6], $0x1  }
0xb4: {  	[sflag:s6] =	ssyncadd.s32 @p0 $0xFFFFFFFF  }
0xb5: {  	s7 =	sshll.u32 @!p0 s1, $0xE  }
0xb6: {  	s7 =	sor.u32 @!p0 $0x4000, s7;
	s6 =	simm.s32 @!p0 $0x1B8D  }
0xb7: {  	s5 =	sshll.u32 @!p0 s5, $0x11;
	s7 =	sadd.s32 @!p0 $0x11B8D, s7;
	_ =	swait.eq @!p0 [sflag:s6], $0x1  }
0xb8: {  	s5 =	sor.u32 @!p0 s5, s7;
	[sflag:s6] =	ssyncadd.s32 @!p0 $0xFFFFFFFF  }
0xb9: {  	s25 =	simm.s32 $0x1B8E;
	s24 =	sld [smem:$0x3FFE];
	[sflag:s5] =	ssyncadd.remote.s32 @!p0 $0x1  }
0xba: {  	s26 =	simm.s32 $execute0_lowered;
	[smem:$0x3FD2] =	sst s25  }
0xbb: {  	s6 =	sshll.u32 s26, $0x1;
	_ =	strace $0x80000049;
	[dreg:$0x1] =	wrdreg $0xFFFFFFFF  }
0xbc: {  	s28 =	simm.s32 $_size_execute0_lowered;
	s4 =	sadd.s32 s4, s6;
	[dreg:$0x0] =	wrdreg $0x0  }
0xbd: {  	s6 =	sshll.u32 s28, $0x1;
	[dreg:$0x2] =	wrdreg s4  }
0xbe: {  	[dreg:$0x3] =	wrdreg s6  }
0xbf: {  	[dreg:$0x4] =	wrdreg $0xC0  }
0xc0: {  	_ =	task [dreg:s22], $0x5FFFF  }
0xc1: {  	[dreg:$0x1] =	wrdreg $0xFFFFFFFF  }
0xc2: {  	[dreg:$0x0] =	wrdreg $0x60  }
0xc3: {  	[dreg:$0x2] =	wrdreg s17  }
0xc4: {  	[dreg:$0x3] =	wrdreg s24  }
0xc5: {  	[dreg:$0x4] =	wrdreg $0x81000  }
0xc6: {  	[dreg:$0x5] =	wrdreg $0xA  }
0xc7: {  	_ =	task.clear_ibuf [dreg:s22], $0x6FFFF;
	_ =	strace $0x90000049  }
0xc8: {  	s29 =	simm.s32 $0xA;
	_ =	strace $0x8000004B  }
0xc9: {  	_ =	swait.ge [sflag:s29], $0x1  }
0xca: {  	[sflag:s29] =	ssyncadd.s32 $0xFFFFFFFF  }
0xcb: {  	_ =	strace $0x9000004B  }
0xcc: {  	_ =	sfence  }
0xcd: {  	s30 =	sld [smem:$0x0];
	_ =	sdelay $0x2  }
0xce: {  	s31 =	sshll.u32 s1, $0xD;
	s1 =	sshrl.u32 s1, $0x2  }
0xcf: {  	s4 =	sand.u32 $0x4000, s31;
	s1 =	sadd.s32 s1, s30  }
0xd0: {  	s0 =	sor.u32 s4, s0;
	s1 =	sshll.u32 s1, $0x11  }
0xd1: {  	s0 =	sor.u32 s1, s0  }
0xd2: {  	s0 =	sadd.s32 $0x8F2B, s0  }
0xd3: {  	[sflag:s0] =	ssyncadd.remote.s32 $0x1  }
0xd4: {  	_ =	sfence.sel $0xFFFF  }
0xd5: {  	[dreg:$0x0] =	wrdreg $0xFFFFFFFF;
	(pc) =	sbr.abs _section_cstart, $3  }
0xd6: {  	[dreg:$0x1] =	wrdreg $0xFFFFFFFF  }
0xd7: {  	_ =	task.clear_ibuf [dreg:s22], $0x2FFFF;
	_ =	strace $0x9FFFFFFF  }
0xd8: {  	(tm) =	ssettm $0x7FFFFFFF  }
0xd9: {  	_ =	shalt  }
tec
execute0_lowered:
.L_overlay_start_1:
0x0: {  	(tag) =	ssettag $0x1  }
0x1: {  	s0 =	rddreg [dreg:$0x0]  }
0x2: {  	s3 =	rddreg [dreg:$0x1]  }
0x3: {  	s1 =	rddreg [dreg:$0x2]  }
0x4: {  	s2 =	simm.s32 $0x0;
	s4 =	srdreg.scid;
	s23 =	stileid.u32  }
0x5: {  	s28 =	simm.s32 $0x2;
	s29 =	simm.s32 $0x0;
	[smem:$0x7FF] =	sst s2  }
0x6: {  	s5 =	sand.u32 $0x1, s4;
	s14 =	smul.u32 $0x4E000, s23;
	s6 =	sadd.s32 $0xE200, s3  }
0x7: {  	s3 =	sadd.s32 $0xB4400, s3;
	s12 =	sshll.u32 s23, $0x1;
	s9 =	sadd.s32 $0x138000, s1  }
0x8: {  	s24 =	sshll.u32 s23, $0x5;
	s26 =	sshll.u32 s23, $0xC;
	p0 =	sne.s32 s23, $0x0  }
0x9: {  	p1 =	sgt.u32 s23, $0x1;
	_ =	strace $0x8000004A;
	s7 =	ssub.s32 $0x2, s5  }
0xa: {  	s20 =	sor.u32 s5, s12;
	s13 =	smul.u32 $0x138800, s5;
	s12 =	ssub.s32 $0x9C4, s12  }
0xb: {  	s25 =	sshll.u32 s5, $0x4;
	s30 =	sadd.s32 s26, s0;
	s5 =	sshll.u32 s5, $0xB  }
0xc: {  	s8 =	sshrl.u32 s7, $0x1;
	s4 =	sshrl.u32 s14, $0x2;
	s10 =	sshll.u32 s20, $0x4  }
0xd: {  	s14 =	smul.u32 $0x13800, s23;
	s4 =	sadd.s32 s4, s1;
	s19 =	sadd.s32 s6, s10  }
0xe: {  	s11 =	sshll.u32 s20, $0xB;
	s15 =	sadd.s32 $0x4000, s4;
	[dreg:$0x8] =	wrdreg s19  }
0xf: {  	s31 =	sadd.s32 s5, s30;
	s16 =	sadd.s32 $0x8000, s4;
	[dreg:$0x4] =	wrdreg s15  }
0x10: {  	s7 =	ssub.s32 s7, s8;
	s17 =	sadd.s32 $0xC000, s4;
	[dreg:$0x5] =	wrdreg s16  }
0x11: {  	s11 =	sadd.s32 s0, s11;
	s18 =	sadd.s32 $0x10000, s4;
	[dreg:$0x6] =	wrdreg s17  }
0x12: {  	s14 =	sadd.s32 s14, s13;
	s19 =	sadd.s32 $0x20000, s31;
	[dreg:$0x7] =	wrdreg s18  }
0x13: {  	s14 =	sshrl.u32 s14, $0x3;
	s15 =	sshrl.u32 s13, $0x3;
	s17 =	sor.u32 $0x20, s20  }
0x14: {  	s20 =	sor.u32 $0x40, s20;
	s13 =	sadd.s32 s3, s14;
	s3 =	sadd.s32 s3, s15  }
0x15: {  	s15 =	smax.u32 s7, $0x1;
	s21 =	sshll.u32 s17, $0x4;
	s22 =	sshll.u32 s17, $0xB  }
0x16: {  	s14 =	sadd.s32 $0x27000, s3;
	s16 =	sadd.s32 s6, s21;
	s6 =	sadd.s32 s24, s6  }
0x17: {  	s17 =	sadd.s32 s0, s22;
	s21 =	simm.s32 $0x3;
	s6 =	sadd.s32 s25, s6  }
0x18: {  	v0 =	vimm.f32 $0.0e+00;
	s22 =	simm.s32 $0x8000;
	s25 =	simm.s32 $0x1;
	s18 =	sadd.s32 $0x400, s6  }
.LBB2_1:
0x19: {  	s0 =	simm.s32 $0x0;
	s3 =	simm.s32 $0x200  }
.LBB2_2:
0x1a: {  	p2 =	sne.s32 s3, $0xFE00;
	[tilespmem:s0+$0x70] =	vst v0  }
0x1b: {  	[tilespmem:s0+$0x0] =	vst v0  }
0x1c: {  	[tilespmem:s0+$0x10] =	vst v0  }
.Ltmp0:
0x1d: {  	[tilespmem:s0+$0x20] =	vst v0;
	(pc) =	sbr.rel @p2 .LBB2_2-.Ltmp0, $4  }
0x1e: {  	[tilespmem:s0+$0x30] =	vst v0  }
0x1f: {  	[tilespmem:s0+$0x40] =	vst v0  }
0x20: {  	[tilespmem:s0+$0x50] =	vst v0  }
0x21: {  	[tilespmem:s0+$0x60] =	vst v0;
	s0 =	sshra.s32 s3, $0x2;
	s3 =	sadd.s32 $0x200, s3  }
0x22: {  	[tilespmem:s0+$0x70] =	vst v0  }
0x23: {  	[tilespmem:s0+$0x0] =	vst v0  }
0x24: {  	[tilespmem:s0+$0x10] =	vst v0  }
0x25: {  	[tilespmem:s0+$0x20] =	vst v0  }
0x26: {  	[tilespmem:s0+$0x30] =	vst v0  }
0x27: {  	[tilespmem:s0+$0x40] =	vst v0  }
0x28: {  	[tilespmem:s0+$0x50] =	vst v0  }
0x29: {  	[tilespmem:s0+$0x60] =	vst v0  }
0x2a: {  	[spmem:s4] =	stream.linear.scatter [tilespmem:s2], [sflag:$0x3], $0x4000, $0x38;
	[tilespmem:$0x1B980] =	vst v63  }
0x2b: {  	_ =	swait.ge [sflag:s21], $0x4000  }
0x2c: {  	[sflag:s21] =	ssyncset.done $0x0  }
0x2d: {  	s3 =	rddreg [dreg:$0x4];
	[sflag:s21] =	ssyncadd.s32 $0xFFFFC000  }
0x2e: {  	[spmem:s3] =	stream.linear.scatter [tilespmem:s2], [sflag:$0x3], $0x4000, $0x38;
	[tilespmem:$0x1B980] =	vst v63  }
0x2f: {  	_ =	swait.ge [sflag:s21], $0x4000  }
0x30: {  	[sflag:s21] =	ssyncset.done $0x0  }
0x31: {  	s5 =	rddreg [dreg:$0x5];
	[sflag:s21] =	ssyncadd.s32 $0xFFFFC000  }
0x32: {  	[spmem:s5] =	stream.linear.scatter [tilespmem:s2], [sflag:$0x3], $0x4000, $0x38;
	[tilespmem:$0x1B980] =	vst v63  }
0x33: {  	_ =	swait.ge [sflag:s21], $0x4000  }
0x34: {  	[sflag:s21] =	ssyncset.done $0x0  }
0x35: {  	s6 =	rddreg [dreg:$0x6];
	[sflag:s21] =	ssyncadd.s32 $0xFFFFC000  }
0x36: {  	[spmem:s6] =	stream.linear.scatter [tilespmem:s2], [sflag:$0x3], $0x4000, $0x38;
	[tilespmem:$0x1B980] =	vst v63  }
0x37: {  	_ =	swait.ge [sflag:s21], $0x4000  }
0x38: {  	[sflag:s21] =	ssyncset.done $0x0  }
0x39: {  	s7 =	rddreg [dreg:$0x7];
	[sflag:s21] =	ssyncadd.s32 $0xFFFFC000  }
0x3a: {  	[spmem:s7] =	stream.linear.scatter [tilespmem:s2], [sflag:$0x3], $0x3800, $0x38;
	[tilespmem:$0x1B980] =	vst v63  }
0x3b: {  	_ =	swait.ge [sflag:s21], $0x3800  }
0x3c: {  	[sflag:s21] =	ssyncset.done $0x0  }
0x3d: {  	s0 =	simm.s32 @!p0 $0x0;
	[sflag:s21] =	ssyncadd.s32 $0xFFFFC800  }
0x3e: {  	[spmem:s9] =	stream.linear.scatter @!p0 [tilespmem:s0], [sflag:$0x3], $0x800, $0x38;
	[tilespmem:$0x1B980] =	vst v63  }
0x3f: {  	s0 =	simm.s32 @!p0 $0x3  }
0x40: {  	_ =	swait.ge @!p0 [sflag:s0], $0x800  }
0x41: {  	[sflag:s0] =	ssyncset.done @!p0 $0x0  }
0x42: {  	[sflag:s0] =	ssyncadd.s32 @!p0 $0xFFFFF800  }
0x43: {  	[bflag:$0x0] =	sbarrier.arrive $0xFFFF  }
0x44: {  	s8 =	simm.s32 $0x0;
	s3 =	rddreg [dreg:$0x8]  }
0x45: {  	[tilespmem:s22], [sflag:$0x1] =	stream.linear.gather [hbm4b:s3+s8], $0x80, $0x38;
	[tilespmem:$0x1B980] =	vst v63  }
0x46: {  	_ = 	snop  }
0x47: {  	[tilespmem:s8], [sflag:$0x1] =	stream.linear.gather [hbm4b:s11+s8], $0x4000, $0x38;
	[tilespmem:$0x1B980] =	vst v63  }
0x48: {  	s10 =	simm.s32 $0x8080  }
0x49: {  	[tilespmem:s10], [sflag:$0x1] =	stream.linear.gather [hbm4b:s16+s8], $0x80, $0x38;
	[tilespmem:$0x1B980] =	vst v63  }
0x4a: {  	s23 =	simm.s32 $0x4000  }
0x4b: {  	[tilespmem:s23], [sflag:$0x1] =	stream.linear.gather [hbm4b:s17+s8], $0x4000, $0x38;
	[tilespmem:$0x1B980] =	vst v63  }
0x4c: {  	_ =	swait.ge [sflag:s25], $0x80  }
0x4d: {  	[sflag:s25] =	ssyncset.done $0x0  }
0x4e: {  	s24 =	simm.s32 $0x80;
	s26 =	sadd.s32 $0x0, s20;
	[sflag:s25] =	ssyncadd.s32 $0xFFFFFF80  }
0x4f: {  	s30 =	simm.s32 $0x3;
	p2 =	sle.u32 s12, $0x20;
	_ =	swait.ge [sflag:s25], $0x4000  }
0x50: {  	s31 =	sadd.s32 $0x10000, s19;
	p3 =	sgt.u32 s26, $0x9C3;
	[sflag:s25] =	ssyncset.done $0x0  }
0x51: {  	s26 =	simm.s32 @!p2 $0x1;
	s3 =	simm.s32 $0x2;
	[sflag:s25] =	ssyncadd.s32 $0xFFFFC000  }
0x52: {  	[spmem:s1] =	stream.indirect.scatter.add.f32 [tilespmem:s8], [sflag:$0x2], $0x80, s22, s24, $0xb8;
	[tilespmem:$0x1B980] =	vst v63  }
0x53: {  	s6 =	simm.s32 $0x1;
	s3 =	sand.u32 @!p3 $0x1, s3;
	_ =	swait.ge [sflag:s28], $0x4000  }
0x54: {  	s7 =	sand.u32 $0x1, s6;
	s5 =	sshll.u32 @!p3 s3, $0x7;
	[sflag:s28] =	ssyncset.done $0x0  }
0x55: {  	s6 =	simm.s32 @!p3 $0x0;
	s5 =	sor.u32 @!p3 $0x8000, s5;
	[sflag:s28] =	ssyncadd.s32 $0xFFFFC000  }
0x56: {  	[tilespmem:s5], [sflag:$0x1] =	stream.linear.gather @!p3 [hbm4b:s18+s6], $0x80, $0x38;
	[tilespmem:$0x1B980] =	vst v63  }
0x57: {  	s0 =	simm.s32 $0x4;
	s3 =	sshll.u32 @!p3 s3, $0xE;
	s23 =	simm.s32 $0x20  }
0x58: {  	[tilespmem:s3], [sflag:$0x1] =	stream.linear.gather @!p3 [hbm4b:s19+s6], $0x4000, $0x38;
	[tilespmem:$0x1B980] =	vst v63  }
0x59: {  	s24 =	simm.s32 $0x40;
	s5 =	sshll.u32 @!p2 s7, $0x7;
	_ =	swait.ge @!p2 [sflag:s26], $0x80  }
0x5a: {  	s7 =	sshll.u32 @!p2 s7, $0xE;
	s5 =	sor.u32 @!p2 $0x8000, s5;
	[sflag:s26] =	ssyncset.done @!p2 $0x0  }
0x5b: {  	s6 =	simm.s32 @!p2 $0x80;
	s3 =	sadd.s32 $0x200, s18;
	[sflag:s26] =	ssyncadd.s32 @!p2 $0xFFFFFF80  }
.LBB2_4:
0x5c: {  	s8 =	sadd.s32 s23, s20;
	_ =	swait.ge @!p2 [sflag:s26], $0x4000;
	s10 =	smov.u32 s30  }
0x5d: {  	s30 =	smov.u32 s0;
	s0 =	sadd.s32 $0x1, s0;
	s23 =	smov.u32 s24  }
0x5e: {  	p3 =	sne.s32 s0, $0x50;
	p4 =	sgt.u32 s8, $0x9C3;
	[sflag:s26] =	ssyncset.done @!p2 $0x0  }
0x5f: {  	s8 =	sand.u32 @!p4 $0x1, s10;
	[sflag:s26] =	ssyncadd.s32 @!p2 $0xFFFFC000  }
0x60: {  	s26 =	sshll.u32 @!p4 s8, $0x7;
	s8 =	sshll.u32 @!p4 s8, $0xE  }
0x61: {  	[spmem:s1] =	stream.indirect.scatter.add.f32 @!p2 [tilespmem:s7], [sflag:$0x2], $0x80, s5, s6, $0xb8;
	[tilespmem:$0x1B980] =	vst v63  }
0x62: {  	s5 =	sor.u32 @!p4 $0x8000, s26;
	_ =	swait.ge [sflag:s28], $0x4000  }
0x63: {  	s6 =	sadd.s32 $0xFFFFFFFF, s10;
	p2 =	sge.u32 s24, s12;
	[sflag:s28] =	ssyncset.done $0x0  }
0x64: {  	s7 =	sand.u32 $0x1, s6;
	s6 =	simm.s32 @!p4 $0x0;
	[sflag:s28] =	ssyncadd.s32 $0xFFFFC000  }
0x65: {  	[tilespmem:s5], [sflag:$0x1] =	stream.linear.gather @!p4 [hbm4b:s3+s6], $0x80, $0x38;
	[tilespmem:$0x1B980] =	vst v63  }
.Ltmp1:
0x66: {  	s26 =	simm.s32 @!p2 $0x1;
	s5 =	sshll.u32 @!p2 s7, $0x7;
	(pc) =	sbr.rel @p3 .LBB2_4-.Ltmp1, $4  }
0x67: {  	[tilespmem:s8], [sflag:$0x1] =	stream.linear.gather @!p4 [hbm4b:s31+s6], $0x4000, $0x38;
	[tilespmem:$0x1B980] =	vst v63  }
0x68: {  	s5 =	sor.u32 @!p2 $0x8000, s5;
	s31 =	sadd.s32 $0x10000, s31;
	_ =	swait.ge @!p2 [sflag:s26], $0x80  }
0x69: {  	s3 =	sadd.s32 $0x200, s3;
	s6 =	simm.s32 @!p2 $0x80;
	[sflag:s26] =	ssyncset.done @!p2 $0x0  }
0x6a: {  	s24 =	sadd.s32 $0x20, s24;
	s7 =	sshll.u32 @!p2 s7, $0xE;
	[sflag:s26] =	ssyncadd.s32 @!p2 $0xFFFFFF80  }
0x6b: {  	_ =	swait.ge @!p2 [sflag:s26], $0x4000  }
0x6c: {  	s0 =	sadd.s32 s23, s20;
	[sflag:s26] =	ssyncset.done @!p2 $0x0  }
0x6d: {  	p3 =	sgt.u32 s0, $0x9C3;
	[sflag:s26] =	ssyncadd.s32 @!p2 $0xFFFFC000  }
0x6e: {  	[spmem:s1] =	stream.indirect.scatter.add.f32 @!p2 [tilespmem:s7], [sflag:$0x2], $0x80, s5, s6, $0xb8;
	[tilespmem:$0x1B980] =	vst v63  }
0x6f: {  	s0 =	sand.u32 @!p3 $0x1, s30;
	_ =	swait.ge [sflag:s28], $0x4000  }
0x70: {  	s5 =	sshll.u32 @!p3 s0, $0x7;
	p2 =	sge.u32 s24, s12;
	[sflag:s28] =	ssyncset.done $0x0  }
0x71: {  	s6 =	simm.s32 @!p3 $0x0;
	s5 =	sor.u32 @!p3 $0x8000, s5;
	[sflag:s28] =	ssyncadd.s32 $0xFFFFC000  }
0x72: {  	[tilespmem:s5], [sflag:$0x1] =	stream.linear.gather @!p3 [hbm4b:s3+s6], $0x80, $0x38;
	[tilespmem:$0x1B980] =	vst v63  }
0x73: {  	s0 =	sshll.u32 @!p3 s0, $0xE;
	s3 =	simm.s32 @!p2 $0x1  }
0x74: {  	[tilespmem:s0], [sflag:$0x1] =	stream.linear.gather @!p3 [hbm4b:s31+s6], $0x4000, $0x38;
	[tilespmem:$0x1B980] =	vst v63  }
0x75: {  	_ =	swait.ge @!p2 [sflag:s3], $0x80  }
0x76: {  	[sflag:s3] =	ssyncset.done @!p2 $0x0  }
0x77: {  	s26 =	sadd.s32 $0xFFFFFFFF, s30;
	[sflag:s3] =	ssyncadd.s32 @!p2 $0xFFFFFF80  }
0x78: {  	s0 =	sand.u32 $0x1, s26;
	_ =	swait.ge @!p2 [sflag:s3], $0x4000  }
0x79: {  	s6 =	simm.s32 @!p2 $0x80;
	s5 =	sshll.u32 @!p2 s0, $0x7;
	[sflag:s3] =	ssyncset.done @!p2 $0x0  }
0x7a: {  	s0 =	sshll.u32 @!p2 s0, $0xE;
	s5 =	sor.u32 @!p2 $0x8000, s5;
	[sflag:s3] =	ssyncadd.s32 @!p2 $0xFFFFC000  }
0x7b: {  	[spmem:s1] =	stream.indirect.scatter.add.f32 @!p2 [tilespmem:s0], [sflag:$0x2], $0x80, s5, s6, $0xb8;
	[tilespmem:$0x1B980] =	vst v63  }
0x7c: {  	s0 =	simm.s32 @!p1 $0x2  }
0x7d: {  	_ =	swait.ge @!p1 [sflag:s0], $0x4000  }
0x7e: {  	s30 =	stileid.u32;
	[sflag:s0] =	ssyncset.done @!p1 $0x0  }
0x7f: {  	[sflag:s0] =	ssyncadd.s32 @!p1 $0xFFFFC000;
	s0 =	sshll.u32 s30, $0x6  }
0x80: {  	s31 =	sshrl.u32 s4, $0x3;
	[bflag:$0x0] =	sbarrier.arrive $0xFFFF;
	s0 =	sor.u32 $0x1C03, s0  }
0x81: {  	[hbm:s13], [sflag:s0] =	dma.local [spmem:s31], $0x2700  }
0x82: {  	_ =	swait.ge [sflag:s21], $0x2700  }
0x83: {  	s29 =	sadd.s32 $0x1, s29;
	[sflag:s21] =	ssyncset.done $0x0  }
0x84: {  	s3 =	sshrl.u32 @!p0 s9, $0x3;
	p2 =	sne.s32 s29, s15;
	[sflag:s21] =	ssyncadd.s32 $0xFFFFD900  }
0x85: {  	[hbm:s14], [sflag:s0] =	dma.local @!p0 [spmem:s3], $0x100  }
.Ltmp2:
0x86: {  	_ = 	snop;
	(pc) =	sbr.rel @p2 .LBB2_1-.Ltmp2, $4  }
0x87: {  	s0 =	simm.s32 @!p0 $0x3  }
0x88: {  	_ =	swait.ge @!p0 [sflag:s0], $0x100  }
0x89: {  	[sflag:s0] =	ssyncset.done @!p0 $0x0  }
0x8a: {  	[sflag:s0] =	ssyncadd.s32 @!p0 $0xFFFFFF00  }
0x8b: {  	_ =	sfence.sel $0x180000  }
0x8c: {  	[bflag:$0x0] =	sbarrier.arrive $0xFFFF  }
0x8d: {  	_ =	strace $0x9000004A  }
0x8e: {  	[bflag:$0x2] =	sbarrier.arrive $0xFFFF  }
0x8f: {  	s0 =	rddreg [dreg:$0x3]  }
0x90: {  	s0 =	sadd.s32 @!p0 $0x100000, s0  }
0x91: {  	[sflag:s0] =	ssyncadd.tile.s32 @!p0 $0x1;
	_ =	shalt  }
.Lfunc_end2:
_tile_overlayer_lowered:
.L_overlay_start_2:
0x92: {  	(tag) =	ssettag $0x2  }
0x93: {  	s0 =	rddreg [dreg:$0x0];
	s2 =	stileid.u32  }
0x94: {  	s1 =	rddreg [dreg:$0x1];
	p0 =	sne.s32 s2, $0x0  }
0x95: {  	s3 =	rddreg [dreg:$0x2];
	[bflag:$0x3] =	sbarrier.arrive $0xFFFF;
	s2 =	simm.s32 @!p0 $0x1C03  }
0x96: {  	[timem:s3], [sflag:s2] =	dma.local @!p0 [hbm:s0], s1  }
0x97: {  	s0 =	simm.s32 @!p0 $0x3  }
0x98: {  	_ =	swait.ge @!p0 [sflag:s0], s1  }
0x99: {  	s1 =	ssub.s32 @!p0 $0x0, s1;
	[sflag:s0] =	ssyncset.done @!p0 $0x0  }
0x9a: {  	[sflag:s0] =	ssyncadd.s32 @!p0 s1  }
0x9b: {  	[bflag:$0x3] =	sbarrier.arrive $0xFFFF  }
0x9c: {  	_ =	shalt  }

// kernel: kernel.7.cloned.1.call-start
scs
__scs_entry_jumppad:
0x0: {  	(pc) =	sbr.rel $0x88, $3  }
0x1: {  	(tag) =	ssettag $0x0;
	lr =	simm.s32 $0x1  }
0x2: {  	[smem:$0x3F8E] =	sst lr;
	_ =	strace $0xD0000000  }
0x3: {  	_ = 	snop  }
0x4: {  	_ = 	snop  }
0x5: {  	_ = 	snop  }
0x6: {  	_ = 	snop  }
0x7: {  	_ = 	snop  }
__scs_overlays_trampoline_lowered:
0x8: {  	[smem:$0x3F9D] =	sst s0  }
0x9: {  	[smem:$0x3F9E] =	sst s1  }
0xa: {  	[smem:$0x3F9F] =	sst s2  }
0xb: {  	[smem:$0x3FA0] =	sst s3  }
0xc: {  	[smem:$0x3FA1] =	sst s4  }
0xd: {  	[smem:$0x3FA2] =	sst s5  }
0xe: {  	[smem:$0x3FA3] =	sst s6  }
0xf: {  	[smem:$0x3FA4] =	sst s7  }
0x10: {  	[smem:$0x3FA5] =	sst s8  }
0x11: {  	[smem:$0x3FA6] =	sst s9;
	s0 =	simm.s32 @!p0 $0x0  }
0x12: {  	s1 =	sld [smem:$0x3F8C];
	s0 =	simm.s32 @p0 $0x1  }
0x13: {  	[smem:$0x3FA7] =	sst s0;
	s0 =	simm.s32 @!p1 $0x0  }
0x14: {  	s2 =	sld [smem:$0x3F8B];
	s0 =	simm.s32 @p1 $0x1  }
0x15: {  	[smem:$0x3FA8] =	sst s0;
	s0 =	simm.s32 @!p2 $0x0  }
0x16: {  	s3 =	sld [smem:$0x3FDB];
	s0 =	simm.s32 @p2 $0x1  }
0x17: {  	s4 =	simm.s32 $0x1BF5;
	[smem:$0x3FAA] =	sst s0  }
0x18: {  	s0 =	sld [smem:$0x3F8D];
	_ =	swait.ge [sflag:s4], $0x0  }
0x19: {  	s7 =	sld [smem:$0x3F8E]  }
0x1a: {  	s8 =	sadd.s32 $0xFFFFE003, lr  }
0x1b: {  	s9 =	sadd.s32 $0xFFFFFEF7, lr;
	s5 =	simm.s32 $0xFFFFFFFF;
	p2 =	slt.u32 s8, $0xFFFFF086  }
0x1c: {  	p1 =	slt.u32 s9, $0xF7A;
	s5 =	simm.s32 @!p2 $0x0  }
0x1d: {  	s5 =	simm.s32 @p1 $0x1;
	p0 =	seq.s32 s7, s2  }
0x1e: {  	s7 =	smul.u32 @!p0 $0xF7A, s2;
	p2 =	seq.s32 @!p0 s5, $0x0  }
0x1f: {  	s9 =	smul.u32 $0xF7A, s1;
	s8 =	simm.s32 @!p0 $0x1BF5;
	p2 =	por !p2, p0  }
0x20: {  	[sflag:s8] =	ssyncset.s32 @!p0 $0xFFFFF086;
	s6 =	sadd.s32 @!p0 s3, s7;
	s7 =	simm.s32 @!p0 $0x108  }
0x21: {  	s3 =	sadd.s32 s3, s9;
	s6 =	sadd.s32 @!p0 $0x88, s6;
	s7 =	simm.s32 @p2 $0x1082  }
0x22: {  	[simem:s7], [sflag:s8] =	dma.local @!p0 [hbm:s6], $0xF7A  }
0x23: {  	s9 =	sor.u32 $0xD0000000, s2;
	s6 =	simm.s32 $0x108;
	_ =	swait.ge @!p0 [sflag:s8], $0x0  }
0x24: {  	s3 =	sadd.s32 $0x88, s3;
	s6 =	simm.s32 @!p1 $0x1082;
	[sflag:s4] =	ssyncset.s32 $0xFFFFF086  }
0x25: {  	[simem:s6], [sflag:s4] =	dma.local [hbm:s3], $0xF7A  }
0x26: {  	[smem:$0x3F8E] =	sst s1;
	(tag) =	ssettag s2;
	_ =	strace s9  }
0x27: {  	s1 =	sld [smem:$0x3F9E]  }
0x28: {  	s2 =	sld [smem:$0x3F9F]  }
0x29: {  	s4 =	sld [smem:$0x3FA1]  }
0x2a: {  	p0 =	seq.s32 s5, $0x0;
	s5 =	sld [smem:$0x3FA2]  }
0x2b: {  	s6 =	sld [smem:$0x3FA3]  }
0x2c: {  	s7 =	sld [smem:$0x3FA4]  }
0x2d: {  	s3 =	simm.s32 $0x108;
	s8 =	sld [smem:$0x3FA5]  }
0x2e: {  	s3 =	simm.s32 @!p0 $0x1082;
	s9 =	sld [smem:$0x3FA6]  }
0x2f: {  	lr =	sadd.s32 s0, s3;
	s0 =	sld [smem:$0x3F9D]  }
0x30: {  	s3 =	sld [smem:$0x3FA0]  }
0x31: {  	[smem:$0x3FA9] =	sst s10  }
0x32: {  	s10 =	sld [smem:$0x3FA7];
	_ =	sdelay $0x3  }
0x33: {  	p0 =	seq.s32 s10, $0x1;
	s10 =	sld [smem:$0x3FA9];
	_ =	sdelay $0x3  }
0x34: {  	[smem:$0x3FA9] =	sst s10  }
0x35: {  	s10 =	sld [smem:$0x3FA8];
	_ =	sdelay $0x3  }
0x36: {  	p1 =	seq.s32 s10, $0x1;
	s10 =	sld [smem:$0x3FA9];
	_ =	sdelay $0x3  }
0x37: {  	[smem:$0x3FA9] =	sst s10  }
0x38: {  	s10 =	sld [smem:$0x3FAA]  }
0x39: {  	_ = 	snop;
	(pc) =	sbr.ind lr, $3  }
0x3a: {  	_ = 	snop  }
0x3b: {  	_ = 	snop  }
0x3c: {  	p2 =	seq.s32 s10, $0x1;
	s10 =	sld [smem:$0x3FA9]  }
0x3d: {  	_ =	shalt  }
0x3e: {  	_ =	shalt  }
0x3f: {  	_ =	shalt  }
0x40: {  	_ =	shalt  }
0x41: {  	_ =	shalt  }
0x42: {  	_ =	shalt  }
0x43: {  	_ =	shalt  }
0x44: {  	_ =	shalt  }
0x45: {  	_ =	shalt  }
0x46: {  	_ =	shalt  }
0x47: {  	_ =	shalt  }
0x48: {  	_ =	shalt  }
0x49: {  	_ =	shalt  }
0x4a: {  	_ =	shalt  }
0x4b: {  	_ =	shalt  }
0x4c: {  	_ =	shalt  }
0x4d: {  	_ =	shalt  }
0x4e: {  	_ =	shalt  }
0x4f: {  	_ =	shalt  }
0x50: {  	_ =	shalt  }
0x51: {  	_ =	shalt  }
0x52: {  	_ =	shalt  }
0x53: {  	_ =	shalt  }
0x54: {  	_ =	shalt  }
0x55: {  	_ =	shalt  }
0x56: {  	_ =	shalt  }
0x57: {  	_ =	shalt  }
0x58: {  	_ =	shalt  }
0x59: {  	_ =	shalt  }
0x5a: {  	_ =	shalt  }
0x5b: {  	_ =	shalt  }
0x5c: {  	_ =	shalt  }
0x5d: {  	_ =	shalt  }
0x5e: {  	_ =	shalt  }
0x5f: {  	_ =	shalt  }
0x60: {  	_ =	shalt  }
0x61: {  	_ =	shalt  }
0x62: {  	_ =	shalt  }
0x63: {  	_ =	shalt  }
0x64: {  	_ =	shalt  }
0x65: {  	_ =	shalt  }
0x66: {  	_ =	shalt  }
0x67: {  	_ =	shalt  }
0x68: {  	_ =	shalt  }
0x69: {  	_ =	shalt  }
0x6a: {  	_ =	shalt  }
0x6b: {  	_ =	shalt  }
0x6c: {  	_ =	shalt  }
0x6d: {  	_ =	shalt  }
0x6e: {  	_ =	shalt  }
0x6f: {  	_ =	shalt  }
0x70: {  	_ =	shalt  }
0x71: {  	_ =	shalt  }
0x72: {  	_ =	shalt  }
0x73: {  	_ =	shalt  }
0x74: {  	_ =	shalt  }
0x75: {  	_ =	shalt  }
0x76: {  	_ =	shalt  }
0x77: {  	_ =	shalt  }
0x78: {  	_ =	shalt  }
0x79: {  	_ =	shalt  }
0x7a: {  	_ =	shalt  }
0x7b: {  	_ =	shalt  }
0x7c: {  	_ =	shalt  }
0x7d: {  	_ =	shalt  }
0x7e: {  	_ =	shalt  }
0x7f: {  	_ =	shalt  }
0x80: {  	_ =	shalt  }
0x81: {  	_ =	shalt  }
0x82: {  	_ =	shalt  }
0x83: {  	_ =	shalt  }
0x84: {  	_ =	shalt  }
0x85: {  	_ =	shalt  }
0x86: {  	_ =	shalt  }
0x87: {  	_ =	shalt  }
.Lfunc_end0:
.L_simem_size_0:
called_computation_lowered:
.L_overlay_start_0:
0x88: {  	s2 =	sld [smem:$0x3FD9]  }
0x89: {  	s3 =	sld [smem:$0x3FFE];
	_ =	sdelay $0x1  }
0x8a: {  	s1 =	srdreg.scid  }
0x8b: {  	s0 =	sand.u32 $0x1, s1  }
0x8c: {  	s14 =	sshll.u32 s0, $0xA;
	s2 =	sadd.s32 s3, s2  }
0x8d: {  	s2 =	sadd.s32 s2, s14  }
0x8e: {  	[smem:$0x3FB5] =	sst s2  }
0x8f: {  	_ = 	snop  }
0x90: {  	s2 =	sld [smem:$0x3FD0];
	_ =	sdelay $0x2  }
0x91: {  	s15 =	simm.s32 $0xB;
	s4 =	simm.s32 $0x10  }
0x92: {  	[smem:s4], [sflag:s15] =	dma.local [hbm:s2], $0x1  }
0x93: {  	_ =	swait.eq [sflag:s15], $0x1  }
0x94: {  	[sflag:s15] =	ssyncset.done $0x0  }
0x95: {  	s16 =	sld [smem:$0x10];
	[sflag:s15] =	ssyncadd.s32 $0xFFFFFFFF  }
0x96: {  	s17 =	sld [smem:$0x11];
	(tm) =	ssettm $0x1  }
0x97: {  	s18 =	sld [smem:$0x3FFB];
	_ =	sdelay $0x3  }
0x98: {  	_ =	strace s18  }
0x99: {  	s4 =	sld [smem:$0x3FFC];
	_ =	sdelay $0x3  }
0x9a: {  	_ =	strace s4  }
0x9b: {  	s4 =	sld [smem:$0x3FFD];
	_ =	sdelay $0x3  }
0x9c: {  	_ =	strace s4  }
0x9d: {  	_ =	strace $0x8FFFFFFF  }
0x9e: {  	s19 =	sld [smem:$0x3FDB];
	_ =	sdelay $0x1  }
0x9f: {  	s5 =	simm.s32 $_scs_section_size  }
0xa0: {  	s6 =	simm.s32 $_size__tile_overlayer_lowered;
	s7 =	simm.s32 $_tile_overlayer_lowered  }
0xa1: {  	s22 =	simm.s32 $0x1BFF;
	s21 =	sshll.u32 s7, $0x1;
	s4 =	sadd.s32 s5, s19  }
0xa2: {  	s8 =	simm.s32 $0x0;
	s20 =	sshll.u32 s6, $0x1;
	s6 =	sadd.s32 s21, s4  }
0xa3: {  	[timem:s8], [sflag:s22] =	dma.local [hbm:s6], s20  }
0xa4: {  	_ =	swait.ge [sflag:s22], s20  }
0xa5: {  	s5 =	ssub.s32 $0x0, s20;
	[sflag:s22] =	ssyncset.done $0x0  }
0xa6: {  	[sflag:s22] =	ssyncadd.s32 s5;
	_ =	sdelay $0x1  }
0xa7: {  	s23 =	simm.s32 $0x1B8B  }
0xa8: {  	_ =	swait.ge [sflag:s23], $0x1  }
0xa9: {  	[sflag:s23] =	ssyncset.done $0x0  }
0xaa: {  	s25 =	simm.s32 $0x1B8E;
	s24 =	sld [smem:$0x3FFE];
	[sflag:s23] =	ssyncadd.s32 $0xFFFFFFFF  }
0xab: {  	s26 =	simm.s32 $execute0_lowered;
	[smem:$0x3FD2] =	sst s25  }
0xac: {  	s6 =	sshll.u32 s26, $0x1;
	_ =	strace $0x80000046;
	[dreg:$0x1] =	wrdreg $0xFFFFFFFF  }
0xad: {  	s28 =	simm.s32 $_size_execute0_lowered;
	s4 =	sadd.s32 s4, s6;
	[dreg:$0x0] =	wrdreg $0x0  }
0xae: {  	s6 =	sshll.u32 s28, $0x1;
	[dreg:$0x2] =	wrdreg s4  }
0xaf: {  	[dreg:$0x3] =	wrdreg s6  }
0xb0: {  	[dreg:$0x4] =	wrdreg $0xC0  }
0xb1: {  	_ =	task [dreg:s8], $0x5FFFF  }
0xb2: {  	[dreg:$0x1] =	wrdreg $0xFFFFFFFF  }
0xb3: {  	[dreg:$0x0] =	wrdreg $0x60  }
0xb4: {  	[dreg:$0x2] =	wrdreg s16  }
0xb5: {  	[dreg:$0x3] =	wrdreg s24  }
0xb6: {  	[dreg:$0x4] =	wrdreg s17  }
0xb7: {  	[dreg:$0x5] =	wrdreg $0x84000  }
0xb8: {  	[dreg:$0x6] =	wrdreg $0x1BC800  }
0xb9: {  	[dreg:$0x7] =	wrdreg $0x9  }
0xba: {  	_ =	task.clear_ibuf [dreg:s8], $0x8FFFF;
	_ =	strace $0x90000046  }
0xbb: {  	s29 =	simm.s32 $0x9;
	_ =	strace $0x80000048  }
0xbc: {  	_ =	swait.ge [sflag:s29], $0x1  }
0xbd: {  	[sflag:s29] =	ssyncadd.s32 $0xFFFFFFFF  }
0xbe: {  	_ =	strace $0x90000048  }
0xbf: {  	_ =	sfence  }
0xc0: {  	s30 =	sld [smem:$0x0];
	_ =	sdelay $0x2  }
0xc1: {  	s31 =	sshll.u32 s1, $0xD;
	s1 =	sshrl.u32 s1, $0x2  }
0xc2: {  	s3 =	sand.u32 $0x4000, s31;
	s1 =	sadd.s32 s1, s30  }
0xc3: {  	s0 =	sor.u32 s3, s0;
	s1 =	sshll.u32 s1, $0x11  }
0xc4: {  	s0 =	sor.u32 s1, s0  }
0xc5: {  	s0 =	sadd.s32 $0x8F2B, s0  }
0xc6: {  	[sflag:s0] =	ssyncadd.remote.s32 $0x1  }
0xc7: {  	_ =	sfence.sel $0xFFFF  }
0xc8: {  	[dreg:$0x0] =	wrdreg $0xFFFFFFFF;
	(pc) =	sbr.abs _section_cstart, $3  }
0xc9: {  	[dreg:$0x1] =	wrdreg $0xFFFFFFFF  }
0xca: {  	_ =	task.clear_ibuf [dreg:s8], $0x2FFFF;
	_ =	strace $0x9FFFFFFF  }
0xcb: {  	(tm) =	ssettm $0x7FFFFFFF  }
tec
execute0_lowered:
.L_overlay_start_1:
0x0: {  	(tag) =	ssettag $0x1  }
0x1: {  	s1 =	rddreg [dreg:$0x1]  }
0x2: {  	s0 =	rddreg [dreg:$0x2]  }
0x3: {  	s9 =	rddreg [dreg:$0x3]  }
0x4: {  	s10 =	rddreg [dreg:$0x4];
	s11 =	simm.s32 $0x0;
	s2 =	srdreg.scid  }
0x5: {  	s12 =	stileid.u32;
	[smem:$0x7FF] =	sst s11;
	s3 =	sadd.s32 $0x18000, s1  }
0x6: {  	s2 =	sand.u32 $0x1, s2;
	s13 =	sadd.s32 $0xE200, s1;
	s4 =	smul.u32 $0x4E000, s12  }
0x7: {  	s14 =	sadd.s32 $0x4400, s1;
	s5 =	sadd.s32 $0x66200, s1;
	s25 =	sshll.u32 s12, $0x1  }
0x8: {  	s26 =	smul.u32 $0xA000, s12;
	_ =	strace $0x80000047;
	[smem:$0x7E3] =	sst s3  }
0x9: {  	s31 =	smul.u32 $0x13800, s12;
	s23 =	ssub.s32 $0x2, s2;
	[smem:$0x7F8] =	sst s13  }
0xa: {  	s15 =	sor.u32 s2, s25;
	s3 =	sadd.s32 $0x25800, s10;
	[smem:$0x7F9] =	sst s14  }
0xb: {  	s24 =	sshrl.u32 s23, $0x1;
	s22 =	sshll.u32 s15, $0x3;
	[smem:$0x7FA] =	sst s15  }
0xc: {  	[smem:$0x7FC] =	sst s3;
	s1 =	ssub.s32 s23, s24;
	s23 =	sadd.s32 s14, s22  }
0xd: {  	s4 =	sshrl.u32 s4, $0x2;
	s24 =	sadd.s32 s13, s22;
	[smem:$0x7EC] =	sst s23  }
0xe: {  	s18 =	smul.u32 $0x2800, s12;
	s16 =	sadd.s32 s4, s9;
	[smem:$0x7ED] =	sst s24  }
0xf: {  	p0 =	seq.s32 s12, $0xF;
	s6 =	sadd.s32 $0x2000, s16;
	[smem:$0x7F4] =	sst s16  }
0x10: {  	v1 =	vlaneseq.u32;
	v4 =	vimm.s32 $0x76543210;
	v5 =	vimm.s32 $0x32107654;
	p3 =	sgt.u32 s12, $0x3;
	s28 =	sadd.s32 $0x4000, s16;
	[smem:$0x7E4] =	sst s6  }
0x11: {  	v0 =	vimm.f32 $0.0e+00;
	v8 =	vimm.s32 $0x54761032;
	vm1 =	vcmask $0x300;
	p2 =	sne.s32 s12, $0x0;
	s7 =	sadd.s32 $0x6000, s16;
	[smem:$0x7E5] =	sst s28  }
0x12: {  	v2 =	vand.u32 $0x7, v1;
	v3 =	vshrl.u32 v1, $0x3;
	v5 =	vunpack.c.l.s4.s8 v5;
	s29 =	smul.u32 $0x138800, s2;
	s30 =	sadd.s32 $0x8000, s16;
	[smem:$0x7E6] =	sst s7  }
0x13: {  	v1 =	vor.u32 $0x8, v1;
	[tilespmem:$0x1FF50] =	vst v2;
	v2 =	vimm.s32 $0xFEDCBA98;
	s2 =	smul.u32 $0x27400, s2;
	v3 =	vmul.u32 $0x8, v3;
	s8 =	sadd.s32 $0xA000, s16;
	[smem:$0x7E7] =	sst s30  }
0x14: {  	v19 =	vsel vm1, $0x3F800000, v0;
	vm1 =	vcmask $0x704;
	[tilespmem:$0x1FF70] =	vst v1;
	p1 =	sne.s32 @!p0 s12, $0x0;
	v2 =	vunpack.c.l.s4.s8 v2;
	s17 =	sadd.s32 $0xC000, s16;
	[smem:$0x7E8] =	sst s8  }
0x15: {  	v1 =	vunpack.c.l.s4.s8 v8;
	s4 =	sshrl.u32 s26, $0x2;
	[tilespmem:$0x1FF60] =	vst v3;
	v3 =	vunpack.c.l.s4.s8 v4;
	v4 =	vimm.s32 $0xBA98FEDC;
	s26 =	smax.u32 s1, $0x1;
	[smem:$0x7E9] =	sst s17  }
0x16: {  	v55 =	vsel vm1, $0x3F800000, v0;
	v2 =	vunpack.c.0.s8.s32 v2;
	v4 =	vunpack.c.l.s4.s8 v4;
	s7 =	sadd.s32 s31, s29;
	[smem:$0x7F0] =	sst s26;
	s28 =	sadd.s32 $0xE000, s16  }
0x17: {  	vm1 =	vcmask $0xB08;
	v5 =	vunpack.c.0.s8.s32 v5;
	s6 =	sshrl.u32 s29, $0x3;
	v3 =	vunpack.c.0.s8.s32 v3;
	s29 =	sadd.s32 $0x10000, s16;
	[smem:$0x7F2] =	sst s28  }
0x18: {  	s21 =	sadd.s32 s18, s2;
	s30 =	sadd.s32 $0x12000, s16;
	v2 =	vand.u32 $0xF, v2;
	v6 =	vunpack.c.0.s8.s32 v4;
	v4 =	vimm.s32 $0xDCFE98BA;
	[smem:$0x7F3] =	sst s29  }
0x19: {  	v17 =	vsel vm1, $0x3F800000, v0;
	s2 =	sshrl.u32 s2, $0x3;
	s17 =	sadd.s32 s4, s10;
	[smem:$0x7F5] =	sst s30;
	v7 =	vunpack.c.l.s4.s8 v4;
	v4 =	vcombine.low v2, v3  }
0x1a: {  	s19 =	sshrl.u32 s7, $0x3;
	[smem:$0x7F6] =	sst s17;
	s31 =	sadd.s32 $0x2000, s17;
	v2 =	vcombine.low v5, v6;
	v5 =	vimm.s32 $0xEFCDAB89;
	v6 =	vimm.s32 $0x67452301  }
0x1b: {  	[tilespmem:$0x1FFD0] =	vst v19;
	vm1 =	vcmask $0xF0C;
	s20 =	sadd.s32 s5, s6;
	s6 =	ssub.s32 $0x1388, s25;
	[smem:$0x7F7] =	sst s31;
	v5 =	vunpack.c.l.s4.s8 v5;
	v6 =	vunpack.c.l.s4.s8 v6  }
0x1c: {  	[tilespmem:$0x1FFE0] =	vst v55;
	v1 =	vunpack.c.0.s8.s32 v1;
	v12 =	vsel vm1, $0x3F800000, v0;
	s4 =	sadd.s32 s5, s19;
	s5 =	sshrl.u32 s21, $0x3;
	[smem:$0x7FB] =	sst s6;
	v3 =	vunpack.c.0.s8.s32 v7  }
0x1d: {  	vm1 =	vcmask $0x1310;
	[tilespmem:$0x1FF80] =	vst v17;
	s25 =	sadd.s32 $0x27000, s20;
	[smem:$0x7EA] =	sst s4;
	s5 =	sadd.s32 s0, s5;
	v5 =	vunpack.c.0.s8.s32 v5;
	v6 =	vunpack.c.0.s8.s32 v6  }
.Ltmp0:
0x1e: {  	[tilespmem:$0x1FFF0] =	vst v12;
	s0 =	sadd.s32 s0, s2;
	[smem:$0x7EE] =	sst s25;
	v7 =	vsel vm1, $0x3F800000, v0;
	vm1 =	vcmask $0x1714;
	v1 =	vcombine.low v1, v3;
	(pc) =	sbr.rel .LBB2_1-.Ltmp0, $4  }
0x1f: {  	p1 =	por p1, p0;
	[smem:$0x7EB] =	sst s5;
	s0 =	sadd.s32 $0x4B00, s0;
	[tilespmem:$0x1FF90] =	vst v7;
	v3 =	vcombine.low v6, v5;
	v5 =	vsel vm1, $0x3F800000, v0;
	vm1 =	vcmask $0x1B18  }
0x20: {  	s4 =	sadd.s32 $0x138000, s9;
	[smem:$0x7EF] =	sst s0;
	s0 =	simm.s32 @!p1 $0x0;
	v11 =	vand.u32 $0xF, v2;
	v2 =	vsel vm1, $0x3F800000, v0;
	vm1 =	vcmask $0x1F1C;
	[tilespmem:$0x1FFA0] =	vst v5  }
0x21: {  	s7 =	simm.s32 $0x40;
	[smem:$0x7FD] =	sst s4;
	s0 =	simm.s32 @p1 $0x1;
	v13 =	vand.u32 $0xF, v1;
	v1 =	vsel vm1, $0x3F800000, v0;
	[tilespmem:$0x1FFB0] =	vst v2  }
0x22: {  	vm0 =	vmmov $0xffff;
	s2 =	simm.s32 $0x0;
	s5 =	simm.s32 $0x4;
	[smem:$0x7F1] =	sst s0;
	v14 =	vand.u32 $0xF, v3;
	[tilespmem:$0x1FFC0] =	vst v1  }
.LBB2_11:
0x23: {  	s0 =	simm.s32 @!p3 $0x3  }
0x24: {  	_ =	swait.ge @!p3 [sflag:s0], $0x2000  }
0x25: {  	[sflag:s0] =	ssyncset.done @!p3 $0x0  }
0x26: {  	[sflag:s0] =	ssyncadd.s32 @!p3 $0xFFFFE000  }
0x27: {  	_ =	swait.ge @!p3 [sflag:s0], $0x2000  }
0x28: {  	[sflag:s0] =	ssyncset.done @!p3 $0x0  }
0x29: {  	[sflag:s0] =	ssyncadd.s32 @!p3 $0xFFFFE000  }
0x2a: {  	[bflag:$0x0] =	sbarrier.arrive $0xFFFF  }
0x2b: {  	s1 =	sld [smem:$0x7F4]  }
0x2c: {  	s29 =	stileid.u32;
	s2 =	sld [smem:$0x7EA]  }
0x2d: {  	s0 =	sshll.u32 s29, $0x6  }
0x2e: {  	s5 =	simm.s32 $0x4;
	s0 =	sor.u32 $0x1C04, s0;
	s1 =	sshrl.u32 s1, $0x3  }
0x2f: {  	[hbm:s2], [sflag:s0] =	dma.local [spmem:s1], $0x2700  }
0x30: {  	_ =	swait.ge [sflag:s5], $0x2700  }
0x31: {  	s4 =	sld [smem:$0x7FD]  }
0x32: {  	s2 =	sld [smem:$0x7EE]  }
0x33: {  	[sflag:s5] =	ssyncset.done $0x0  }
0x34: {  	[sflag:s5] =	ssyncadd.s32 $0xFFFFD900;
	s1 =	sshrl.u32 @!p2 s4, $0x3  }
0x35: {  	[hbm:s2], [sflag:s0] =	dma.local @!p2 [spmem:s1], $0x100  }
0x36: {  	s1 =	simm.s32 @!p2 $0x4  }
0x37: {  	_ =	swait.ge @!p2 [sflag:s1], $0x100  }
0x38: {  	s3 =	sld [smem:$0x7FC]  }
0x39: {  	s2 =	sld [smem:$0x7EF]  }
0x3a: {  	[sflag:s1] =	ssyncset.done @!p2 $0x0  }
0x3b: {  	[sflag:s1] =	ssyncadd.s32 @!p2 $0xFFFFFF00;
	s1 =	sshrl.u32 @p4 s3, $0x3  }
0x3c: {  	[hbm:s2], [sflag:s0] =	dma.local @p4 [spmem:s1], $0x380  }
0x3d: {  	s1 =	simm.s32 @p4 $0x4  }
0x3e: {  	_ =	swait.ge @p4 [sflag:s1], $0x380  }
0x3f: {  	[sflag:s1] =	ssyncset.done @p4 $0x0  }
0x40: {  	[sflag:s1] =	ssyncadd.s32 @p4 $0xFFFFFC80;
	s1 =	sld [smem:$0x7F6]  }
0x41: {  	s2 =	sld [smem:$0x7EB];
	_ =	sdelay $0x1  }
0x42: {  	s1 =	sshrl.u32 @!p4 s1, $0x3  }
0x43: {  	[hbm:s2], [sflag:s0] =	dma.local @!p4 [spmem:s1], $0x500  }
0x44: {  	s0 =	simm.s32 @!p4 $0x4  }
0x45: {  	_ =	swait.ge @!p4 [sflag:s0], $0x500  }
0x46: {  	s30 =	sld [smem:$0x7E2]  }
0x47: {  	s31 =	sld [smem:$0x7F0];
	_ =	sdelay $0x1  }
0x48: {  	s2 =	sadd.s32 $0x1, s30  }
0x49: {  	p1 =	sne.s32 s2, s31  }
.Ltmp1:
0x4a: {  	_ = 	snop;
	(pc) =	sbr.rel @!p1 .LBB2_12-.Ltmp1, $3  }
0x4b: {  	_ =	sdelay $0x1  }
0x4c: {  	[sflag:s0] =	ssyncset.done @!p4 $0x0  }
0x4d: {  	[sflag:s0] =	ssyncadd.s32 @!p4 $0xFFFFFB00  }
.LBB2_1:
0x4e: {  	[smem:$0x7E2] =	sst s2;
	s0 =	simm.s32 $0x0;
	s1 =	simm.s32 $0x200  }
.LBB2_2:
0x4f: {  	p1 =	sne.s32 s1, $0x7E00;
	[tilespmem:s0+$0x70] =	vst v0  }
0x50: {  	[tilespmem:s0+$0x0] =	vst v0  }
0x51: {  	[tilespmem:s0+$0x10] =	vst v0  }
.Ltmp2:
0x52: {  	[tilespmem:s0+$0x20] =	vst v0;
	(pc) =	sbr.rel @p1 .LBB2_2-.Ltmp2, $4  }
0x53: {  	[tilespmem:s0+$0x30] =	vst v0  }
0x54: {  	[tilespmem:s0+$0x40] =	vst v0  }
0x55: {  	[tilespmem:s0+$0x50] =	vst v0  }
0x56: {  	[tilespmem:s0+$0x60] =	vst v0;
	s0 =	sshra.s32 s1, $0x2;
	s1 =	sadd.s32 $0x200, s1  }
0x57: {  	[tilespmem:s0+$0x70] =	vst v0  }
0x58: {  	[tilespmem:s0+$0x0] =	vst v0  }
0x59: {  	[tilespmem:s0+$0x10] =	vst v0  }
0x5a: {  	[tilespmem:s0+$0x20] =	vst v0  }
0x5b: {  	[tilespmem:s0+$0x30] =	vst v0  }
0x5c: {  	[tilespmem:s0+$0x40] =	vst v0;
	s12 =	sld [smem:$0x7F4]  }
0x5d: {  	[tilespmem:s0+$0x50] =	vst v0  }
0x5e: {  	[tilespmem:s0+$0x60] =	vst v0  }
0x5f: {  	[spmem:s12] =	stream.linear.scatter [tilespmem:s11], [sflag:$0x4], $0x2000, $0x38;
	[tilespmem:$0x1E3C0] =	vst v63  }
0x60: {  	_ =	swait.ge [sflag:s5], $0x2000  }
0x61: {  	s16 =	sld [smem:$0x7E4]  }
0x62: {  	[sflag:s5] =	ssyncset.done $0x0  }
0x63: {  	[sflag:s5] =	ssyncadd.s32 $0xFFFFE000  }
0x64: {  	[spmem:s16] =	stream.linear.scatter [tilespmem:s11], [sflag:$0x4], $0x2000, $0x38;
	[tilespmem:$0x1E3C0] =	vst v63  }
0x65: {  	_ =	swait.ge [sflag:s5], $0x2000  }
0x66: {  	s17 =	sld [smem:$0x7E5]  }
0x67: {  	[sflag:s5] =	ssyncset.done $0x0  }
0x68: {  	[sflag:s5] =	ssyncadd.s32 $0xFFFFE000  }
0x69: {  	[spmem:s17] =	stream.linear.scatter [tilespmem:s11], [sflag:$0x4], $0x2000, $0x38;
	[tilespmem:$0x1E3C0] =	vst v63  }
0x6a: {  	_ =	swait.ge [sflag:s5], $0x2000  }
0x6b: {  	s18 =	sld [smem:$0x7E6]  }
0x6c: {  	[sflag:s5] =	ssyncset.done $0x0  }
0x6d: {  	[sflag:s5] =	ssyncadd.s32 $0xFFFFE000  }
0x6e: {  	[spmem:s18] =	stream.linear.scatter [tilespmem:s11], [sflag:$0x4], $0x2000, $0x38;
	[tilespmem:$0x1E3C0] =	vst v63  }
0x6f: {  	_ =	swait.ge [sflag:s5], $0x2000  }
0x70: {  	s19 =	sld [smem:$0x7E7]  }
0x71: {  	[sflag:s5] =	ssyncset.done $0x0  }
0x72: {  	[sflag:s5] =	ssyncadd.s32 $0xFFFFE000  }
0x73: {  	[spmem:s19] =	stream.linear.scatter [tilespmem:s11], [sflag:$0x4], $0x2000, $0x38;
	[tilespmem:$0x1E3C0] =	vst v63  }
0x74: {  	_ =	swait.ge [sflag:s5], $0x2000  }
0x75: {  	s20 =	sld [smem:$0x7E8]  }
0x76: {  	[sflag:s5] =	ssyncset.done $0x0  }
0x77: {  	[sflag:s5] =	ssyncadd.s32 $0xFFFFE000  }
0x78: {  	[spmem:s20] =	stream.linear.scatter [tilespmem:s11], [sflag:$0x4], $0x2000, $0x38;
	[tilespmem:$0x1E3C0] =	vst v63  }
0x79: {  	_ =	swait.ge [sflag:s5], $0x2000  }
0x7a: {  	s21 =	sld [smem:$0x7E9]  }
0x7b: {  	[sflag:s5] =	ssyncset.done $0x0  }
0x7c: {  	[sflag:s5] =	ssyncadd.s32 $0xFFFFE000  }
0x7d: {  	[spmem:s21] =	stream.linear.scatter [tilespmem:s11], [sflag:$0x4], $0x2000, $0x38;
	[tilespmem:$0x1E3C0] =	vst v63  }
0x7e: {  	_ =	swait.ge [sflag:s5], $0x2000  }
0x7f: {  	s22 =	sld [smem:$0x7F2]  }
0x80: {  	[sflag:s5] =	ssyncset.done $0x0  }
0x81: {  	[sflag:s5] =	ssyncadd.s32 $0xFFFFE000  }
0x82: {  	[spmem:s22] =	stream.linear.scatter [tilespmem:s11], [sflag:$0x4], $0x2000, $0x38;
	[tilespmem:$0x1E3C0] =	vst v63  }
0x83: {  	_ =	swait.ge [sflag:s5], $0x2000  }
0x84: {  	s23 =	sld [smem:$0x7F3]  }
0x85: {  	[sflag:s5] =	ssyncset.done $0x0  }
0x86: {  	[sflag:s5] =	ssyncadd.s32 $0xFFFFE000  }
0x87: {  	[spmem:s23] =	stream.linear.scatter [tilespmem:s11], [sflag:$0x4], $0x2000, $0x38;
	[tilespmem:$0x1E3C0] =	vst v63  }
0x88: {  	_ =	swait.ge [sflag:s5], $0x2000  }
0x89: {  	s24 =	sld [smem:$0x7F5]  }
0x8a: {  	[sflag:s5] =	ssyncset.done $0x0  }
0x8b: {  	[sflag:s5] =	ssyncadd.s32 $0xFFFFE000  }
0x8c: {  	[spmem:s24] =	stream.linear.scatter [tilespmem:s11], [sflag:$0x4], $0x1800, $0x38;
	[tilespmem:$0x1E3C0] =	vst v63  }
0x8d: {  	_ =	swait.ge [sflag:s5], $0x1800  }
0x8e: {  	[sflag:s5] =	ssyncset.done $0x0  }
0x8f: {  	s0 =	simm.s32 @p0 $0x0;
	[sflag:s5] =	ssyncadd.s32 $0xFFFFE800  }
0x90: {  	[spmem:s3] =	stream.linear.scatter @p0 [tilespmem:s0], [sflag:$0x4], $0x1C00, $0x38;
	[tilespmem:$0x1E3C0] =	vst v63  }
0x91: {  	s0 =	simm.s32 @p0 $0x4  }
0x92: {  	_ =	swait.ge @p0 [sflag:s0], $0x1C00  }
0x93: {  	s25 =	sld [smem:$0x7F1];
	_ =	sdelay $0x2  }
0x94: {  	[sflag:s0] =	ssyncset.done @p0 $0x0;
	p1 =	seq.s32 s25, $0x1  }
0x95: {  	[sflag:s0] =	ssyncadd.s32 @p0 $0xFFFFE400;
	s0 =	simm.s32 @!p1 $0x0  }
0x96: {  	[spmem:s4] =	stream.linear.scatter @!p1 [tilespmem:s0], [sflag:$0x4], $0x800, $0x38;
	[tilespmem:$0x1E3C0] =	vst v63  }
0x97: {  	s0 =	simm.s32 @!p1 $0x4  }
0x98: {  	_ =	swait.ge @!p1 [sflag:s0], $0x800  }
0x99: {  	s1 =	sld [smem:$0x7F6]  }
0x9a: {  	[sflag:s0] =	ssyncset.done @!p1 $0x0  }
0x9b: {  	[sflag:s0] =	ssyncadd.s32 @!p1 $0xFFFFF800;
	s0 =	simm.s32 @!p0 $0x0  }
0x9c: {  	[spmem:s1] =	stream.linear.scatter @!p0 [tilespmem:s0], [sflag:$0x4], $0x2000, $0x38;
	[tilespmem:$0x1E3C0] =	vst v63  }
0x9d: {  	s1 =	simm.s32 @!p0 $0x4  }
0x9e: {  	_ =	swait.ge @!p0 [sflag:s1], $0x2000  }
0x9f: {  	s2 =	sld [smem:$0x7F7]  }
0xa0: {  	[sflag:s1] =	ssyncset.done @!p0 $0x0  }
0xa1: {  	[sflag:s1] =	ssyncadd.s32 @!p0 $0xFFFFE000  }
0xa2: {  	[spmem:s2] =	stream.linear.scatter @!p0 [tilespmem:s0], [sflag:$0x4], $0x800, $0x38;
	[tilespmem:$0x1E3C0] =	vst v63  }
0xa3: {  	_ =	swait.ge @!p0 [sflag:s1], $0x800  }
0xa4: {  	[sflag:s1] =	ssyncset.done @!p0 $0x0  }
0xa5: {  	[sflag:s1] =	ssyncadd.s32 @!p0 $0xFFFFF800  }
0xa6: {  	[bflag:$0x0] =	sbarrier.arrive $0xFFFF  }
0xa7: {  	s26 =	sld [smem:$0x7EC];
	_ =	sdelay $0x1  }
0xa8: {  	s28 =	simm.s32 $0x8000;
	s0 =	simm.s32 $0x0  }
0xa9: {  	[tilespmem:s28], [sflag:$0x1] =	stream.linear.gather [hbm4b:s26+s0], $0x40, $0x38;
	[tilespmem:$0x1E3C0] =	vst v63  }
.Ltmp3:
0xaa: {  	s29 =	simm.s32 $0x8300;
	(pc) =	sbr.rel .LBB2_4-.Ltmp3, $4  }
0xab: {  	p4 =	por @p0 $0x1, $0x1;
	p1 =	por @!p0 $0x0, $0x0;
	s30 =	sld [smem:$0x7ED]  }
0xac: {  	[tilespmem:s29], [sflag:$0x1] =	stream.linear.gather [hbm4b:s26+s0], $0x40, $0x38;
	[tilespmem:$0x1E3C0] =	vst v63  }
0xad: {  	s31 =	simm.s32 $0x8200;
	p5 =	por $0x0, $0x0;
	p4 =	por @!p0 p1, p1  }
0xae: {  	[tilespmem:s31], [sflag:$0x1] =	stream.linear.gather [hbm4b:s30+s0], $0x40, $0x38;
	[tilespmem:$0x1E3C0] =	vst v63  }
.LBB2_10:
0xaf: {  	p1 =	sne.s32 s8, $0x9D  }
.Ltmp4:
0xb0: {  	_ = 	snop;
	(pc) =	sbr.rel @!p1 .LBB2_11-.Ltmp4, $2  }
0xb1: {  	_ =	sdelay $0x2  }
0xb2: {  	p5 =	por !p5, !p5;
	s0 =	smov.u32 s8  }
.LBB2_4:
0xb3: {  	p6 =	seq.s32 s0, $0x0  }
0xb4: {  	s1 =	simm.s32 @!p6 $0x3  }
0xb5: {  	s8 =	sadd.s32 $0x1, s0;
	_ =	swait.ge @!p6 [sflag:s1], $0x2000  }
0xb6: {  	s2 =	sshll.u32 s8, $0x5;
	[sflag:s1] =	ssyncset.done @!p6 $0x0  }
0xb7: {  	s2 =	sor.u32 s15, s2;
	[sflag:s1] =	ssyncadd.s32 @!p6 $0xFFFFE000  }
0xb8: {  	p1 =	sgt.u32 s2, $0x1387;
	_ =	swait.ge @!p6 [sflag:s1], $0x2000  }
0xb9: {  	s3 =	sshll.u32 @!p1 s8, $0x7;
	[sflag:s1] =	ssyncset.done @!p6 $0x0  }
0xba: {  	s2 =	sshll.u32 @!p1 s2, $0x3;
	[sflag:s1] =	ssyncadd.s32 @!p6 $0xFFFFE000;
	s1 =	sand.u32 @!p1 $0x80, s3  }
0xbb: {  	s5 =	simm.s32 @!p1 $0x0;
	s4 =	sadd.s32 @!p1 s14, s2;
	s3 =	sor.u32 @!p1 $0x8000, s1  }
0xbc: {  	[tilespmem:s3], [sflag:$0x1] =	stream.linear.gather @!p1 [hbm4b:s4+s5], $0x40, $0x38;
	[tilespmem:$0x1E3C0] =	vst v63  }
0xbd: {  	s3 =	sor.u32 @!p1 $0x8300, s1  }
0xbe: {  	[tilespmem:s3], [sflag:$0x1] =	stream.linear.gather @!p1 [hbm4b:s4+s5], $0x40, $0x38;
	[tilespmem:$0x1E3C0] =	vst v63  }
0xbf: {  	s31 =	sshll.u32 s0, $0x5;
	s2 =	sadd.s32 @!p1 s13, s2;
	s1 =	sor.u32 @!p1 $0x8200, s1  }
0xc0: {  	[tilespmem:s1], [sflag:$0x1] =	stream.linear.gather @!p1 [hbm4b:s2+s5], $0x40, $0x38;
	[tilespmem:$0x1E3C0] =	vst v63  }
0xc1: {  	p1 =	sge.u32 s31, s6  }
.Ltmp5:
0xc2: {  	_ = 	snop;
	(pc) =	sbr.rel @p1 .LBB2_10-.Ltmp5, $1  }
0xc3: {  	_ =	sdelay $0x3  }
0xc4: {  	[smem:$0x7DF] =	sst s8;
	s2 =	simm.s32 $0x1  }
0xc5: {  	_ =	swait.ge [sflag:s2], $0x40  }
0xc6: {  	[sflag:s2] =	ssyncset.done $0x0  }
0xc7: {  	[sflag:s2] =	ssyncadd.s32 $0xFFFFFFC0  }
0xc8: {  	_ =	swait.ge [sflag:s2], $0x40  }
0xc9: {  	[sflag:s2] =	ssyncset.done $0x0  }
0xca: {  	[sflag:s2] =	ssyncadd.s32 $0xFFFFFFC0  }
0xcb: {  	_ =	swait.ge [sflag:s2], $0x40  }
0xcc: {  	s0 =	sshll.u32 s0, $0x7;
	[sflag:s2] =	ssyncset.done $0x0  }
0xcd: {  	s1 =	sand.u32 $0x80, s0;
	[sflag:s2] =	ssyncadd.s32 $0xFFFFFFC0  }
0xce: {  	v1 =	vld [tilespmem:s1+$0x8000]  }
0xcf: {  	v2 =	vld [tilespmem:s1+$0x8010]  }
0xd0: {  	v3 =	vld [tilespmem:s1+$0x8020]  }
0xd1: {  	v5 =	vld [tilespmem:s1+$0x8030];
	_ =	sdelay $0x1  }
0xd2: {  	v1 =	vshrl.u32 v1, $0x3  }
0xd3: {  	[tilespmem:s1+$0x8100] =	vst v1;
	v1 =	vshrl.u32 v2, $0x3  }
0xd4: {  	[tilespmem:s1+$0x8110] =	vst v1;
	v1 =	vshrl.u32 v3, $0x3  }
0xd5: {  	[tilespmem:s1+$0x8120] =	vst v1;
	v1 =	vshrl.u32 v5, $0x3  }
0xd6: {  	s20 =	sor.u32 $0x8000, s1;
	s21 =	rddreg [dreg:$0x0];
	[tilespmem:s1+$0x8130] =	vst v1  }
0xd7: {  	[tilespmem:s11], [sflag:$0x2] =	stream.indirect.gather [hbm4b:s21+s7], $0x80, s20, s7, $0xb8;
	[tilespmem:$0x1E3C0] =	vst v63  }
0xd8: {  	v1 =	vld [tilespmem:s1+$0x8200];
	_ =	sdelay $0x2  }
0xd9: {  	v3 =	vld [tilespmem:$0x1FF50]  }
0xda: {  	v6 =	vld [tilespmem:$0x1FF70]  }
0xdb: {  	v5 =	vld [tilespmem:$0x1FF60];
	v2 =	vshll.u32 v1, $0x1  }
0xdc: {  	v1 =	vand.u32 $0x7, v1;
	v2 =	vand.u32 $0xFFFFFFF0, v2  }
0xdd: {  	v1 =	vor.u32 v1, v2  }
0xde: {  	v2 =	vperm.xlane v1, v3;
	_ =	sdelay $0x1  }
0xdf: {  	v1 =	vperm.xlane v1, v6;
	v2 =	vadd.s32 v5, v2;
	_ =	sdelay $0x1  }
0xe0: {  	s22 =	sld [smem:$0x7E3];
	v1 =	vadd.s32 v5, v1;
	_ =	sdelay $0x1  }
0xe1: {  	s23 =	simm.s32 $0x2000  }
0xe2: {  	[tilespmem:s23], [sflag:$0x2] =	stream.indirect_vreg.gather [hbm4b:s22+s11], $0x80, v2, vm0, $0xb8;
	[tilespmem:$0x1E3C0] =	vst v63  }
0xe3: {  	s24 =	simm.s32 $0x2800  }
0xe4: {  	[tilespmem:s24], [sflag:$0x2] =	stream.indirect_vreg.gather [hbm4b:s22+s11], $0x80, v1, vm0, $0xb8;
	[tilespmem:$0x1E3C0] =	vst v63  }
0xe5: {  	v1 =	vld [tilespmem:s1+$0x8210];
	_ =	sdelay $0x4  }
0xe6: {  	v2 =	vshll.u32 v1, $0x1  }
0xe7: {  	v1 =	vand.u32 $0x7, v1;
	v2 =	vand.u32 $0xFFFFFFF0, v2  }
0xe8: {  	v1 =	vor.u32 v1, v2  }
0xe9: {  	v2 =	vperm.xlane v1, v3;
	_ =	sdelay $0x1  }
0xea: {  	v1 =	vperm.xlane v1, v6;
	v2 =	vadd.s32 v5, v2;
	_ =	sdelay $0x1  }
0xeb: {  	v1 =	vadd.s32 v5, v1;
	_ =	sdelay $0x1  }
0xec: {  	s25 =	simm.s32 $0x3000  }
0xed: {  	[tilespmem:s25], [sflag:$0x2] =	stream.indirect_vreg.gather [hbm4b:s22+s11], $0x80, v2, vm0, $0xb8;
	[tilespmem:$0x1E3C0] =	vst v63  }
0xee: {  	s26 =	simm.s32 $0x3800  }
0xef: {  	[tilespmem:s26], [sflag:$0x2] =	stream.indirect_vreg.gather [hbm4b:s22+s11], $0x80, v1, vm0, $0xb8;
	[tilespmem:$0x1E3C0] =	vst v63  }
0xf0: {  	v1 =	vld [tilespmem:s1+$0x8220];
	_ =	sdelay $0x4  }
0xf1: {  	v2 =	vshll.u32 v1, $0x1  }
0xf2: {  	v1 =	vand.u32 $0x7, v1;
	v2 =	vand.u32 $0xFFFFFFF0, v2  }
0xf3: {  	v1 =	vor.u32 v1, v2  }
0xf4: {  	v2 =	vperm.xlane v1, v3;
	_ =	sdelay $0x1  }
0xf5: {  	v1 =	vperm.xlane v1, v6;
	v2 =	vadd.s32 v5, v2;
	_ =	sdelay $0x1  }
0xf6: {  	v1 =	vadd.s32 v5, v1;
	_ =	sdelay $0x1  }
0xf7: {  	s28 =	simm.s32 $0x4000  }
0xf8: {  	[tilespmem:s28], [sflag:$0x2] =	stream.indirect_vreg.gather [hbm4b:s22+s11], $0x80, v2, vm0, $0xb8;
	[tilespmem:$0x1E3C0] =	vst v63  }
0xf9: {  	s29 =	simm.s32 $0x4800  }
0xfa: {  	[tilespmem:s29], [sflag:$0x2] =	stream.indirect_vreg.gather [hbm4b:s22+s11], $0x80, v1, vm0, $0xb8;
	[tilespmem:$0x1E3C0] =	vst v63  }
0xfb: {  	v1 =	vld [tilespmem:s1+$0x8230];
	_ =	sdelay $0x4  }
0xfc: {  	v2 =	vshll.u32 v1, $0x1  }
0xfd: {  	v1 =	vand.u32 $0x7, v1;
	v2 =	vand.u32 $0xFFFFFFF0, v2  }
0xfe: {  	v1 =	vor.u32 v1, v2  }
0xff: {  	v2 =	vperm.xlane v1, v3;
	_ =	sdelay $0x1  }
0x100: {  	v1 =	vperm.xlane v1, v6;
	v2 =	vadd.s32 v5, v2;
	_ =	sdelay $0x1  }
0x101: {  	v1 =	vadd.s32 v5, v1;
	_ =	sdelay $0x1  }
0x102: {  	s30 =	simm.s32 $0x5000  }
0x103: {  	[tilespmem:s30], [sflag:$0x2] =	stream.indirect_vreg.gather [hbm4b:s22+s11], $0x80, v2, vm0, $0xb8;
	[tilespmem:$0x1E3C0] =	vst v63  }
0x104: {  	s31 =	simm.s32 $0x5800;
	s0 =	simm.s32 $0x6100;
	[smem:$0x7E0] =	sst s20  }
0x105: {  	[tilespmem:s31], [sflag:$0x2] =	stream.indirect_vreg.gather [hbm4b:s22+s11], $0x80, v1, vm0, $0xb8;
	[tilespmem:$0x1E3C0] =	vst v63  }
0x106: {  	[tilespmem:s0+$0xFFFFFF00] =	vst v0  }
0x107: {  	[tilespmem:s0+$0xF0] =	vst v0  }
0x108: {  	[tilespmem:s0+$0xE0] =	vst v0  }
0x109: {  	[tilespmem:s0+$0xD0] =	vst v0  }
0x10a: {  	[tilespmem:s0+$0xC0] =	vst v0  }
0x10b: {  	[tilespmem:s0+$0xB0] =	vst v0  }
0x10c: {  	[tilespmem:s0+$0xA0] =	vst v0  }
0x10d: {  	[tilespmem:s0+$0x90] =	vst v0  }
0x10e: {  	[tilespmem:s0+$0x80] =	vst v0  }
0x10f: {  	[tilespmem:s0+$0x70] =	vst v0  }
0x110: {  	[tilespmem:s0+$0x60] =	vst v0  }
0x111: {  	[tilespmem:s0+$0x50] =	vst v0  }
0x112: {  	[tilespmem:s0+$0x40] =	vst v0  }
0x113: {  	[tilespmem:s0+$0x30] =	vst v0  }
0x114: {  	[tilespmem:s0+$0x20] =	vst v0  }
0x115: {  	[tilespmem:s0+$0x10] =	vst v0  }
0x116: {  	[tilespmem:s0+$0x0] =	vst v0  }
0x117: {  	[tilespmem:s0+$0xFFFFFFF0] =	vst v0  }
0x118: {  	[tilespmem:s0+$0xFFFFFFE0] =	vst v0  }
0x119: {  	[tilespmem:s0+$0xFFFFFFD0] =	vst v0  }
0x11a: {  	[tilespmem:s0+$0xFFFFFFC0] =	vst v0  }
0x11b: {  	[tilespmem:s0+$0xFFFFFFB0] =	vst v0  }
0x11c: {  	[tilespmem:s0+$0xFFFFFFA0] =	vst v0  }
0x11d: {  	[tilespmem:s0+$0xFFFFFF90] =	vst v0  }
0x11e: {  	[tilespmem:s0+$0xFFFFFF80] =	vst v0  }
0x11f: {  	[tilespmem:s0+$0xFFFFFF70] =	vst v0  }
0x120: {  	s2 =	simm.s32 $0x1;
	[tilespmem:s0+$0xFFFFFF60] =	vst v0  }
0x121: {  	s2 =	simm.s32 @!p5 $0x0;
	[tilespmem:s0+$0xFFFFFF50] =	vst v0  }
0x122: {  	s2 =	sshll.u32 s2, $0x7;
	[tilespmem:s0+$0xFFFFFF40] =	vst v0  }
0x123: {  	s2 =	sor.u32 $0x8302, s2;
	[tilespmem:s0+$0xFFFFFF30] =	vst v0  }
0x124: {  	s1 =	sor.u32 $0x8100, s1;
	[dreg:$0xc] =	wrdreg s2  }
0x125: {  	[smem:$0x7E1] =	sst s1  }
0x126: {  	s1 =	simm.s32 $0x0;
	[tilespmem:s0+$0xFFFFFF20] =	vst v0  }
.LBB2_6:
0x127: {  	s1 =	sadd.s32 $0x4, s1;
	[tilespmem:s0+$0xFFFFFF10] =	vst v0;
	s0 =	sadd.s32 $0x200, s0  }
0x128: {  	[tilespmem:s0+$0xFFFFFF00] =	vst v0;
	p1 =	slt.u32 s1, $0x3C  }
0x129: {  	[tilespmem:s0+$0xF0] =	vst v0  }
0x12a: {  	[tilespmem:s0+$0xE0] =	vst v0  }
0x12b: {  	[tilespmem:s0+$0xD0] =	vst v0  }
0x12c: {  	[tilespmem:s0+$0xC0] =	vst v0  }
0x12d: {  	[tilespmem:s0+$0xB0] =	vst v0  }
0x12e: {  	[tilespmem:s0+$0xA0] =	vst v0  }
0x12f: {  	[tilespmem:s0+$0x90] =	vst v0  }
0x130: {  	[tilespmem:s0+$0x80] =	vst v0  }
0x131: {  	[tilespmem:s0+$0x70] =	vst v0  }
0x132: {  	[tilespmem:s0+$0x60] =	vst v0  }
0x133: {  	[tilespmem:s0+$0x50] =	vst v0  }
0x134: {  	[tilespmem:s0+$0x40] =	vst v0  }
0x135: {  	[tilespmem:s0+$0x30] =	vst v0  }
0x136: {  	[tilespmem:s0+$0x20] =	vst v0  }
0x137: {  	[tilespmem:s0+$0x10] =	vst v0  }
0x138: {  	[tilespmem:s0+$0x0] =	vst v0  }
0x139: {  	[tilespmem:s0+$0xFFFFFFF0] =	vst v0  }
0x13a: {  	[tilespmem:s0+$0xFFFFFFE0] =	vst v0  }
0x13b: {  	[tilespmem:s0+$0xFFFFFFD0] =	vst v0  }
0x13c: {  	[tilespmem:s0+$0xFFFFFFC0] =	vst v0  }
0x13d: {  	[tilespmem:s0+$0xFFFFFFB0] =	vst v0  }
0x13e: {  	[tilespmem:s0+$0xFFFFFFA0] =	vst v0  }
0x13f: {  	[tilespmem:s0+$0xFFFFFF90] =	vst v0  }
0x140: {  	[tilespmem:s0+$0xFFFFFF80] =	vst v0  }
0x141: {  	[tilespmem:s0+$0xFFFFFF70] =	vst v0  }
.Ltmp6:
0x142: {  	[tilespmem:s0+$0xFFFFFF60] =	vst v0;
	(pc) =	sbr.rel @p1 .LBB2_6-.Ltmp6, $4  }
0x143: {  	[tilespmem:s0+$0xFFFFFF50] =	vst v0  }
0x144: {  	[tilespmem:s0+$0xFFFFFF40] =	vst v0  }
0x145: {  	[tilespmem:s0+$0xFFFFFF30] =	vst v0  }
0x146: {  	[tilespmem:s0+$0xFFFFFF20] =	vst v0  }
0x147: {  	[tilespmem:s0+$0xFFFFFF10] =	vst v0;
	s22 =	simm.s32 $0x2  }
0x148: {  	_ =	swait.ge [sflag:s22], $0x2000  }
0x149: {  	[sflag:s22] =	ssyncset.done $0x0  }
0x14a: {  	[sflag:s22] =	ssyncadd.s32 $0xFFFFE000  }
0x14b: {  	s2 =	simm.s32 $0x0;
	s23 =	simm.s32 $0x180;
	_ =	swait.ge [sflag:s22], $0x4000  }
0x14c: {  	s28 =	simm.s32 $0x0;
	s1 =	sand.u32 $0x3800, s2;
	[sflag:s22] =	ssyncset.done $0x0  }
0x14d: {  	s0 =	sand.u32 $0x380, s23;
	s3 =	sadd.s32 $0x2000, s1;
	[sflag:s22] =	ssyncadd.s32 $0xFFFFC000  }
0x14e: {  	s1 =	sor.u32 s0, s3;
	v1 =	vld [tilespmem:s28+$0x180]  }
0x14f: {  	v2 =	vld [tilespmem:s1+$0x0];
	_ =	sdelay $0x4  }
0x150: {  	v1 =	vmul.f32 v2, v1;
	_ =	sdelay $0x1  }
0x151: {  	v2 =	vperm.xlane v1, v4;
	_ =	sdelay $0x1  }
0x152: {  	v1 =	vadd.f32 v2, v1;
	_ =	sdelay $0x1  }
0x153: {  	v2 =	vperm.xlane v1, v11;
	_ =	sdelay $0x1  }
0x154: {  	v1 =	vadd.f32 v2, v1;
	_ =	sdelay $0x1  }
0x155: {  	v2 =	vperm.xlane v1, v13;
	_ =	sdelay $0x1  }
0x156: {  	v1 =	vadd.f32 v2, v1;
	_ =	sdelay $0x1  }
0x157: {  	v2 =	vperm.xlane v1, v14;
	_ =	sdelay $0x1  }
0x158: {  	v1 =	vadd.f32 v2, v1;
	_ =	sdelay $0x1  }
0x159: {  	v1 =	vmul.f32 $1.442695020e+00, v1;
	_ =	sdelay $0x1  }
0x15a: {  	(erf) = vpow2.f32 v1;
	_ =	sdelay $0x1  }
0x15b: {  	s24 =	sand.u32 $0x7, s2  }
0x15c: {  	s0 =	sshll.u32 s24, $0x7  }
0x15d: {  	s0 =	sadd.s32 $0x0, s0  }
0x15e: {  	s12 =	sadd.s32 $0x180, s0  }
0x15f: {  	s4 =	sor.u32 $0x400, s12  }
0x160: {  	s25 =	simm.s32 $0x0;
	v1 =	vld [tilespmem:s4+$0x2000]  }
0x161: {  	s5 =	simm.s32 $0x80;
	v3 =	vld [tilespmem:s28+$0x80];
	s4 =	sand.u32 $0x200, s25  }
0x162: {  	s8 =	simm.s32 $0x100;
	s6 =	sand.u32 $0x280, s5;
	v2 =	vld [tilespmem:s28+$0x0];
	s5 =	sor.u32 s4, s3;
	v7 =	vpop (erf)  }
0x163: {  	s26 =	sand.u32 $0x300, s8;
	s7 =	sor.u32 s6, s3;
	v5 =	vld [tilespmem:s5+$0x0];
	[tilespmem:$0x1FDC0] =	vst v7  }
0x164: {  	s6 =	sor.u32 s26, s3;
	v6 =	vld [tilespmem:s7+$0x0]  }
0x165: {  	v1 =	vmul.f32 v7, v1;
	v7 =	vld [tilespmem:s6+$0x0]  }
0x166: {  	v8 =	vld [tilespmem:s28+$0x100]  }
0x167: {  	[tilespmem:s28+$0x180] =	vst v1;
	v1 =	vld [tilespmem:s28+$0x190]  }
0x168: {  	v9 =	vld [tilespmem:s1+$0x10];
	_ =	sdelay $0x1  }
0x169: {  	v2 =	vmul.f32 v5, v2  }
0x16a: {  	v3 =	vmul.f32 v6, v3  }
0x16b: {  	v5 =	vperm.xlane v2, v4;
	v6 =	vmul.f32 v7, v8  }
0x16c: {  	v7 =	vperm.xlane v3, v4;
	v1 =	vmul.f32 v9, v1  }
0x16d: {  	v2 =	vadd.f32 v5, v2;
	v5 =	vperm.xlane v6, v4  }
0x16e: {  	v3 =	vadd.f32 v7, v3;
	v7 =	vperm.xlane v1, v4  }
0x16f: {  	v8 =	vperm.xlane v2, v11;
	v5 =	vadd.f32 v5, v6  }
0x170: {  	s2 =	sand.u32 $0x3, s2;
	v6 =	vperm.xlane v3, v11;
	v1 =	vadd.f32 v7, v1  }
0x171: {  	p1 =	por $0x0, $0x0;
	s2 =	sshll.u32 s2, $0x8;
	s3 =	simm.s32 $0x1;
	v2 =	vadd.f32 v8, v2;
	v7 =	vperm.xlane v5, v11  }
0x172: {  	s2 =	sadd.s32 $0x0, s2;
	s3 =	simm.s32 @!p1 $0x0;
	v3 =	vadd.f32 v6, v3;
	v6 =	vperm.xlane v1, v11  }
0x173: {  	s21 =	sadd.s32 $0x100, s2;
	s3 =	sshll.u32 s3, $0x9;
	v8 =	vperm.xlane v2, v13;
	v5 =	vadd.f32 v7, v5  }
0x174: {  	s2 =	sor.u32 $0x400, s21;
	s25 =	sadd.s32 $0x0, s3;
	v7 =	vperm.xlane v3, v13;
	v1 =	vadd.f32 v6, v1  }
0x175: {  	s3 =	sor.u32 $0x400, s25;
	v12 =	vld [tilespmem:s2+$0x2000];
	v2 =	vadd.f32 v8, v2;
	v6 =	vperm.xlane v5, v13  }
0x176: {  	v15 =	vld [tilespmem:s3+$0x2000];
	v3 =	vadd.f32 v7, v3;
	v7 =	vperm.xlane v1, v13  }
0x177: {  	v16 =	vld [tilespmem:s28+$0x10];
	v8 =	vperm.xlane v2, v14;
	v5 =	vadd.f32 v6, v5  }
0x178: {  	v17 =	vld [tilespmem:s28+$0x90];
	v6 =	vperm.xlane v3, v14;
	v1 =	vadd.f32 v7, v1  }
0x179: {  	v18 =	vld [tilespmem:s28+$0x110];
	v2 =	vadd.f32 v8, v2;
	v7 =	vperm.xlane v5, v14  }
0x17a: {  	v19 =	vld [tilespmem:s28+$0x20];
	v3 =	vadd.f32 v6, v3;
	v6 =	vperm.xlane v1, v14  }
0x17b: {  	v20 =	vld [tilespmem:s28+$0xA0];
	v2 =	vmul.f32 $1.442695020e+00, v2;
	v5 =	vadd.f32 v7, v5  }
0x17c: {  	s26 =	sadd.s32 $0x80, s0;
	v21 =	vld [tilespmem:s28+$0x120];
	v3 =	vmul.f32 $1.442695020e+00, v3;
	v1 =	vadd.f32 v6, v1  }
0x17d: {  	s0 =	sor.u32 $0x400, s26;
	v10 =	vld [tilespmem:s28+$0x30];
	(erf) = vpow2.f32 v2;
	v2 =	vmul.f32 $1.442695020e+00, v5  }
0x17e: {  	v23 =	vld [tilespmem:s0+$0x2000];
	(erf) = vpow2.f32 v3;
	v1 =	vmul.f32 $1.442695020e+00, v1  }
0x17f: {  	v22 =	vld [tilespmem:s28+$0x60];
	(erf) = vpow2.f32 v2  }
0x180: {  	s2 =	sor.u32 $0x410, s12;
	v24 =	vld [tilespmem:s28+$0xE0];
	(erf) = vpow2.f32 v1  }
0x181: {  	v28 =	vld [tilespmem:s2+$0x2000]  }
0x182: {  	v9 =	vld [tilespmem:s28+$0xB0]  }
0x183: {  	v8 =	vld [tilespmem:s28+$0x130]  }
0x184: {  	v7 =	vld [tilespmem:s28+$0x40]  }
0x185: {  	v6 =	vld [tilespmem:s28+$0xC0]  }
0x186: {  	v5 =	vld [tilespmem:s28+$0x140];
	v50 =	vpop (erf)  }
0x187: {  	v3 =	vld [tilespmem:s28+$0x50];
	v15 =	vmul.f32 v50, v15;
	v49 =	vpop (erf)  }
0x188: {  	v2 =	vld [tilespmem:s28+$0xD0];
	v48 =	vpop (erf)  }
0x189: {  	v1 =	vld [tilespmem:s28+$0x150];
	[tilespmem:s28+$0x0] =	vst v15;
	v29 =	vmul.f32 v49, v23;
	v25 =	vpop (erf)  }
0x18a: {  	v23 =	vld [tilespmem:s28+$0x160];
	v12 =	vmul.f32 v48, v12;
	[tilespmem:$0x1FE00] =	vst v25  }
0x18b: {  	v15 =	vld [tilespmem:s5+$0x10];
	[tilespmem:s28+$0x80] =	vst v29  }
0x18c: {  	v28 =	vmul.f32 v25, v28;
	[tilespmem:s28+$0x100] =	vst v12;
	v29 =	vld [tilespmem:s7+$0x10]  }
0x18d: {  	v12 =	vld [tilespmem:s6+$0x10]  }
0x18e: {  	[tilespmem:s28+$0x190] =	vst v28;
	v28 =	vld [tilespmem:s28+$0x1A0]  }
0x18f: {  	v30 =	vld [tilespmem:s1+$0x20];
	_ =	sdelay $0x2  }
0x190: {  	v15 =	vmul.f32 v15, v16  }
0x191: {  	v16 =	vmul.f32 v29, v17;
	v12 =	vmul.f32 v12, v18  }
0x192: {  	v17 =	vperm.xlane v15, v4;
	v28 =	vmul.f32 v30, v28  }
0x193: {  	v33 =	vperm.xlane v16, v4;
	v29 =	vperm.xlane v12, v4  }
0x194: {  	v15 =	vadd.f32 v17, v15;
	v17 =	vperm.xlane v28, v4  }
0x195: {  	v16 =	vadd.f32 v33, v16;
	v12 =	vadd.f32 v29, v12  }
0x196: {  	v34 =	vperm.xlane v15, v11;
	v17 =	vadd.f32 v17, v28  }
0x197: {  	v29 =	vperm.xlane v16, v11;
	v28 =	vperm.xlane v12, v11  }
0x198: {  	v15 =	vadd.f32 v34, v15;
	v35 =	vperm.xlane v17, v11  }
0x199: {  	v16 =	vadd.f32 v29, v16;
	v12 =	vadd.f32 v28, v12  }
0x19a: {  	v28 =	vperm.xlane v15, v13;
	v17 =	vadd.f32 v35, v17  }
0x19b: {  	v29 =	vperm.xlane v16, v13;
	v36 =	vperm.xlane v12, v13  }
0x19c: {  	v15 =	vadd.f32 v28, v15;
	v28 =	vperm.xlane v17, v13  }
0x19d: {  	v16 =	vadd.f32 v29, v16;
	v12 =	vadd.f32 v36, v12  }
0x19e: {  	v37 =	vperm.xlane v15, v14;
	v17 =	vadd.f32 v28, v17  }
0x19f: {  	v29 =	vperm.xlane v16, v14;
	v38 =	vperm.xlane v12, v14  }
0x1a0: {  	v15 =	vadd.f32 v37, v15;
	v28 =	vperm.xlane v17, v14  }
0x1a1: {  	v16 =	vadd.f32 v29, v16;
	v12 =	vadd.f32 v38, v12  }
0x1a2: {  	v39 =	vld [tilespmem:s28+$0x70];
	v15 =	vmul.f32 $1.442695020e+00, v15;
	v17 =	vadd.f32 v28, v17  }
0x1a3: {  	s9 =	sor.u32 $0x420, s12;
	v16 =	vmul.f32 $1.442695020e+00, v16;
	v12 =	vmul.f32 $1.442695020e+00, v12  }
0x1a4: {  	s8 =	sor.u32 $0x410, s21;
	(erf) = vpow2.f32 v15;
	v15 =	vmul.f32 $1.442695020e+00, v17;
	v17 =	vld [tilespmem:s9+$0x2000]  }
0x1a5: {  	s3 =	sor.u32 $0x410, s25;
	(erf) = vpow2.f32 v16;
	v16 =	vld [tilespmem:s8+$0x2000]  }
0x1a6: {  	s4 =	sor.u32 $0x410, s26;
	(erf) = vpow2.f32 v12;
	v12 =	vld [tilespmem:s3+$0x2000]  }
0x1a7: {  	(erf) = vpow2.f32 v15;
	v15 =	vld [tilespmem:s4+$0x2000];
	[tilespmem:$0x1FD90] =	vst v39  }
0x1a8: {  	v18 =	vld [tilespmem:s28+$0xF0];
	_ =	sdelay $0x4  }
0x1a9: {  	[tilespmem:$0x1FDB0] =	vst v18  }
0x1aa: {  	v18 =	vld [tilespmem:s28+$0x170];
	_ =	sdelay $0x2  }
0x1ab: {  	v40 =	vpop (erf)  }
0x1ac: {  	v12 =	vmul.f32 v40, v12;
	v57 =	vpop (erf)  }
0x1ad: {  	v42 =	vpop (erf);
	[tilespmem:$0x1FDD0] =	vst v18  }
0x1ae: {  	v15 =	vmul.f32 v57, v15;
	v41 =	vpop (erf);
	[tilespmem:s28+$0x10] =	vst v12  }
0x1af: {  	v12 =	vmul.f32 v42, v16;
	[tilespmem:$0x1FE40] =	vst v41  }
0x1b0: {  	v16 =	vld [tilespmem:s5+$0x20];
	[tilespmem:s28+$0x90] =	vst v15  }
0x1b1: {  	v15 =	vmul.f32 v41, v17;
	[tilespmem:s28+$0x110] =	vst v12;
	v17 =	vld [tilespmem:s7+$0x20]  }
0x1b2: {  	v12 =	vld [tilespmem:s6+$0x20]  }
0x1b3: {  	[tilespmem:s28+$0x1A0] =	vst v15;
	v15 =	vld [tilespmem:s28+$0x1B0]  }
0x1b4: {  	v43 =	vld [tilespmem:s1+$0x30]  }
0x1b5: {  	v16 =	vmul.f32 v16, v19  }
0x1b6: {  	v17 =	vmul.f32 v17, v20  }
0x1b7: {  	v19 =	vperm.xlane v16, v4  }
0x1b8: {  	v12 =	vmul.f32 v12, v21;
	v20 =	vperm.xlane v17, v4  }
0x1b9: {  	v15 =	vmul.f32 v43, v15;
	v16 =	vadd.f32 v19, v16  }
0x1ba: {  	v44 =	vperm.xlane v12, v4;
	v17 =	vadd.f32 v20, v17  }
0x1bb: {  	v20 =	vperm.xlane v15, v4;
	v19 =	vperm.xlane v16, v11  }
0x1bc: {  	v12 =	vadd.f32 v44, v12;
	v45 =	vperm.xlane v17, v11  }
0x1bd: {  	v15 =	vadd.f32 v20, v15;
	v16 =	vadd.f32 v19, v16  }
0x1be: {  	v46 =	vperm.xlane v12, v11;
	v17 =	vadd.f32 v45, v17  }
0x1bf: {  	v20 =	vperm.xlane v15, v11;
	v47 =	vperm.xlane v16, v13  }
0x1c0: {  	v12 =	vadd.f32 v46, v12;
	v51 =	vperm.xlane v17, v13  }
0x1c1: {  	v15 =	vadd.f32 v20, v15;
	v16 =	vadd.f32 v47, v16  }
0x1c2: {  	v52 =	vperm.xlane v12, v13;
	v17 =	vadd.f32 v51, v17  }
0x1c3: {  	v20 =	vperm.xlane v15, v13;
	v53 =	vperm.xlane v16, v14  }
0x1c4: {  	v12 =	vadd.f32 v52, v12;
	v54 =	vperm.xlane v17, v14  }
0x1c5: {  	v15 =	vadd.f32 v20, v15;
	v16 =	vadd.f32 v53, v16  }
0x1c6: {  	v55 =	vperm.xlane v12, v14;
	v17 =	vadd.f32 v54, v17  }
0x1c7: {  	v56 =	vperm.xlane v15, v14;
	v16 =	vmul.f32 $1.442695020e+00, v16  }
0x1c8: {  	v12 =	vadd.f32 v55, v12;
	v17 =	vmul.f32 $1.442695020e+00, v17  }
0x1c9: {  	v15 =	vadd.f32 v56, v15;
	(erf) = vpow2.f32 v16  }
0x1ca: {  	v12 =	vmul.f32 $1.442695020e+00, v12;
	(erf) = vpow2.f32 v17  }
0x1cb: {  	v15 =	vmul.f32 $1.442695020e+00, v15  }
0x1cc: {  	(erf) = vpow2.f32 v12  }
0x1cd: {  	s10 =	sor.u32 $0x420, s25;
	(erf) = vpow2.f32 v15  }
0x1ce: {  	s11 =	sor.u32 $0x420, s26;
	v12 =	vld [tilespmem:s10+$0x2000]  }
0x1cf: {  	v15 =	vld [tilespmem:s11+$0x2000];
	_ =	sdelay $0x1  }
0x1d0: {  	s13 =	sor.u32 $0x420, s21  }
0x1d1: {  	v16 =	vld [tilespmem:s13+$0x2000];
	v46 =	vpop (erf)  }
0x1d2: {  	v12 =	vmul.f32 v46, v12;
	v43 =	vpop (erf)  }
0x1d3: {  	s14 =	sor.u32 $0x430, s12;
	v15 =	vmul.f32 v43, v15  }
0x1d4: {  	v17 =	vld [tilespmem:s14+$0x2000];
	v41 =	vpop (erf);
	[tilespmem:s28+$0x20] =	vst v12  }
0x1d5: {  	v58 =	vpop (erf);
	[tilespmem:s28+$0xA0] =	vst v15  }
0x1d6: {  	v12 =	vmul.f32 v41, v16;
	v16 =	vld [tilespmem:s5+$0x30];
	[tilespmem:$0x1FE70] =	vst v58  }
0x1d7: {  	v15 =	vld [tilespmem:s7+$0x30]  }
0x1d8: {  	[tilespmem:s28+$0x120] =	vst v12  }
0x1d9: {  	v17 =	vmul.f32 v58, v17;
	v12 =	vld [tilespmem:s6+$0x30];
	_ =	sdelay $0x1  }
0x1da: {  	s15 =	simm.s32 $0x400;
	[tilespmem:s28+$0x1B0] =	vst v17;
	v17 =	vld [tilespmem:s28+$0x1C0];
	v10 =	vmul.f32 v16, v10  }
0x1db: {  	s16 =	simm.s32 $0x380;
	s0 =	sand.u32 $0x3800, s15;
	v16 =	vld [tilespmem:s1+$0x40];
	v9 =	vmul.f32 v15, v9  }
0x1dc: {  	s17 =	simm.s32 $0x200;
	s0 =	sadd.s32 $0x2000, s0;
	s2 =	sand.u32 $0x380, s16;
	v15 =	vperm.xlane v10, v4  }
0x1dd: {  	s22 =	sor.u32 s2, s0;
	v59 =	vld [tilespmem:s17+$0x180];
	v8 =	vmul.f32 v12, v8;
	v12 =	vperm.xlane v9, v4  }
0x1de: {  	v60 =	vld [tilespmem:s22+$0x0];
	v10 =	vadd.f32 v15, v10  }
0x1df: {  	v15 =	vperm.xlane v8, v4;
	v9 =	vadd.f32 v12, v9  }
0x1e0: {  	v12 =	vmul.f32 v16, v17;
	v16 =	vperm.xlane v10, v11  }
0x1e1: {  	v8 =	vadd.f32 v15, v8;
	v15 =	vperm.xlane v9, v11  }
0x1e2: {  	v17 =	vperm.xlane v12, v4;
	v10 =	vadd.f32 v16, v10  }
0x1e3: {  	v16 =	vmul.f32 v60, v59;
	v61 =	vperm.xlane v8, v11;
	v9 =	vadd.f32 v15, v9  }
0x1e4: {  	v12 =	vadd.f32 v17, v12;
	v15 =	vperm.xlane v10, v13  }
0x1e5: {  	v17 =	vperm.xlane v16, v4;
	v8 =	vadd.f32 v61, v8;
	v62 =	vperm.xlane v9, v13  }
0x1e6: {  	v63 =	vperm.xlane v12, v11;
	v10 =	vadd.f32 v15, v10  }
0x1e7: {  	v15 =	vadd.f32 v17, v16;
	v16 =	vperm.xlane v8, v13;
	v9 =	vadd.f32 v62, v9  }
0x1e8: {  	v17 =	vperm.xlane v10, v14  }
0x1e9: {  	v12 =	vadd.f32 v63, v12;
	v8 =	vadd.f32 v16, v8;
	v16 =	vperm.xlane v9, v14  }
0x1ea: {  	s18 =	simm.s32 $0x200;
	v32 =	vperm.xlane v15, v11;
	v10 =	vadd.f32 v17, v10  }
0x1eb: {  	s23 =	simm.s32 $0x300;
	s2 =	sand.u32 $0x200, s18;
	v19 =	vperm.xlane v12, v13;
	v9 =	vadd.f32 v16, v9  }
0x1ec: {  	s24 =	sand.u32 $0x300, s23;
	s14 =	sor.u32 s2, s0;
	v17 =	vld [tilespmem:s17+$0x0];
	v15 =	vadd.f32 v32, v15;
	v10 =	vmul.f32 $1.442695020e+00, v10  }
0x1ed: {  	s23 =	sor.u32 s24, s0;
	v33 =	vperm.xlane v8, v14;
	v16 =	vld [tilespmem:s14+$0x0];
	v12 =	vadd.f32 v19, v12;
	v9 =	vmul.f32 $1.442695020e+00, v9  }
0x1ee: {  	s19 =	simm.s32 $0x280;
	v20 =	vperm.xlane v15, v13;
	(erf) = vpow2.f32 v10;
	v10 =	vld [tilespmem:s23+$0x0]  }
0x1ef: {  	s20 =	sand.u32 $0x280, s19;
	v8 =	vadd.f32 v33, v8;
	v21 =	vperm.xlane v12, v14;
	(erf) = vpow2.f32 v9;
	v9 =	vld [tilespmem:s17+$0x100]  }
0x1f0: {  	s15 =	sor.u32 s20, s0;
	v34 =	vld [tilespmem:s17+$0x80];
	v15 =	vadd.f32 v20, v15  }
0x1f1: {  	v35 =	vld [tilespmem:s15+$0x0];
	v8 =	vmul.f32 $1.442695020e+00, v8;
	v12 =	vadd.f32 v21, v12  }
0x1f2: {  	v16 =	vmul.f32 v16, v17;
	v17 =	vperm.xlane v15, v14  }
0x1f3: {  	(erf) = vpow2.f32 v8;
	v8 =	vmul.f32 $1.442695020e+00, v12  }
0x1f4: {  	v9 =	vmul.f32 v10, v9  }
0x1f5: {  	s2 =	sor.u32 $0x430, s25;
	v12 =	vperm.xlane v16, v4;
	v15 =	vadd.f32 v17, v15;
	(erf) = vpow2.f32 v8  }
0x1f6: {  	s3 =	sor.u32 $0x430, s26;
	v17 =	vmul.f32 v35, v34;
	v8 =	vld [tilespmem:s2+$0x2000];
	v37 =	vperm.xlane v9, v4  }
0x1f7: {  	s4 =	simm.s32 $0x2;
	v10 =	vmul.f32 $1.442695020e+00, v15;
	v15 =	vld [tilespmem:s3+$0x2000]  }
0x1f8: {  	s9 =	simm.s32 $0x4;
	s8 =	sor.u32 $0x430, s21;
	s0 =	sand.u32 $0x3, s4;
	v12 =	vadd.f32 v12, v16;
	v16 =	vperm.xlane v17, v4;
	v9 =	vadd.f32 v37, v9  }
0x1f9: {  	s0 =	sshll.u32 s0, $0x8;
	v36 =	vld [tilespmem:s8+$0x2000];
	s2 =	sand.u32 $0x7, s9;
	(erf) = vpow2.f32 v10  }
0x1fa: {  	s10 =	sor.u32 $0x440, s12;
	s0 =	sadd.s32 $0x400, s0;
	s2 =	sshll.u32 s2, $0x7;
	v10 =	vperm.xlane v12, v11;
	v16 =	vadd.f32 v16, v17;
	v45 =	vpop (erf);
	v20 =	vperm.xlane v9, v11  }
0x1fb: {  	p1 =	por !p1, !p1;
	s0 =	sadd.s32 $0x100, s0;
	s2 =	sadd.s32 $0x400, s2;
	v17 =	vld [tilespmem:s10+$0x2000];
	v8 =	vmul.f32 v45, v8;
	v47 =	vpop (erf)  }
0x1fc: {  	s4 =	simm.s32 $0x1;
	s11 =	sor.u32 $0x400, s0;
	s8 =	sadd.s32 $0x180, s2;
	v10 =	vadd.f32 v10, v12;
	v12 =	vperm.xlane v16, v11;
	v15 =	vmul.f32 v47, v15  }
0x1fd: {  	s4 =	simm.s32 @!p1 $0x0;
	v19 =	vld [tilespmem:s11+$0x2000];
	s13 =	sor.u32 $0x400, s8;
	v51 =	vpop (erf);
	[tilespmem:s28+$0x30] =	vst v8  }
0x1fe: {  	s16 =	sshll.u32 s4, $0x9;
	v8 =	vmul.f32 v51, v36;
	v12 =	vadd.f32 v12, v16;
	v16 =	vld [tilespmem:s13+$0x2000];
	[tilespmem:s28+$0xB0] =	vst v15;
	v9 =	vadd.f32 v20, v9;
	v20 =	vpop (erf)  }
0x1ff: {  	s9 =	sadd.s32 $0x400, s16;
	v15 =	vld [tilespmem:s5+$0x40];
	[tilespmem:$0x1FE90] =	vst v20  }
0x200: {  	s3 =	sor.u32 $0x400, s9;
	v39 =	vperm.xlane v12, v13;
	v17 =	vmul.f32 v20, v17;
	[tilespmem:s28+$0x130] =	vst v8;
	v8 =	vld [tilespmem:s7+$0x40]  }
0x201: {  	v31 =	vld [tilespmem:s3+$0x2000]  }
0x202: {  	v38 =	vperm.xlane v10, v13;
	v12 =	vadd.f32 v39, v12;
	v44 =	vpop (erf);
	v20 =	vld [tilespmem:s6+$0x40];
	[tilespmem:s28+$0x1C0] =	vst v17  }
0x203: {  	v21 =	vperm.xlane v9, v13;
	v17 =	vld [tilespmem:s28+$0x1D0];
	[tilespmem:$0x1FCD0] =	vst v44  }
0x204: {  	v10 =	vadd.f32 v38, v10;
	v7 =	vmul.f32 v15, v7;
	v15 =	vperm.xlane v12, v14;
	v52 =	vld [tilespmem:s1+$0x50]  }
0x205: {  	v9 =	vadd.f32 v21, v9;
	v21 =	vld [tilespmem:s17+$0x10]  }
0x206: {  	s4 =	sadd.s32 $0x80, s2;
	v28 =	vperm.xlane v10, v14;
	v12 =	vadd.f32 v15, v12;
	v15 =	vld [tilespmem:s17+$0x190]  }
0x207: {  	s2 =	sor.u32 $0x400, s4;
	v32 =	vld [tilespmem:s17+$0x90]  }
0x208: {  	v16 =	vmul.f32 v44, v16;
	v10 =	vadd.f32 v28, v10;
	v56 =	vld [tilespmem:s2+$0x2000]  }
0x209: {  	v29 =	vld [tilespmem:s17+$0xC0]  }
0x20a: {  	v10 =	vmul.f32 $1.442695020e+00, v10;
	[tilespmem:s17+$0x180] =	vst v16;
	v16 =	vperm.xlane v7, v4;
	v26 =	vld [tilespmem:s17+$0x50]  }
0x20b: {  	v28 =	vld [tilespmem:s22+$0x10];
	v6 =	vmul.f32 v8, v6;
	v8 =	vperm.xlane v9, v14  }
0x20c: {  	(erf) = vpow2.f32 v10;
	v10 =	vld [tilespmem:s17+$0x20];
	v5 =	vmul.f32 v20, v5  }
0x20d: {  	v16 =	vadd.f32 v16, v7;
	v7 =	vld [tilespmem:s17+$0x30];
	v8 =	vadd.f32 v8, v9;
	v9 =	vmul.f32 $1.442695020e+00, v12  }
0x20e: {  	v20 =	vperm.xlane v6, v4;
	v12 =	vld [tilespmem:s17+$0x110];
	v33 =	vperm.xlane v5, v4  }
0x20f: {  	v17 =	vmul.f32 v52, v17;
	(erf) = vpow2.f32 v9;
	v9 =	vld [tilespmem:s17+$0xA0]  }
0x210: {  	v34 =	vperm.xlane v16, v11;
	v53 =	vmul.f32 $1.442695020e+00, v8;
	v8 =	vld [tilespmem:s17+$0x120];
	v33 =	vadd.f32 v33, v5  }
0x211: {  	v20 =	vadd.f32 v20, v6;
	v6 =	vld [tilespmem:s17+$0xB0];
	v5 =	vperm.xlane v17, v4  }
0x212: {  	v16 =	vadd.f32 v34, v16;
	v34 =	vld [tilespmem:s17+$0x40];
	v35 =	vperm.xlane v33, v11  }
0x213: {  	v17 =	vadd.f32 v5, v17;
	v5 =	vld [tilespmem:s17+$0x130]  }
0x214: {  	v33 =	vadd.f32 v35, v33;
	v35 =	vld [tilespmem:s17+$0x140];
	[tilespmem:$0x1FDA0] =	vst v26  }
0x215: {  	v26 =	vld [tilespmem:s17+$0xD0];
	_ =	sdelay $0x4  }
0x216: {  	[tilespmem:$0x1FDE0] =	vst v26  }
0x217: {  	v26 =	vld [tilespmem:s17+$0x60];
	_ =	sdelay $0x4  }
0x218: {  	[tilespmem:$0x1FEF0] =	vst v26  }
0x219: {  	v26 =	vld [tilespmem:s17+$0x150];
	_ =	sdelay $0x2  }
0x21a: {  	v15 =	vmul.f32 v28, v15;
	v28 =	vperm.xlane v20, v11  }
0x21b: {  	(erf) = vpow2.f32 v53  }
0x21c: {  	v54 =	vperm.xlane v15, v4;
	v55 =	vperm.xlane v16, v13;
	v20 =	vadd.f32 v28, v20;
	[tilespmem:$0x1FDF0] =	vst v26  }
0x21d: {  	v28 =	vperm.xlane v17, v11;
	v26 =	vld [tilespmem:s17+$0xE0]  }
0x21e: {  	v15 =	vadd.f32 v54, v15;
	v16 =	vadd.f32 v55, v16;
	v61 =	vpop (erf);
	v36 =	vperm.xlane v20, v13  }
0x21f: {  	v31 =	vmul.f32 v61, v31;
	v37 =	vperm.xlane v33, v13;
	v17 =	vadd.f32 v28, v17  }
0x220: {  	v38 =	vperm.xlane v15, v11;
	v20 =	vadd.f32 v36, v20  }
0x221: {  	v59 =	vperm.xlane v16, v14;
	v33 =	vadd.f32 v37, v33;
	v58 =	vperm.xlane v17, v13;
	[tilespmem:s17+$0x0] =	vst v31  }
0x222: {  	v15 =	vadd.f32 v38, v15;
	v44 =	vperm.xlane v20, v14;
	v54 =	vld [tilespmem:s14+$0x10];
	[tilespmem:$0x1FF00] =	vst v26  }
0x223: {  	v16 =	vadd.f32 v59, v16;
	v62 =	vpop (erf);
	v39 =	vperm.xlane v33, v14;
	v17 =	vadd.f32 v58, v17;
	v26 =	vld [tilespmem:s17+$0x160]  }
0x224: {  	v18 =	vmul.f32 v62, v56;
	v52 =	vperm.xlane v15, v13;
	v20 =	vadd.f32 v44, v20  }
0x225: {  	v16 =	vmul.f32 $1.442695020e+00, v16;
	v63 =	vpop (erf);
	v53 =	vperm.xlane v17, v14;
	v31 =	vadd.f32 v39, v33  }
0x226: {  	v19 =	vmul.f32 v63, v19;
	v15 =	vadd.f32 v52, v15;
	v20 =	vmul.f32 $1.442695020e+00, v20  }
0x227: {  	(erf) = vpow2.f32 v16;
	v17 =	vadd.f32 v53, v17;
	v31 =	vmul.f32 $1.442695020e+00, v31  }
0x228: {  	v16 =	vperm.xlane v15, v14;
	(erf) = vpow2.f32 v20;
	[tilespmem:$0x1FF10] =	vst v26  }
0x229: {  	v17 =	vmul.f32 $1.442695020e+00, v17;
	(erf) = vpow2.f32 v31;
	[tilespmem:s17+$0x80] =	vst v18  }
0x22a: {  	v15 =	vadd.f32 v16, v15;
	v18 =	vld [tilespmem:s15+$0x10]  }
0x22b: {  	(erf) = vpow2.f32 v17;
	[tilespmem:s17+$0x100] =	vst v19  }
0x22c: {  	v15 =	vmul.f32 $1.442695020e+00, v15;
	v55 =	vmul.f32 v54, v21;
	v16 =	vld [tilespmem:s23+$0x10];
	_ =	sdelay $0x1  }
0x22d: {  	s18 =	sor.u32 $0x440, s25;
	(erf) = vpow2.f32 v15;
	v17 =	vperm.xlane v55, v4  }
0x22e: {  	s19 =	sor.u32 $0x450, s12;
	v15 =	vld [tilespmem:s18+$0x2000];
	v18 =	vmul.f32 v18, v32  }
0x22f: {  	v27 =	vpop (erf);
	v17 =	vadd.f32 v17, v55;
	v56 =	vld [tilespmem:s19+$0x2000]  }
0x230: {  	s20 =	sor.u32 $0x440, s26;
	v30 =	vpop (erf);
	[tilespmem:$0x1FE50] =	vst v27;
	v12 =	vmul.f32 v16, v12;
	v16 =	vperm.xlane v18, v4  }
0x231: {  	v20 =	vperm.xlane v17, v11;
	v26 =	vpop (erf);
	v21 =	vld [tilespmem:s20+$0x2000];
	[tilespmem:$0x1FE60] =	vst v30  }
0x232: {  	s24 =	sor.u32 $0x410, s8;
	[tilespmem:$0x1FEA0] =	vst v26;
	v31 =	vperm.xlane v12, v4;
	v16 =	vadd.f32 v16, v18  }
0x233: {  	v17 =	vadd.f32 v20, v17;
	v58 =	vld [tilespmem:s24+$0x2000];
	v15 =	vmul.f32 v27, v15;
	v27 =	vpop (erf)  }
0x234: {  	[tilespmem:$0x1FEB0] =	vst v27;
	v19 =	vmul.f32 v27, v56;
	v12 =	vadd.f32 v31, v12;
	v20 =	vperm.xlane v16, v11  }
0x235: {  	[tilespmem:s28+$0x40] =	vst v15;
	v31 =	vperm.xlane v17, v13  }
0x236: {  	v60 =	vld [tilespmem:s28+$0x1E0];
	[tilespmem:s28+$0x1D0] =	vst v19;
	v59 =	vperm.xlane v12, v11;
	v15 =	vadd.f32 v20, v16;
	v20 =	vmul.f32 v30, v21;
	v21 =	vpop (erf)  }
0x237: {  	v16 =	vadd.f32 v31, v17;
	v17 =	vld [tilespmem:s5+$0x50];
	[tilespmem:$0x1FCE0] =	vst v21  }
0x238: {  	v12 =	vadd.f32 v59, v12;
	v18 =	vmul.f32 v21, v58;
	[tilespmem:s28+$0xC0] =	vst v20;
	v20 =	vld [tilespmem:s1+$0x60]  }
0x239: {  	v21 =	vperm.xlane v15, v13;
	v37 =	vld [tilespmem:s17+$0x1A0]  }
0x23a: {  	v31 =	vperm.xlane v16, v14;
	v32 =	vperm.xlane v12, v13;
	v36 =	vld [tilespmem:s7+$0x50];
	[tilespmem:s17+$0x190] =	vst v18  }
0x23b: {  	v15 =	vadd.f32 v21, v15;
	v21 =	vld [tilespmem:s22+$0x20]  }
0x23c: {  	v16 =	vadd.f32 v31, v16;
	v12 =	vadd.f32 v32, v12;
	v3 =	vmul.f32 v17, v3  }
0x23d: {  	v31 =	vperm.xlane v15, v14;
	v19 =	vmul.f32 v20, v60  }
0x23e: {  	v16 =	vmul.f32 $1.442695020e+00, v16;
	v32 =	vperm.xlane v12, v14  }
0x23f: {  	v15 =	vadd.f32 v31, v15;
	v2 =	vmul.f32 v36, v2;
	v17 =	vperm.xlane v19, v4  }
0x240: {  	s3 =	sor.u32 $0x440, s21;
	(erf) = vpow2.f32 v16;
	v12 =	vadd.f32 v32, v12;
	v18 =	vmul.f32 v21, v37  }
0x241: {  	v16 =	vld [tilespmem:s3+$0x2000];
	v15 =	vmul.f32 $1.442695020e+00, v15;
	v21 =	vperm.xlane v2, v4;
	v17 =	vadd.f32 v17, v19  }
0x242: {  	v20 =	vperm.xlane v3, v4;
	v12 =	vmul.f32 $1.442695020e+00, v12  }
0x243: {  	(erf) = vpow2.f32 v15;
	v2 =	vadd.f32 v21, v2;
	v15 =	vperm.xlane v17, v11  }
0x244: {  	v3 =	vadd.f32 v20, v3  }
0x245: {  	v39 =	vld [tilespmem:s17+$0x70];
	(erf) = vpow2.f32 v12;
	v12 =	vperm.xlane v2, v11;
	v15 =	vadd.f32 v15, v17  }
0x246: {  	s10 =	sor.u32 $0x410, s9;
	v38 =	vperm.xlane v18, v4;
	v16 =	vmul.f32 v26, v16  }
0x247: {  	v20 =	vld [tilespmem:s10+$0x2000];
	v21 =	vperm.xlane v3, v11;
	v2 =	vadd.f32 v12, v2;
	v12 =	vperm.xlane v15, v13  }
0x248: {  	v18 =	vadd.f32 v38, v18;
	[tilespmem:s28+$0x140] =	vst v16  }
0x249: {  	s11 =	sor.u32 $0x410, s4;
	v3 =	vadd.f32 v21, v3;
	v17 =	vld [tilespmem:s6+$0x50];
	v12 =	vadd.f32 v12, v15  }
0x24a: {  	v21 =	vld [tilespmem:s11+$0x2000];
	v16 =	vperm.xlane v18, v11;
	[tilespmem:$0x1FCF0] =	vst v39  }
0x24b: {  	v31 =	vperm.xlane v3, v13;
	v44 =	vpop (erf);
	v55 =	vld [tilespmem:s17+$0xF0];
	v53 =	vperm.xlane v12, v14  }
0x24c: {  	v16 =	vadd.f32 v16, v18;
	v20 =	vmul.f32 v44, v20  }
0x24d: {  	s13 =	sor.u32 $0x410, s0;
	v52 =	vperm.xlane v2, v13;
	v3 =	vadd.f32 v31, v3;
	v12 =	vadd.f32 v53, v12  }
0x24e: {  	v15 =	vld [tilespmem:s13+$0x2000];
	[tilespmem:s17+$0x10] =	vst v20;
	v20 =	vperm.xlane v16, v13;
	v1 =	vmul.f32 v17, v1  }
0x24f: {  	v2 =	vadd.f32 v52, v2;
	v31 =	vld [tilespmem:s14+$0x20];
	v33 =	vpop (erf);
	v17 =	vperm.xlane v3, v14;
	v12 =	vmul.f32 $1.442695020e+00, v12  }
0x250: {  	v16 =	vadd.f32 v20, v16;
	v21 =	vmul.f32 v33, v21;
	[tilespmem:$0x1FD00] =	vst v55  }
0x251: {  	v54 =	vperm.xlane v2, v14;
	v3 =	vadd.f32 v17, v3;
	(erf) = vpow2.f32 v12;
	v12 =	vld [tilespmem:s17+$0x170]  }
0x252: {  	v17 =	vperm.xlane v16, v14;
	[tilespmem:s17+$0x90] =	vst v21  }
0x253: {  	v32 =	vpop (erf);
	v56 =	vperm.xlane v1, v4;
	v2 =	vadd.f32 v54, v2;
	v58 =	vld [tilespmem:s15+$0x20];
	v3 =	vmul.f32 $1.442695020e+00, v3  }
0x254: {  	v15 =	vmul.f32 v32, v15;
	v10 =	vmul.f32 v31, v10;
	v16 =	vadd.f32 v17, v16  }
0x255: {  	v2 =	vmul.f32 $1.442695020e+00, v2;
	(erf) = vpow2.f32 v3  }
0x256: {  	v3 =	vmul.f32 $1.442695020e+00, v16;
	[tilespmem:$0x1FD10] =	vst v12;
	v12 =	vperm.xlane v10, v4  }
0x257: {  	v1 =	vadd.f32 v56, v1;
	(erf) = vpow2.f32 v2  }
0x258: {  	(erf) = vpow2.f32 v3;
	v3 =	vmul.f32 v58, v9;
	[tilespmem:s17+$0x110] =	vst v15;
	v9 =	vadd.f32 v12, v10  }
0x259: {  	v2 =	vld [tilespmem:s23+$0x20];
	v10 =	vperm.xlane v1, v11  }
0x25a: {  	s16 =	sor.u32 $0x460, s12;
	v15 =	vperm.xlane v9, v11  }
0x25b: {  	v16 =	vld [tilespmem:s16+$0x2000];
	v12 =	vperm.xlane v3, v4;
	v1 =	vadd.f32 v10, v1  }
0x25c: {  	v9 =	vadd.f32 v15, v9  }
0x25d: {  	s18 =	sor.u32 $0x420, s8;
	v3 =	vadd.f32 v12, v3;
	v12 =	vperm.xlane v1, v13  }
0x25e: {  	v10 =	vld [tilespmem:s18+$0x2000];
	v17 =	vpop (erf);
	v2 =	vmul.f32 v2, v8;
	v15 =	vperm.xlane v9, v13  }
0x25f: {  	[tilespmem:$0x1FEC0] =	vst v17;
	v59 =	vpop (erf);
	v8 =	vperm.xlane v3, v11  }
0x260: {  	[tilespmem:$0x1FE80] =	vst v59;
	v16 =	vmul.f32 v17, v16;
	v60 =	vpop (erf);
	v1 =	vadd.f32 v12, v1;
	v12 =	vperm.xlane v2, v4  }
0x261: {  	[tilespmem:$0x1FED0] =	vst v60;
	v3 =	vadd.f32 v8, v3  }
0x262: {  	[tilespmem:s28+$0x1E0] =	vst v16;
	v8 =	vadd.f32 v15, v9;
	v9 =	vperm.xlane v1, v14;
	v2 =	vadd.f32 v12, v2;
	v15 =	vpop (erf)  }
0x263: {  	v12 =	vperm.xlane v3, v13;
	[tilespmem:$0x1FD20] =	vst v15;
	v10 =	vmul.f32 v15, v10  }
0x264: {  	v1 =	vadd.f32 v9, v1;
	v15 =	vperm.xlane v8, v14;
	v9 =	vperm.xlane v2, v11;
	v16 =	vld [tilespmem:s28+$0x1F0]  }
0x265: {  	v3 =	vadd.f32 v12, v3;
	v17 =	vld [tilespmem:s1+$0x70]  }
0x266: {  	[tilespmem:s17+$0x1A0] =	vst v10;
	v8 =	vadd.f32 v15, v8;
	v10 =	vld [tilespmem:s17+$0x1B0];
	v2 =	vadd.f32 v9, v2  }
0x267: {  	v1 =	vmul.f32 $1.442695020e+00, v1;
	v12 =	vperm.xlane v3, v14;
	v9 =	vld [tilespmem:s22+$0x30]  }
0x268: {  	v8 =	vmul.f32 $1.442695020e+00, v8;
	v15 =	vperm.xlane v2, v13  }
0x269: {  	(erf) = vpow2.f32 v1;
	v1 =	vadd.f32 v12, v3  }
0x26a: {  	(erf) = vpow2.f32 v8;
	v2 =	vadd.f32 v15, v2  }
0x26b: {  	v3 =	vmul.f32 v17, v16;
	v1 =	vmul.f32 $1.442695020e+00, v1  }
0x26c: {  	v8 =	vmul.f32 v9, v10;
	v9 =	vperm.xlane v2, v14  }
0x26d: {  	v10 =	vperm.xlane v3, v4;
	(erf) = vpow2.f32 v1  }
0x26e: {  	s19 =	sor.u32 $0x420, s9  }
0x26f: {  	v12 =	vld [tilespmem:s19+$0x2000];
	v1 =	vperm.xlane v8, v4;
	v2 =	vadd.f32 v9, v2;
	v3 =	vadd.f32 v10, v3;
	_ =	sdelay $0x1  }
0x270: {  	v1 =	vadd.f32 v1, v8;
	v2 =	vmul.f32 $1.442695020e+00, v2;
	v8 =	vperm.xlane v3, v11  }
0x271: {  	v17 =	vpop (erf)  }
0x272: {  	s20 =	sor.u32 $0x420, s4;
	[tilespmem:$0x1FEE0] =	vst v17;
	v9 =	vperm.xlane v1, v11;
	(erf) = vpow2.f32 v2;
	v2 =	vadd.f32 v8, v3;
	v31 =	vpop (erf)  }
0x273: {  	v10 =	vld [tilespmem:s20+$0x2000];
	v3 =	vmul.f32 v31, v12  }
0x274: {  	v1 =	vadd.f32 v9, v1;
	v8 =	vperm.xlane v2, v13  }
0x275: {  	s24 =	sor.u32 $0x450, s25;
	v15 =	vpop (erf);
	[tilespmem:s17+$0x20] =	vst v3  }
0x276: {  	v9 =	vld [tilespmem:s24+$0x2000];
	v3 =	vperm.xlane v1, v13;
	v2 =	vadd.f32 v8, v2;
	[tilespmem:$0x1FE30] =	vst v15  }
0x277: {  	s2 =	sor.u32 $0x420, s0;
	v12 =	vld [tilespmem:s14+$0x30]  }
0x278: {  	s3 =	sor.u32 $0x450, s26;
	v10 =	vmul.f32 v15, v10;
	v8 =	vld [tilespmem:s2+$0x2000];
	v1 =	vadd.f32 v3, v1;
	v15 =	vperm.xlane v2, v14  }
0x279: {  	s10 =	sor.u32 $0x450, s21;
	v3 =	vld [tilespmem:s3+$0x2000]  }
0x27a: {  	[tilespmem:s17+$0xA0] =	vst v10;
	v10 =	vld [tilespmem:s10+$0x2000];
	v16 =	vperm.xlane v1, v14;
	v2 =	vadd.f32 v15, v2  }
0x27b: {  	v15 =	vld [tilespmem:s15+$0x30]  }
0x27c: {  	v9 =	vmul.f32 v59, v9;
	v25 =	vpop (erf);
	v1 =	vadd.f32 v16, v1;
	v2 =	vmul.f32 $1.442695020e+00, v2  }
0x27d: {  	v7 =	vmul.f32 v12, v7;
	v8 =	vmul.f32 v25, v8  }
0x27e: {  	v3 =	vmul.f32 v60, v3;
	v1 =	vmul.f32 $1.442695020e+00, v1  }
0x27f: {  	(erf) = vpow2.f32 v2;
	[tilespmem:s17+$0x120] =	vst v8;
	v8 =	vmul.f32 v17, v10  }
0x280: {  	[tilespmem:s28+$0x50] =	vst v9;
	v6 =	vmul.f32 v15, v6;
	v2 =	vld [tilespmem:s23+$0x30];
	(erf) = vpow2.f32 v1  }
0x281: {  	[tilespmem:s28+$0xD0] =	vst v3;
	v3 =	vperm.xlane v7, v4;
	v1 =	vld [tilespmem:s5+$0x60]  }
0x282: {  	[tilespmem:s28+$0x150] =	vst v8;
	v8 =	vld [tilespmem:s7+$0x60];
	v9 =	vperm.xlane v6, v4  }
0x283: {  	v3 =	vadd.f32 v3, v7;
	v10 =	vld [tilespmem:s6+$0x60]  }
0x284: {  	s11 =	sor.u32 $0x430, s8;
	v6 =	vadd.f32 v9, v6  }
0x285: {  	v7 =	vld [tilespmem:s11+$0x2000];
	v2 =	vmul.f32 v2, v5;
	v5 =	vperm.xlane v3, v11  }
0x286: {  	v1 =	vmul.f32 v1, v22;
	v9 =	vperm.xlane v6, v11  }
0x287: {  	v8 =	vmul.f32 v8, v24;
	v12 =	vperm.xlane v2, v4;
	v3 =	vadd.f32 v5, v3  }
0x288: {  	v5 =	vperm.xlane v1, v4;
	v10 =	vmul.f32 v10, v23;
	v6 =	vadd.f32 v9, v6;
	v22 =	vpop (erf)  }
0x289: {  	v9 =	vperm.xlane v8, v4;
	v2 =	vadd.f32 v12, v2;
	v12 =	vperm.xlane v3, v13;
	v15 =	vpop (erf)  }
0x28a: {  	[tilespmem:$0x1FD30] =	vst v15;
	v7 =	vmul.f32 v15, v7;
	v15 =	vperm.xlane v6, v13  }
0x28b: {  	v1 =	vadd.f32 v5, v1;
	v3 =	vadd.f32 v12, v3;
	v5 =	vperm.xlane v2, v11  }
0x28c: {  	v8 =	vadd.f32 v9, v8;
	v9 =	vperm.xlane v10, v4;
	v6 =	vadd.f32 v15, v6  }
0x28d: {  	s13 =	simm.s32 $0x800;
	s16 =	simm.s32 $0x800;
	[tilespmem:s17+$0x1B0] =	vst v7;
	v7 =	vperm.xlane v1, v11;
	v2 =	vadd.f32 v5, v2;
	v5 =	vperm.xlane v3, v14  }
0x28e: {  	s29 =	simm.s32 $0x580;
	s2 =	sand.u32 $0x3800, s13;
	v12 =	vld [tilespmem:s17+$0x1C0];
	v9 =	vadd.f32 v9, v10;
	v10 =	vperm.xlane v8, v11;
	[dreg:$0x8] =	wrdreg s16;
	v15 =	vperm.xlane v6, v14  }
0x28f: {  	s18 =	sand.u32 $0x380, s29;
	s1 =	simm.s32 $0x400;
	s2 =	sadd.s32 $0x2000, s2;
	v16 =	vld [tilespmem:s22+$0x40];
	v1 =	vadd.f32 v7, v1;
	v3 =	vadd.f32 v5, v3;
	v5 =	vperm.xlane v2, v13  }
0x290: {  	s19 =	simm.s32 $0x400;
	s24 =	sor.u32 s18, s2;
	v7 =	vld [tilespmem:s1+$0x180];
	v8 =	vadd.f32 v10, v8;
	v10 =	vperm.xlane v9, v11;
	v6 =	vadd.f32 v15, v6  }
0x291: {  	s3 =	sand.u32 $0x200, s19;
	v15 =	vld [tilespmem:s24+$0x0];
	v2 =	vadd.f32 v5, v2;
	v3 =	vmul.f32 $1.442695020e+00, v3;
	v5 =	vperm.xlane v1, v13  }
0x292: {  	s11 =	sor.u32 s3, s2;
	v17 =	vld [tilespmem:s1+$0x0];
	v9 =	vadd.f32 v10, v9;
	v10 =	vperm.xlane v8, v13;
	v6 =	vmul.f32 $1.442695020e+00, v6  }
0x293: {  	v1 =	vadd.f32 v5, v1;
	(erf) = vpow2.f32 v3;
	v3 =	vperm.xlane v2, v14;
	v5 =	vld [tilespmem:s11+$0x0]  }
0x294: {  	v8 =	vadd.f32 v10, v8;
	(erf) = vpow2.f32 v6;
	v6 =	vmul.f32 v16, v12  }
0x295: {  	v10 =	vperm.xlane v9, v13;
	v2 =	vadd.f32 v3, v2;
	v3 =	vperm.xlane v1, v14  }
0x296: {  	v7 =	vmul.f32 v15, v7;
	v12 =	vperm.xlane v6, v4  }
0x297: {  	v1 =	vadd.f32 v3, v1;
	v2 =	vmul.f32 $1.442695020e+00, v2;
	v3 =	vperm.xlane v8, v14  }
0x298: {  	v6 =	vadd.f32 v12, v6;
	v5 =	vmul.f32 v5, v17;
	v12 =	vperm.xlane v7, v4  }
0x299: {  	s20 =	simm.s32 $0x480;
	v9 =	vadd.f32 v10, v9;
	v1 =	vmul.f32 $1.442695020e+00, v1;
	(erf) = vpow2.f32 v2  }
0x29a: {  	s3 =	sand.u32 $0x280, s20;
	v3 =	vadd.f32 v3, v8;
	v2 =	vperm.xlane v6, v11;
	v7 =	vadd.f32 v12, v7  }
0x29b: {  	s10 =	simm.s32 $0x500;
	s19 =	sor.u32 s3, s2;
	v10 =	vperm.xlane v5, v4;
	v12 =	vperm.xlane v9, v14  }
0x29c: {  	s10 =	sand.u32 $0x300, s10;
	v8 =	vld [tilespmem:s19+$0x0];
	v3 =	vmul.f32 $1.442695020e+00, v3;
	v2 =	vadd.f32 v2, v6;
	v6 =	vperm.xlane v7, v11  }
0x29d: {  	s20 =	sor.u32 s10, s2;
	s10 =	sor.u32 $0x460, s25;
	(erf) = vpow2.f32 v1;
	v1 =	vld [tilespmem:s1+$0x80];
	v5 =	vadd.f32 v10, v5;
	v9 =	vadd.f32 v12, v9  }
0x29e: {  	s13 =	simm.s32 $0x4;
	v16 =	vld [tilespmem:s10+$0x2000];
	(erf) = vpow2.f32 v3;
	v6 =	vadd.f32 v6, v7;
	v7 =	vperm.xlane v2, v13  }
0x29f: {  	s16 =	sand.u32 $0x3, s13;
	v10 =	vld [tilespmem:s20+$0x0];
	v15 =	vperm.xlane v5, v11;
	v3 =	vmul.f32 $1.442695020e+00, v9  }
0x2a0: {  	s18 =	sor.u32 $0x430, s9;
	s2 =	sshll.u32 s16, $0x8;
	v12 =	vld [tilespmem:s1+$0x100];
	v2 =	vadd.f32 v7, v2;
	v7 =	vperm.xlane v6, v13  }
0x2a1: {  	s13 =	sor.u32 $0x430, s4;
	s2 =	sadd.s32 $0x800, s2;
	v9 =	vld [tilespmem:s18+$0x2000];
	v5 =	vadd.f32 v15, v5;
	(erf) = vpow2.f32 v3  }
0x2a2: {  	s10 =	sadd.s32 $0x100, s2;
	s18 =	simm.s32 $0x8;
	v3 =	vmul.f32 v8, v1;
	v8 =	vld [tilespmem:s13+$0x2000];
	s13 =	simm.s32 $0x8;
	v6 =	vadd.f32 v7, v6;
	v7 =	vperm.xlane v2, v14  }
0x2a3: {  	s2 =	sor.u32 $0x430, s0;
	s16 =	sand.u32 $0x7, s18;
	[dreg:$0xa] =	wrdreg s13;
	v15 =	vperm.xlane v5, v13  }
0x2a4: {  	s18 =	sshll.u32 s16, $0x7;
	s16 =	sor.u32 $0x400, s10;
	v17 =	vld [tilespmem:s2+$0x2000];
	v2 =	vadd.f32 v7, v2  }
0x2a5: {  	p1 =	por !p1, !p1;
	s3 =	smov.u32 s11;
	s11 =	simm.s32 $0x1;
	v10 =	vmul.f32 v10, v12;
	v26 =	vld [tilespmem:s16+$0x2000];
	v5 =	vadd.f32 v15, v5;
	v7 =	vperm.xlane v6, v14  }
0x2a6: {  	s11 =	simm.s32 @!p1 $0x0;
	v56 =	vpop (erf);
	v55 =	vld [tilespmem:s1+$0x90];
	v2 =	vmul.f32 $1.442695020e+00, v2  }
0x2a7: {  	s11 =	sshll.u32 s11, $0x9;
	v58 =	vpop (erf);
	v54 =	vld [tilespmem:s1+$0x20];
	v23 =	vperm.xlane v10, v4;
	v6 =	vadd.f32 v7, v6;
	v7 =	vperm.xlane v5, v14  }
0x2a8: {  	s11 =	sadd.s32 $0x800, s11;
	v60 =	vpop (erf);
	v12 =	vperm.xlane v3, v4;
	v53 =	vld [tilespmem:s1+$0xA0];
	(erf) = vpow2.f32 v2  }
0x2a9: {  	s2 =	sadd.s32 $0x800, s18;
	s18 =	sor.u32 $0x400, s11;
	v1 =	vld [tilespmem:s1+$0x30];
	v28 =	vpop (erf);
	v2 =	vadd.f32 v7, v5;
	v5 =	vmul.f32 $1.442695020e+00, v6;
	v6 =	vadd.f32 v23, v10  }
0x2aa: {  	s16 =	sor.u32 $0x440, s8;
	v9 =	vmul.f32 v56, v9;
	s30 =	sadd.s32 $0x80, s2;
	v15 =	vld [tilespmem:s18+$0x2000];
	v3 =	vadd.f32 v12, v3;
	v12 =	vmul.f32 v28, v16  }
0x2ab: {  	s18 =	sadd.s32 $0x180, s2;
	s13 =	sor.u32 $0x400, s30;
	v16 =	vld [tilespmem:s16+$0x2000];
	(erf) = vpow2.f32 v5;
	v5 =	vperm.xlane v6, v11  }
0x2ac: {  	s16 =	sor.u32 $0x400, s18;
	v27 =	vld [tilespmem:s13+$0x2000];
	v24 =	vperm.xlane v3, v11  }
0x2ad: {  	[tilespmem:s17+$0x30] =	vst v9;
	v18 =	vld [tilespmem:s16+$0x2000];
	v5 =	vadd.f32 v5, v6  }
0x2ae: {  	v8 =	vmul.f32 v58, v8;
	[tilespmem:s28+$0x60] =	vst v12;
	v3 =	vadd.f32 v24, v3;
	v7 =	vld [tilespmem:s14+$0x40]  }
0x2af: {  	v17 =	vmul.f32 v60, v17;
	v12 =	vld [tilespmem:s5+$0x70];
	v23 =	vperm.xlane v5, v13  }
0x2b0: {  	[tilespmem:s17+$0xB0] =	vst v8;
	v10 =	vld [tilespmem:s1+$0x10];
	v9 =	vperm.xlane v3, v13  }
0x2b1: {  	v59 =	vpop (erf);
	v24 =	vld [tilespmem:s15+$0x40];
	[tilespmem:s17+$0x130] =	vst v17;
	v2 =	vmul.f32 $1.442695020e+00, v2  }
0x2b2: {  	v52 =	vpop (erf);
	v3 =	vadd.f32 v9, v3;
	v9 =	vld [tilespmem:s1+$0x110];
	[tilespmem:$0x1FF20] =	vst v1  }
0x2b3: {  	(erf) = vpow2.f32 v2;
	v2 =	vmul.f32 v7, v34;
	v6 =	vld [tilespmem:s1+$0x50];
	v5 =	vadd.f32 v23, v5;
	v23 =	vpop (erf)  }
0x2b4: {  	v16 =	vmul.f32 v23, v16  }
0x2b5: {  	v34 =	vperm.xlane v3, v14;
	v19 =	vperm.xlane v2, v4  }
0x2b6: {  	v17 =	vld [tilespmem:s23+$0x40];
	[tilespmem:s17+$0x1C0] =	vst v16  }
0x2b7: {  	v3 =	vadd.f32 v34, v3;
	v2 =	vadd.f32 v19, v2;
	v37 =	vperm.xlane v5, v14;
	v19 =	vld [tilespmem:$0x1FFD0]  }
0x2b8: {  	v34 =	vld [tilespmem:s1+$0x40];
	[tilespmem:$0x1FD40] =	vst v6  }
0x2b9: {  	v3 =	vmul.f32 $1.442695020e+00, v3;
	v37 =	vadd.f32 v37, v5;
	v5 =	vld [tilespmem:s1+$0x60]  }
0x2ba: {  	v1 =	vmul.f32 v24, v29;
	v24 =	vpop (erf);
	v16 =	vperm.xlane v2, v11  }
0x2bb: {  	(erf) = vpow2.f32 v3;
	v3 =	vmul.f32 v24, v18  }
0x2bc: {  	v2 =	vadd.f32 v16, v2;
	v16 =	vmul.f32 v19, v50;
	v50 =	vpop (erf)  }
0x2bd: {  	v6 =	vld [tilespmem:s17+$0x1D0];
	[tilespmem:s1+$0x180] =	vst v3;
	v15 =	vmul.f32 v50, v15  }
0x2be: {  	v30 =	vld [tilespmem:s22+$0x50];
	[tilespmem:$0x1FD50] =	vst v5  }
0x2bf: {  	[tilespmem:s1+$0x0] =	vst v15  }
0x2c0: {  	v20 =	vld [tilespmem:$0x1FFE0];
	_ =	sdelay $0x1  }
0x2c1: {  	v5 =	vld [tilespmem:s1+$0xB0]  }
0x2c2: {  	v3 =	vmul.f32 $1.442695020e+00, v37  }
0x2c3: {  	v38 =	vperm.xlane v1, v4;
	v17 =	vmul.f32 v17, v35;
	v35 =	vld [tilespmem:s1+$0x190]  }
0x2c4: {  	(erf) = vpow2.f32 v3;
	v3 =	vadd.f32 $0.0e+00, v16;
	v16 =	vld [tilespmem:s24+$0x10];
	v15 =	vmul.f32 v20, v40  }
0x2c5: {  	v1 =	vadd.f32 v38, v1;
	v7 =	vld [tilespmem:s3+$0x10]  }
0x2c6: {  	v39 =	vperm.xlane v2, v13;
	v15 =	vadd.f32 v15, v3;
	v3 =	vmul.f32 v19, v49;
	v49 =	vld [tilespmem:s1+$0x120];
	[tilespmem:$0x1FF30] =	vst v5  }
0x2c7: {  	v5 =	vld [tilespmem:s1+$0x130]  }
0x2c8: {  	v2 =	vadd.f32 v39, v2;
	v40 =	vperm.xlane v1, v11;
	_ =	sdelay $0x1  }
0x2c9: {  	v1 =	vadd.f32 v40, v1;
	v40 =	vperm.xlane v2, v14;
	_ =	sdelay $0x1  }
0x2ca: {  	v29 =	vmul.f32 v20, v57;
	v3 =	vadd.f32 $0.0e+00, v3;
	[tilespmem:$0x1FF40] =	vst v5;
	v5 =	vadd.f32 v40, v2;
	_ =	sdelay $0x1  }
0x2cb: {  	v8 =	vadd.f32 v29, v3;
	v3 =	vmul.f32 $1.442695020e+00, v5;
	v5 =	vld [tilespmem:s1+$0xD0];
	_ =	sdelay $0x3  }
0x2cc: {  	v2 =	vperm.xlane v1, v13;
	v37 =	vld [tilespmem:s1+$0xC0]  }
0x2cd: {  	v16 =	vmul.f32 v16, v35;
	v35 =	vld [tilespmem:s1+$0x140];
	[tilespmem:$0x1FD60] =	vst v5  }
0x2ce: {  	v5 =	vadd.f32 v2, v1;
	v1 =	vld [tilespmem:s1+$0x150];
	_ =	sdelay $0x4  }
0x2cf: {  	[tilespmem:$0x1FD70] =	vst v1  }
0x2d0: {  	(erf) = vpow2.f32 v3;
	v3 =	vld [tilespmem:s1+$0xE0]  }
0x2d1: {  	v6 =	vmul.f32 v30, v6  }
0x2d2: {  	v18 =	vperm.xlane v17, v4;
	v7 =	vmul.f32 v7, v10  }
0x2d3: {  	v10 =	vmul.f32 v19, v48;
	v48 =	vpop (erf);
	v2 =	vperm.xlane v6, v4  }
0x2d4: {  	v17 =	vadd.f32 v18, v17;
	v18 =	vmul.f32 v48, v27;
	v1 =	vmul.f32 v20, v42;
	v42 =	vpop (erf)  }
0x2d5: {  	v36 =	vperm.xlane v16, v4;
	v2 =	vadd.f32 v2, v6;
	v6 =	vmul.f32 v42, v26;
	[tilespmem:$0x1FD80] =	vst v3  }
0x2d6: {  	v10 =	vadd.f32 $0.0e+00, v10;
	[tilespmem:s1+$0x80] =	vst v18  }
0x2d7: {  	v39 =	vperm.xlane v2, v11;
	v29 =	vld [tilespmem:$0x1FF80];
	[tilespmem:s1+$0x100] =	vst v6;
	v6 =	vadd.f32 v36, v16;
	v16 =	vperm.xlane v5, v14  }
0x2d8: {  	v30 =	vperm.xlane v17, v11;
	v3 =	vadd.f32 v1, v10;
	v1 =	vld [tilespmem:s19+$0x10]  }
0x2d9: {  	v2 =	vadd.f32 v39, v2;
	v5 =	vadd.f32 v16, v5;
	v16 =	vperm.xlane v6, v11  }
0x2da: {  	v17 =	vadd.f32 v30, v17  }
0x2db: {  	v40 =	vperm.xlane v7, v4;
	v6 =	vadd.f32 v16, v6;
	v16 =	vperm.xlane v2, v13  }
0x2dc: {  	s16 =	sor.u32 $0x440, s9;
	v38 =	vperm.xlane v17, v13;
	v10 =	vmul.f32 v29, v46  }
0x2dd: {  	v7 =	vadd.f32 v40, v7;
	v39 =	vld [tilespmem:s16+$0x2000];
	v1 =	vmul.f32 v1, v55;
	v2 =	vadd.f32 v16, v2  }
0x2de: {  	v16 =	vperm.xlane v6, v13;
	v10 =	vadd.f32 v10, v15;
	v15 =	vadd.f32 v38, v17  }
0x2df: {  	v57 =	vperm.xlane v7, v11;
	v5 =	vmul.f32 $1.442695020e+00, v5  }
0x2e0: {  	v6 =	vadd.f32 v16, v6;
	v16 =	vperm.xlane v1, v4;
	v38 =	vperm.xlane v15, v14  }
0x2e1: {  	(erf) = vpow2.f32 v5;
	v5 =	vadd.f32 v57, v7;
	v7 =	vmul.f32 v29, v43;
	v43 =	vpop (erf)  }
0x2e2: {  	v17 =	vld [tilespmem:s20+$0x10];
	v1 =	vadd.f32 v16, v1;
	v16 =	vmul.f32 v43, v39;
	v15 =	vadd.f32 v38, v15  }
0x2e3: {  	v36 =	vld [tilespmem:$0x1FD90]  }
0x2e4: {  	[tilespmem:s17+$0x40] =	vst v16;
	v15 =	vmul.f32 $1.442695020e+00, v15  }
0x2e5: {  	v21 =	vld [tilespmem:$0x1FFF0]  }
0x2e6: {  	(erf) = vpow2.f32 v15;
	v15 =	vperm.xlane v1, v11  }
0x2e7: {  	v7 =	vadd.f32 v7, v8;
	v8 =	vperm.xlane v2, v14;
	v9 =	vmul.f32 v17, v9  }
0x2e8: {  	v12 =	vmul.f32 v12, v36;
	v15 =	vadd.f32 v15, v1;
	v1 =	vmul.f32 v29, v41  }
0x2e9: {  	v2 =	vadd.f32 v8, v2;
	v17 =	vperm.xlane v5, v13;
	v8 =	vperm.xlane v9, v4  }
0x2ea: {  	v36 =	vperm.xlane v6, v14;
	v3 =	vadd.f32 v1, v3;
	v1 =	vmul.f32 v21, v45  }
0x2eb: {  	v5 =	vadd.f32 v17, v5;
	v8 =	vadd.f32 v8, v9;
	v9 =	vld [tilespmem:s14+$0x50]  }
0x2ec: {  	v6 =	vadd.f32 v36, v6;
	v41 =	vadd.f32 v1, v10;
	v1 =	vld [tilespmem:$0x1FDA0]  }
0x2ed: {  	s5 =	sor.u32 $0x460, s26;
	v2 =	vmul.f32 $1.442695020e+00, v2;
	v16 =	vperm.xlane v5, v14  }
0x2ee: {  	v6 =	vmul.f32 $1.442695020e+00, v6;
	v17 =	vld [tilespmem:s5+$0x2000]  }
0x2ef: {  	s16 =	sor.u32 $0x470, s12;
	(erf) = vpow2.f32 v2;
	v2 =	vadd.f32 v16, v5;
	v5 =	vperm.xlane v8, v11  }
0x2f0: {  	s13 =	sor.u32 $0x460, s21;
	v38 =	vld [tilespmem:s16+$0x2000];
	(erf) = vpow2.f32 v6;
	v6 =	vperm.xlane v15, v13  }
0x2f1: {  	s5 =	sor.u32 $0x440, s4;
	v16 =	vld [tilespmem:s13+$0x2000];
	v5 =	vadd.f32 v5, v8;
	v8 =	vmul.f32 v9, v1;
	v9 =	vmul.f32 v21, v47  }
0x2f2: {  	s12 =	sor.u32 $0x440, s0;
	v2 =	vmul.f32 $1.442695020e+00, v2;
	v10 =	vld [tilespmem:s5+$0x2000];
	v15 =	vadd.f32 v6, v15  }
0x2f3: {  	v39 =	vld [tilespmem:s12+$0x2000];
	s13 =	sor.u32 $0x450, s8;
	v6 =	vmul.f32 v21, v51;
	v57 =	vadd.f32 v9, v7;
	v7 =	vmul.f32 v59, v17  }
0x2f4: {  	(erf) = vpow2.f32 v2;
	v2 =	vperm.xlane v5, v13;
	v9 =	vld [tilespmem:s13+$0x2000]  }
0x2f5: {  	v51 =	vadd.f32 v6, v3;
	v3 =	vmul.f32 v19, v61;
	[tilespmem:s28+$0xE0] =	vst v7;
	v7 =	vmul.f32 v22, v38  }
0x2f6: {  	v2 =	vadd.f32 v2, v5;
	v5 =	vmul.f32 v52, v16;
	v47 =	vpop (erf)  }
0x2f7: {  	v3 =	vadd.f32 $0.0e+00, v3;
	v10 =	vmul.f32 v47, v10;
	v46 =	vpop (erf);
	[tilespmem:s28+$0x1F0] =	vst v7;
	v7 =	vmul.f32 v20, v44  }
0x2f8: {  	[tilespmem:s28+$0x160] =	vst v5;
	v17 =	vmul.f32 v46, v39;
	v45 =	vpop (erf)  }
0x2f9: {  	v40 =	vld [tilespmem:s7+$0x70];
	s7 =	rddreg [dreg:$0xc];
	[tilespmem:s17+$0xC0] =	vst v10;
	v3 =	vadd.f32 v7, v3;
	v7 =	vmul.f32 v45, v9  }
0x2fa: {  	[tilespmem:s17+$0x140] =	vst v17  }
0x2fb: {  	v16 =	vperm.xlane v15, v14;
	[tilespmem:s17+$0x1D0] =	vst v7  }
0x2fc: {  	v1 =	vld [tilespmem:$0x1FDB0]  }
0x2fd: {  	v5 =	vadd.f32 v16, v15;
	v16 =	vperm.xlane v2, v14;
	_ =	sdelay $0x1  }
0x2fe: {  	v2 =	vadd.f32 v16, v2;
	v16 =	vmul.f32 v19, v63;
	v5 =	vmul.f32 $1.442695020e+00, v5;
	_ =	sdelay $0x1  }
0x2ff: {  	(erf) = vpow2.f32 v5;
	v5 =	vadd.f32 $0.0e+00, v16;
	v16 =	vmul.f32 v40, v1;
	v1 =	vld [tilespmem:$0x1FDC0]  }
0x300: {  	v2 =	vmul.f32 $1.442695020e+00, v2;
	_ =	sdelay $0x1  }
0x301: {  	(erf) = vpow2.f32 v2;
	v2 =	vmul.f32 v29, v31  }
0x302: {  	v15 =	vmul.f32 v19, v62;
	v62 =	vld [tilespmem:s6+$0x70]  }
0x303: {  	v39 =	vadd.f32 v2, v3;
	v2 =	vmul.f32 v19, v1;
	v1 =	vld [tilespmem:$0x1FDD0];
	_ =	sdelay $0x3  }
0x304: {  	v10 =	vadd.f32 $0.0e+00, v15;
	v15 =	vmul.f32 v20, v33;
	v33 =	vld [tilespmem:s15+$0x50]  }
0x305: {  	v63 =	vmul.f32 v62, v1;
	v1 =	vld [tilespmem:$0x1FDE0]  }
0x306: {  	s16 =	sor.u32 $0x410, s18;
	v7 =	vmul.f32 v20, v32  }
0x307: {  	v9 =	vld [tilespmem:s16+$0x2000]  }
0x308: {  	v38 =	vadd.f32 v7, v5;
	v7 =	vperm.xlane v8, v4  }
0x309: {  	v32 =	vld [tilespmem:s23+$0x50]  }
0x30a: {  	v7 =	vadd.f32 v7, v8;
	v8 =	vmul.f32 v33, v1;
	v1 =	vld [tilespmem:$0x1FDF0]  }
0x30b: {  	v44 =	vpop (erf)  }
0x30c: {  	v9 =	vmul.f32 v44, v9;
	_ =	sdelay $0x1  }
0x30d: {  	[tilespmem:s1+$0x190] =	vst v9  }
0x30e: {  	v32 =	vmul.f32 v32, v1;
	v1 =	vld [tilespmem:$0x1FE00];
	_ =	sdelay $0x1  }
0x30f: {  	v30 =	vld [tilespmem:s1+$0x160];
	s5 =	sor.u32 $0x410, s11  }
0x310: {  	v6 =	vld [tilespmem:s5+$0x2000]  }
0x311: {  	v55 =	vld [tilespmem:s7+$0x1]  }
0x312: {  	v36 =	vadd.f32 v15, v10;
	v10 =	vld [tilespmem:s17+$0x1E0];
	v9 =	vmul.f32 v20, v1;
	v1 =	vperm.xlane v32, v4  }
0x313: {  	v31 =	vld [tilespmem:s22+$0x60]  }
0x314: {  	s6 =	sor.u32 $0x410, s30;
	v5 =	vadd.f32 v1, v32;
	v1 =	vld [tilespmem:s1+$0xF0]  }
0x315: {  	s12 =	sor.u32 $0x410, s10;
	v61 =	vld [tilespmem:s6+$0x2000]  }
0x316: {  	v15 =	vld [tilespmem:s12+$0x2000];
	v33 =	vperm.xlane v12, v4  }
0x317: {  	v40 =	vperm.xlane v7, v11;
	v2 =	vadd.f32 $0.0e+00, v2;
	v62 =	vld [tilespmem:s1+$0x1A0]  }
0x318: {  	v10 =	vmul.f32 v31, v10;
	v31 =	vperm.xlane v8, v4;
	v12 =	vadd.f32 v33, v12;
	v33 =	vld [tilespmem:s1+$0x70]  }
0x319: {  	(v2sf) =	vpush v55, $0x0;
	v18 =	vadd.f32 v9, v2;
	v9 =	vld [tilespmem:s24+$0x20];
	[tilespmem:$0x1FE10] =	vst v1  }
0x31a: {  	v55 =	vadd.f32 v40, v7;
	v3 =	vadd.f32 v31, v8;
	v8 =	vld [tilespmem:s1+$0x170]  }
0x31b: {  	v17 =	vpop (erf);
	v2 =	vperm.xlane v10, v4  }
0x31c: {  	v6 =	vmul.f32 v17, v6;
	v1 =	vperm.xlane v55, v13  }
0x31d: {  	v40 =	vpop (erf);
	v2 =	vadd.f32 v2, v10;
	v10 =	vperm.xlane v16, v4  }
0x31e: {  	v7 =	vmul.f32 v40, v61;
	v61 =	vpop (erf);
	[tilespmem:s1+$0x10] =	vst v6;
	v1 =	vadd.f32 v1, v55  }
0x31f: {  	v10 =	vadd.f32 v10, v16;
	v16 =	vperm.xlane v2, v11;
	v6 =	vmul.f32 v61, v15;
	[tilespmem:$0x1FE20] =	vst v8  }
0x320: {  	v32 =	vperm.xlane v1, v14;
	[tilespmem:s1+$0x90] =	vst v7;
	v7 =	vperm.xlane v3, v11;
	v15 =	vld [tilespmem:s3+$0x20]  }
0x321: {  	v9 =	vmul.f32 v9, v62;
	[tilespmem:s1+$0x110] =	vst v6;
	v6 =	vperm.xlane v12, v11;
	v55 =	vld [tilespmem:s19+$0x20]  }
0x322: {  	v1 =	vadd.f32 v32, v1;
	v8 =	vld [tilespmem:s20+$0x20];
	v3 =	vadd.f32 v7, v3;
	v7 =	vperm.xlane v5, v11  }
0x323: {  	v2 =	vadd.f32 v16, v2;
	v6 =	vadd.f32 v6, v12;
	v12 =	vperm.xlane v9, v4  }
0x324: {  	v1 =	vmul.f32 $1.442695020e+00, v1;
	v5 =	vadd.f32 v7, v5;
	v7 =	vperm.xlane v3, v13  }
0x325: {  	v9 =	vadd.f32 v12, v9;
	v12 =	vmul.f32 v15, v54;
	v15 =	vperm.xlane v2, v13  }
0x326: {  	v3 =	vadd.f32 v7, v3;
	v7 =	vmul.f32 v55, v53;
	v16 =	vperm.xlane v5, v13  }
0x327: {  	v8 =	vmul.f32 v8, v49;
	v2 =	vadd.f32 v15, v2;
	v15 =	vperm.xlane v9, v11  }
0x328: {  	v32 =	vperm.xlane v12, v4;
	v5 =	vadd.f32 v16, v5;
	v16 =	vperm.xlane v3, v14  }
0x329: {  	v9 =	vadd.f32 v15, v9;
	v15 =	vperm.xlane v7, v4;
	v62 =	vperm.xlane v2, v14  }
0x32a: {  	v12 =	vadd.f32 v32, v12;
	v3 =	vadd.f32 v16, v3;
	v16 =	vperm.xlane v8, v4  }
0x32b: {  	v7 =	vadd.f32 v15, v7;
	v2 =	vadd.f32 v62, v2;
	v15 =	vperm.xlane v9, v13  }
0x32c: {  	v49 =	vperm.xlane v12, v11;
	v8 =	vadd.f32 v16, v8;
	v16 =	vperm.xlane v5, v14  }
0x32d: {  	v9 =	vadd.f32 v15, v9;
	v2 =	vmul.f32 $1.442695020e+00, v2;
	v15 =	vperm.xlane v7, v11  }
0x32e: {  	v12 =	vadd.f32 v49, v12;
	v5 =	vadd.f32 v16, v5;
	v16 =	vperm.xlane v8, v11  }
0x32f: {  	v7 =	vadd.f32 v15, v7;
	(erf) = vpow2.f32 v2;
	v2 =	vperm.xlane v9, v14  }
0x330: {  	v3 =	vmul.f32 $1.442695020e+00, v3;
	v15 =	vperm.xlane v12, v13  }
0x331: {  	v8 =	vadd.f32 v16, v8;
	v2 =	vadd.f32 v2, v9;
	v9 =	vperm.xlane v7, v13  }
0x332: {  	(erf) = vpow2.f32 v1;
	v1 =	vadd.f32 v15, v12  }
0x333: {  	(erf) = vpow2.f32 v3;
	v3 =	vperm.xlane v8, v13;
	v7 =	vadd.f32 v9, v7  }
0x334: {  	v2 =	vmul.f32 $1.442695020e+00, v2;
	v9 =	vperm.xlane v1, v14  }
0x335: {  	v5 =	vmul.f32 $1.442695020e+00, v5;
	v3 =	vadd.f32 v3, v8;
	v8 =	vperm.xlane v7, v14  }
0x336: {  	(erf) = vpow2.f32 v2;
	v1 =	vadd.f32 v9, v1  }
0x337: {  	(erf) = vpow2.f32 v5;
	v5 =	vadd.f32 v8, v7;
	v7 =	vperm.xlane v10, v11  }
0x338: {  	v1 =	vmul.f32 $1.442695020e+00, v1  }
0x339: {  	v12 =	vperm.xlane v6, v13;
	v7 =	vadd.f32 v7, v10;
	v5 =	vmul.f32 $1.442695020e+00, v5  }
0x33a: {  	(erf) = vpow2.f32 v1  }
0x33b: {  	v6 =	vadd.f32 v12, v6;
	(erf) = vpow2.f32 v5;
	v5 =	vperm.xlane v7, v13;
	_ =	sdelay $0x1  }
0x33c: {  	v2 =	vperm.xlane v63, v4;
	v9 =	vperm.xlane v6, v14;
	v5 =	vadd.f32 v5, v7;
	v7 =	vld [tilespmem:$0x1FE40];
	_ =	sdelay $0x1  }
0x33d: {  	v2 =	vadd.f32 v2, v63;
	v6 =	vadd.f32 v9, v6;
	v9 =	vld [tilespmem:$0x1FE70]  }
0x33e: {  	v8 =	vperm.xlane v3, v14  }
0x33f: {  	v1 =	vperm.xlane v2, v11  }
0x340: {  	v3 =	vadd.f32 v8, v3;
	v7 =	vmul.f32 v29, v7  }
0x341: {  	v27 =	vmov v22;
	v22 =	vld [tilespmem:$0x1FFA0];
	v1 =	vadd.f32 v1, v2  }
0x342: {  	v26 =	vld [tilespmem:$0x1FEC0];
	v3 =	vmul.f32 $1.442695020e+00, v3;
	v9 =	vmul.f32 v21, v9;
	v7 =	vadd.f32 v7, v18  }
0x343: {  	v63 =	vld [tilespmem:$0x1FF90]  }
0x344: {  	(erf) = vpow2.f32 v3;
	v3 =	vperm.xlane v1, v13;
	v7 =	vadd.f32 v9, v7;
	v9 =	vld [tilespmem:$0x1FE90]  }
0x345: {  	s16 =	sor.u32 $0x450, s9;
	v55 =	vld [tilespmem:s17+$0x1F0];
	v6 =	vmul.f32 $1.442695020e+00, v6  }
0x346: {  	v16 =	vld [tilespmem:s16+$0x2000];
	v1 =	vadd.f32 v3, v1  }
0x347: {  	s13 =	sor.u32 $0x460, s8;
	v8 =	vld [tilespmem:$0x1FE50];
	(erf) = vpow2.f32 v6  }
0x348: {  	v10 =	vld [tilespmem:s13+$0x2000];
	v6 =	vperm.xlane v5, v14;
	v15 =	vperm.xlane v1, v14  }
0x349: {  	v2 =	vld [tilespmem:$0x1FE30];
	v9 =	vmul.f32 v63, v9  }
0x34a: {  	v5 =	vadd.f32 v6, v5;
	v1 =	vadd.f32 v15, v1;
	v15 =	vld [tilespmem:$0x1FEA0]  }
0x34b: {  	s6 =	sor.u32 $0x420, s18;
	v7 =	vadd.f32 v9, v7;
	v9 =	vld [tilespmem:$0x1FEB0]  }
0x34c: {  	v32 =	vld [tilespmem:s6+$0x2000];
	v54 =	vpop (erf);
	v8 =	vmul.f32 v63, v8;
	v5 =	vmul.f32 $1.442695020e+00, v5  }
0x34d: {  	v12 =	vld [tilespmem:$0x1FE80];
	v10 =	vmul.f32 v54, v10;
	v3 =	vmul.f32 v29, v25  }
0x34e: {  	v25 =	vld [tilespmem:$0x1FFB0];
	v2 =	vmul.f32 v29, v2;
	(erf) = vpow2.f32 v5  }
0x34f: {  	s5 =	sor.u32 $0x450, s4;
	v6 =	vld [tilespmem:$0x1FE60];
	v18 =	vmul.f32 v63, v15;
	v15 =	vmul.f32 v21, v56;
	v56 =	vpop (erf)  }
0x350: {  	v8 =	vadd.f32 v8, v41;
	v5 =	vld [tilespmem:s5+$0x2000];
	[tilespmem:s17+$0x1E0] =	vst v10;
	v10 =	vmul.f32 v56, v16;
	v9 =	vmul.f32 v22, v9  }
0x351: {  	s12 =	sor.u32 $0x450, s0;
	v62 =	vmul.f32 v21, v58;
	v2 =	vadd.f32 v2, v36;
	v41 =	vadd.f32 v15, v39;
	v15 =	vld [tilespmem:$0x1FFC0]  }
0x352: {  	v3 =	vadd.f32 v3, v38;
	[tilespmem:s17+$0x50] =	vst v10;
	v7 =	vadd.f32 v9, v7;
	v9 =	vld [tilespmem:s12+$0x2000]  }
0x353: {  	v36 =	vadd.f32 v62, v2;
	v1 =	vmul.f32 $1.442695020e+00, v1;
	v49 =	vpop (erf);
	v16 =	vmul.f32 v21, v60;
	v2 =	vld [tilespmem:$0x1FED0]  }
0x354: {  	s13 =	sor.u32 $0x420, s11;
	v6 =	vmul.f32 v63, v6;
	v53 =	vpop (erf);
	v10 =	vld [tilespmem:$0x1FEE0]  }
0x355: {  	(erf) = vpow2.f32 v1;
	v1 =	vld [tilespmem:s13+$0x2000];
	v38 =	vmul.f32 v53, v32;
	v39 =	vadd.f32 v16, v3  }
0x356: {  	v60 =	vld [tilespmem:s22+$0x70];
	v3 =	vadd.f32 v6, v57;
	v57 =	vmul.f32 v19, v50;
	v6 =	vmul.f32 v49, v5;
	v50 =	vpop (erf);
	[dreg:$0x6] =	wrdreg s14  }
0x357: {  	v12 =	vmul.f32 v22, v12;
	[tilespmem:s1+$0x1A0] =	vst v38;
	v9 =	vmul.f32 v50, v9  }
0x358: {  	s16 =	sor.u32 $0x420, s30;
	v63 =	vmul.f32 v25, v26;
	v2 =	vmul.f32 v22, v2;
	v32 =	vld [tilespmem:s14+$0x60];
	[tilespmem:s17+$0xD0] =	vst v6  }
0x359: {  	v16 =	vadd.f32 v18, v51;
	v10 =	vmul.f32 v22, v10;
	v22 =	vmul.f32 v25, v52;
	v52 =	vld [tilespmem:s16+$0x2000];
	[tilespmem:s17+$0x150] =	vst v9  }
0x35a: {  	v15 =	vmul.f32 v15, v27;
	v7 =	vadd.f32 v63, v7;
	v51 =	vadd.f32 v2, v3;
	v2 =	vld [tilespmem:$0x1FEF0]  }
0x35b: {  	v8 =	vadd.f32 v12, v8;
	v12 =	vmul.f32 v20, v17  }
0x35c: {  	v26 =	vmul.f32 v19, v42;
	v42 =	vpop (erf);
	v21 =	vadd.f32 v15, v7;
	v7 =	vmul.f32 v25, v28  }
0x35d: {  	v59 =	vmul.f32 v25, v59;
	s22 =	sor.u32 $0x420, s10;
	v18 =	vld [tilespmem:s1+$0x1B0];
	v3 =	vpop (erf);
	v25 =	vmul.f32 v19, v48  }
0x35e: {  	v63 =	vld [tilespmem:s22+$0x2000];
	v48 =	vmul.f32 v60, v55;
	v38 =	vadd.f32 v7, v8;
	v8 =	vmul.f32 v3, v52  }
0x35f: {  	v17 =	vld [tilespmem:s24+$0x30];
	[dreg:$0x7] =	wrdreg s15;
	v55 =	vmul.f32 v32, v2;
	v2 =	vmul.f32 v42, v1  }
0x360: {  	[tilespmem:s1+$0xA0] =	vst v8  }
0x361: {  	v9 =	vld [tilespmem:s15+$0x60];
	[tilespmem:s1+$0x20] =	vst v2  }
0x362: {  	v5 =	vld [tilespmem:$0x1FF00]  }
0x363: {  	v1 =	vpop (erf)  }
0x364: {  	v63 =	vmul.f32 v1, v63;
	_ =	sdelay $0x1  }
0x365: {  	v32 =	vld [tilespmem:s23+$0x60];
	[tilespmem:s1+$0x120] =	vst v63  }
0x366: {  	v8 =	vmul.f32 v9, v5;
	v5 =	vld [tilespmem:$0x1FF10];
	_ =	sdelay $0x1  }
0x367: {  	s25 =	sor.u32 $0x470, s25  }
0x368: {  	v58 =	vperm.xlane v48, v4;
	v7 =	vld [tilespmem:s25+$0x2000]  }
0x369: {  	v19 =	vadd.f32 v10, v16;
	v10 =	vmul.f32 v20, v40;
	v52 =	vld [tilespmem:s3+$0x30]  }
0x36a: {  	v40 =	vadd.f32 v59, v51;
	v48 =	vadd.f32 v58, v48;
	v59 =	vmul.f32 v32, v5;
	v5 =	vld [tilespmem:$0x1FF20]  }
0x36b: {  	v2 =	vperm.xlane v55, v4  }
0x36c: {  	v9 =	vperm.xlane v48, v11  }
0x36d: {  	v2 =	vadd.f32 v2, v55;
	v55 =	vadd.f32 $0.0e+00, v57  }
0x36e: {  	v57 =	vld [tilespmem:s19+$0x30];
	v9 =	vadd.f32 v9, v48;
	v48 =	vpop (erf)  }
0x36f: {  	v63 =	vadd.f32 v12, v55;
	v12 =	vmul.f32 v48, v7;
	v7 =	vmul.f32 v52, v5;
	v5 =	vld [tilespmem:$0x1FF30]  }
0x370: {  	v18 =	vmul.f32 v17, v18;
	_ =	sdelay $0x1  }
0x371: {  	v51 =	vperm.xlane v18, v4  }
0x372: {  	v58 =	vmul.f32 v29, v42;
	v42 =	vld [tilespmem:s20+$0x30]  }
0x373: {  	v18 =	vadd.f32 v51, v18;
	v32 =	vperm.xlane v8, v4;
	v57 =	vmul.f32 v57, v5;
	v5 =	vld [tilespmem:$0x1FF40]  }
0x374: {  	v20 =	vmul.f32 v20, v61;
	v60 =	vperm.xlane v2, v11  }
0x375: {  	v8 =	vadd.f32 v32, v8;
	v32 =	vperm.xlane v18, v11;
	v52 =	vperm.xlane v9, v13  }
0x376: {  	v2 =	vadd.f32 v60, v2;
	v51 =	vperm.xlane v59, v4;
	v60 =	vperm.xlane v7, v4  }
0x377: {  	v18 =	vadd.f32 v32, v18;
	v9 =	vadd.f32 v52, v9;
	v32 =	vperm.xlane v57, v4  }
0x378: {  	v61 =	vperm.xlane v8, v11;
	v7 =	vadd.f32 v60, v7;
	v42 =	vmul.f32 v42, v5  }
0x379: {  	v55 =	vperm.xlane v9, v14;
	v60 =	vperm.xlane v18, v13;
	v52 =	vadd.f32 v32, v57  }
0x37a: {  	v51 =	vadd.f32 v51, v59;
	v32 =	vperm.xlane v7, v11;
	v59 =	vperm.xlane v42, v4  }
0x37b: {  	v9 =	vadd.f32 v55, v9;
	v18 =	vadd.f32 v60, v18;
	v60 =	vperm.xlane v52, v11  }
0x37c: {  	v62 =	vperm.xlane v51, v11;
	v7 =	vadd.f32 v32, v7;
	v42 =	vadd.f32 v59, v42  }
0x37d: {  	v9 =	vmul.f32 $1.442695020e+00, v9;
	v52 =	vadd.f32 v60, v52;
	v60 =	vperm.xlane v2, v13  }
0x37e: {  	v8 =	vadd.f32 v61, v8;
	v55 =	vperm.xlane v7, v13;
	v32 =	vperm.xlane v42, v11  }
0x37f: {  	(erf) = vpow2.f32 v9;
	v59 =	vperm.xlane v18, v14;
	v5 =	vadd.f32 v60, v2  }
0x380: {  	v7 =	vadd.f32 v55, v7;
	v9 =	vadd.f32 v32, v42;
	v32 =	vperm.xlane v52, v13  }
0x381: {  	v18 =	vadd.f32 v59, v18;
	v57 =	vperm.xlane v5, v14;
	v42 =	vadd.f32 v62, v51  }
0x382: {  	s6 =	sor.u32 $0x470, s26;
	v61 =	vperm.xlane v9, v13;
	v51 =	vadd.f32 v32, v52;
	v52 =	vperm.xlane v7, v14  }
0x383: {  	s31 =	simm.s32 $0x8;
	s5 =	sor.u32 $0x470, s8;
	s8 =	sor.u32 $0x470, s21;
	v17 =	vld [tilespmem:s6+$0x2000];
	v62 =	vperm.xlane v8, v13;
	v18 =	vmul.f32 $1.442695020e+00, v18;
	v5 =	vadd.f32 v57, v5  }
0x384: {  	p6 =	por !p1, !p1;
	s26 =	sor.u32 $0x470, s9;
	s21 =	sor.u32 $0x440, s11;
	v55 =	vld [tilespmem:s8+$0x2000];
	v32 =	vperm.xlane v42, v13;
	v9 =	vadd.f32 v61, v9;
	v7 =	vadd.f32 v52, v7  }
0x385: {  	s12 =	sor.u32 $0x460, s9;
	s9 =	sor.u32 $0x450, s11;
	s14 =	sor.u32 $0x460, s4;
	v60 =	vadd.f32 v62, v8;
	(erf) = vpow2.f32 v18;
	v61 =	vld [tilespmem:s5+$0x2000];
	v8 =	vperm.xlane v51, v14  }
0x386: {  	s15 =	smov.u32 s19;
	s25 =	sor.u32 $0x430, s18;
	v18 =	vadd.f32 v32, v42;
	v32 =	vperm.xlane v9, v14;
	v62 =	vmul.f32 $1.442695020e+00, v7;
	v7 =	vld [tilespmem:s12+$0x2000];
	[dreg:$0xf] =	wrdreg s21  }
0x387: {  	s19 =	sor.u32 $0x430, s11;
	s8 =	sor.u32 $0x460, s11;
	s11 =	sor.u32 $0x470, s11;
	v2 =	vperm.xlane v60, v14;
	v59 =	vadd.f32 v8, v51;
	v8 =	vld [tilespmem:s14+$0x2000];
	[tilespmem:s28+$0x70] =	vst v12  }
0x388: {  	s2 =	sor.u32 $0x460, s30;
	s13 =	sor.u32 $0x470, s4;
	v42 =	vmul.f32 $1.442695020e+00, v5;
	v52 =	vpop (erf);
	v16 =	vld [tilespmem:s25+$0x2000];
	v9 =	vadd.f32 v32, v9;
	[dreg:$0xb] =	wrdreg s11  }
0x389: {  	s22 =	spop (v2sf);
	s5 =	sor.u32 $0x460, s0;
	v2 =	vadd.f32 v2, v60;
	v51 =	vpop (erf);
	s14 =	sor.u32 $0x440, s10;
	v32 =	vperm.xlane v18, v14;
	(erf) = vpow2.f32 v62;
	v15 =	vld [tilespmem:s7+$0xFFFFFFFE]  }
0x38a: {  	s16 =	smov.u32 s23;
	s6 =	sand.u32 $0x7, s22;
	v57 =	vpop (erf);
	v59 =	vmul.f32 $1.442695020e+00, v59;
	v12 =	vmul.f32 $1.442695020e+00, v9;
	v9 =	vld [tilespmem:s5+$0x2000];
	[dreg:$0x10] =	wrdreg s14  }
0x38b: {  	s22 =	sor.u32 $0x440, s30;
	s23 =	smov.u32 s20;
	v2 =	vmul.f32 $1.442695020e+00, v2;
	v6 =	vmul.f32 v57, v61;
	v18 =	vadd.f32 v32, v18;
	v5 =	vld [tilespmem:s19+$0x2000];
	s19 =	sor.u32 $0x470, s10  }
0x38c: {  	s20 =	sor.u32 $0x470, s0;
	s21 =	sor.u32 $0x430, s30;
	(erf) = vpow2.f32 v59;
	v59 =	vadd.f32 $0.0e+00, v25;
	v32 =	vadd.f32 $0.0e+00, v26;
	[dreg:$0xd] =	wrdreg s19  }
0x38d: {  	s0 =	sshll.u32 s6, $0x4;
	v60 =	vadd.f32 v58, v63;
	s25 =	sor.u32 $0x450, s30;
	(erf) = vpow2.f32 v12;
	v18 =	vmul.f32 $1.442695020e+00, v18;
	v12 =	vld [tilespmem:s21+$0x2000];
	[dreg:$0x11] =	wrdreg s22  }
0x38e: {  	s6 =	sor.u32 $0x460, s10;
	s12 =	sor.u32 $0x430, s10;
	v62 =	vadd.f32 v10, v59;
	v61 =	vadd.f32 v20, v32;
	(erf) = vpow2.f32 v42;
	[dreg:$0xe] =	wrdreg s25  }
0x38f: {  	s0 =	sadd.s32 $0x0, s0;
	s11 =	sor.u32 $0x450, s10;
	v42 =	vadd.f32 v22, v19;
	(erf) = vpow2.f32 v2;
	v10 =	vld [tilespmem:s12+$0x2000];
	[tilespmem:s17+$0x1F0] =	vst v6;
	v2 =	vpop (erf);
	s12 =	sadd.s32 $0x4, s7;
	v6 =	vmul.f32 v52, v17  }
0x390: {  	s14 =	sor.u32 $0x470, s30;
	s30 =	simm.s32 $0x1000;
	s10 =	simm.s32 $0x6;
	[tilespmem:s0+$0x6180] =	vst v21;
	(v2sf) =	vpush v15, $0x0;
	(erf) = vpow2.f32 v18;
	v59 =	vld [tilespmem:s12+$0x1];
	v15 =	vmul.f32 v2, v16  }
.LBB2_8:
0x391: {  	v16 =	vld [tilespmem:s1+$0x1C0]  }
0x392: {  	v26 =	vld [tilespmem:$0x1FF90]  }
0x393: {  	v32 =	vmov v30;
	v30 =	vld [tilespmem:$0x1FFD0]  }
0x394: {  	[smem:$0x7DA] =	sst s13;
	v27 =	vld [tilespmem:$0x1FFA0]  }
0x395: {  	[smem:$0x7D9] =	sst s26;
	[tilespmem:s28+$0xF0] =	vst v6;
	v6 =	vld [tilespmem:$0x1FCD0]  }
0x396: {  	[dreg:$0x1f] =	wrdreg s20;
	s0 =	simm.s32 $0x1;
	v63 =	vld [tilespmem:$0x1FCE0]  }
0x397: {  	[dreg:$0x1d] =	wrdreg s9;
	v19 =	vmul.f32 v29, v1;
	s30 =	sadd.s32 $0x800, s30;
	v31 =	vld [tilespmem:$0x1FFE0];
	s0 =	simm.s32 @!p6 $0x0;
	[tilespmem:s1+$0x1B0] =	vst v15;
	v1 =	vpop (erf)  }
0x398: {  	[dreg:$0x12] =	wrdreg s2;
	s2 =	sshll.u32 s0, $0x9;
	v17 =	vld [tilespmem:s24+$0x40];
	s0 =	sshra.s32 s30, $0x2;
	v5 =	vmul.f32 v1, v5  }
0x399: {  	[dreg:$0x1c] =	wrdreg s11;
	v3 =	vmul.f32 v29, v3;
	v58 =	vld [tilespmem:s0+$0x0]  }
0x39a: {  	[dreg:$0x16] =	wrdreg s8;
	v6 =	vmul.f32 v30, v6;
	[tilespmem:s1+$0x30] =	vst v5;
	v5 =	vld [tilespmem:$0x1FD20]  }
0x39b: {  	s25 =	rddreg [dreg:$0x8];
	v25 =	vld [tilespmem:$0x1FFF0];
	v15 =	vmul.f32 v51, v55;
	v3 =	vadd.f32 v3, v62  }
0x39c: {  	s8 =	rddreg [dreg:$0xc];
	v20 =	vld [tilespmem:s0+$0x80];
	v62 =	vmul.f32 v26, v47;
	v47 =	vmul.f32 v31, v63;
	v21 =	vadd.f32 $0.0e+00, v6  }
0x39d: {  	[dreg:$0x13] =	wrdreg s6;
	s25 =	sadd.s32 $0x400, s25;
	v18 =	vmul.f32 v26, v43;
	v43 =	vld [tilespmem:s8+$0xFFFFFFFF]  }
0x39e: {  	s4 =	sand.u32 $0x3, s10;
	s29 =	sadd.s32 $0x200, s29;
	s9 =	sand.u32 $0x3800, s25;
	[tilespmem:s28+$0x170] =	vst v15;
	v55 =	vmul.f32 v27, v56;
	v16 =	vmul.f32 v17, v16;
	v17 =	vadd.f32 v47, v21;
	v21 =	vld [tilespmem:$0x1FD30]  }
0x39f: {  	s11 =	sand.u32 $0x380, s29;
	s13 =	sadd.s32 $0xFFFFFE80, s29;
	s7 =	sadd.s32 $0x2000, s9;
	(v2sf) =	vpush v59, $0x0;
	v59 =	vpop (erf);
	v56 =	vmul.f32 v26, v46;
	v46 =	vld [tilespmem:s8+$0x0];
	v47 =	vmul.f32 v29, v5  }
0x3a0: {  	s19 =	sadd.s32 $0xFFFFFF00, s29;
	s20 =	sand.u32 $0x200, s13;
	v15 =	vadd.f32 v19, v61;
	s21 =	sor.u32 s11, s7;
	v63 =	vld [tilespmem:s0+$0x180];
	v12 =	vmul.f32 v59, v12;
	v19 =	vpop (erf)  }
0x3a1: {  	s22 =	sadd.s32 $0xFFFFFF80, s29;
	s6 =	sor.u32 s20, s7;
	s8 =	sand.u32 $0x280, s19;
	v10 =	vmul.f32 v19, v10;
	v61 =	vadd.f32 v18, v41;
	v18 =	vld [tilespmem:s21+$0x0];
	v5 =	vpop (erf)  }
0x3a2: {  	s5 =	sshll.u32 s4, $0x8;
	s26 =	sand.u32 $0x300, s22;
	s4 =	sor.u32 s8, s7;
	[tilespmem:s1+$0xB0] =	vst v12;
	v12 =	vld [tilespmem:s6+$0x0];
	(v2sf) =	vpush v43, $0x0;
	v43 =	vperm.xlane v16, v4;
	v6 =	vpop (erf)  }
0x3a3: {  	s5 =	sadd.s32 s25, s5;
	s19 =	smov.u32 s24;
	s24 =	sor.u32 s26, s7;
	[tilespmem:s1+$0x130] =	vst v10;
	v7 =	vmul.f32 v5, v7;
	v17 =	vadd.f32 v47, v17;
	v22 =	vmul.f32 v25, v21;
	v47 =	vpop (erf);
	v21 =	vld [tilespmem:s4+$0x0]  }
0x3a4: {  	s11 =	sadd.s32 $0x100, s5;
	v1 =	vmul.f32 v25, v1;
	v16 =	vadd.f32 v43, v16;
	v10 =	vmul.f32 v47, v9;
	v9 =	vmovc v24;
	v24 =	vld [tilespmem:s24+$0x0]  }
0x3a5: {  	s5 =	sor.u32 $0x400, s11;
	[tilespmem:s17+$0x60] =	vst v7;
	v7 =	vadd.f32 v22, v17;
	v17 =	vmul.f32 v26, v23;
	v23 =	vld [tilespmem:s0+$0x100];
	v26 =	vmul.f32 v25, v59  }
0x3a6: {  	s2 =	sadd.s32 s2, s25;
	(v2sf) =	vpush v46, $0x0;
	v18 =	vmul.f32 v18, v63;
	[tilespmem:$0x1FCD0] =	vst v9;
	v9 =	vld [tilespmem:s5+$0x2000];
	v22 =	vperm.xlane v16, v11  }
0x3a7: {  	[dreg:$0x9] =	wrdreg s29;
	s29 =	smov.u32 s16;
	s16 =	sor.u32 $0x420, s2;
	[tilespmem:s17+$0x160] =	vst v10;
	v10 =	vmul.f32 v27, v45;
	v28 =	vadd.f32 v17, v7;
	v46 =	vadd.f32 v26, v3;
	v26 =	vld [tilespmem:$0x1FFB0]  }
0x3a8: {  	s20 =	sor.u32 $0x430, s2;
	[dreg:$0x1b] =	wrdreg s16;
	v41 =	vadd.f32 v1, v60;
	v1 =	vmov v44  }
0x3a9: {  	s9 =	sor.u32 $0x400, s2;
	[dreg:$0x15] =	wrdreg s20;
	s22 =	sor.u32 $0x430, s11;
	[tilespmem:$0x1FCE0] =	vst v1;
	v17 =	vperm.xlane v18, v4;
	v16 =	vadd.f32 v22, v16;
	v1 =	vadd.f32 v10, v28;
	v28 =	vld [tilespmem:$0x1FFC0]  }
0x3aa: {  	s26 =	sor.u32 $0x410, s2;
	s8 =	sor.u32 $0x420, s11;
	[dreg:$0x14] =	wrdreg s22;
	v12 =	vmul.f32 v12, v58;
	v8 =	vmul.f32 v6, v8;
	v59 =	vmov v2  }
0x3ab: {  	s20 =	sor.u32 $0x440, s2;
	s22 =	sor.u32 $0x460, s2;
	[dreg:$0x19] =	wrdreg s8;
	v20 =	vmul.f32 v21, v20;
	v7 =	vmovc v53;
	v17 =	vadd.f32 v17, v18;
	v2 =	vperm.xlane v16, v13  }
0x3ac: {  	s16 =	sor.u32 $0x450, s2;
	s8 =	sor.u32 $0x450, s11;
	[dreg:$0x18] =	wrdreg s22;
	[tilespmem:$0x1FD20] =	vst v7;
	v7 =	vperm.xlane v12, v4;
	v3 =	vmul.f32 v26, v54  }
0x3ad: {  	[dreg:$0x1e] =	wrdreg s8;
	s8 =	sor.u32 $0x460, s11;
	[tilespmem:s17+$0xE0] =	vst v8;
	v8 =	vld [tilespmem:s9+$0x2000];
	s9 =	spop (v2sf);
	v23 =	vmul.f32 v24, v23;
	v24 =	vperm.xlane v17, v11  }
0x3ae: {  	[dreg:$0x17] =	wrdreg s8;
	s8 =	smov.u32 s14;
	s22 =	spop (v2sf);
	v2 =	vadd.f32 v2, v16;
	v60 =	vadd.f32 v3, v1;
	v21 =	vmul.f32 v28, v57  }
0x3af: {  	s14 =	sor.u32 $0x470, s2;
	v44 =	vld [tilespmem:s0+$0x40];
	s2 =	sand.u32 $0x7, s9;
	s22 =	sand.u32 $0x7, s22;
	v63 =	vperm.xlane v20, v4;
	v12 =	vadd.f32 v7, v12;
	v17 =	vadd.f32 v24, v17  }
0x3b0: {  	s2 =	sshll.u32 s2, $0x4;
	v45 =	vld [tilespmem:s0+$0x10];
	s22 =	sshll.u32 s22, $0x4;
	v24 =	vperm.xlane v2, v14;
	v16 =	vadd.f32 v21, v60;
	v21 =	vperm.xlane v23, v4  }
0x3b1: {  	[tilespmem:$0x1FD30] =	vst v59;
	s9 =	sadd.s32 s28, s2;
	v59 =	vld [tilespmem:s0+$0xB0];
	s2 =	sadd.s32 s17, s22;
	v20 =	vadd.f32 v63, v20;
	v53 =	vperm.xlane v12, v11  }
0x3b2: {  	v43 =	vld [tilespmem:s0+$0x110];
	v54 =	vperm.xlane v17, v13;
	v2 =	vadd.f32 v24, v2;
	[tilespmem:s2+$0x6180] =	vst v16;
	v16 =	vadd.f32 v21, v23  }
0x3b3: {  	v58 =	vld [tilespmem:s0+$0x130];
	v12 =	vadd.f32 v53, v12;
	v21 =	vperm.xlane v20, v11  }
0x3b4: {  	v10 =	vld [tilespmem:s0+$0x90];
	v17 =	vadd.f32 v54, v17;
	v2 =	vmul.f32 $1.442695020e+00, v2;
	v23 =	vperm.xlane v16, v11  }
0x3b5: {  	v19 =	vmul.f32 v25, v19;
	v18 =	vld [tilespmem:s3+$0x40];
	s5 =	spop (v2sf);
	v60 =	vperm.xlane v12, v13;
	v20 =	vadd.f32 v21, v20  }
0x3b6: {  	[smem:$0x7DB] =	sst s16;
	s16 =	smov.u32 s12;
	s2 =	sand.u32 $0x7, s5;
	v63 =	vperm.xlane v17, v14;
	(erf) = vpow2.f32 v2;
	v21 =	vld [tilespmem:s15+$0x40];
	v16 =	vadd.f32 v23, v16  }
0x3b7: {  	[dreg:$0xc] =	wrdreg s16;
	v56 =	vadd.f32 v56, v39;
	v7 =	vld [tilespmem:s0+$0x120];
	s16 =	spop (v2sf);
	s2 =	sshll.u32 s2, $0x4;
	v12 =	vadd.f32 v60, v12;
	v60 =	vperm.xlane v20, v13  }
0x3b8: {  	v15 =	vadd.f32 v19, v15;
	v1 =	vld [tilespmem:s0+$0x20];
	s22 =	sand.u32 $0x7, s16;
	s5 =	rddreg [dreg:$0xf];
	s2 =	sadd.s32 s28, s2;
	v17 =	vadd.f32 v63, v17;
	v53 =	vperm.xlane v16, v13  }
0x3b9: {  	v2 =	vadd.f32 v62, v36;
	v36 =	vmovc v46;
	[smem:$0x7DC] =	sst s2;
	s2 =	sshll.u32 s22, $0x4;
	v23 =	vld [tilespmem:s23+$0x40];
	v46 =	vperm.xlane v12, v14;
	v19 =	vadd.f32 v60, v20  }
0x3ba: {  	v18 =	vmul.f32 v18, v34;
	s22 =	smov.u32 s20;
	s20 =	rddreg [dreg:$0xa];
	s2 =	sadd.s32 s28, s2;
	v17 =	vmul.f32 $1.442695020e+00, v17;
	v20 =	vld [tilespmem:s0+$0x140];
	v16 =	vadd.f32 v53, v16  }
0x3bb: {  	[smem:$0x7DD] =	sst s2;
	v63 =	vadd.f32 v46, v12;
	v12 =	vld [tilespmem:s5+$0x2000];
	s5 =	sor.u32 $0x440, s18;
	v21 =	vmul.f32 v21, v37;
	v62 =	vperm.xlane v19, v14  }
0x3bc: {  	v55 =	vadd.f32 v55, v61;
	v39 =	vmovc v15;
	s2 =	rddreg [dreg:$0x11];
	(erf) = vpow2.f32 v17;
	v17 =	vld [tilespmem:s5+$0x2000];
	v15 =	vperm.xlane v16, v14  }
0x3bd: {  	v24 =	vmul.f32 v27, v49;
	v46 =	vld [tilespmem:s2+$0x2000];
	s2 =	sadd.s32 $0x4, s20;
	v49 =	vmul.f32 $1.442695020e+00, v63;
	v19 =	vadd.f32 v62, v19  }
0x3be: {  	v3 =	vld [tilespmem:s0+$0xA0];
	[dreg:$0xa] =	wrdreg s2;
	s2 =	sand.u32 $0x7, s2;
	v61 =	vmul.f32 v23, v35;
	v63 =	vperm.xlane v21, v4;
	v15 =	vadd.f32 v15, v16  }
0x3bf: {  	s16 =	smov.u32 s17;
	v54 =	vld [tilespmem:s0+$0xC0];
	[dreg:$0xf] =	wrdreg s22;
	s22 =	sshll.u32 s2, $0x7;
	(erf) = vpow2.f32 v49;
	v23 =	vpop (erf);
	v19 =	vmul.f32 $1.442695020e+00, v19  }
0x3c0: {  	v57 =	vld [tilespmem:s0+$0x30];
	s17 =	smov.u32 s1;
	s1 =	smov.u32 s0;
	s0 =	sadd.s32 s22, s25;
	v35 =	vmovc v20;
	v20 =	vadd.f32 v24, v2;
	v16 =	vperm.xlane v18, v4;
	v2 =	vmul.f32 $1.442695020e+00, v15  }
0x3c1: {  	[dreg:$0x8] =	wrdreg s25;
	s25 =	sadd.s32 $0x180, s0;
	v17 =	vmul.f32 v23, v17;
	(erf) = vpow2.f32 v19  }
0x3c2: {  	s28 =	sor.u32 $0x400, s25;
	v19 =	vadd.f32 v63, v21;
	(erf) = vpow2.f32 v2  }
0x3c3: {  	v15 =	vadd.f32 v16, v18;
	v16 =	vperm.xlane v61, v4;
	v18 =	vld [tilespmem:s28+$0x2000];
	[tilespmem:s17+$0x1C0] =	vst v17  }
0x3c4: {  	v37 =	vmov v54;
	v62 =	vmul.f32 v26, v5;
	v63 =	vld [tilespmem:s19+$0x50];
	v54 =	vperm.xlane v19, v11  }
0x3c5: {  	s7 =	sor.u32 $0x440, s11;
	v2 =	vperm.xlane v15, v11;
	v16 =	vadd.f32 v16, v61;
	v61 =	vld [tilespmem:s17+$0x1D0]  }
0x3c6: {  	v22 =	vmul.f32 v26, v6;
	v47 =	vmul.f32 v26, v47;
	s20 =	smov.u32 s7;
	s5 =	rddreg [dreg:$0x10];
	v19 =	vadd.f32 v54, v19  }
0x3c7: {  	[dreg:$0x10] =	wrdreg s20;
	s20 =	sadd.s32 $0x80, s0;
	v17 =	vmul.f32 v28, v48;
	v24 =	vpop (erf);
	v15 =	vadd.f32 v2, v15;
	v2 =	vperm.xlane v16, v11  }
0x3c8: {  	s7 =	sor.u32 $0x400, s20;
	v48 =	vmul.f32 v24, v18;
	v18 =	vadd.f32 v62, v55;
	v62 =	vpop (erf);
	v25 =	vperm.xlane v19, v13  }
0x3c9: {  	s22 =	sor.u32 $0x420, s20;
	v21 =	vld [tilespmem:s7+$0x2000];
	v54 =	vperm.xlane v15, v13;
	v16 =	vadd.f32 v2, v16;
	v26 =	vmul.f32 v62, v8  }
0x3ca: {  	v53 =	vld [tilespmem:s5+$0x2000];
	s5 =	sor.u32 $0x430, s20;
	[smem:$0x7DE] =	sst s22;
	v19 =	vadd.f32 v25, v19;
	v25 =	vmul.f32 v63, v61;
	v61 =	vmul.f32 v30, v62;
	v62 =	vpop (erf)  }
0x3cb: {  	v60 =	vmul.f32 v27, v50;
	[dreg:$0x1a] =	wrdreg s5;
	[tilespmem:s1+$0x180] =	vst v48;
	v48 =	vld [tilespmem:s1+$0x190];
	v55 =	vadd.f32 v54, v15;
	v15 =	vperm.xlane v16, v13;
	v8 =	vpop (erf)  }
0x3cc: {  	s22 =	sor.u32 $0x440, s20;
	s5 =	rddreg [dreg:$0x6];
	v54 =	vmul.f32 v28, v51;
	v51 =	vld [tilespmem:s21+$0x10];
	v9 =	vmul.f32 v8, v9  }
0x3cd: {  	v60 =	vadd.f32 v60, v56;
	v56 =	vmul.f32 v28, v52;
	[dreg:$0x11] =	wrdreg s22;
	v63 =	vld [tilespmem:s5+$0x70];
	[tilespmem:s1+$0x0] =	vst v26;
	v52 =	vperm.xlane v55, v14  }
0x3ce: {  	s5 =	smov.u32 s18;
	s18 =	smov.u32 s3;
	s3 =	smov.u32 s6;
	v16 =	vadd.f32 v15, v16;
	v21 =	vmul.f32 v62, v21;
	v26 =	vperm.xlane v25, v4;
	[tilespmem:s1+$0x100] =	vst v9;
	v9 =	vld [tilespmem:$0x1FCF0]  }
0x3cf: {  	s22 =	rddreg [dreg:$0x7];
	v15 =	vadd.f32 v22, v20;
	v22 =	vld [tilespmem:s3+$0x10];
	v27 =	vperm.xlane v19, v14;
	v55 =	vadd.f32 v52, v55  }
0x3d0: {  	s0 =	smov.u32 s15;
	s15 =	smov.u32 s4;
	v20 =	vld [tilespmem:s22+$0x70];
	[tilespmem:s1+$0x80] =	vst v21;
	v21 =	vmul.f32 v30, v62;
	v62 =	vperm.xlane v16, v14;
	v25 =	vadd.f32 v26, v25  }
0x3d1: {  	v19 =	vadd.f32 v27, v19;
	v26 =	vld [tilespmem:s15+$0x10];
	v48 =	vmul.f32 v51, v48  }
0x3d2: {  	v51 =	vmul.f32 $1.442695020e+00, v55;
	v16 =	vadd.f32 v62, v16;
	v55 =	vperm.xlane v25, v11;
	v27 =	vld [tilespmem:s24+$0x10]  }
0x3d3: {  	v29 =	vld [tilespmem:$0x1FE10];
	v28 =	vmul.f32 v63, v9;
	v9 =	vmov v33;
	v33 =	vperm.xlane v48, v4  }
0x3d4: {  	v22 =	vmul.f32 v22, v45;
	v45 =	vmul.f32 $1.442695020e+00, v16;
	v16 =	vld [tilespmem:$0x1FD00]  }
0x3d5: {  	v25 =	vadd.f32 v55, v25;
	v55 =	vadd.f32 v33, v48  }
0x3d6: {  	v48 =	vadd.f32 $0.0e+00, v21;
	v21 =	vmul.f32 v26, v10  }
0x3d7: {  	v26 =	vmul.f32 v27, v43;
	v27 =	vperm.xlane v55, v11;
	_ =	sdelay $0x1  }
0x3d8: {  	v20 =	vmul.f32 v20, v16;
	v16 =	vmovc v29;
	v29 =	vperm.xlane v26, v4;
	v27 =	vadd.f32 v27, v55;
	_ =	sdelay $0x1  }
0x3d9: {  	[tilespmem:$0x1FD00] =	vst v16;
	v16 =	vld [tilespmem:s1+$0xF0];
	v26 =	vadd.f32 v29, v26;
	v29 =	vperm.xlane v27, v13  }
0x3da: {  	(erf) = vpow2.f32 v51;
	v51 =	vld [tilespmem:s29+$0x70]  }
0x3db: {  	v19 =	vmul.f32 $1.442695020e+00, v19;
	v10 =	vperm.xlane v25, v13;
	v27 =	vadd.f32 v29, v27;
	v29 =	vld [tilespmem:$0x1FD10]  }
0x3dc: {  	v43 =	vperm.xlane v22, v4  }
0x3dd: {  	(erf) = vpow2.f32 v19;
	v25 =	vadd.f32 v10, v25  }
0x3de: {  	v19 =	vadd.f32 v43, v22;
	[tilespmem:$0x1FE10] =	vst v16;
	v16 =	vadd.f32 v47, v60;
	v47 =	vperm.xlane v21, v4  }
0x3df: {  	v22 =	vperm.xlane v25, v14;
	v60 =	vld [tilespmem:s1+$0x170]  }
0x3e0: {  	v43 =	vperm.xlane v19, v11;
	v21 =	vadd.f32 v47, v21;
	v29 =	vmul.f32 v51, v29;
	v51 =	vld [tilespmem:$0x1FE20]  }
0x3e1: {  	(erf) = vpow2.f32 v45  }
0x3e2: {  	v34 =	vmovc v44;
	v44 =	vld [tilespmem:s1+$0xD0];
	v22 =	vadd.f32 v22, v25;
	v25 =	vperm.xlane v26, v11;
	v45 =	vperm.xlane v21, v11  }
0x3e3: {  	v50 =	vld [tilespmem:s1+$0x50];
	v19 =	vadd.f32 v43, v19  }
0x3e4: {  	v52 =	vld [tilespmem:s26+$0x2000];
	s26 =	sld [smem:$0x7D9];
	v43 =	vpop (erf);
	v25 =	vadd.f32 v25, v26;
	v21 =	vadd.f32 v45, v21  }
0x3e5: {  	v5 =	vld [tilespmem:s1+$0x60];
	v12 =	vmul.f32 v43, v12;
	v26 =	vperm.xlane v27, v14;
	v47 =	vmovc v51;
	v51 =	vmov v60  }
0x3e6: {  	v17 =	vadd.f32 v17, v38;
	v33 =	vld [tilespmem:s1+$0x70];
	v60 =	vperm.xlane v19, v13;
	[tilespmem:$0x1FE20] =	vst v51;
	v51 =	vperm.xlane v21, v13  }
0x3e7: {  	v10 =	vld [tilespmem:s26+$0x2000];
	v22 =	vmul.f32 $1.442695020e+00, v22;
	[tilespmem:s17+$0x40] =	vst v12;
	v26 =	vadd.f32 v26, v27  }
0x3e8: {  	v27 =	vperm.xlane v28, v4;
	v12 =	vadd.f32 v60, v19;
	v19 =	vld [tilespmem:s18+$0x50];
	[tilespmem:s9+$0x6000] =	vst v17;
	v17 =	vadd.f32 v51, v21  }
0x3e9: {  	v6 =	vld [tilespmem:s1+$0xE0];
	(erf) = vpow2.f32 v22;
	v22 =	vperm.xlane v25, v13  }
0x3ea: {  	v49 =	vld [tilespmem:s1+$0x150];
	v21 =	vmul.f32 $1.442695020e+00, v26;
	v26 =	vadd.f32 v27, v28;
	v27 =	vperm.xlane v17, v14  }
0x3eb: {  	v2 =	vld [tilespmem:s1+$0x160];
	s22 =	smov.u32 s23;
	s23 =	sld [smem:$0x7DA]  }
0x3ec: {  	s2 =	sor.u32 $0x410, s20;
	v38 =	vmovc v18;
	v18 =	vadd.f32 v22, v25;
	v22 =	vperm.xlane v12, v14;
	v17 =	vadd.f32 v27, v17;
	v27 =	vld [tilespmem:$0x1FD40]  }
0x3ed: {  	v62 =	vld [tilespmem:s2+$0x2000];
	[tilespmem:$0x1FD10] =	vst v47;
	v47 =	vpop (erf)  }
0x3ee: {  	s13 =	sor.u32 $0x410, s11;
	v63 =	vld [tilespmem:s23+$0x2000];
	v60 =	vperm.xlane v20, v4;
	v25 =	vmul.f32 v47, v46;
	v12 =	vadd.f32 v22, v12  }
0x3ef: {  	s4 =	smov.u32 s24;
	s24 =	rddreg [dreg:$0x1f];
	[tilespmem:$0x1FCF0] =	vst v9;
	v9 =	vadd.f32 $0.0e+00, v61;
	v61 =	vld [tilespmem:s13+$0x2000];
	v46 =	vpop (erf);
	(erf) = vpow2.f32 v21  }
0x3f0: {  	s23 =	rddreg [dreg:$0x1d];
	v55 =	vld [tilespmem:s24+$0x2000];
	v20 =	vadd.f32 v60, v20;
	[tilespmem:s17+$0xC0] =	vst v25;
	v25 =	vmul.f32 v46, v53;
	v60 =	vmul.f32 $1.442695020e+00, v12  }
0x3f1: {  	s6 =	smov.u32 s0;
	s0 =	sor.u32 $0x450, s5;
	v51 =	vld [tilespmem:s23+$0x2000];
	v17 =	vmul.f32 $1.442695020e+00, v17;
	v19 =	vmul.f32 v19, v27  }
0x3f2: {  	v28 =	vperm.xlane v29, v4;
	v21 =	vld [tilespmem:s0+$0x2000];
	v45 =	vpop (erf);
	(erf) = vpow2.f32 v60  }
0x3f3: {  	s11 =	sor.u32 $0x470, s11;
	s2 =	rddreg [dreg:$0xb];
	s13 =	smov.u32 s14;
	[tilespmem:s17+$0x140] =	vst v25;
	(erf) = vpow2.f32 v17;
	v17 =	vld [tilespmem:$0x1FD60];
	v25 =	vperm.xlane v19, v4  }
0x3f4: {  	[dreg:$0xb] =	wrdreg s13;
	s13 =	smov.u32 s8;
	s23 =	sor.u32 $0x410, s25;
	v22 =	vperm.xlane v18, v14;
	v27 =	vld [tilespmem:s6+$0x50]  }
0x3f5: {  	s8 =	smov.u32 s11;
	s26 =	smov.u32 s2;
	s2 =	rddreg [dreg:$0xd];
	v28 =	vadd.f32 v28, v29;
	v29 =	vld [tilespmem:s23+$0x2000];
	v53 =	vmovc v50;
	v19 =	vadd.f32 v25, v19;
	v25 =	vperm.xlane v20, v11  }
0x3f6: {  	[dreg:$0xd] =	wrdreg s8;
	[tilespmem:$0x1FD40] =	vst v53;
	v18 =	vadd.f32 v22, v18;
	v53 =	vld [tilespmem:s22+$0x50]  }
0x3f7: {  	s8 =	rddreg [dreg:$0xe];
	v21 =	vmul.f32 v45, v21;
	v20 =	vadd.f32 v25, v20;
	v25 =	vld [tilespmem:$0x1FD70]  }
0x3f8: {  	v12 =	vld [tilespmem:s8+$0x2000];
	v22 =	vperm.xlane v26, v11;
	v18 =	vmul.f32 $1.442695020e+00, v18  }
0x3f9: {  	s8 =	sld [smem:$0x7DC];
	[tilespmem:s17+$0x1D0] =	vst v21;
	v21 =	vld [tilespmem:s17+$0x1E0];
	v17 =	vmul.f32 v27, v17;
	v27 =	vmov v44;
	v50 =	vperm.xlane v19, v11  }
0x3fa: {  	s24 =	sld [smem:$0x7DB];
	v22 =	vadd.f32 v22, v26;
	v26 =	vadd.f32 v56, v40;
	(erf) = vpow2.f32 v18;
	v44 =	vpop (erf);
	[tilespmem:$0x1FD60] =	vst v27;
	v27 =	vld [tilespmem:s19+$0x60]  }
0x3fb: {  	s28 =	sor.u32 $0x450, s20;
	v40 =	vmov v15;
	v29 =	vmul.f32 v44, v29;
	v18 =	vadd.f32 v50, v19  }
0x3fc: {  	s11 =	smov.u32 s28;
	s28 =	smov.u32 s16;
	s16 =	sld [smem:$0x7DD];
	[tilespmem:s8+$0x6080] =	vst v26;
	v26 =	vadd.f32 v54, v42;
	v15 =	vperm.xlane v17, v4;
	v25 =	vmul.f32 v53, v25  }
0x3fd: {  	s9 =	smov.u32 s24;
	s24 =	rddreg [dreg:$0x1c];
	v54 =	vmov v49;
	v49 =	vperm.xlane v22, v13;
	[tilespmem:s1+$0x190] =	vst v29;
	v29 =	vperm.xlane v18, v13  }
0x3fe: {  	v60 =	vld [tilespmem:s24+$0x2000];
	v42 =	vmovc v16;
	v15 =	vadd.f32 v15, v17;
	v53 =	vperm.xlane v28, v11;
	v17 =	vperm.xlane v25, v4  }
0x3ff: {  	[tilespmem:s16+$0x6100] =	vst v26;
	v26 =	vld [tilespmem:s1+$0x1A0];
	v50 =	vperm.xlane v20, v13;
	v21 =	vmul.f32 v27, v21;
	v18 =	vadd.f32 v29, v18  }
0x400: {  	v16 =	vpop (erf);
	v56 =	vperm.xlane v15, v11;
	v19 =	vadd.f32 v53, v28;
	v28 =	vld [tilespmem:s21+$0x20];
	v17 =	vadd.f32 v17, v25  }
0x401: {  	v22 =	vadd.f32 v49, v22;
	v49 =	vperm.xlane v21, v4;
	v53 =	vmul.f32 v16, v52  }
0x402: {  	[tilespmem:$0x1FD70] =	vst v54;
	v27 =	vadd.f32 v56, v15;
	v52 =	vpop (erf);
	v54 =	vperm.xlane v18, v14;
	v29 =	vperm.xlane v17, v11  }
0x403: {  	v56 =	vmul.f32 v52, v62;
	v15 =	vpop (erf);
	v25 =	vperm.xlane v19, v13;
	v21 =	vadd.f32 v49, v21  }
0x404: {  	[tilespmem:s1+$0x10] =	vst v53;
	v62 =	vperm.xlane v27, v13;
	v17 =	vadd.f32 v29, v17;
	v29 =	vmul.f32 v15, v61  }
0x405: {  	[tilespmem:s1+$0x90] =	vst v56;
	v26 =	vmul.f32 v28, v26;
	v28 =	vld [tilespmem:s3+$0x20];
	v61 =	vperm.xlane v21, v11  }
0x406: {  	v49 =	vperm.xlane v22, v14;
	v19 =	vadd.f32 v25, v19;
	v25 =	vld [tilespmem:s15+$0x20];
	v27 =	vadd.f32 v62, v27;
	[tilespmem:s1+$0x110] =	vst v29  }
0x407: {  	v18 =	vadd.f32 v54, v18;
	v29 =	vperm.xlane v26, v4;
	v21 =	vadd.f32 v61, v21;
	v54 =	vld [tilespmem:s4+$0x20]  }
0x408: {  	v20 =	vadd.f32 v50, v20;
	v50 =	vperm.xlane v27, v14  }
0x409: {  	v22 =	vadd.f32 v49, v22;
	v26 =	vadd.f32 v29, v26;
	v62 =	vperm.xlane v21, v13  }
0x40a: {  	v53 =	vperm.xlane v17, v13;
	v27 =	vadd.f32 v50, v27;
	v1 =	vmul.f32 v28, v1  }
0x40b: {  	v3 =	vmul.f32 v25, v3;
	v28 =	vperm.xlane v26, v11;
	v21 =	vadd.f32 v62, v21  }
0x40c: {  	v29 =	vadd.f32 v53, v17;
	v53 =	vperm.xlane v1, v4;
	v7 =	vmul.f32 v54, v7  }
0x40d: {  	v26 =	vadd.f32 v28, v26;
	v28 =	vperm.xlane v3, v4;
	v50 =	vperm.xlane v21, v14  }
0x40e: {  	v56 =	vmul.f32 $1.442695020e+00, v18;
	v1 =	vadd.f32 v53, v1;
	v49 =	vperm.xlane v7, v4  }
0x40f: {  	v62 =	vperm.xlane v26, v13;
	v3 =	vadd.f32 v28, v3;
	v21 =	vadd.f32 v50, v21  }
0x410: {  	v25 =	vperm.xlane v29, v14;
	v28 =	vperm.xlane v1, v11;
	v7 =	vadd.f32 v49, v7  }
0x411: {  	v26 =	vadd.f32 v62, v26;
	v62 =	vperm.xlane v3, v11;
	v21 =	vmul.f32 $1.442695020e+00, v21  }
0x412: {  	v25 =	vadd.f32 v25, v29;
	v1 =	vadd.f32 v28, v1;
	v28 =	vperm.xlane v7, v11  }
0x413: {  	v29 =	vperm.xlane v26, v14;
	v3 =	vadd.f32 v62, v3;
	(erf) = vpow2.f32 v21  }
0x414: {  	v21 =	vperm.xlane v1, v13;
	(erf) = vpow2.f32 v56  }
0x415: {  	v7 =	vadd.f32 v28, v7;
	v26 =	vadd.f32 v29, v26;
	v28 =	vperm.xlane v3, v13  }
0x416: {  	v27 =	vmul.f32 $1.442695020e+00, v27;
	v25 =	vmul.f32 $1.442695020e+00, v25;
	v1 =	vadd.f32 v21, v1  }
0x417: {  	v21 =	vperm.xlane v7, v13;
	v26 =	vmul.f32 $1.442695020e+00, v26;
	v3 =	vadd.f32 v28, v3  }
0x418: {  	(erf) = vpow2.f32 v27;
	v28 =	vperm.xlane v1, v14  }
0x419: {  	v7 =	vadd.f32 v21, v7;
	(erf) = vpow2.f32 v26;
	v26 =	vperm.xlane v3, v14  }
0x41a: {  	s8 =	sor.u32 $0x460, s5;
	v16 =	vmul.f32 v31, v16;
	v1 =	vadd.f32 v28, v1  }
0x41b: {  	s24 =	sld [smem:$0x7DE];
	v21 =	vld [tilespmem:s8+$0x2000];
	(erf) = vpow2.f32 v25;
	v25 =	vperm.xlane v7, v14;
	v3 =	vadd.f32 v26, v3  }
0x41c: {  	v16 =	vadd.f32 v16, v9;
	v1 =	vmul.f32 $1.442695020e+00, v1;
	v54 =	vpop (erf)  }
0x41d: {  	v9 =	vld [tilespmem:$0x1FD50];
	v22 =	vmul.f32 $1.442695020e+00, v22;
	v7 =	vadd.f32 v25, v7;
	v3 =	vmul.f32 $1.442695020e+00, v3;
	v56 =	vpop (erf)  }
0x41e: {  	s23 =	rddreg [dreg:$0x1b];
	v18 =	vld [tilespmem:s24+$0x2000];
	(erf) = vpow2.f32 v1;
	v1 =	vmul.f32 v56, v51  }
0x41f: {  	s16 =	sor.u32 $0x420, s25;
	v61 =	vld [tilespmem:s23+$0x2000];
	v7 =	vmul.f32 $1.442695020e+00, v7;
	(erf) = vpow2.f32 v3  }
0x420: {  	v27 =	vperm.xlane v20, v14;
	v25 =	vld [tilespmem:s16+$0x2000];
	v21 =	vmul.f32 v54, v21  }
0x421: {  	s7 =	sor.u32 $0x460, s20;
	s20 =	sor.u32 $0x470, s20;
	[dreg:$0xe] =	wrdreg s11;
	v49 =	vpop (erf);
	v3 =	vld [tilespmem:s17+$0x1F0];
	[tilespmem:s17+$0x50] =	vst v1;
	(erf) = vpow2.f32 v7  }
0x422: {  	s14 =	smov.u32 s20;
	s20 =	smov.u32 s2;
	s2 =	rddreg [dreg:$0x1e];
	v20 =	vadd.f32 v27, v20;
	[tilespmem:s17+$0x1E0] =	vst v21;
	v53 =	vpop (erf);
	(erf) = vpow2.f32 v22;
	v22 =	vld [tilespmem:s18+$0x60]  }
0x423: {  	s11 =	smov.u32 s2;
	s2 =	rddreg [dreg:$0x19];
	v27 =	vperm.xlane v19, v14;
	v1 =	vmul.f32 v49, v12;
	v21 =	vld [tilespmem:s19+$0x70]  }
0x424: {  	v17 =	vld [tilespmem:s2+$0x2000];
	v20 =	vmul.f32 $1.442695020e+00, v20;
	v28 =	vmul.f32 v31, v15  }
0x425: {  	v29 =	vld [tilespmem:$0x1FF80];
	[tilespmem:s17+$0xD0] =	vst v1;
	v12 =	vmul.f32 v53, v25;
	v50 =	vpop (erf);
	v25 =	vmul.f32 v30, v8  }
0x426: {  	v51 =	vmul.f32 v31, v52;
	v15 =	vld [tilespmem:s6+$0x60];
	v1 =	vmul.f32 v50, v60  }
0x427: {  	s24 =	smov.u32 s21;
	(erf) = vpow2.f32 v20;
	[tilespmem:s1+$0x1A0] =	vst v12;
	v12 =	vld [tilespmem:s1+$0x1B0];
	v30 =	vadd.f32 $0.0e+00, v25;
	v8 =	vpop (erf);
	v52 =	vmul.f32 v22, v9  }
0x428: {  	v20 =	vld [tilespmem:s24+$0x30];
	[tilespmem:s17+$0x150] =	vst v1;
	v21 =	vmul.f32 v21, v3;
	v26 =	vmul.f32 v8, v61;
	v3 =	vpop (erf)  }
0x429: {  	s2 =	rddreg [dreg:$0x12];
	v22 =	vld [tilespmem:s22+$0x60];
	v61 =	vadd.f32 v28, v30;
	v18 =	vmul.f32 v3, v18;
	v28 =	vperm.xlane v52, v4  }
0x42a: {  	[dreg:$0x7] =	wrdreg s6;
	v19 =	vadd.f32 v27, v19;
	v27 =	vmul.f32 v29, v8;
	v8 =	vld [tilespmem:s2+$0x2000];
	v25 =	vperm.xlane v21, v4  }
0x42b: {  	s21 =	rddreg [dreg:$0x16];
	[tilespmem:s1+$0xA0] =	vst v18;
	v18 =	vadd.f32 v28, v52;
	v52 =	vld [tilespmem:$0x1FD80]  }
0x42c: {  	v19 =	vmul.f32 $1.442695020e+00, v19;
	v7 =	vld [tilespmem:s21+$0x2000];
	s6 =	rddreg [dreg:$0x13];
	v1 =	vpop (erf);
	v21 =	vadd.f32 v25, v21  }
0x42d: {  	v9 =	vld [tilespmem:s6+$0x2000];
	[tilespmem:s1+$0x20] =	vst v26;
	v60 =	vadd.f32 v27, v16;
	v16 =	vmul.f32 v1, v17;
	v12 =	vmul.f32 v20, v12  }
0x42e: {  	v62 =	vadd.f32 v51, v48;
	(erf) = vpow2.f32 v19;
	v17 =	vld [tilespmem:s3+$0x30];
	v19 =	vperm.xlane v21, v11  }
0x42f: {  	v20 =	vld [tilespmem:s15+$0x30];
	v22 =	vmul.f32 v22, v32;
	v25 =	vmov v5;
	[tilespmem:s1+$0x120] =	vst v16;
	v16 =	vperm.xlane v12, v4  }
0x430: {  	v48 =	vpop (erf);
	[tilespmem:$0x1FD50] =	vst v25;
	v26 =	vperm.xlane v18, v11;
	v25 =	vld [tilespmem:s4+$0x30];
	v19 =	vadd.f32 v19, v21;
	v15 =	vmul.f32 v15, v52  }
0x431: {  	v5 =	vmovc v6;
	v21 =	vmul.f32 v48, v10;
	v6 =	vadd.f32 v16, v12;
	v16 =	vperm.xlane v22, v4  }
0x432: {  	v32 =	vperm.xlane v19, v13;
	v27 =	vperm.xlane v15, v4  }
0x433: {  	v30 =	vmovc v2;
	v2 =	vadd.f32 v26, v18;
	v17 =	vmul.f32 v17, v57;
	v26 =	vperm.xlane v6, v11  }
0x434: {  	[dreg:$0x6] =	wrdreg s18;
	v16 =	vadd.f32 v16, v22;
	v20 =	vmul.f32 v20, v59;
	v15 =	vadd.f32 v27, v15  }
0x435: {  	s18 =	rddreg [dreg:$0x15];
	[tilespmem:$0x1FD80] =	vst v5;
	v22 =	vperm.xlane v17, v4;
	v25 =	vmul.f32 v25, v58;
	v6 =	vadd.f32 v26, v6  }
0x436: {  	v5 =	vld [tilespmem:s18+$0x2000];
	[tilespmem:s28+$0x70] =	vst v21;
	v18 =	vadd.f32 v32, v19;
	v26 =	vperm.xlane v20, v4;
	v21 =	vperm.xlane v15, v11  }
0x437: {  	v17 =	vadd.f32 v22, v17;
	v22 =	vperm.xlane v25, v4;
	v27 =	vperm.xlane v6, v13  }
0x438: {  	v20 =	vadd.f32 v26, v20;
	v15 =	vadd.f32 v21, v15;
	v21 =	vperm.xlane v18, v14  }
0x439: {  	v26 =	vperm.xlane v16, v11;
	v6 =	vadd.f32 v27, v6  }
0x43a: {  	v22 =	vadd.f32 v22, v25;
	v25 =	vperm.xlane v20, v11;
	v18 =	vadd.f32 v21, v18  }
0x43b: {  	v16 =	vadd.f32 v26, v16;
	v26 =	vperm.xlane v6, v14;
	v21 =	vperm.xlane v17, v11  }
0x43c: {  	v20 =	vadd.f32 v25, v20;
	v25 =	vperm.xlane v2, v13;
	v18 =	vmul.f32 $1.442695020e+00, v18  }
0x43d: {  	v52 =	vpop (erf);
	v17 =	vadd.f32 v21, v17;
	v21 =	vperm.xlane v22, v11  }
0x43e: {  	v51 =	vpop (erf);
	v6 =	vadd.f32 v26, v6;
	v2 =	vadd.f32 v25, v2;
	(erf) = vpow2.f32 v18  }
0x43f: {  	v25 =	vperm.xlane v15, v13;
	v58 =	vperm.xlane v17, v13;
	v21 =	vadd.f32 v21, v22  }
0x440: {  	v6 =	vmul.f32 $1.442695020e+00, v6;
	v22 =	vperm.xlane v20, v13  }
0x441: {  	v17 =	vadd.f32 v58, v17;
	v59 =	vperm.xlane v21, v13  }
0x442: {  	s16 =	smov.u32 s22;
	s22 =	sor.u32 $0x470, s5;
	v15 =	vadd.f32 v25, v15;
	(erf) = vpow2.f32 v6;
	v20 =	vadd.f32 v22, v20  }
0x443: {  	v6 =	vld [tilespmem:s22+$0x2000];
	v22 =	vperm.xlane v16, v13;
	v25 =	vperm.xlane v17, v14;
	v18 =	vadd.f32 v59, v21  }
0x444: {  	v21 =	vperm.xlane v20, v14  }
0x445: {  	v16 =	vadd.f32 v22, v16;
	v17 =	vadd.f32 v25, v17;
	v22 =	vperm.xlane v18, v14  }
0x446: {  	s18 =	smov.u32 s25;
	v26 =	vperm.xlane v2, v14;
	v25 =	vperm.xlane v15, v14;
	v20 =	vadd.f32 v21, v20  }
0x447: {  	s25 =	sor.u32 $0x430, s18;
	v21 =	vperm.xlane v16, v14;
	v17 =	vmul.f32 $1.442695020e+00, v17;
	v18 =	vadd.f32 v22, v18;
	v57 =	vpop (erf)  }
0x448: {  	s31 =	sadd.s32 $0x4, s31;
	v2 =	vadd.f32 v26, v2;
	v20 =	vmul.f32 $1.442695020e+00, v20;
	v22 =	vld [tilespmem:s25+$0x2000];
	v6 =	vmul.f32 v57, v6  }
0x449: {  	p1 =	slt.u32 s31, $0x3C;
	s29 =	rddreg [dreg:$0x9];
	v32 =	vld [tilespmem:s12+$0xFFFFFFFE];
	v15 =	vadd.f32 v25, v15;
	v18 =	vmul.f32 $1.442695020e+00, v18;
	(erf) = vpow2.f32 v17  }
.Ltmp7:
0x44a: {  	s23 =	rddreg [dreg:$0x18];
	v16 =	vadd.f32 v21, v16;
	v17 =	vmul.f32 $1.442695020e+00, v2;
	(erf) = vpow2.f32 v20;
	(pc) =	sbr.rel @p1 .LBB2_8-.Ltmp7, $4  }
0x44b: {  	s21 =	rddreg [dreg:$0x14];
	[tilespmem:s17+$0x1F0] =	vst v6;
	(erf) = vpow2.f32 v18;
	v6 =	vmul.f32 $1.442695020e+00, v15  }
0x44c: {  	s10 =	sadd.s32 $0x2, s10;
	p6 =	por !p6, !p6;
	s19 =	rddreg [dreg:$0x1a];
	v10 =	vld [tilespmem:s21+$0x2000];
	v2 =	vpop (erf);
	v16 =	vmul.f32 $1.442695020e+00, v16;
	(erf) = vpow2.f32 v17  }
0x44d: {  	s2 =	smov.u32 s7;
	s7 =	rddreg [dreg:$0x17];
	v12 =	vld [tilespmem:s19+$0x2000];
	s12 =	sadd.s32 $0x4, s12;
	v15 =	vmul.f32 v2, v22;
	(erf) = vpow2.f32 v6  }
0x44e: {  	s8 =	smov.u32 s23;
	s23 =	smov.u32 s4;
	s6 =	smov.u32 s7;
	(v2sf) =	vpush v32, $0x0;
	v59 =	vld [tilespmem:s12+$0x1];
	v6 =	vmul.f32 v52, v63;
	(erf) = vpow2.f32 v16  }
0x44f: {  	[tilespmem:s1+$0x1B0] =	vst v15;
	v15 =	vld [tilespmem:s1+$0x1C0]  }
0x450: {  	v16 =	vld [tilespmem:s24+$0x40];
	_ =	sdelay $0x4  }
0x451: {  	v15 =	vmul.f32 v16, v15;
	_ =	sdelay $0x1  }
0x452: {  	v16 =	vperm.xlane v15, v4;
	_ =	sdelay $0x1  }
0x453: {  	v15 =	vadd.f32 v16, v15;
	_ =	sdelay $0x1  }
0x454: {  	v16 =	vperm.xlane v15, v11;
	_ =	sdelay $0x1  }
0x455: {  	v15 =	vadd.f32 v16, v15;
	_ =	sdelay $0x1  }
0x456: {  	v16 =	vperm.xlane v15, v13;
	_ =	sdelay $0x1  }
0x457: {  	v15 =	vadd.f32 v16, v15;
	_ =	sdelay $0x1  }
0x458: {  	v16 =	vperm.xlane v15, v14;
	_ =	sdelay $0x1  }
0x459: {  	v15 =	vadd.f32 v16, v15;
	_ =	sdelay $0x1  }
0x45a: {  	v15 =	vmul.f32 $1.442695020e+00, v15;
	_ =	sdelay $0x1  }
0x45b: {  	(erf) = vpow2.f32 v15;
	_ =	sdelay $0x1  }
0x45c: {  	v58 =	vpop (erf)  }
0x45d: {  	v63 =	vpop (erf)  }
0x45e: {  	s0 =	sor.u32 $0x440, s18;
	v26 =	vpop (erf)  }
0x45f: {  	v22 =	vpop (erf);
	v15 =	vld [tilespmem:s0+$0x2000];
	[tilespmem:$0x1FC60] =	vst v26  }
0x460: {  	v20 =	vpop (erf);
	[tilespmem:$0x1FC70] =	vst v22  }
0x461: {  	v5 =	vmul.f32 v58, v5;
	v21 =	vpop (erf);
	[tilespmem:$0x1FC80] =	vst v20  }
0x462: {  	[tilespmem:$0x1FC90] =	vst v21  }
0x463: {  	v12 =	vmul.f32 v63, v12;
	[tilespmem:s1+$0x30] =	vst v5;
	v27 =	vpop (erf)  }
0x464: {  	v5 =	vmul.f32 v26, v10;
	[tilespmem:$0x1FCA0] =	vst v27  }
0x465: {  	[tilespmem:s1+$0xB0] =	vst v12;
	v10 =	vld [tilespmem:s3+$0x40]  }
0x466: {  	v12 =	vmul.f32 v27, v15;
	[tilespmem:s1+$0x130] =	vst v5;
	v5 =	vld [tilespmem:s15+$0x40]  }
0x467: {  	v15 =	vld [tilespmem:s23+$0x40]  }
0x468: {  	[tilespmem:s1+$0x1C0] =	vst v12;
	v12 =	vld [tilespmem:s1+$0x1D0]  }
0x469: {  	v28 =	vld [tilespmem:s24+$0x50]  }
0x46a: {  	v10 =	vmul.f32 v10, v34  }
0x46b: {  	v5 =	vmul.f32 v5, v37  }
0x46c: {  	v15 =	vmul.f32 v15, v35;
	v17 =	vperm.xlane v10, v4  }
0x46d: {  	v18 =	vperm.xlane v5, v4  }
0x46e: {  	v12 =	vmul.f32 v28, v12;
	v31 =	vperm.xlane v15, v4;
	v10 =	vadd.f32 v17, v10  }
0x46f: {  	v5 =	vadd.f32 v18, v5  }
0x470: {  	v32 =	vperm.xlane v12, v4;
	v15 =	vadd.f32 v31, v15;
	v34 =	vperm.xlane v10, v11  }
0x471: {  	v35 =	vperm.xlane v5, v11  }
0x472: {  	v12 =	vadd.f32 v32, v12;
	v37 =	vperm.xlane v15, v11;
	v10 =	vadd.f32 v34, v10  }
0x473: {  	v5 =	vadd.f32 v35, v5  }
0x474: {  	v25 =	vperm.xlane v12, v11;
	v15 =	vadd.f32 v37, v15;
	v18 =	vperm.xlane v10, v13  }
0x475: {  	v26 =	vperm.xlane v5, v13  }
0x476: {  	v12 =	vadd.f32 v25, v12;
	v27 =	vperm.xlane v15, v13;
	v10 =	vadd.f32 v18, v10  }
0x477: {  	v5 =	vadd.f32 v26, v5  }
0x478: {  	v28 =	vperm.xlane v12, v13;
	v15 =	vadd.f32 v27, v15;
	v18 =	vperm.xlane v10, v14  }
0x479: {  	v31 =	vperm.xlane v5, v14  }
0x47a: {  	v12 =	vadd.f32 v28, v12;
	v32 =	vperm.xlane v15, v14;
	v10 =	vadd.f32 v18, v10  }
0x47b: {  	v5 =	vadd.f32 v31, v5  }
0x47c: {  	v34 =	vperm.xlane v12, v14;
	v15 =	vadd.f32 v32, v15;
	v10 =	vmul.f32 $1.442695020e+00, v10  }
0x47d: {  	v5 =	vmul.f32 $1.442695020e+00, v5  }
0x47e: {  	v12 =	vadd.f32 v34, v12;
	v15 =	vmul.f32 $1.442695020e+00, v15;
	(erf) = vpow2.f32 v10  }
0x47f: {  	(erf) = vpow2.f32 v5  }
0x480: {  	v5 =	vmul.f32 $1.442695020e+00, v12;
	(erf) = vpow2.f32 v15;
	_ =	sdelay $0x1  }
0x481: {  	(erf) = vpow2.f32 v5;
	_ =	sdelay $0x3  }
0x482: {  	s5 =	sor.u32 $0x450, s18  }
0x483: {  	v5 =	vld [tilespmem:s5+$0x2000];
	v37 =	vpop (erf)  }
0x484: {  	v19 =	vpop (erf)  }
0x485: {  	[tilespmem:$0x1FCB0] =	vst v19;
	v35 =	vpop (erf)  }
0x486: {  	s7 =	rddreg [dreg:$0xf];
	[tilespmem:$0x1FCC0] =	vst v35  }
0x487: {  	s10 =	rddreg [dreg:$0x11];
	v10 =	vpop (erf);
	v12 =	vld [tilespmem:s7+$0x2000]  }
0x488: {  	s19 =	rddreg [dreg:$0x10];
	v15 =	vld [tilespmem:s10+$0x2000];
	v5 =	vmul.f32 v10, v5  }
0x489: {  	v25 =	vld [tilespmem:s19+$0x2000]  }
0x48a: {  	[tilespmem:s1+$0x1D0] =	vst v5;
	v5 =	vld [tilespmem:s1+$0x1E0]  }
0x48b: {  	v26 =	vld [tilespmem:s24+$0x60];
	_ =	sdelay $0x1  }
0x48c: {  	v12 =	vmul.f32 v37, v12  }
0x48d: {  	v15 =	vmul.f32 v19, v15  }
0x48e: {  	[tilespmem:s1+$0x40] =	vst v12;
	v12 =	vmul.f32 v35, v25  }
0x48f: {  	[tilespmem:s1+$0xC0] =	vst v15;
	v15 =	vld [tilespmem:s3+$0x50];
	v5 =	vmul.f32 v26, v5  }
0x490: {  	[tilespmem:s1+$0x140] =	vst v12;
	v12 =	vld [tilespmem:s15+$0x50]  }
0x491: {  	v17 =	vperm.xlane v5, v4;
	v28 =	vld [tilespmem:$0x1FD40]  }
0x492: {  	v31 =	vld [tilespmem:$0x1FD60]  }
0x493: {  	v5 =	vadd.f32 v17, v5;
	_ =	sdelay $0x1  }
0x494: {  	v25 =	vperm.xlane v5, v11  }
0x495: {  	v27 =	vld [tilespmem:s23+$0x50];
	v15 =	vmul.f32 v15, v28  }
0x496: {  	v34 =	vld [tilespmem:$0x1FD70];
	v12 =	vmul.f32 v12, v31;
	v5 =	vadd.f32 v25, v5  }
0x497: {  	v32 =	vperm.xlane v15, v4  }
0x498: {  	v35 =	vperm.xlane v12, v4;
	v19 =	vperm.xlane v5, v13  }
0x499: {  	v15 =	vadd.f32 v32, v15  }
0x49a: {  	v12 =	vadd.f32 v35, v12;
	v5 =	vadd.f32 v19, v5  }
0x49b: {  	v16 =	vmul.f32 v27, v34;
	v27 =	vperm.xlane v15, v11  }
0x49c: {  	v28 =	vperm.xlane v12, v11;
	v19 =	vperm.xlane v5, v14  }
0x49d: {  	v15 =	vadd.f32 v27, v15  }
0x49e: {  	v26 =	vperm.xlane v16, v4;
	v12 =	vadd.f32 v28, v12;
	v5 =	vadd.f32 v19, v5  }
0x49f: {  	v18 =	vperm.xlane v15, v13  }
0x4a0: {  	v16 =	vadd.f32 v26, v16;
	v32 =	vperm.xlane v12, v13;
	v5 =	vmul.f32 $1.442695020e+00, v5  }
0x4a1: {  	v15 =	vadd.f32 v18, v15  }
0x4a2: {  	v31 =	vperm.xlane v16, v11;
	v12 =	vadd.f32 v32, v12;
	(erf) = vpow2.f32 v5  }
0x4a3: {  	v5 =	vmul.f32 v22, v7;
	v18 =	vperm.xlane v15, v14  }
0x4a4: {  	v8 =	vmul.f32 v20, v8;
	v35 =	vperm.xlane v12, v14  }
0x4a5: {  	v9 =	vmul.f32 v21, v9;
	v16 =	vadd.f32 v31, v16;
	[tilespmem:s17+$0x60] =	vst v5;
	v15 =	vadd.f32 v18, v15  }
0x4a6: {  	v12 =	vadd.f32 v35, v12;
	s21 =	rddreg [dreg:$0x6];
	[tilespmem:s17+$0xE0] =	vst v8  }
0x4a7: {  	v34 =	vperm.xlane v16, v13;
	v5 =	vld [tilespmem:s21+$0x70];
	s25 =	rddreg [dreg:$0x7];
	[tilespmem:s17+$0x160] =	vst v9;
	v7 =	vmul.f32 $1.442695020e+00, v15  }
0x4a8: {  	v12 =	vmul.f32 $1.442695020e+00, v12;
	v9 =	vld [tilespmem:$0x1FCF0]  }
0x4a9: {  	s22 =	sor.u32 $0x460, s18;
	v16 =	vadd.f32 v34, v16;
	(erf) = vpow2.f32 v7  }
0x4aa: {  	(erf) = vpow2.f32 v12;
	v12 =	vld [tilespmem:s22+$0x2000]  }
0x4ab: {  	v25 =	vperm.xlane v16, v14  }
0x4ac: {  	v8 =	vld [tilespmem:s25+$0x70]  }
0x4ad: {  	v15 =	vadd.f32 v25, v16;
	v5 =	vmul.f32 v5, v9;
	v9 =	vld [tilespmem:$0x1FD00]  }
0x4ae: {  	v28 =	vpop (erf)  }
0x4af: {  	v7 =	vmul.f32 $1.442695020e+00, v15;
	v12 =	vmul.f32 v28, v12  }
0x4b0: {  	v15 =	vld [tilespmem:s9+$0x2000]  }
0x4b1: {  	s29 =	rddreg [dreg:$0xe];
	(erf) = vpow2.f32 v7;
	v7 =	vld [tilespmem:s16+$0x70];
	[tilespmem:s1+$0x1E0] =	vst v12  }
0x4b2: {  	v32 =	vmul.f32 v8, v9;
	v8 =	vld [tilespmem:$0x1FD10];
	_ =	sdelay $0x3  }
0x4b3: {  	v26 =	vld [tilespmem:s29+$0x2000];
	v9 =	vpop (erf)  }
0x4b4: {  	v31 =	vld [tilespmem:s11+$0x2000];
	v34 =	vmul.f32 v7, v8;
	v8 =	vmul.f32 v9, v15;
	_ =	sdelay $0x2  }
0x4b5: {  	v7 =	vpop (erf)  }
0x4b6: {  	v16 =	vmul.f32 v7, v26;
	[tilespmem:s1+$0x50] =	vst v8;
	v8 =	vpop (erf)  }
0x4b7: {  	v35 =	vld [tilespmem:s1+$0x1F0];
	v26 =	vmul.f32 v8, v31  }
0x4b8: {  	v12 =	vld [tilespmem:s24+$0x70];
	[tilespmem:s1+$0xD0] =	vst v16  }
0x4b9: {  	v27 =	vld [tilespmem:s3+$0x60];
	[tilespmem:s1+$0x150] =	vst v26  }
0x4ba: {  	v15 =	vperm.xlane v5, v4;
	v22 =	vld [tilespmem:$0x1FD50]  }
0x4bb: {  	v25 =	vperm.xlane v32, v4  }
0x4bc: {  	v5 =	vadd.f32 v15, v5;
	v15 =	vperm.xlane v34, v4  }
0x4bd: {  	v18 =	vadd.f32 v25, v32;
	v21 =	vld [tilespmem:s15+$0x60]  }
0x4be: {  	v12 =	vmul.f32 v12, v35;
	v15 =	vadd.f32 v15, v34;
	v34 =	vld [tilespmem:s23+$0x60]  }
0x4bf: {  	v32 =	vperm.xlane v18, v11;
	v17 =	vmul.f32 v27, v22;
	v27 =	vld [tilespmem:$0x1FD80]  }
0x4c0: {  	v31 =	vperm.xlane v5, v11  }
0x4c1: {  	v18 =	vadd.f32 v32, v18;
	v25 =	vperm.xlane v12, v4  }
0x4c2: {  	v35 =	vperm.xlane v15, v11;
	v5 =	vadd.f32 v31, v5  }
0x4c3: {  	v12 =	vadd.f32 v25, v12;
	v31 =	vperm.xlane v18, v13;
	v34 =	vmul.f32 v34, v30  }
0x4c4: {  	v15 =	vadd.f32 v35, v15;
	v26 =	vperm.xlane v5, v13;
	v21 =	vmul.f32 v21, v27  }
0x4c5: {  	v18 =	vadd.f32 v31, v18;
	v32 =	vperm.xlane v17, v4;
	v30 =	vperm.xlane v34, v4  }
0x4c6: {  	v25 =	vperm.xlane v15, v13;
	v5 =	vadd.f32 v26, v5;
	v35 =	vperm.xlane v21, v4  }
0x4c7: {  	v17 =	vadd.f32 v32, v17;
	v16 =	vadd.f32 v30, v34;
	v27 =	vperm.xlane v12, v11  }
0x4c8: {  	v15 =	vadd.f32 v25, v15;
	v32 =	vperm.xlane v5, v14;
	v20 =	vadd.f32 v35, v21  }
0x4c9: {  	v31 =	vperm.xlane v17, v11;
	v30 =	vperm.xlane v16, v11;
	v12 =	vadd.f32 v27, v12  }
0x4ca: {  	v5 =	vadd.f32 v32, v5;
	v32 =	vperm.xlane v15, v14;
	v34 =	vperm.xlane v20, v11  }
0x4cb: {  	v17 =	vadd.f32 v31, v17;
	v16 =	vadd.f32 v30, v16;
	v26 =	vperm.xlane v12, v13  }
0x4cc: {  	v5 =	vmul.f32 $1.442695020e+00, v5;
	v35 =	vperm.xlane v18, v14;
	v27 =	vadd.f32 v34, v20  }
0x4cd: {  	v15 =	vadd.f32 v32, v15;
	v31 =	vperm.xlane v17, v13;
	v12 =	vadd.f32 v26, v12  }
0x4ce: {  	v25 =	vperm.xlane v16, v13;
	v18 =	vadd.f32 v35, v18;
	v34 =	vperm.xlane v27, v13  }
0x4cf: {  	(erf) = vpow2.f32 v5;
	v17 =	vadd.f32 v31, v17;
	v35 =	vperm.xlane v12, v14  }
0x4d0: {  	v15 =	vmul.f32 $1.442695020e+00, v15;
	v18 =	vmul.f32 $1.442695020e+00, v18;
	v19 =	vadd.f32 v34, v27  }
0x4d1: {  	v16 =	vadd.f32 v25, v16;
	v5 =	vperm.xlane v17, v14;
	v12 =	vadd.f32 v35, v12  }
0x4d2: {  	(erf) = vpow2.f32 v18;
	v26 =	vperm.xlane v19, v14  }
0x4d3: {  	v5 =	vadd.f32 v5, v17;
	v12 =	vmul.f32 $1.442695020e+00, v12;
	v27 =	vperm.xlane v16, v14  }
0x4d4: {  	(erf) = vpow2.f32 v15;
	v30 =	vadd.f32 v26, v19  }
0x4d5: {  	v5 =	vmul.f32 $1.442695020e+00, v5;
	(erf) = vpow2.f32 v12;
	v12 =	vadd.f32 v27, v16  }
0x4d6: {  	v15 =	vmul.f32 $1.442695020e+00, v30  }
0x4d7: {  	(erf) = vpow2.f32 v5;
	v5 =	vmul.f32 $1.442695020e+00, v12  }
0x4d8: {  	(erf) = vpow2.f32 v15  }
0x4d9: {  	(erf) = vpow2.f32 v5;
	_ =	sdelay $0x2  }
0x4da: {  	v21 =	vpop (erf);
	v12 =	vld [tilespmem:s8+$0x2000]  }
0x4db: {  	v31 =	vld [tilespmem:s2+$0x2000];
	v20 =	vpop (erf)  }
0x4dc: {  	v22 =	vld [tilespmem:s6+$0x2000];
	v35 =	vpop (erf)  }
0x4dd: {  	v15 =	vpop (erf)  }
0x4de: {  	v25 =	vpop (erf)  }
0x4df: {  	v27 =	vmul.f32 v25, v12;
	v5 =	vpop (erf)  }
0x4e0: {  	v16 =	vmul.f32 v5, v31;
	v34 =	vpop (erf)  }
0x4e1: {  	[tilespmem:s1+$0x60] =	vst v27;
	v17 =	vmul.f32 v34, v22  }
0x4e2: {  	[tilespmem:s1+$0xE0] =	vst v16  }
0x4e3: {  	v16 =	vld [tilespmem:s15+$0x70];
	[tilespmem:s1+$0x160] =	vst v17  }
0x4e4: {  	v12 =	vld [tilespmem:$0x1FE10];
	_ =	sdelay $0x1  }
0x4e5: {  	v18 =	vld [tilespmem:s3+$0x70];
	_ =	sdelay $0x1  }
0x4e6: {  	v17 =	vld [tilespmem:s23+$0x70]  }
0x4e7: {  	v16 =	vmul.f32 v16, v12;
	v12 =	vld [tilespmem:$0x1FE20];
	_ =	sdelay $0x1  }
0x4e8: {  	v18 =	vmul.f32 v18, v33;
	v26 =	vperm.xlane v16, v4;
	_ =	sdelay $0x1  }
0x4e9: {  	v30 =	vperm.xlane v18, v4;
	v16 =	vadd.f32 v26, v16  }
0x4ea: {  	v17 =	vmul.f32 v17, v12  }
0x4eb: {  	v18 =	vadd.f32 v30, v18;
	v33 =	vperm.xlane v16, v11  }
0x4ec: {  	v31 =	vperm.xlane v17, v4  }
0x4ed: {  	v32 =	vperm.xlane v18, v11;
	v16 =	vadd.f32 v33, v16  }
0x4ee: {  	v3 =	vmul.f32 v29, v3;
	v17 =	vadd.f32 v31, v17  }
0x4ef: {  	v29 =	vmul.f32 v51, v55;
	v55 =	vld [tilespmem:$0x1FF80];
	v18 =	vadd.f32 v32, v18;
	v30 =	vperm.xlane v16, v13  }
0x4f0: {  	v19 =	vperm.xlane v17, v11  }
0x4f1: {  	v22 =	vld [tilespmem:s26+$0x2000];
	v26 =	vperm.xlane v18, v13;
	v16 =	vadd.f32 v30, v16  }
0x4f2: {  	v27 =	vld [tilespmem:$0x1FCD0];
	v17 =	vadd.f32 v19, v17  }
0x4f3: {  	v18 =	vadd.f32 v26, v18;
	v19 =	vld [tilespmem:$0x1FFD0];
	v33 =	vperm.xlane v16, v14  }
0x4f4: {  	v1 =	vmul.f32 v55, v1;
	v55 =	vld [tilespmem:$0x1FFE0];
	v31 =	vperm.xlane v17, v13  }
0x4f5: {  	v32 =	vperm.xlane v18, v14;
	v16 =	vadd.f32 v33, v16;
	v33 =	vld [tilespmem:$0x1FCE0];
	[tilespmem:s28+$0xF0] =	vst v6  }
0x4f6: {  	v17 =	vadd.f32 v31, v17;
	v31 =	vld [tilespmem:$0x1FF80]  }
0x4f7: {  	v18 =	vadd.f32 v32, v18;
	v32 =	vld [tilespmem:$0x1FD20];
	[tilespmem:s28+$0x170] =	vst v29  }
0x4f8: {  	v27 =	vmul.f32 v19, v27;
	v29 =	vld [tilespmem:$0x1FD30]  }
0x4f9: {  	(v2sf) =	vpush v59, $0x0;
	v18 =	vmul.f32 $1.442695020e+00, v18;
	v59 =	vld [tilespmem:$0x1FF90]  }
0x4fa: {  	v12 =	vld [tilespmem:$0x1FFF0];
	v26 =	vperm.xlane v17, v14;
	v27 =	vadd.f32 $0.0e+00, v27;
	v30 =	vmul.f32 v55, v33  }
0x4fb: {  	s31 =	sor.u32 $0x470, s18;
	v22 =	vmul.f32 v21, v22;
	(erf) = vpow2.f32 v18  }
0x4fc: {  	v18 =	vld [tilespmem:s31+$0x2000];
	v6 =	vadd.f32 v26, v17;
	v17 =	vmul.f32 v31, v32;
	v27 =	vadd.f32 v30, v27  }
0x4fd: {  	s30 =	rddreg [dreg:$0xc];
	v16 =	vmul.f32 $1.442695020e+00, v16;
	[tilespmem:s17+$0x70] =	vst v22  }
0x4fe: {  	v17 =	vadd.f32 v17, v27;
	v27 =	vmul.f32 v59, v47;
	v47 =	vld [tilespmem:$0x1FFA0]  }
0x4ff: {  	(erf) = vpow2.f32 v16;
	v16 =	vld [tilespmem:s13+$0x2000];
	v29 =	vmul.f32 v12, v29  }
0x500: {  	v33 =	vld [tilespmem:s30+$0xFFFFFFFF];
	v6 =	vmul.f32 $1.442695020e+00, v6  }
0x501: {  	v18 =	vmul.f32 v15, v18;
	v30 =	vld [tilespmem:s30+$0x0];
	v23 =	vmul.f32 v59, v23;
	v17 =	vadd.f32 v29, v17  }
0x502: {  	(erf) = vpow2.f32 v6;
	v6 =	vmul.f32 v59, v43;
	v43 =	vld [tilespmem:s20+$0x2000]  }
0x503: {  	s2 =	rddreg [dreg:$0xb];
	v17 =	vadd.f32 v23, v17;
	v29 =	vmul.f32 v47, v56;
	v56 =	vmul.f32 v47, v45  }
0x504: {  	v31 =	vld [tilespmem:s2+$0x2000]  }
0x505: {  	s3 =	rddreg [dreg:$0xd];
	v17 =	vadd.f32 v56, v17;
	v56 =	vld [tilespmem:$0x1FFB0];
	[tilespmem:s1+$0x1F0] =	vst v18  }
0x506: {  	v16 =	vmul.f32 v20, v16;
	(v2sf) =	vpush v33, $0x0;
	v18 =	vmul.f32 v59, v46;
	v46 =	vld [tilespmem:$0x1FFC0]  }
0x507: {  	(v2sf) =	vpush v30, $0x0;
	v30 =	vld [tilespmem:s14+$0x2000];
	v22 =	vmul.f32 v35, v43  }
0x508: {  	v1 =	vadd.f32 v1, v61;
	v61 =	vld [tilespmem:s3+$0x2000];
	_ =	sdelay $0x1  }
0x509: {  	v3 =	vadd.f32 v3, v62;
	v62 =	vmul.f32 v12, v63;
	[tilespmem:s17+$0xF0] =	vst v16;
	v16 =	vpop (erf)  }
0x50a: {  	v31 =	vmul.f32 v16, v31;
	v63 =	vmul.f32 v46, v57;
	v57 =	vld [tilespmem:$0x1FC60];
	[tilespmem:s17+$0x170] =	vst v22;
	v22 =	vpop (erf)  }
0x50b: {  	v32 =	vmul.f32 v12, v58;
	v6 =	vadd.f32 v6, v41;
	v41 =	vpop (erf);
	v30 =	vmul.f32 v22, v30  }
0x50c: {  	s4 =	sadd.s32 $0x4, s12;
	v26 =	vld [tilespmem:s12+$0xFFFFFFFE];
	v58 =	vmul.f32 v56, v54;
	[tilespmem:s1+$0x70] =	vst v31;
	v61 =	vmul.f32 v41, v61  }
0x50d: {  	v54 =	vld [tilespmem:s4+$0x1];
	[tilespmem:s1+$0xF0] =	vst v30  }
0x50e: {  	v17 =	vadd.f32 v58, v17;
	v58 =	vld [tilespmem:s12+$0xFFFFFFFF];
	[tilespmem:s1+$0x170] =	vst v61  }
0x50f: {  	v24 =	vmul.f32 v19, v24;
	v19 =	vmul.f32 v47, v50;
	v50 =	vld [tilespmem:$0x1FF80];
	_ =	sdelay $0x1  }
0x510: {  	v44 =	vmul.f32 v55, v44;
	v24 =	vadd.f32 $0.0e+00, v24;
	(v2sf) =	vpush v26, $0x0  }
0x511: {  	v32 =	vadd.f32 v32, v60;
	v60 =	vld [tilespmem:s12+$0x0];
	(v2sf) =	vpush v54, $0x0  }
0x512: {  	v24 =	vadd.f32 v44, v24;
	(v2sf) =	vpush v58, $0x0;
	v58 =	vld [tilespmem:$0x1FCA0]  }
0x513: {  	v3 =	vadd.f32 v62, v3;
	v62 =	vld [tilespmem:s4+$0xFFFFFFFE];
	v45 =	vmul.f32 v12, v57;
	v30 =	vmul.f32 v50, v53  }
0x514: {  	v27 =	vadd.f32 v27, v36;
	v43 =	vld [tilespmem:s4+$0xFFFFFFFF]  }
0x515: {  	v2 =	vmul.f32 v12, v2;
	v1 =	vadd.f32 v45, v1;
	v45 =	vld [tilespmem:s4+$0x0];
	v53 =	vadd.f32 v30, v24  }
0x516: {  	v17 =	vadd.f32 v63, v17;
	v63 =	vmul.f32 v47, v49;
	v49 =	vld [tilespmem:$0x1FC70];
	(v2sf) =	vpush v60, $0x0  }
0x517: {  	v6 =	vadd.f32 v29, v6;
	v55 =	vld [tilespmem:$0x1FC90];
	v29 =	vmul.f32 v59, v58;
	v2 =	vadd.f32 v2, v53  }
0x518: {  	v10 =	vmul.f32 v47, v10;
	v18 =	vadd.f32 v18, v39;
	(v2sf) =	vpush v62, $0x0  }
0x519: {  	v9 =	vmul.f32 v47, v9;
	v54 =	vld [tilespmem:$0x1FC80];
	(v2sf) =	vpush v43, $0x0;
	v2 =	vadd.f32 v29, v2  }
0x51a: {  	v7 =	vmul.f32 v47, v7;
	v27 =	vadd.f32 v63, v27;
	v63 =	vld [tilespmem:$0x1FCC0];
	(v2sf) =	vpush v45, $0x0  }
0x51b: {  	v61 =	vmul.f32 v46, v51;
	v57 =	vmul.f32 v46, v48;
	v2 =	vadd.f32 v10, v2;
	v10 =	vld [tilespmem:$0x1FCB0]  }
0x51c: {  	s5 =	spop (v2sf);
	v18 =	vadd.f32 v19, v18;
	v23 =	vmul.f32 v56, v49;
	v26 =	vmul.f32 v56, v55  }
0x51d: {  	s0 =	sand.u32 $0x7, s5;
	s6 =	spop (v2sf);
	v60 =	vmul.f32 v46, v52;
	v62 =	vmul.f32 v59, v37  }
0x51e: {  	s0 =	sshll.u32 s0, $0x4;
	s2 =	sand.u32 $0x7, s6;
	v6 =	vadd.f32 v23, v6;
	v24 =	vmul.f32 v56, v54;
	v18 =	vadd.f32 v26, v18  }
0x51f: {  	s0 =	sadd.s32 s28, s0;
	s2 =	sshll.u32 s2, $0x4;
	s7 =	spop (v2sf);
	v23 =	vadd.f32 v57, v38;
	v26 =	vadd.f32 v60, v40;
	v30 =	vmul.f32 v59, v63  }
0x520: {  	s2 =	sadd.s32 s17, s2;
	s3 =	sand.u32 $0x7, s7;
	s4 =	spop (v2sf);
	v24 =	vadd.f32 v24, v27;
	v29 =	vadd.f32 v62, v32;
	v10 =	vmul.f32 v59, v10  }
0x521: {  	v28 =	vmul.f32 v56, v28;
	s3 =	sshll.u32 s3, $0x4;
	s5 =	spop (v2sf);
	s4 =	sand.u32 $0x7, s4;
	v27 =	vadd.f32 v61, v42;
	v1 =	vadd.f32 v30, v1  }
0x522: {  	v8 =	vmul.f32 v47, v8;
	s3 =	sadd.s32 s28, s3;
	s4 =	sshll.u32 s4, $0x4;
	s5 =	sand.u32 $0x7, s5;
	v9 =	vadd.f32 v9, v29;
	v3 =	vadd.f32 v10, v3  }
0x523: {  	s8 =	sadd.s32 s28, s4;
	s5 =	sshll.u32 s5, $0x4;
	[tilespmem:s2+$0x6180] =	vst v17;
	s9 =	spop (v2sf);
	v2 =	vadd.f32 v28, v2;
	v10 =	vmul.f32 v46, v15;
	v15 =	vmul.f32 v56, v25  }
0x524: {  	s5 =	sadd.s32 s17, s5;
	v1 =	vadd.f32 v8, v1;
	[tilespmem:s0+$0x6000] =	vst v23;
	s4 =	sand.u32 $0x7, s9;
	s10 =	spop (v2sf);
	v3 =	vadd.f32 v7, v3;
	v7 =	vmul.f32 v46, v21  }
0x525: {  	[tilespmem:s3+$0x6080] =	vst v26;
	s11 =	sshll.u32 s4, $0x4;
	s0 =	sand.u32 $0x7, s10;
	s12 =	spop (v2sf);
	v2 =	vadd.f32 v10, v2;
	v8 =	vadd.f32 v15, v9;
	v9 =	vmul.f32 v46, v20  }
0x526: {  	[tilespmem:s8+$0x6100] =	vst v27;
	s13 =	sadd.s32 s1, s11;
	s0 =	sshll.u32 s0, $0x4;
	s14 =	sand.u32 $0x7, s12;
	v6 =	vadd.f32 v7, v6;
	v7 =	vmul.f32 v56, v5;
	v5 =	vmul.f32 v46, v35  }
0x527: {  	s16 =	spop (v2sf);
	s0 =	sadd.s32 s17, s0;
	s15 =	sshll.u32 s14, $0x4;
	v10 =	vmul.f32 v46, v16;
	[tilespmem:s13+$0x6180] =	vst v2;
	v2 =	vadd.f32 v9, v24;
	v9 =	vmul.f32 v56, v34  }
0x528: {  	s3 =	sand.u32 $0x7, s16;
	s18 =	spop (v2sf);
	s2 =	sadd.s32 s17, s15;
	[tilespmem:s5+$0x6000] =	vst v6;
	v3 =	vadd.f32 v7, v3;
	v5 =	vadd.f32 v5, v18;
	v6 =	vmul.f32 v46, v22  }
0x529: {  	s19 =	sshll.u32 s3, $0x4;
	s20 =	sand.u32 $0x7, s18;
	s21 =	spop (v2sf);
	v1 =	vadd.f32 v9, v1;
	[tilespmem:s0+$0x6080] =	vst v2;
	v2 =	vadd.f32 v10, v8;
	v7 =	vmul.f32 v46, v41  }
0x52a: {  	s22 =	sshll.u32 s20, $0x4;
	s23 =	sand.u32 $0x7, s21;
	s0 =	sadd.s32 s1, s19;
	[tilespmem:s2+$0x6100] =	vst v5;
	v3 =	vadd.f32 v6, v3  }
0x52b: {  	s24 =	sadd.s32 s1, s22;
	s25 =	sshll.u32 s23, $0x4;
	[tilespmem:s0+$0x6000] =	vst v2;
	v1 =	vadd.f32 v7, v1  }
0x52c: {  	s29 =	rddreg [dreg:$0x4];
	s26 =	sadd.s32 s1, s25;
	[tilespmem:s24+$0x6080] =	vst v3  }
0x52d: {  	s28 =	rddreg [dreg:$0x3];
	[tilespmem:s26+$0x6100] =	vst v1  }
0x52e: {  	s1 =	sld [smem:$0x7E0]  }
0x52f: {  	s31 =	sld [smem:$0x7E1]  }
0x530: {  	s13 =	sld [smem:$0x7F8]  }
0x531: {  	s14 =	sld [smem:$0x7F9]  }
.Ltmp8:
0x532: {  	s15 =	sld [smem:$0x7FA];
	(pc) =	sbr.rel .LBB2_10-.Ltmp8, $4  }
0x533: {  	s7 =	simm.s32 $0x40;
	s11 =	simm.s32 $0x0;
	s8 =	sld [smem:$0x7DF]  }
0x534: {  	[spmem:s28] =	stream.indirect.scatter.add.f32 [tilespmem:s11], [sflag:$0x3], $0x80, s1, s7, $0xb8;
	[tilespmem:$0x1E3C0] =	vst v63  }
0x535: {  	s30 =	simm.s32 $0x6000;
	s6 =	sld [smem:$0x7FB]  }
0x536: {  	[spmem:s29] =	stream.indirect.scatter.add.f32 [tilespmem:s30], [sflag:$0x3], $0x80, s31, s7, $0xb8;
	[tilespmem:$0x1E3C0] =	vst v63  }
.LBB2_12:
0x537: {  	_ =	sfence.sel $0x180000  }
0x538: {  	[bflag:$0x0] =	sbarrier.arrive $0xFFFF  }
0x539: {  	_ =	strace $0x90000047  }
0x53a: {  	[bflag:$0x2] =	sbarrier.arrive $0xFFFF  }
0x53b: {  	s0 =	rddreg [dreg:$0x5]  }
0x53c: {  	s0 =	sadd.s32 @!p2 $0x100000, s0  }
0x53d: {  	[sflag:s0] =	ssyncadd.tile.s32 @!p2 $0x1;
	_ =	shalt  }
.Lfunc_end2:
_tile_overlayer_lowered:
.L_overlay_start_2:
0x53e: {  	(tag) =	ssettag $0x2  }
0x53f: {  	s0 =	rddreg [dreg:$0x0];
	s2 =	stileid.u32  }
0x540: {  	s1 =	rddreg [dreg:$0x1];
	p0 =	sne.s32 s2, $0x0  }
0x541: {  	s3 =	rddreg [dreg:$0x2];
	[bflag:$0x3] =	sbarrier.arrive $0xFFFF;
	s2 =	simm.s32 @!p0 $0x1C04  }
0x542: {  	[timem:s3], [sflag:s2] =	dma.local @!p0 [hbm:s0], s1  }
0x543: {  	s0 =	simm.s32 @!p0 $0x4  }
0x544: {  	_ =	swait.ge @!p0 [sflag:s0], s1  }
0x545: {  	s1 =	ssub.s32 @!p0 $0x0, s1;
	[sflag:s0] =	ssyncset.done @!p0 $0x0  }
0x546: {  	[sflag:s0] =	ssyncadd.s32 @!p0 s1  }
0x547: {  	[bflag:$0x3] =	sbarrier.arrive $0xFFFF  }
0x548: {  	_ =	shalt  }

</sc_bundles>
